<compile_context>
chip_gen: v7x
topology: tpu7x:2x2x1
jax: 0.10.2.dev20260603
libtpu: 0.0.44.dev20260713+nightly
codegen_flags: <defaults>
</compile_context>

<pallas_src>
import dataclasses
import functools

import jax
import jax.numpy as jnp
from jax import lax
from jax.experimental import pallas as pl
from jax.experimental.pallas import tpu as pltpu
from jax.experimental.pallas import tpu_sc as plsc

N = 10000
E = 320000
H = 128

NCORES = 2
NSUB = 16
NWORK = NCORES * NSUB
CHUNK = 128
CPW = 80
N_CHUNKS = NWORK * CPW
E_PAD = N_CHUNKS * CHUNK
IDX_GRP = 16
ROWS_PER_SUB = 640
N_PAD = NSUB * ROWS_PER_SUB

ROW_BLK = 1000
NBLK = N // ROW_BLK


def _sc_aggregate(h, src_c, dst_c, with_cnt):
    del with_cnt
    mesh = plsc.VectorSubcoreMesh(core_axis_name="c", subcore_axis_name="s")

    @functools.partial(
        pl.kernel,
        out_type=[jax.ShapeDtypeStruct((NCORES * N_PAD, H), jnp.float32)],
        mesh=mesh,
        scratch_types=[
            pltpu.VMEM((IDX_GRP, CHUNK), jnp.int32),
            pltpu.VMEM((IDX_GRP, CHUNK), jnp.int32),
            pltpu.VMEM((CHUNK, H), jnp.float32),
            pltpu.VMEM((CHUNK, H), jnp.float32),
            pltpu.VMEM_SHARED((N_PAD, H), jnp.float32),
            pltpu.SemaphoreType.DMA,
            pltpu.SemaphoreType.DMA,
        ])
    def body(h_hbm, src_hbm, dst_hbm, psum_hbm, srcv, dstv,
             rows0, rows1, acc, sem0, sem1):
        c = lax.axis_index("c")
        s = lax.axis_index("s")
        w = c * NSUB + s
        rowsb = (rows0, rows1)
        sems = (sem0, sem1)

        zv = jnp.zeros((16,), jnp.float32)

        @pl.loop(0, CHUNK)
        def _(r):
            @pl.loop(0, H // 16)
            def _(k):
                rows0[r, pl.ds(k * 16, 16)] = zv

        @pl.loop(0, ROWS_PER_SUB // CHUNK)
        def _(j):
            pltpu.sync_copy(
                rows0, acc.at[pl.ds(s * ROWS_PER_SUB + j * CHUNK, CHUNK)])

        plsc.subcore_barrier()

        wbase = w * CPW

        @pl.loop(0, CPW // IDX_GRP)
        def _(g):
            pltpu.sync_copy(src_hbm.at[pl.ds(wbase + g * IDX_GRP, IDX_GRP)],
                            srcv)
            pltpu.sync_copy(dst_hbm.at[pl.ds(wbase + g * IDX_GRP, IDX_GRP)],
                            dstv)

            handle = pltpu.async_copy(h_hbm.at[srcv.at[0]], rows0, sem0)
            for j in range(IDX_GRP):
                b = j & 1
                nxt = None
                if j + 1 < IDX_GRP:
                    nxt = pltpu.async_copy(h_hbm.at[srcv.at[j + 1]],
                                           rowsb[1 - b], sems[1 - b])
                handle.wait()
                pltpu.sync_copy(rowsb[b], acc.at[dstv.at[j]], add=True)
                handle = nxt

        plsc.subcore_barrier()

        pltpu.sync_copy(acc.at[pl.ds(s * ROWS_PER_SUB, ROWS_PER_SUB)],
                        psum_hbm.at[pl.ds(c * N_PAD + s * ROWS_PER_SUB,
                                          ROWS_PER_SUB)])

    return body(h, src_c, dst_c)


def _sc_counts(dst_c):
    mesh = plsc.VectorSubcoreMesh(core_axis_name="c", subcore_axis_name="s")
    cp = pltpu.CompilerParams()
    if "needs_layout_passes" in pltpu.CompilerParams.__dataclass_fields__:
        cp = dataclasses.replace(cp, needs_layout_passes=False)

    @functools.partial(
        pl.kernel,
        out_type=[jax.ShapeDtypeStruct((NWORK, N_PAD), jnp.float32)],
        mesh=mesh,
        compiler_params=cp,
        scratch_types=[
            pltpu.VMEM((IDX_GRP, CHUNK), jnp.int32),
            pltpu.VMEM((N_PAD,), jnp.float32),
        ])
    def body(dst_hbm, cnt_hbm, dstv, hist):
        c = lax.axis_index("c")
        s = lax.axis_index("s")
        w = c * NSUB + s
        zv = jnp.zeros((16,), jnp.float32)
        ov = jnp.ones((16,), jnp.float32)

        @pl.loop(0, N_PAD // 16)
        def _(i):
            hist[pl.ds(i * 16, 16)] = zv

        wbase = w * CPW

        @pl.loop(0, CPW // IDX_GRP)
        def _(g):
            pltpu.sync_copy(dst_hbm.at[pl.ds(wbase + g * IDX_GRP, IDX_GRP)],
                            dstv)

            @pl.loop(0, IDX_GRP)
            def _(j):
                @pl.loop(0, CHUNK // 16)
                def _(k):
                    dv = dstv[j, pl.ds(k * 16, 16)]
                    plsc.addupdate_scatter(hist, [dv], ov)

        pltpu.sync_copy(hist, cnt_hbm.at[w])

    return body(dst_c)


def _tc_pre(h, W_r, skip_W, skip_b2):
    def body(h_ref, wr_ref, sw_ref, sb_ref, z_ref, res_ref):
        hb = h_ref[...]
        z_ref[...] = jnp.dot(hb, wr_ref[...],
                             preferred_element_type=jnp.float32)
        res_ref[...] = jnp.dot(hb, sw_ref[...],
                               preferred_element_type=jnp.float32) + sb_ref[...]

    return pl.pallas_call(
        body,
        grid=(NBLK,),
        in_specs=[
            pl.BlockSpec((ROW_BLK, H), lambda i: (i, 0)),
            pl.BlockSpec((H, H), lambda i: (0, 0)),
            pl.BlockSpec((H, H), lambda i: (0, 0)),
            pl.BlockSpec((1, H), lambda i: (0, 0)),
        ],
        out_specs=[
            pl.BlockSpec((ROW_BLK, H), lambda i: (i, 0)),
            pl.BlockSpec((ROW_BLK, H), lambda i: (i, 0)),
        ],
        out_shape=[jax.ShapeDtypeStruct((N, H), jnp.float32)] * 2,
    )(h, W_r, skip_W, skip_b2)


def _tc_post(psum, pcnt, z, res, W_l, b_l2, gamma2, beta2):
    def body(ps_ref, pc_ref, z_ref, res_ref, wl_ref, bl_ref, g_ref, be_ref,
             out_ref, pre_ref, acc_ref):
        p = pl.program_id(0)
        i = pl.program_id(1)

        @pl.when(p == 0)
        def _():
            ssum = ps_ref[0] + ps_ref[1]
            cnt = jnp.sum(pc_ref[...], axis=1, keepdims=True)
            agg = ssum / jnp.maximum(cnt, 1.0)
            out = (jnp.dot(agg, wl_ref[...],
                           preferred_element_type=jnp.float32)
                   + bl_ref[...] + z_ref[...])
            nrm2 = jnp.sum(out * out, axis=1, keepdims=True)
            out = out * lax.rsqrt(jnp.maximum(nrm2, 1e-24))
            pre_ref[pl.ds(i * ROW_BLK, ROW_BLK), :] = out

            @pl.when(i == 0)
            def _():
                acc_ref[...] = jnp.zeros((8, H), jnp.float32)

            acc_ref[0:1] += jnp.sum(out, axis=0, keepdims=True)
            acc_ref[1:2] += jnp.sum(out * out, axis=0, keepdims=True)

        @pl.when(p == 1)
        def _():
            mu = acc_ref[0:1] / N
            var = acc_ref[1:2] / N - mu * mu
            scale = g_ref[...] * lax.rsqrt(var + 1e-5)
            y = (pre_ref[pl.ds(i * ROW_BLK, ROW_BLK), :] - mu) * scale
            y = y + be_ref[...]
            out_ref[...] = jnp.where(y >= 0, y, 0.1 * y) + res_ref[...]

    return pl.pallas_call(
        body,
        grid=(2, NBLK),
        in_specs=[
            pl.BlockSpec((NCORES, ROW_BLK, H), lambda p, i: (0, i * (1 - p), 0)),
            pl.BlockSpec((ROW_BLK, NWORK), lambda p, i: (i * (1 - p), 0)),
            pl.BlockSpec((ROW_BLK, H), lambda p, i: (i * (1 - p), 0)),
            pl.BlockSpec((ROW_BLK, H), lambda p, i: (i * p, 0)),
            pl.BlockSpec((H, H), lambda p, i: (0, 0)),
            pl.BlockSpec((1, H), lambda p, i: (0, 0)),
            pl.BlockSpec((1, H), lambda p, i: (0, 0)),
            pl.BlockSpec((1, H), lambda p, i: (0, 0)),
        ],
        out_specs=pl.BlockSpec((ROW_BLK, H), lambda p, i: (i * p, 0)),
        out_shape=jax.ShapeDtypeStruct((N, H), jnp.float32),
        scratch_shapes=[
            pltpu.VMEM((N, H), jnp.float32),
            pltpu.VMEM((8, H), jnp.float32),
        ],
    )(psum, pcnt, z, res, W_l, b_l2, gamma2, beta2)


def kernel(x, edge_index, W_l0, b_l0, W_r0, gamma0, beta0,
           W_l1, b_l1, W_r1, gamma1, beta1, skip_W, skip_b):
    pad = E_PAD - E
    pad_iota = lax.iota(jnp.int32, pad)
    src_c = jnp.concatenate([edge_index[0], (pad_iota * 37) % N])
    src_c = src_c.reshape(N_CHUNKS, CHUNK)
    junk = N + (pad_iota % (N_PAD - N))
    dst_c = jnp.concatenate([edge_index[1], junk]).reshape(N_CHUNKS, CHUNK)

    b_l0r = b_l0.reshape(1, H)
    b_l1r = b_l1.reshape(1, H)
    sbr = skip_b.reshape(1, H)
    g0r = gamma0.reshape(1, H)
    g1r = gamma1.reshape(1, H)
    be0r = beta0.reshape(1, H)
    be1r = beta1.reshape(1, H)

    z1, res1 = _tc_pre(x, W_r0, skip_W, sbr)
    (pc1,) = _sc_counts(dst_c)
    (ps1,) = _sc_aggregate(x, src_c, dst_c, with_cnt=True)
    ps1 = ps1.reshape(NCORES, N_PAD, H)
    pc1 = pc1.T
    h1 = _tc_post(ps1, pc1, z1, res1, W_l0, b_l0r, g0r, be0r)

    z2, res2 = _tc_pre(h1, W_r1, skip_W, sbr)
    (ps2,) = _sc_aggregate(h1, src_c, dst_c, with_cnt=False)
    ps2 = ps2.reshape(NCORES, N_PAD, H)
    out = _tc_post(ps2, pc1, z2, res2, W_l1, b_l1r, g1r, be1r)
    return out

# --- scband reference (transcript-rebuilt; emitter-appended) ---
"""Pipeline reference for scband-graph-sagebackbone-69784628625939 (READ-ONLY COPY).

The authoritative reference and input builder live on the scoring server;
editing this copy changes nothing except your own understanding.
"""

import jax, jax.numpy as jnp
import numpy as np

N = 10000
E = 320000
H = 128
NUM_LAYERS = 2


def setup_inputs(seed: int = 0) -> dict:
    key = jax.random.key(seed)
    ks = jax.random.split(key, 2 + 3 * NUM_LAYERS + 1)
    scale = 1.0 / np.sqrt(H)
    inp = {}
    inp['x'] = jax.random.normal(ks[0], (N, H), dtype=jnp.float32)
    inp['edge_index'] = jax.random.randint(ks[1], (2, E), 0, N, dtype=jnp.int32)
    for i in range(NUM_LAYERS):
        inp[f'W_l{i}'] = jax.random.normal(ks[2 + 3 * i], (H, H), dtype=jnp.float32) * scale
        inp[f'b_l{i}'] = jnp.zeros((H,), dtype=jnp.float32)
        inp[f'W_r{i}'] = jax.random.normal(ks[3 + 3 * i], (H, H), dtype=jnp.float32) * scale
        inp[f'gamma{i}'] = jnp.ones((H,), dtype=jnp.float32)
        inp[f'beta{i}'] = jnp.zeros((H,), dtype=jnp.float32)
    inp['skip_W'] = jax.random.normal(ks[2 + 3 * NUM_LAYERS], (H, H), dtype=jnp.float32) * scale
    inp['skip_b'] = jnp.zeros((H,), dtype=jnp.float32)
    return inp


def _sage_layer(x, edge_index, W_l, b_l, W_r, gamma, beta):
    # PyG SAGEConv(aggr='mean', normalize=True): out = lin_l(mean_j x_j) + lin_r(x); L2-normalize
    src = edge_index[0]
    dst = edge_index[1]
    msgs = jnp.take(x, src, axis=0)                     # gather (SparseCore)
    agg = jax.ops.segment_sum(msgs, dst, num_segments=N)  # scatter-add
    cnt = jax.ops.segment_sum(jnp.ones((E,), jnp.float32), dst, num_segments=N)
    agg = agg / jnp.maximum(cnt, 1.0)[:, None]
    out = agg @ W_l + b_l + x @ W_r
    nrm = jnp.sqrt(jnp.sum(out * out, axis=-1, keepdims=True))
    out = out / jnp.maximum(nrm, 1e-12)
    # BatchNorm1d (training-mode batch stats, biased variance)
    mu = jnp.mean(out, axis=0, keepdims=True)
    var = jnp.var(out, axis=0, keepdims=True)
    out = (out - mu) / jnp.sqrt(var + 1e-5) * gamma + beta
    return out


def reference(x, edge_index, W_l0, b_l0, W_r0, gamma0, beta0, W_l1, b_l1, W_r1, gamma1, beta1, skip_W, skip_b):
    layer_params = [
        (W_l0, b_l0, W_r0, gamma0, beta0),
        (W_l1, b_l1, W_r1, gamma1, beta1),
    ]
    h = x
    for (W_l, b_l, W_r, gamma, beta) in layer_params:
        res = h @ skip_W + skip_b
        y = _sage_layer(h, edge_index, W_l, b_l, W_r, gamma, beta)
        # Dropout p=0.0 -> identity
        h = jax.nn.leaky_relu(y, negative_slope=0.1) + res
    return h

if __name__ == "__main__":
    import jax
    _d = setup_inputs()
    print(jax.jit(kernel)(*tuple(_d.values())))

</pallas_src>

<mosaic_0001>
#map = affine_map<(d0, d1) -> (0, 0)>
module attributes {stable_mosaic.version = 14 : i64} {
  func.func @body(%arg0: i32, %arg1: i32, %arg2: memref<10000x128xf32, #tpu.memory_space<hbm>>, %arg3: memref<2560x128xi32, #tpu.memory_space<hbm>>, %arg4: memref<2560x128xi32, #tpu.memory_space<hbm>>, %arg5: memref<20480x128xf32, #tpu.memory_space<hbm>>, %arg6: memref<16x128xi32, #tpu.memory_space<vmem>>, %arg7: memref<16x128xi32, #tpu.memory_space<vmem>>, %arg8: memref<128x128xf32, #tpu.memory_space<vmem>>, %arg9: memref<128x128xf32, #tpu.memory_space<vmem>>, %arg10: memref<10240x128xf32, #tpu.memory_space<vmem_shared>>, %arg11: memref<!tpu.dma_semaphore, #tpu.memory_space<semaphore_mem>>, %arg12: memref<!tpu.dma_semaphore, #tpu.memory_space<semaphore_mem>>) attributes {dimension_semantics = [#tpu.dimension_semantics<core_parallel>, #tpu.dimension_semantics<subcore_parallel>], iteration_bounds = array<i64: 2, 16>, scalar_prefetch = 0 : i64, scratch_operands = 7 : i64, tpu.core_type = #tpu.core_type<sc_vector_subcore>, window_params = [{transform_indices = #map}, {transform_indices = #map}, {transform_indices = #map}, {transform_indices = #map}]} {
    %mul3A = arith.constant 16 : i32
    %mul3A_0 = arith.muli %arg0, %mul3A : i32
    %add3A = arith.addi %mul3A_0, %arg1 : i32
    %broadcast_in_dim3A = arith.constant 0.000000e+00 : f32
    %broadcast_in_dim3A_1 = vector.broadcast %broadcast_in_dim3A : f32 to vector<16xf32>
    %scan3A = arith.constant 0 : i32
    %scan3A_2 = arith.constant 128 : i32
    %scan3A_3 = arith.addi %scan3A, %scan3A_2 : i32
    %scan3A_4 = arith.constant 1 : i32
    scf.for %scan3A_26 = %scan3A to %scan3A_3 step %scan3A_4  : i32 {
      %mul3A_27 = arith.constant 1 : i32
      %mul3A_28 = arith.muli %scan3A_26, %mul3A_27 : i32
      %add3A_29 = arith.constant 0 : i32
      %add3A_30 = arith.addi %add3A_29, %mul3A_28 : i32
      %scan3A_31 = arith.constant 0 : i32
      %scan3A_32 = arith.constant 8 : i32
      %scan3A_33 = arith.addi %scan3A_31, %scan3A_32 : i32
      %scan3A_34 = arith.constant 1 : i32
      scf.for %scan3A_36 = %scan3A_31 to %scan3A_33 step %scan3A_34  : i32 {
        %mul3A_37 = arith.constant 1 : i32
        %mul3A_38 = arith.muli %scan3A_36, %mul3A_37 : i32
        %add3A_39 = arith.constant 0 : i32
        %add3A_40 = arith.addi %add3A_39, %mul3A_38 : i32
        %mul3A_41 = arith.constant 16 : i32
        %mul3A_42 = arith.muli %add3A_40, %mul3A_41 : i32
        %swap3A = arith.index_cast %add3A_30 : i32 to index
        %swap3A_43 = arith.index_cast %mul3A_42 : i32 to index
        %swap3A_44 = tpu.vector_load %arg8[%swap3A, %swap3A_43] {strides = array<i32>} : memref<128x128xf32, #tpu.memory_space<vmem>>, vector<1x16xf32>,
        %swap3A_45 = vector.shape_cast %swap3A_44 : vector<1x16xf32> to vector<16xf32>
        %swap3A_46 = vector.shape_cast %broadcast_in_dim3A_1 : vector<16xf32> to vector<1x16xf32>
        tpu.vector_store %arg8[%swap3A, %swap3A_43], %swap3A_46 {strides = array<i32>} : memref<128x128xf32, #tpu.memory_space<vmem>>, vector<1x16xf32>,
      }
      %scan3A_35 = arith.constant 8 : i32
    }
    %scan3A_5 = arith.constant 128 : i32
    %scan3A_6 = arith.constant 0 : i32
    %scan3A_7 = arith.constant 5 : i32
    %scan3A_8 = arith.addi %scan3A_6, %scan3A_7 : i32
    %scan3A_9 = arith.constant 1 : i32
    scf.for %scan3A_26 = %scan3A_6 to %scan3A_8 step %scan3A_9  : i32 {
      %mul3A_27 = arith.constant 1 : i32
      %mul3A_28 = arith.muli %scan3A_26, %mul3A_27 : i32
      %add3A_29 = arith.constant 0 : i32
      %add3A_30 = arith.addi %add3A_29, %mul3A_28 : i32
      %mul3A_31 = arith.constant 640 : i32
      %mul3A_32 = arith.muli %arg1, %mul3A_31 : i32
      %mul3A_33 = arith.constant 128 : i32
      %mul3A_34 = arith.muli %add3A_30, %mul3A_33 : i32
      %add3A_35 = arith.addi %mul3A_32, %mul3A_34 : i32
      "tpu.region"() ({
        %run_scoped3A = tpu.sem_alloc : memref<!tpu.dma_semaphore, #tpu.memory_space<semaphore_mem>>
        %dma_start3A = arith.constant 0 : i32
        %dma_start3A_36 = tpu.memref_slice %arg10[%add3A_35, %dma_start3A] : memref<10240x128xf32, #tpu.memory_space<vmem_shared>> -> memref<128x128xf32, #tpu.memory_space<vmem_shared>>
        %dma_start3A_37 = arith.constant 0 : i32
        %dma_start3A_38 = tpu.memref_slice %arg10[%add3A_35, %dma_start3A_37] : memref<10240x128xf32, #tpu.memory_space<vmem_shared>> -> memref<128x128xf32, #tpu.memory_space<vmem_shared>>
        tpu.enqueue_dma source(%arg8 : memref<128x128xf32, #tpu.memory_space<vmem>>) target(%dma_start3A_38 : memref<128x128xf32, #tpu.memory_space<vmem_shared>>) target_semaphore(%run_scoped3A : memref<!tpu.dma_semaphore, #tpu.memory_space<semaphore_mem>>)
        %dma_wait3A = arith.constant 0 : i32
        %dma_wait3A_39 = tpu.memref_slice %arg10[%add3A_35, %dma_wait3A] : memref<10240x128xf32, #tpu.memory_space<vmem_shared>> -> memref<128x128xf32, #tpu.memory_space<vmem_shared>>
        %dma_wait3A_40 = arith.constant 0 : i32
        %dma_wait3A_41 = tpu.memref_slice %arg10[%add3A_35, %dma_wait3A_40] : memref<10240x128xf32, #tpu.memory_space<vmem_shared>> -> memref<128x128xf32, #tpu.memory_space<vmem_shared>>
        tpu.wait_dma2 semaphore(%run_scoped3A : memref<!tpu.dma_semaphore, #tpu.memory_space<semaphore_mem>>) src(%arg8 : memref<128x128xf32, #tpu.memory_space<vmem>>) dst(%dma_wait3A_41 : memref<128x128xf32, #tpu.memory_space<vmem_shared>>)
        tpu.yield
      }) : () -> ()
    }
    %scan3A_10 = arith.constant 5 : i32
    %barrier3A = arith.constant 0 : index
    tpu.barrier barrier_id(%barrier3A)
    %mul3A_11 = arith.constant 80 : i32
    %mul3A_12 = arith.muli %add3A, %mul3A_11 : i32
    %scan3A_13 = arith.constant 0 : i32
    %scan3A_14 = arith.constant 5 : i32
    %scan3A_15 = arith.addi %scan3A_13, %scan3A_14 : i32
    %scan3A_16 = arith.constant 1 : i32
    scf.for %scan3A_26 = %scan3A_13 to %scan3A_15 step %scan3A_16  : i32 {
      %mul3A_27 = arith.constant 1 : i32
      %mul3A_28 = arith.muli %scan3A_26, %mul3A_27 : i32
      %add3A_29 = arith.constant 0 : i32
      %add3A_30 = arith.addi %add3A_29, %mul3A_28 : i32
      %mul3A_31 = arith.constant 16 : i32
      %mul3A_32 = arith.muli %add3A_30, %mul3A_31 : i32
      %add3A_33 = arith.addi %mul3A_12, %mul3A_32 : i32
      "tpu.region"() ({
        %run_scoped3A_274 = tpu.sem_alloc : memref<!tpu.dma_semaphore, #tpu.memory_space<semaphore_mem>>
        %dma_start3A_275 = arith.constant 0 : i32
        %dma_start3A_276 = tpu.memref_slice %arg3[%add3A_33, %dma_start3A_275] : memref<2560x128xi32, #tpu.memory_space<hbm>> -> memref<16x128xi32, #tpu.memory_space<hbm>>
        %dma_start3A_277 = arith.constant 0 : i32
        %dma_start3A_278 = tpu.memref_slice %arg3[%add3A_33, %dma_start3A_277] : memref<2560x128xi32, #tpu.memory_space<hbm>> -> memref<16x128xi32, #tpu.memory_space<hbm>>
        tpu.enqueue_dma source(%dma_start3A_278 : memref<16x128xi32, #tpu.memory_space<hbm>>) target(%arg6 : memref<16x128xi32, #tpu.memory_space<vmem>>) target_semaphore(%run_scoped3A_274 : memref<!tpu.dma_semaphore, #tpu.memory_space<semaphore_mem>>)
        %dma_wait3A_279 = arith.constant 0 : i32
        %dma_wait3A_280 = tpu.memref_slice %arg3[%add3A_33, %dma_wait3A_279] : memref<2560x128xi32, #tpu.memory_space<hbm>> -> memref<16x128xi32, #tpu.memory_space<hbm>>
        %dma_wait3A_281 = arith.constant 0 : i32
        %dma_wait3A_282 = tpu.memref_slice %arg3[%add3A_33, %dma_wait3A_281] : memref<2560x128xi32, #tpu.memory_space<hbm>> -> memref<16x128xi32, #tpu.memory_space<hbm>>
        tpu.wait_dma2 semaphore(%run_scoped3A_274 : memref<!tpu.dma_semaphore, #tpu.memory_space<semaphore_mem>>) src(%dma_wait3A_282 : memref<16x128xi32, #tpu.memory_space<hbm>>) dst(%arg6 : memref<16x128xi32, #tpu.memory_space<vmem>>)
        tpu.yield
      }) : () -> ()
      %mul3A_34 = arith.constant 16 : i32
      %mul3A_35 = arith.muli %add3A_30, %mul3A_34 : i32
      %add3A_36 = arith.addi %mul3A_12, %mul3A_35 : i32
      "tpu.region"() ({
        %run_scoped3A_274 = tpu.sem_alloc : memref<!tpu.dma_semaphore, #tpu.memory_space<semaphore_mem>>
        %dma_start3A_275 = arith.constant 0 : i32
        %dma_start3A_276 = tpu.memref_slice %arg4[%add3A_36, %dma_start3A_275] : memref<2560x128xi32, #tpu.memory_space<hbm>> -> memref<16x128xi32, #tpu.memory_space<hbm>>
        %dma_start3A_277 = arith.constant 0 : i32
        %dma_start3A_278 = tpu.memref_slice %arg4[%add3A_36, %dma_start3A_277] : memref<2560x128xi32, #tpu.memory_space<hbm>> -> memref<16x128xi32, #tpu.memory_space<hbm>>
        tpu.enqueue_dma source(%dma_start3A_278 : memref<16x128xi32, #tpu.memory_space<hbm>>) target(%arg7 : memref<16x128xi32, #tpu.memory_space<vmem>>) target_semaphore(%run_scoped3A_274 : memref<!tpu.dma_semaphore, #tpu.memory_space<semaphore_mem>>)
        %dma_wait3A_279 = arith.constant 0 : i32
        %dma_wait3A_280 = tpu.memref_slice %arg4[%add3A_36, %dma_wait3A_279] : memref<2560x128xi32, #tpu.memory_space<hbm>> -> memref<16x128xi32, #tpu.memory_space<hbm>>
        %dma_wait3A_281 = arith.constant 0 : i32
        %dma_wait3A_282 = tpu.memref_slice %arg4[%add3A_36, %dma_wait3A_281] : memref<2560x128xi32, #tpu.memory_space<hbm>> -> memref<16x128xi32, #tpu.memory_space<hbm>>
        tpu.wait_dma2 semaphore(%run_scoped3A_274 : memref<!tpu.dma_semaphore, #tpu.memory_space<semaphore_mem>>) src(%dma_wait3A_282 : memref<16x128xi32, #tpu.memory_space<hbm>>) dst(%arg7 : memref<16x128xi32, #tpu.memory_space<vmem>>)
        tpu.yield
      }) : () -> ()
      %dma_start3A = arith.constant 0 : i32
      %dma_start3A_37 = arith.constant 0 : i32
      %dma_start3A_38 = tpu.memref_slice %arg6[%dma_start3A, %dma_start3A_37] : memref<16x128xi32, #tpu.memory_space<vmem>> -> memref<1x128xi32, #tpu.memory_space<vmem>>
      %dma_start3A_39 = tpu.memref_squeeze %dma_start3A_38 : memref<1x128xi32, #tpu.memory_space<vmem>> -> memref<128xi32, #tpu.memory_space<vmem>>
      %dma_start3A_40 = arith.constant 0 : i32
      %dma_start3A_41 = arith.constant 0 : i32
      %dma_start3A_42 = tpu.memref_slice %arg2[%dma_start3A_40, %dma_start3A_41] : memref<10000x128xf32, #tpu.memory_space<hbm>> -> memref<10000x128xf32, #tpu.memory_space<hbm>>
      tpu.enqueue_indirect_dma source(%dma_start3A_42 : memref<10000x128xf32, #tpu.memory_space<hbm>>) target(%arg8 : memref<128x128xf32, #tpu.memory_space<vmem>>) offsets(%dma_start3A_39 : memref<128xi32, #tpu.memory_space<vmem>>) semaphore(%arg11 : memref<!tpu.dma_semaphore, #tpu.memory_space<semaphore_mem>>)
      %dma_start3A_43 = arith.constant 1 : i32
      %dma_start3A_44 = arith.constant 0 : i32
      %dma_start3A_45 = tpu.memref_slice %arg6[%dma_start3A_43, %dma_start3A_44] : memref<16x128xi32, #tpu.memory_space<vmem>> -> memref<1x128xi32, #tpu.memory_space<vmem>>
      %dma_start3A_46 = tpu.memref_squeeze %dma_start3A_45 : memref<1x128xi32, #tpu.memory_space<vmem>> -> memref<128xi32, #tpu.memory_space<vmem>>
      %dma_start3A_47 = arith.constant 0 : i32
      %dma_start3A_48 = arith.constant 0 : i32
      %dma_start3A_49 = tpu.memref_slice %arg2[%dma_start3A_47, %dma_start3A_48] : memref<10000x128xf32, #tpu.memory_space<hbm>> -> memref<10000x128xf32, #tpu.memory_space<hbm>>
      tpu.enqueue_indirect_dma source(%dma_start3A_49 : memref<10000x128xf32, #tpu.memory_space<hbm>>) target(%arg9 : memref<128x128xf32, #tpu.memory_space<vmem>>) offsets(%dma_start3A_46 : memref<128xi32, #tpu.memory_space<vmem>>) semaphore(%arg12 : memref<!tpu.dma_semaphore, #tpu.memory_space<semaphore_mem>>)
      %dma_wait3A = arith.constant 0 : i32
      %dma_wait3A_50 = arith.constant 0 : i32
      %dma_wait3A_51 = tpu.memref_slice %arg6[%dma_wait3A, %dma_wait3A_50] : memref<16x128xi32, #tpu.memory_space<vmem>> -> memref<1x128xi32, #tpu.memory_space<vmem>>
      %dma_wait3A_52 = tpu.memref_squeeze %dma_wait3A_51 : memref<1x128xi32, #tpu.memory_space<vmem>> -> memref<128xi32, #tpu.memory_space<vmem>>
      %dma_wait3A_53 = arith.constant 0 : i32
      %dma_wait3A_54 = arith.constant 0 : i32
      %dma_wait3A_55 = tpu.memref_slice %arg2[%dma_wait3A_53, %dma_wait3A_54] : memref<10000x128xf32, #tpu.memory_space<hbm>> -> memref<10000x128xf32, #tpu.memory_space<hbm>>
      tpu.wait_indirect_dma semaphore(%arg11 : memref<!tpu.dma_semaphore, #tpu.memory_space<semaphore_mem>>) src(%dma_wait3A_55 : memref<10000x128xf32, #tpu.memory_space<hbm>>) dst(%arg8 : memref<128x128xf32, #tpu.memory_space<vmem>>)
      %run_scoped3A = arith.constant 0 : i32
      "tpu.region"() ({
        %run_scoped3A_274 = tpu.sem_alloc : memref<!tpu.dma_semaphore, #tpu.memory_space<semaphore_mem>>
        %dma_start3A_275 = arith.constant 0 : i32
        %dma_start3A_276 = tpu.memref_slice %arg7[%run_scoped3A, %dma_start3A_275] : memref<16x128xi32, #tpu.memory_space<vmem>> -> memref<1x128xi32, #tpu.memory_space<vmem>>
        %dma_start3A_277 = tpu.memref_squeeze %dma_start3A_276 : memref<1x128xi32, #tpu.memory_space<vmem>> -> memref<128xi32, #tpu.memory_space<vmem>>
        %dma_start3A_278 = arith.constant 0 : i32
        %dma_start3A_279 = arith.constant 0 : i32
        %dma_start3A_280 = tpu.memref_slice %arg10[%dma_start3A_278, %dma_start3A_279] : memref<10240x128xf32, #tpu.memory_space<vmem_shared>> -> memref<10240x128xf32, #tpu.memory_space<vmem_shared>>
        tpu.enqueue_indirect_dma source(%arg8 : memref<128x128xf32, #tpu.memory_space<vmem>>) target(%dma_start3A_280 : memref<10240x128xf32, #tpu.memory_space<vmem_shared>>) offsets(%dma_start3A_277 : memref<128xi32, #tpu.memory_space<vmem>>) semaphore(%run_scoped3A_274 : memref<!tpu.dma_semaphore, #tpu.memory_space<semaphore_mem>>) {add = true}
        %dma_wait3A_281 = arith.constant 0 : i32
        %dma_wait3A_282 = tpu.memref_slice %arg7[%run_scoped3A, %dma_wait3A_281] : memref<16x128xi32, #tpu.memory_space<vmem>> -> memref<1x128xi32, #tpu.memory_space<vmem>>
        %dma_wait3A_283 = tpu.memref_squeeze %dma_wait3A_282 : memref<1x128xi32, #tpu.memory_space<vmem>> -> memref<128xi32, #tpu.memory_space<vmem>>
        %dma_wait3A_284 = arith.constant 0 : i32
        %dma_wait3A_285 = arith.constant 0 : i32
        %dma_wait3A_286 = tpu.memref_slice %arg10[%dma_wait3A_284, %dma_wait3A_285] : memref<10240x128xf32, #tpu.memory_space<vmem_shared>> -> memref<10240x128xf32, #tpu.memory_space<vmem_shared>>
        tpu.wait_indirect_dma semaphore(%run_scoped3A_274 : memref<!tpu.dma_semaphore, #tpu.memory_space<semaphore_mem>>) src(%arg8 : memref<128x128xf32, #tpu.memory_space<vmem>>) dst(%dma_wait3A_286 : memref<10240x128xf32, #tpu.memory_space<vmem_shared>>)
        tpu.yield
      }) : () -> ()
      %dma_start3A_56 = arith.constant 2 : i32
      %dma_start3A_57 = arith.constant 0 : i32
      %dma_start3A_58 = tpu.memref_slice %arg6[%dma_start3A_56, %dma_start3A_57] : memref<16x128xi32, #tpu.memory_space<vmem>> -> memref<1x128xi32, #tpu.memory_space<vmem>>
      %dma_start3A_59 = tpu.memref_squeeze %dma_start3A_58 : memref<1x128xi32, #tpu.memory_space<vmem>> -> memref<128xi32, #tpu.memory_space<vmem>>
      %dma_start3A_60 = arith.constant 0 : i32
      %dma_start3A_61 = arith.constant 0 : i32
      %dma_start3A_62 = tpu.memref_slice %arg2[%dma_start3A_60, %dma_start3A_61] : memref<10000x128xf32, #tpu.memory_space<hbm>> -> memref<10000x128xf32, #tpu.memory_space<hbm>>
      tpu.enqueue_indirect_dma source(%dma_start3A_62 : memref<10000x128xf32, #tpu.memory_space<hbm>>) target(%arg8 : memref<128x128xf32, #tpu.memory_space<vmem>>) offsets(%dma_start3A_59 : memref<128xi32, #tpu.memory_space<vmem>>) semaphore(%arg11 : memref<!tpu.dma_semaphore, #tpu.memory_space<semaphore_mem>>)
      %dma_wait3A_63 = arith.constant 1 : i32
      %dma_wait3A_64 = arith.constant 0 : i32
      %dma_wait3A_65 = tpu.memref_slice %arg6[%dma_wait3A_63, %dma_wait3A_64] : memref<16x128xi32, #tpu.memory_space<vmem>> -> memref<1x128xi32, #tpu.memory_space<vmem>>
      %dma_wait3A_66 = tpu.memref_squeeze %dma_wait3A_65 : memref<1x128xi32, #tpu.memory_space<vmem>> -> memref<128xi32, #tpu.memory_space<vmem>>
      %dma_wait3A_67 = arith.constant 0 : i32
      %dma_wait3A_68 = arith.constant 0 : i32
      %dma_wait3A_69 = tpu.memref_slice %arg2[%dma_wait3A_67, %dma_wait3A_68] : memref<10000x128xf32, #tpu.memory_space<hbm>> -> memref<10000x128xf32, #tpu.memory_space<hbm>>
      tpu.wait_indirect_dma semaphore(%arg12 : memref<!tpu.dma_semaphore, #tpu.memory_space<semaphore_mem>>) src(%dma_wait3A_69 : memref<10000x128xf32, #tpu.memory_space<hbm>>) dst(%arg9 : memref<128x128xf32, #tpu.memory_space<vmem>>)
      %run_scoped3A_70 = arith.constant 1 : i32
      "tpu.region"() ({
        %run_scoped3A_274 = tpu.sem_alloc : memref<!tpu.dma_semaphore, #tpu.memory_space<semaphore_mem>>
        %dma_start3A_275 = arith.constant 0 : i32
        %dma_start3A_276 = tpu.memref_slice %arg7[%run_scoped3A_70, %dma_start3A_275] : memref<16x128xi32, #tpu.memory_space<vmem>> -> memref<1x128xi32, #tpu.memory_space<vmem>>
        %dma_start3A_277 = tpu.memref_squeeze %dma_start3A_276 : memref<1x128xi32, #tpu.memory_space<vmem>> -> memref<128xi32, #tpu.memory_space<vmem>>
        %dma_start3A_278 = arith.constant 0 : i32
        %dma_start3A_279 = arith.constant 0 : i32
        %dma_start3A_280 = tpu.memref_slice %arg10[%dma_start3A_278, %dma_start3A_279] : memref<10240x128xf32, #tpu.memory_space<vmem_shared>> -> memref<10240x128xf32, #tpu.memory_space<vmem_shared>>
        tpu.enqueue_indirect_dma source(%arg9 : memref<128x128xf32, #tpu.memory_space<vmem>>) target(%dma_start3A_280 : memref<10240x128xf32, #tpu.memory_space<vmem_shared>>) offsets(%dma_start3A_277 : memref<128xi32, #tpu.memory_space<vmem>>) semaphore(%run_scoped3A_274 : memref<!tpu.dma_semaphore, #tpu.memory_space<semaphore_mem>>) {add = true}
        %dma_wait3A_281 = arith.constant 0 : i32
        %dma_wait3A_282 = tpu.memref_slice %arg7[%run_scoped3A_70, %dma_wait3A_281] : memref<16x128xi32, #tpu.memory_space<vmem>> -> memref<1x128xi32, #tpu.memory_space<vmem>>
        %dma_wait3A_283 = tpu.memref_squeeze %dma_wait3A_282 : memref<1x128xi32, #tpu.memory_space<vmem>> -> memref<128xi32, #tpu.memory_space<vmem>>
        %dma_wait3A_284 = arith.constant 0 : i32
        %dma_wait3A_285 = arith.constant 0 : i32
        %dma_wait3A_286 = tpu.memref_slice %arg10[%dma_wait3A_284, %dma_wait3A_285] : memref<10240x128xf32, #tpu.memory_space<vmem_shared>> -> memref<10240x128xf32, #tpu.memory_space<vmem_shared>>
        tpu.wait_indirect_dma semaphore(%run_scoped3A_274 : memref<!tpu.dma_semaphore, #tpu.memory_space<semaphore_mem>>) src(%arg9 : memref<128x128xf32, #tpu.memory_space<vmem>>) dst(%dma_wait3A_286 : memref<10240x128xf32, #tpu.memory_space<vmem_shared>>)
        tpu.yield
      }) : () -> ()
      %dma_start3A_71 = arith.constant 3 : i32
      %dma_start3A_72 = arith.constant 0 : i32
      %dma_start3A_73 = tpu.memref_slice %arg6[%dma_start3A_71, %dma_start3A_72] : memref<16x128xi32, #tpu.memory_space<vmem>> -> memref<1x128xi32, #tpu.memory_space<vmem>>
      %dma_start3A_74 = tpu.memref_squeeze %dma_start3A_73 : memref<1x128xi32, #tpu.memory_space<vmem>> -> memref<128xi32, #tpu.memory_space<vmem>>
      %dma_start3A_75 = arith.constant 0 : i32
      %dma_start3A_76 = arith.constant 0 : i32
      %dma_start3A_77 = tpu.memref_slice %arg2[%dma_start3A_75, %dma_start3A_76] : memref<10000x128xf32, #tpu.memory_space<hbm>> -> memref<10000x128xf32, #tpu.memory_space<hbm>>
      tpu.enqueue_indirect_dma source(%dma_start3A_77 : memref<10000x128xf32, #tpu.memory_space<hbm>>) target(%arg9 : memref<128x128xf32, #tpu.memory_space<vmem>>) offsets(%dma_start3A_74 : memref<128xi32, #tpu.memory_space<vmem>>) semaphore(%arg12 : memref<!tpu.dma_semaphore, #tpu.memory_space<semaphore_mem>>)
      %dma_wait3A_78 = arith.constant 2 : i32
      %dma_wait3A_79 = arith.constant 0 : i32
      %dma_wait3A_80 = tpu.memref_slice %arg6[%dma_wait3A_78, %dma_wait3A_79] : memref<16x128xi32, #tpu.memory_space<vmem>> -> memref<1x128xi32, #tpu.memory_space<vmem>>
      %dma_wait3A_81 = tpu.memref_squeeze %dma_wait3A_80 : memref<1x128xi32, #tpu.memory_space<vmem>> -> memref<128xi32, #tpu.memory_space<vmem>>
      %dma_wait3A_82 = arith.constant 0 : i32
      %dma_wait3A_83 = arith.constant 0 : i32
      %dma_wait3A_84 = tpu.memref_slice %arg2[%dma_wait3A_82, %dma_wait3A_83] : memref<10000x128xf32, #tpu.memory_space<hbm>> -> memref<10000x128xf32, #tpu.memory_space<hbm>>
      tpu.wait_indirect_dma semaphore(%arg11 : memref<!tpu.dma_semaphore, #tpu.memory_space<semaphore_mem>>) src(%dma_wait3A_84 : memref<10000x128xf32, #tpu.memory_space<hbm>>) dst(%arg8 : memref<128x128xf32, #tpu.memory_space<vmem>>)
      %run_scoped3A_85 = arith.constant 2 : i32
      "tpu.region"() ({
        %run_scoped3A_274 = tpu.sem_alloc : memref<!tpu.dma_semaphore, #tpu.memory_space<semaphore_mem>>
        %dma_start3A_275 = arith.constant 0 : i32
        %dma_start3A_276 = tpu.memref_slice %arg7[%run_scoped3A_85, %dma_start3A_275] : memref<16x128xi32, #tpu.memory_space<vmem>> -> memref<1x128xi32, #tpu.memory_space<vmem>>
        %dma_start3A_277 = tpu.memref_squeeze %dma_start3A_276 : memref<1x128xi32, #tpu.memory_space<vmem>> -> memref<128xi32, #tpu.memory_space<vmem>>
        %dma_start3A_278 = arith.constant 0 : i32
        %dma_start3A_279 = arith.constant 0 : i32
        %dma_start3A_280 = tpu.memref_slice %arg10[%dma_start3A_278, %dma_start3A_279] : memref<10240x128xf32, #tpu.memory_space<vmem_shared>> -> memref<10240x128xf32, #tpu.memory_space<vmem_shared>>
        tpu.enqueue_indirect_dma source(%arg8 : memref<128x128xf32, #tpu.memory_space<vmem>>) target(%dma_start3A_280 : memref<10240x128xf32, #tpu.memory_space<vmem_shared>>) offsets(%dma_start3A_277 : memref<128xi32, #tpu.memory_space<vmem>>) semaphore(%run_scoped3A_274 : memref<!tpu.dma_semaphore, #tpu.memory_space<semaphore_mem>>) {add = true}
        %dma_wait3A_281 = arith.constant 0 : i32
        %dma_wait3A_282 = tpu.memref_slice %arg7[%run_scoped3A_85, %dma_wait3A_281] : memref<16x128xi32, #tpu.memory_space<vmem>> -> memref<1x128xi32, #tpu.memory_space<vmem>>
        %dma_wait3A_283 = tpu.memref_squeeze %dma_wait3A_282 : memref<1x128xi32, #tpu.memory_space<vmem>> -> memref<128xi32, #tpu.memory_space<vmem>>
        %dma_wait3A_284 = arith.constant 0 : i32
        %dma_wait3A_285 = arith.constant 0 : i32
        %dma_wait3A_286 = tpu.memref_slice %arg10[%dma_wait3A_284, %dma_wait3A_285] : memref<10240x128xf32, #tpu.memory_space<vmem_shared>> -> memref<10240x128xf32, #tpu.memory_space<vmem_shared>>
        tpu.wait_indirect_dma semaphore(%run_scoped3A_274 : memref<!tpu.dma_semaphore, #tpu.memory_space<semaphore_mem>>) src(%arg8 : memref<128x128xf32, #tpu.memory_space<vmem>>) dst(%dma_wait3A_286 : memref<10240x128xf32, #tpu.memory_space<vmem_shared>>)
        tpu.yield
      }) : () -> ()
      %dma_start3A_86 = arith.constant 4 : i32
      %dma_start3A_87 = arith.constant 0 : i32
      %dma_start3A_88 = tpu.memref_slice %arg6[%dma_start3A_86, %dma_start3A_87] : memref<16x128xi32, #tpu.memory_space<vmem>> -> memref<1x128xi32, #tpu.memory_space<vmem>>
      %dma_start3A_89 = tpu.memref_squeeze %dma_start3A_88 : memref<1x128xi32, #tpu.memory_space<vmem>> -> memref<128xi32, #tpu.memory_space<vmem>>
      %dma_start3A_90 = arith.constant 0 : i32
      %dma_start3A_91 = arith.constant 0 : i32
      %dma_start3A_92 = tpu.memref_slice %arg2[%dma_start3A_90, %dma_start3A_91] : memref<10000x128xf32, #tpu.memory_space<hbm>> -> memref<10000x128xf32, #tpu.memory_space<hbm>>
      tpu.enqueue_indirect_dma source(%dma_start3A_92 : memref<10000x128xf32, #tpu.memory_space<hbm>>) target(%arg8 : memref<128x128xf32, #tpu.memory_space<vmem>>) offsets(%dma_start3A_89 : memref<128xi32, #tpu.memory_space<vmem>>) semaphore(%arg11 : memref<!tpu.dma_semaphore, #tpu.memory_space<semaphore_mem>>)
      %dma_wait3A_93 = arith.constant 3 : i32
      %dma_wait3A_94 = arith.constant 0 : i32
      %dma_wait3A_95 = tpu.memref_slice %arg6[%dma_wait3A_93, %dma_wait3A_94] : memref<16x128xi32, #tpu.memory_space<vmem>> -> memref<1x128xi32, #tpu.memory_space<vmem>>
      %dma_wait3A_96 = tpu.memref_squeeze %dma_wait3A_95 : memref<1x128xi32, #tpu.memory_space<vmem>> -> memref<128xi32, #tpu.memory_space<vmem>>
      %dma_wait3A_97 = arith.constant 0 : i32
      %dma_wait3A_98 = arith.constant 0 : i32
      %dma_wait3A_99 = tpu.memref_slice %arg2[%dma_wait3A_97, %dma_wait3A_98] : memref<10000x128xf32, #tpu.memory_space<hbm>> -> memref<10000x128xf32, #tpu.memory_space<hbm>>
      tpu.wait_indirect_dma semaphore(%arg12 : memref<!tpu.dma_semaphore, #tpu.memory_space<semaphore_mem>>) src(%dma_wait3A_99 : memref<10000x128xf32, #tpu.memory_space<hbm>>) dst(%arg9 : memref<128x128xf32, #tpu.memory_space<vmem>>)
      %run_scoped3A_100 = arith.constant 3 : i32
      "tpu.region"() ({
        %run_scoped3A_274 = tpu.sem_alloc : memref<!tpu.dma_semaphore, #tpu.memory_space<semaphore_mem>>
        %dma_start3A_275 = arith.constant 0 : i32
        %dma_start3A_276 = tpu.memref_slice %arg7[%run_scoped3A_100, %dma_start3A_275] : memref<16x128xi32, #tpu.memory_space<vmem>> -> memref<1x128xi32, #tpu.memory_space<vmem>>
        %dma_start3A_277 = tpu.memref_squeeze %dma_start3A_276 : memref<1x128xi32, #tpu.memory_space<vmem>> -> memref<128xi32, #tpu.memory_space<vmem>>
        %dma_start3A_278 = arith.constant 0 : i32
        %dma_start3A_279 = arith.constant 0 : i32
        %dma_start3A_280 = tpu.memref_slice %arg10[%dma_start3A_278, %dma_start3A_279] : memref<10240x128xf32, #tpu.memory_space<vmem_shared>> -> memref<10240x128xf32, #tpu.memory_space<vmem_shared>>
        tpu.enqueue_indirect_dma source(%arg9 : memref<128x128xf32, #tpu.memory_space<vmem>>) target(%dma_start3A_280 : memref<10240x128xf32, #tpu.memory_space<vmem_shared>>) offsets(%dma_start3A_277 : memref<128xi32, #tpu.memory_space<vmem>>) semaphore(%run_scoped3A_274 : memref<!tpu.dma_semaphore, #tpu.memory_space<semaphore_mem>>) {add = true}
        %dma_wait3A_281 = arith.constant 0 : i32
        %dma_wait3A_282 = tpu.memref_slice %arg7[%run_scoped3A_100, %dma_wait3A_281] : memref<16x128xi32, #tpu.memory_space<vmem>> -> memref<1x128xi32, #tpu.memory_space<vmem>>
        %dma_wait3A_283 = tpu.memref_squeeze %dma_wait3A_282 : memref<1x128xi32, #tpu.memory_space<vmem>> -> memref<128xi32, #tpu.memory_space<vmem>>
        %dma_wait3A_284 = arith.constant 0 : i32
        %dma_wait3A_285 = arith.constant 0 : i32
        %dma_wait3A_286 = tpu.memref_slice %arg10[%dma_wait3A_284, %dma_wait3A_285] : memref<10240x128xf32, #tpu.memory_space<vmem_shared>> -> memref<10240x128xf32, #tpu.memory_space<vmem_shared>>
        tpu.wait_indirect_dma semaphore(%run_scoped3A_274 : memref<!tpu.dma_semaphore, #tpu.memory_space<semaphore_mem>>) src(%arg9 : memref<128x128xf32, #tpu.memory_space<vmem>>) dst(%dma_wait3A_286 : memref<10240x128xf32, #tpu.memory_space<vmem_shared>>)
        tpu.yield
      }) : () -> ()
      %dma_start3A_101 = arith.constant 5 : i32
      %dma_start3A_102 = arith.constant 0 : i32
      %dma_start3A_103 = tpu.memref_slice %arg6[%dma_start3A_101, %dma_start3A_102] : memref<16x128xi32, #tpu.memory_space<vmem>> -> memref<1x128xi32, #tpu.memory_space<vmem>>
      %dma_start3A_104 = tpu.memref_squeeze %dma_start3A_103 : memref<1x128xi32, #tpu.memory_space<vmem>> -> memref<128xi32, #tpu.memory_space<vmem>>
      %dma_start3A_105 = arith.constant 0 : i32
      %dma_start3A_106 = arith.constant 0 : i32
      %dma_start3A_107 = tpu.memref_slice %arg2[%dma_start3A_105, %dma_start3A_106] : memref<10000x128xf32, #tpu.memory_space<hbm>> -> memref<10000x128xf32, #tpu.memory_space<hbm>>
      tpu.enqueue_indirect_dma source(%dma_start3A_107 : memref<10000x128xf32, #tpu.memory_space<hbm>>) target(%arg9 : memref<128x128xf32, #tpu.memory_space<vmem>>) offsets(%dma_start3A_104 : memref<128xi32, #tpu.memory_space<vmem>>) semaphore(%arg12 : memref<!tpu.dma_semaphore, #tpu.memory_space<semaphore_mem>>)
      %dma_wait3A_108 = arith.constant 4 : i32
      %dma_wait3A_109 = arith.constant 0 : i32
      %dma_wait3A_110 = tpu.memref_slice %arg6[%dma_wait3A_108, %dma_wait3A_109] : memref<16x128xi32, #tpu.memory_space<vmem>> -> memref<1x128xi32, #tpu.memory_space<vmem>>
      %dma_wait3A_111 = tpu.memref_squeeze %dma_wait3A_110 : memref<1x128xi32, #tpu.memory_space<vmem>> -> memref<128xi32, #tpu.memory_space<vmem>>
      %dma_wait3A_112 = arith.constant 0 : i32
      %dma_wait3A_113 = arith.constant 0 : i32
      %dma_wait3A_114 = tpu.memref_slice %arg2[%dma_wait3A_112, %dma_wait3A_113] : memref<10000x128xf32, #tpu.memory_space<hbm>> -> memref<10000x128xf32, #tpu.memory_space<hbm>>
      tpu.wait_indirect_dma semaphore(%arg11 : memref<!tpu.dma_semaphore, #tpu.memory_space<semaphore_mem>>) src(%dma_wait3A_114 : memref<10000x128xf32, #tpu.memory_space<hbm>>) dst(%arg8 : memref<128x128xf32, #tpu.memory_space<vmem>>)
      %run_scoped3A_115 = arith.constant 4 : i32
      "tpu.region"() ({
        %run_scoped3A_274 = tpu.sem_alloc : memref<!tpu.dma_semaphore, #tpu.memory_space<semaphore_mem>>
        %dma_start3A_275 = arith.constant 0 : i32
        %dma_start3A_276 = tpu.memref_slice %arg7[%run_scoped3A_115, %dma_start3A_275] : memref<16x128xi32, #tpu.memory_space<vmem>> -> memref<1x128xi32, #tpu.memory_space<vmem>>
        %dma_start3A_277 = tpu.memref_squeeze %dma_start3A_276 : memref<1x128xi32, #tpu.memory_space<vmem>> -> memref<128xi32, #tpu.memory_space<vmem>>
        %dma_start3A_278 = arith.constant 0 : i32
        %dma_start3A_279 = arith.constant 0 : i32
        %dma_start3A_280 = tpu.memref_slice %arg10[%dma_start3A_278, %dma_start3A_279] : memref<10240x128xf32, #tpu.memory_space<vmem_shared>> -> memref<10240x128xf32, #tpu.memory_space<vmem_shared>>
        tpu.enqueue_indirect_dma source(%arg8 : memref<128x128xf32, #tpu.memory_space<vmem>>) target(%dma_start3A_280 : memref<10240x128xf32, #tpu.memory_space<vmem_shared>>) offsets(%dma_start3A_277 : memref<128xi32, #tpu.memory_space<vmem>>) semaphore(%run_scoped3A_274 : memref<!tpu.dma_semaphore, #tpu.memory_space<semaphore_mem>>) {add = true}
        %dma_wait3A_281 = arith.constant 0 : i32
        %dma_wait3A_282 = tpu.memref_slice %arg7[%run_scoped3A_115, %dma_wait3A_281] : memref<16x128xi32, #tpu.memory_space<vmem>> -> memref<1x128xi32, #tpu.memory_space<vmem>>
        %dma_wait3A_283 = tpu.memref_squeeze %dma_wait3A_282 : memref<1x128xi32, #tpu.memory_space<vmem>> -> memref<128xi32, #tpu.memory_space<vmem>>
        %dma_wait3A_284 = arith.constant 0 : i32
        %dma_wait3A_285 = arith.constant 0 : i32
        %dma_wait3A_286 = tpu.memref_slice %arg10[%dma_wait3A_284, %dma_wait3A_285] : memref<10240x128xf32, #tpu.memory_space<vmem_shared>> -> memref<10240x128xf32, #tpu.memory_space<vmem_shared>>
        tpu.wait_indirect_dma semaphore(%run_scoped3A_274 : memref<!tpu.dma_semaphore, #tpu.memory_space<semaphore_mem>>) src(%arg8 : memref<128x128xf32, #tpu.memory_space<vmem>>) dst(%dma_wait3A_286 : memref<10240x128xf32, #tpu.memory_space<vmem_shared>>)
        tpu.yield
      }) : () -> ()
      %dma_start3A_116 = arith.constant 6 : i32
      %dma_start3A_117 = arith.constant 0 : i32
      %dma_start3A_118 = tpu.memref_slice %arg6[%dma_start3A_116, %dma_start3A_117] : memref<16x128xi32, #tpu.memory_space<vmem>> -> memref<1x128xi32, #tpu.memory_space<vmem>>
      %dma_start3A_119 = tpu.memref_squeeze %dma_start3A_118 : memref<1x128xi32, #tpu.memory_space<vmem>> -> memref<128xi32, #tpu.memory_space<vmem>>
      %dma_start3A_120 = arith.constant 0 : i32
      %dma_start3A_121 = arith.constant 0 : i32
      %dma_start3A_122 = tpu.memref_slice %arg2[%dma_start3A_120, %dma_start3A_121] : memref<10000x128xf32, #tpu.memory_space<hbm>> -> memref<10000x128xf32, #tpu.memory_space<hbm>>
      tpu.enqueue_indirect_dma source(%dma_start3A_122 : memref<10000x128xf32, #tpu.memory_space<hbm>>) target(%arg8 : memref<128x128xf32, #tpu.memory_space<vmem>>) offsets(%dma_start3A_119 : memref<128xi32, #tpu.memory_space<vmem>>) semaphore(%arg11 : memref<!tpu.dma_semaphore, #tpu.memory_space<semaphore_mem>>)
      %dma_wait3A_123 = arith.constant 5 : i32
      %dma_wait3A_124 = arith.constant 0 : i32
      %dma_wait3A_125 = tpu.memref_slice %arg6[%dma_wait3A_123, %dma_wait3A_124] : memref<16x128xi32, #tpu.memory_space<vmem>> -> memref<1x128xi32, #tpu.memory_space<vmem>>
      %dma_wait3A_126 = tpu.memref_squeeze %dma_wait3A_125 : memref<1x128xi32, #tpu.memory_space<vmem>> -> memref<128xi32, #tpu.memory_space<vmem>>
      %dma_wait3A_127 = arith.constant 0 : i32
      %dma_wait3A_128 = arith.constant 0 : i32
      %dma_wait3A_129 = tpu.memref_slice %arg2[%dma_wait3A_127, %dma_wait3A_128] : memref<10000x128xf32, #tpu.memory_space<hbm>> -> memref<10000x128xf32, #tpu.memory_space<hbm>>
      tpu.wait_indirect_dma semaphore(%arg12 : memref<!tpu.dma_semaphore, #tpu.memory_space<semaphore_mem>>) src(%dma_wait3A_129 : memref<10000x128xf32, #tpu.memory_space<hbm>>) dst(%arg9 : memref<128x128xf32, #tpu.memory_space<vmem>>)
      %run_scoped3A_130 = arith.constant 5 : i32
      "tpu.region"() ({
        %run_scoped3A_274 = tpu.sem_alloc : memref<!tpu.dma_semaphore, #tpu.memory_space<semaphore_mem>>
        %dma_start3A_275 = arith.constant 0 : i32
        %dma_start3A_276 = tpu.memref_slice %arg7[%run_scoped3A_130, %dma_start3A_275] : memref<16x128xi32, #tpu.memory_space<vmem>> -> memref<1x128xi32, #tpu.memory_space<vmem>>
        %dma_start3A_277 = tpu.memref_squeeze %dma_start3A_276 : memref<1x128xi32, #tpu.memory_space<vmem>> -> memref<128xi32, #tpu.memory_space<vmem>>
        %dma_start3A_278 = arith.constant 0 : i32
        %dma_start3A_279 = arith.constant 0 : i32
        %dma_start3A_280 = tpu.memref_slice %arg10[%dma_start3A_278, %dma_start3A_279] : memref<10240x128xf32, #tpu.memory_space<vmem_shared>> -> memref<10240x128xf32, #tpu.memory_space<vmem_shared>>
        tpu.enqueue_indirect_dma source(%arg9 : memref<128x128xf32, #tpu.memory_space<vmem>>) target(%dma_start3A_280 : memref<10240x128xf32, #tpu.memory_space<vmem_shared>>) offsets(%dma_start3A_277 : memref<128xi32, #tpu.memory_space<vmem>>) semaphore(%run_scoped3A_274 : memref<!tpu.dma_semaphore, #tpu.memory_space<semaphore_mem>>) {add = true}
        %dma_wait3A_281 = arith.constant 0 : i32
        %dma_wait3A_282 = tpu.memref_slice %arg7[%run_scoped3A_130, %dma_wait3A_281] : memref<16x128xi32, #tpu.memory_space<vmem>> -> memref<1x128xi32, #tpu.memory_space<vmem>>
        %dma_wait3A_283 = tpu.memref_squeeze %dma_wait3A_282 : memref<1x128xi32, #tpu.memory_space<vmem>> -> memref<128xi32, #tpu.memory_space<vmem>>
        %dma_wait3A_284 = arith.constant 0 : i32
        %dma_wait3A_285 = arith.constant 0 : i32
        %dma_wait3A_286 = tpu.memref_slice %arg10[%dma_wait3A_284, %dma_wait3A_285] : memref<10240x128xf32, #tpu.memory_space<vmem_shared>> -> memref<10240x128xf32, #tpu.memory_space<vmem_shared>>
        tpu.wait_indirect_dma semaphore(%run_scoped3A_274 : memref<!tpu.dma_semaphore, #tpu.memory_space<semaphore_mem>>) src(%arg9 : memref<128x128xf32, #tpu.memory_space<vmem>>) dst(%dma_wait3A_286 : memref<10240x128xf32, #tpu.memory_space<vmem_shared>>)
        tpu.yield
      }) : () -> ()
      %dma_start3A_131 = arith.constant 7 : i32
      %dma_start3A_132 = arith.constant 0 : i32
      %dma_start3A_133 = tpu.memref_slice %arg6[%dma_start3A_131, %dma_start3A_132] : memref<16x128xi32, #tpu.memory_space<vmem>> -> memref<1x128xi32, #tpu.memory_space<vmem>>
      %dma_start3A_134 = tpu.memref_squeeze %dma_start3A_133 : memref<1x128xi32, #tpu.memory_space<vmem>> -> memref<128xi32, #tpu.memory_space<vmem>>
      %dma_start3A_135 = arith.constant 0 : i32
      %dma_start3A_136 = arith.constant 0 : i32
      %dma_start3A_137 = tpu.memref_slice %arg2[%dma_start3A_135, %dma_start3A_136] : memref<10000x128xf32, #tpu.memory_space<hbm>> -> memref<10000x128xf32, #tpu.memory_space<hbm>>
      tpu.enqueue_indirect_dma source(%dma_start3A_137 : memref<10000x128xf32, #tpu.memory_space<hbm>>) target(%arg9 : memref<128x128xf32, #tpu.memory_space<vmem>>) offsets(%dma_start3A_134 : memref<128xi32, #tpu.memory_space<vmem>>) semaphore(%arg12 : memref<!tpu.dma_semaphore, #tpu.memory_space<semaphore_mem>>)
      %dma_wait3A_138 = arith.constant 6 : i32
      %dma_wait3A_139 = arith.constant 0 : i32
      %dma_wait3A_140 = tpu.memref_slice %arg6[%dma_wait3A_138, %dma_wait3A_139] : memref<16x128xi32, #tpu.memory_space<vmem>> -> memref<1x128xi32, #tpu.memory_space<vmem>>
      %dma_wait3A_141 = tpu.memref_squeeze %dma_wait3A_140 : memref<1x128xi32, #tpu.memory_space<vmem>> -> memref<128xi32, #tpu.memory_space<vmem>>
      %dma_wait3A_142 = arith.constant 0 : i32
      %dma_wait3A_143 = arith.constant 0 : i32
      %dma_wait3A_144 = tpu.memref_slice %arg2[%dma_wait3A_142, %dma_wait3A_143] : memref<10000x128xf32, #tpu.memory_space<hbm>> -> memref<10000x128xf32, #tpu.memory_space<hbm>>
      tpu.wait_indirect_dma semaphore(%arg11 : memref<!tpu.dma_semaphore, #tpu.memory_space<semaphore_mem>>) src(%dma_wait3A_144 : memref<10000x128xf32, #tpu.memory_space<hbm>>) dst(%arg8 : memref<128x128xf32, #tpu.memory_space<vmem>>)
      %run_scoped3A_145 = arith.constant 6 : i32
      "tpu.region"() ({
        %run_scoped3A_274 = tpu.sem_alloc : memref<!tpu.dma_semaphore, #tpu.memory_space<semaphore_mem>>
        %dma_start3A_275 = arith.constant 0 : i32
        %dma_start3A_276 = tpu.memref_slice %arg7[%run_scoped3A_145, %dma_start3A_275] : memref<16x128xi32, #tpu.memory_space<vmem>> -> memref<1x128xi32, #tpu.memory_space<vmem>>
        %dma_start3A_277 = tpu.memref_squeeze %dma_start3A_276 : memref<1x128xi32, #tpu.memory_space<vmem>> -> memref<128xi32, #tpu.memory_space<vmem>>
        %dma_start3A_278 = arith.constant 0 : i32
        %dma_start3A_279 = arith.constant 0 : i32
        %dma_start3A_280 = tpu.memref_slice %arg10[%dma_start3A_278, %dma_start3A_279] : memref<10240x128xf32, #tpu.memory_space<vmem_shared>> -> memref<10240x128xf32, #tpu.memory_space<vmem_shared>>
        tpu.enqueue_indirect_dma source(%arg8 : memref<128x128xf32, #tpu.memory_space<vmem>>) target(%dma_start3A_280 : memref<10240x128xf32, #tpu.memory_space<vmem_shared>>) offsets(%dma_start3A_277 : memref<128xi32, #tpu.memory_space<vmem>>) semaphore(%run_scoped3A_274 : memref<!tpu.dma_semaphore, #tpu.memory_space<semaphore_mem>>) {add = true}
        %dma_wait3A_281 = arith.constant 0 : i32
        %dma_wait3A_282 = tpu.memref_slice %arg7[%run_scoped3A_145, %dma_wait3A_281] : memref<16x128xi32, #tpu.memory_space<vmem>> -> memref<1x128xi32, #tpu.memory_space<vmem>>
        %dma_wait3A_283 = tpu.memref_squeeze %dma_wait3A_282 : memref<1x128xi32, #tpu.memory_space<vmem>> -> memref<128xi32, #tpu.memory_space<vmem>>
        %dma_wait3A_284 = arith.constant 0 : i32
        %dma_wait3A_285 = arith.constant 0 : i32
        %dma_wait3A_286 = tpu.memref_slice %arg10[%dma_wait3A_284, %dma_wait3A_285] : memref<10240x128xf32, #tpu.memory_space<vmem_shared>> -> memref<10240x128xf32, #tpu.memory_space<vmem_shared>>
        tpu.wait_indirect_dma semaphore(%run_scoped3A_274 : memref<!tpu.dma_semaphore, #tpu.memory_space<semaphore_mem>>) src(%arg8 : memref<128x128xf32, #tpu.memory_space<vmem>>) dst(%dma_wait3A_286 : memref<10240x128xf32, #tpu.memory_space<vmem_shared>>)
        tpu.yield
      }) : () -> ()
      %dma_start3A_146 = arith.constant 8 : i32
      %dma_start3A_147 = arith.constant 0 : i32
      %dma_start3A_148 = tpu.memref_slice %arg6[%dma_start3A_146, %dma_start3A_147] : memref<16x128xi32, #tpu.memory_space<vmem>> -> memref<1x128xi32, #tpu.memory_space<vmem>>
      %dma_start3A_149 = tpu.memref_squeeze %dma_start3A_148 : memref<1x128xi32, #tpu.memory_space<vmem>> -> memref<128xi32, #tpu.memory_space<vmem>>
      %dma_start3A_150 = arith.constant 0 : i32
      %dma_start3A_151 = arith.constant 0 : i32
      %dma_start3A_152 = tpu.memref_slice %arg2[%dma_start3A_150, %dma_start3A_151] : memref<10000x128xf32, #tpu.memory_space<hbm>> -> memref<10000x128xf32, #tpu.memory_space<hbm>>
      tpu.enqueue_indirect_dma source(%dma_start3A_152 : memref<10000x128xf32, #tpu.memory_space<hbm>>) target(%arg8 : memref<128x128xf32, #tpu.memory_space<vmem>>) offsets(%dma_start3A_149 : memref<128xi32, #tpu.memory_space<vmem>>) semaphore(%arg11 : memref<!tpu.dma_semaphore, #tpu.memory_space<semaphore_mem>>)
      %dma_wait3A_153 = arith.constant 7 : i32
      %dma_wait3A_154 = arith.constant 0 : i32
      %dma_wait3A_155 = tpu.memref_slice %arg6[%dma_wait3A_153, %dma_wait3A_154] : memref<16x128xi32, #tpu.memory_space<vmem>> -> memref<1x128xi32, #tpu.memory_space<vmem>>
      %dma_wait3A_156 = tpu.memref_squeeze %dma_wait3A_155 : memref<1x128xi32, #tpu.memory_space<vmem>> -> memref<128xi32, #tpu.memory_space<vmem>>
      %dma_wait3A_157 = arith.constant 0 : i32
      %dma_wait3A_158 = arith.constant 0 : i32
      %dma_wait3A_159 = tpu.memref_slice %arg2[%dma_wait3A_157, %dma_wait3A_158] : memref<10000x128xf32, #tpu.memory_space<hbm>> -> memref<10000x128xf32, #tpu.memory_space<hbm>>
      tpu.wait_indirect_dma semaphore(%arg12 : memref<!tpu.dma_semaphore, #tpu.memory_space<semaphore_mem>>) src(%dma_wait3A_159 : memref<10000x128xf32, #tpu.memory_space<hbm>>) dst(%arg9 : memref<128x128xf32, #tpu.memory_space<vmem>>)
      %run_scoped3A_160 = arith.constant 7 : i32
      "tpu.region"() ({
        %run_scoped3A_274 = tpu.sem_alloc : memref<!tpu.dma_semaphore, #tpu.memory_space<semaphore_mem>>
        %dma_start3A_275 = arith.constant 0 : i32
        %dma_start3A_276 = tpu.memref_slice %arg7[%run_scoped3A_160, %dma_start3A_275] : memref<16x128xi32, #tpu.memory_space<vmem>> -> memref<1x128xi32, #tpu.memory_space<vmem>>
        %dma_start3A_277 = tpu.memref_squeeze %dma_start3A_276 : memref<1x128xi32, #tpu.memory_space<vmem>> -> memref<128xi32, #tpu.memory_space<vmem>>
        %dma_start3A_278 = arith.constant 0 : i32
        %dma_start3A_279 = arith.constant 0 : i32
        %dma_start3A_280 = tpu.memref_slice %arg10[%dma_start3A_278, %dma_start3A_279] : memref<10240x128xf32, #tpu.memory_space<vmem_shared>> -> memref<10240x128xf32, #tpu.memory_space<vmem_shared>>
        tpu.enqueue_indirect_dma source(%arg9 : memref<128x128xf32, #tpu.memory_space<vmem>>) target(%dma_start3A_280 : memref<10240x128xf32, #tpu.memory_space<vmem_shared>>) offsets(%dma_start3A_277 : memref<128xi32, #tpu.memory_space<vmem>>) semaphore(%run_scoped3A_274 : memref<!tpu.dma_semaphore, #tpu.memory_space<semaphore_mem>>) {add = true}
        %dma_wait3A_281 = arith.constant 0 : i32
        %dma_wait3A_282 = tpu.memref_slice %arg7[%run_scoped3A_160, %dma_wait3A_281] : memref<16x128xi32, #tpu.memory_space<vmem>> -> memref<1x128xi32, #tpu.memory_space<vmem>>
        %dma_wait3A_283 = tpu.memref_squeeze %dma_wait3A_282 : memref<1x128xi32, #tpu.memory_space<vmem>> -> memref<128xi32, #tpu.memory_space<vmem>>
        %dma_wait3A_284 = arith.constant 0 : i32
        %dma_wait3A_285 = arith.constant 0 : i32
        %dma_wait3A_286 = tpu.memref_slice %arg10[%dma_wait3A_284, %dma_wait3A_285] : memref<10240x128xf32, #tpu.memory_space<vmem_shared>> -> memref<10240x128xf32, #tpu.memory_space<vmem_shared>>
        tpu.wait_indirect_dma semaphore(%run_scoped3A_274 : memref<!tpu.dma_semaphore, #tpu.memory_space<semaphore_mem>>) src(%arg9 : memref<128x128xf32, #tpu.memory_space<vmem>>) dst(%dma_wait3A_286 : memref<10240x128xf32, #tpu.memory_space<vmem_shared>>)
        tpu.yield
      }) : () -> ()
      %dma_start3A_161 = arith.constant 9 : i32
      %dma_start3A_162 = arith.constant 0 : i32
      %dma_start3A_163 = tpu.memref_slice %arg6[%dma_start3A_161, %dma_start3A_162] : memref<16x128xi32, #tpu.memory_space<vmem>> -> memref<1x128xi32, #tpu.memory_space<vmem>>
      %dma_start3A_164 = tpu.memref_squeeze %dma_start3A_163 : memref<1x128xi32, #tpu.memory_space<vmem>> -> memref<128xi32, #tpu.memory_space<vmem>>
      %dma_start3A_165 = arith.constant 0 : i32
      %dma_start3A_166 = arith.constant 0 : i32
      %dma_start3A_167 = tpu.memref_slice %arg2[%dma_start3A_165, %dma_start3A_166] : memref<10000x128xf32, #tpu.memory_space<hbm>> -> memref<10000x128xf32, #tpu.memory_space<hbm>>
      tpu.enqueue_indirect_dma source(%dma_start3A_167 : memref<10000x128xf32, #tpu.memory_space<hbm>>) target(%arg9 : memref<128x128xf32, #tpu.memory_space<vmem>>) offsets(%dma_start3A_164 : memref<128xi32, #tpu.memory_space<vmem>>) semaphore(%arg12 : memref<!tpu.dma_semaphore, #tpu.memory_space<semaphore_mem>>)
      %dma_wait3A_168 = arith.constant 8 : i32
      %dma_wait3A_169 = arith.constant 0 : i32
      %dma_wait3A_170 = tpu.memref_slice %arg6[%dma_wait3A_168, %dma_wait3A_169] : memref<16x128xi32, #tpu.memory_space<vmem>> -> memref<1x128xi32, #tpu.memory_space<vmem>>
      %dma_wait3A_171 = tpu.memref_squeeze %dma_wait3A_170 : memref<1x128xi32, #tpu.memory_space<vmem>> -> memref<128xi32, #tpu.memory_space<vmem>>
      %dma_wait3A_172 = arith.constant 0 : i32
      %dma_wait3A_173 = arith.constant 0 : i32
      %dma_wait3A_174 = tpu.memref_slice %arg2[%dma_wait3A_172, %dma_wait3A_173] : memref<10000x128xf32, #tpu.memory_space<hbm>> -> memref<10000x128xf32, #tpu.memory_space<hbm>>
      tpu.wait_indirect_dma semaphore(%arg11 : memref<!tpu.dma_semaphore, #tpu.memory_space<semaphore_mem>>) src(%dma_wait3A_174 : memref<10000x128xf32, #tpu.memory_space<hbm>>) dst(%arg8 : memref<128x128xf32, #tpu.memory_space<vmem>>)
      %run_scoped3A_175 = arith.constant 8 : i32
      "tpu.region"() ({
        %run_scoped3A_274 = tpu.sem_alloc : memref<!tpu.dma_semaphore, #tpu.memory_space<semaphore_mem>>
        %dma_start3A_275 = arith.constant 0 : i32
        %dma_start3A_276 = tpu.memref_slice %arg7[%run_scoped3A_175, %dma_start3A_275] : memref<16x128xi32, #tpu.memory_space<vmem>> -> memref<1x128xi32, #tpu.memory_space<vmem>>
        %dma_start3A_277 = tpu.memref_squeeze %dma_start3A_276 : memref<1x128xi32, #tpu.memory_space<vmem>> -> memref<128xi32, #tpu.memory_space<vmem>>
        %dma_start3A_278 = arith.constant 0 : i32
        %dma_start3A_279 = arith.constant 0 : i32
        %dma_start3A_280 = tpu.memref_slice %arg10[%dma_start3A_278, %dma_start3A_279] : memref<10240x128xf32, #tpu.memory_space<vmem_shared>> -> memref<10240x128xf32, #tpu.memory_space<vmem_shared>>
        tpu.enqueue_indirect_dma source(%arg8 : memref<128x128xf32, #tpu.memory_space<vmem>>) target(%dma_start3A_280 : memref<10240x128xf32, #tpu.memory_space<vmem_shared>>) offsets(%dma_start3A_277 : memref<128xi32, #tpu.memory_space<vmem>>) semaphore(%run_scoped3A_274 : memref<!tpu.dma_semaphore, #tpu.memory_space<semaphore_mem>>) {add = true}
        %dma_wait3A_281 = arith.constant 0 : i32
        %dma_wait3A_282 = tpu.memref_slice %arg7[%run_scoped3A_175, %dma_wait3A_281] : memref<16x128xi32, #tpu.memory_space<vmem>> -> memref<1x128xi32, #tpu.memory_space<vmem>>
        %dma_wait3A_283 = tpu.memref_squeeze %dma_wait3A_282 : memref<1x128xi32, #tpu.memory_space<vmem>> -> memref<128xi32, #tpu.memory_space<vmem>>
        %dma_wait3A_284 = arith.constant 0 : i32
        %dma_wait3A_285 = arith.constant 0 : i32
        %dma_wait3A_286 = tpu.memref_slice %arg10[%dma_wait3A_284, %dma_wait3A_285] : memref<10240x128xf32, #tpu.memory_space<vmem_shared>> -> memref<10240x128xf32, #tpu.memory_space<vmem_shared>>
        tpu.wait_indirect_dma semaphore(%run_scoped3A_274 : memref<!tpu.dma_semaphore, #tpu.memory_space<semaphore_mem>>) src(%arg8 : memref<128x128xf32, #tpu.memory_space<vmem>>) dst(%dma_wait3A_286 : memref<10240x128xf32, #tpu.memory_space<vmem_shared>>)
        tpu.yield
      }) : () -> ()
      %dma_start3A_176 = arith.constant 10 : i32
      %dma_start3A_177 = arith.constant 0 : i32
      %dma_start3A_178 = tpu.memref_slice %arg6[%dma_start3A_176, %dma_start3A_177] : memref<16x128xi32, #tpu.memory_space<vmem>> -> memref<1x128xi32, #tpu.memory_space<vmem>>
      %dma_start3A_179 = tpu.memref_squeeze %dma_start3A_178 : memref<1x128xi32, #tpu.memory_space<vmem>> -> memref<128xi32, #tpu.memory_space<vmem>>
      %dma_start3A_180 = arith.constant 0 : i32
      %dma_start3A_181 = arith.constant 0 : i32
      %dma_start3A_182 = tpu.memref_slice %arg2[%dma_start3A_180, %dma_start3A_181] : memref<10000x128xf32, #tpu.memory_space<hbm>> -> memref<10000x128xf32, #tpu.memory_space<hbm>>
      tpu.enqueue_indirect_dma source(%dma_start3A_182 : memref<10000x128xf32, #tpu.memory_space<hbm>>) target(%arg8 : memref<128x128xf32, #tpu.memory_space<vmem>>) offsets(%dma_start3A_179 : memref<128xi32, #tpu.memory_space<vmem>>) semaphore(%arg11 : memref<!tpu.dma_semaphore, #tpu.memory_space<semaphore_mem>>)
      %dma_wait3A_183 = arith.constant 9 : i32
      %dma_wait3A_184 = arith.constant 0 : i32
      %dma_wait3A_185 = tpu.memref_slice %arg6[%dma_wait3A_183, %dma_wait3A_184] : memref<16x128xi32, #tpu.memory_space<vmem>> -> memref<1x128xi32, #tpu.memory_space<vmem>>
      %dma_wait3A_186 = tpu.memref_squeeze %dma_wait3A_185 : memref<1x128xi32, #tpu.memory_space<vmem>> -> memref<128xi32, #tpu.memory_space<vmem>>
      %dma_wait3A_187 = arith.constant 0 : i32
      %dma_wait3A_188 = arith.constant 0 : i32
      %dma_wait3A_189 = tpu.memref_slice %arg2[%dma_wait3A_187, %dma_wait3A_188] : memref<10000x128xf32, #tpu.memory_space<hbm>> -> memref<10000x128xf32, #tpu.memory_space<hbm>>
      tpu.wait_indirect_dma semaphore(%arg12 : memref<!tpu.dma_semaphore, #tpu.memory_space<semaphore_mem>>) src(%dma_wait3A_189 : memref<10000x128xf32, #tpu.memory_space<hbm>>) dst(%arg9 : memref<128x128xf32, #tpu.memory_space<vmem>>)
      %run_scoped3A_190 = arith.constant 9 : i32
      "tpu.region"() ({
        %run_scoped3A_274 = tpu.sem_alloc : memref<!tpu.dma_semaphore, #tpu.memory_space<semaphore_mem>>
        %dma_start3A_275 = arith.constant 0 : i32
        %dma_start3A_276 = tpu.memref_slice %arg7[%run_scoped3A_190, %dma_start3A_275] : memref<16x128xi32, #tpu.memory_space<vmem>> -> memref<1x128xi32, #tpu.memory_space<vmem>>
        %dma_start3A_277 = tpu.memref_squeeze %dma_start3A_276 : memref<1x128xi32, #tpu.memory_space<vmem>> -> memref<128xi32, #tpu.memory_space<vmem>>
        %dma_start3A_278 = arith.constant 0 : i32
        %dma_start3A_279 = arith.constant 0 : i32
        %dma_start3A_280 = tpu.memref_slice %arg10[%dma_start3A_278, %dma_start3A_279] : memref<10240x128xf32, #tpu.memory_space<vmem_shared>> -> memref<10240x128xf32, #tpu.memory_space<vmem_shared>>
        tpu.enqueue_indirect_dma source(%arg9 : memref<128x128xf32, #tpu.memory_space<vmem>>) target(%dma_start3A_280 : memref<10240x128xf32, #tpu.memory_space<vmem_shared>>) offsets(%dma_start3A_277 : memref<128xi32, #tpu.memory_space<vmem>>) semaphore(%run_scoped3A_274 : memref<!tpu.dma_semaphore, #tpu.memory_space<semaphore_mem>>) {add = true}
        %dma_wait3A_281 = arith.constant 0 : i32
        %dma_wait3A_282 = tpu.memref_slice %arg7[%run_scoped3A_190, %dma_wait3A_281] : memref<16x128xi32, #tpu.memory_space<vmem>> -> memref<1x128xi32, #tpu.memory_space<vmem>>
        %dma_wait3A_283 = tpu.memref_squeeze %dma_wait3A_282 : memref<1x128xi32, #tpu.memory_space<vmem>> -> memref<128xi32, #tpu.memory_space<vmem>>
        %dma_wait3A_284 = arith.constant 0 : i32
        %dma_wait3A_285 = arith.constant 0 : i32
        %dma_wait3A_286 = tpu.memref_slice %arg10[%dma_wait3A_284, %dma_wait3A_285] : memref<10240x128xf32, #tpu.memory_space<vmem_shared>> -> memref<10240x128xf32, #tpu.memory_space<vmem_shared>>
        tpu.wait_indirect_dma semaphore(%run_scoped3A_274 : memref<!tpu.dma_semaphore, #tpu.memory_space<semaphore_mem>>) src(%arg9 : memref<128x128xf32, #tpu.memory_space<vmem>>) dst(%dma_wait3A_286 : memref<10240x128xf32, #tpu.memory_space<vmem_shared>>)
        tpu.yield
      }) : () -> ()
      %dma_start3A_191 = arith.constant 11 : i32
      %dma_start3A_192 = arith.constant 0 : i32
      %dma_start3A_193 = tpu.memref_slice %arg6[%dma_start3A_191, %dma_start3A_192] : memref<16x128xi32, #tpu.memory_space<vmem>> -> memref<1x128xi32, #tpu.memory_space<vmem>>
      %dma_start3A_194 = tpu.memref_squeeze %dma_start3A_193 : memref<1x128xi32, #tpu.memory_space<vmem>> -> memref<128xi32, #tpu.memory_space<vmem>>
      %dma_start3A_195 = arith.constant 0 : i32
      %dma_start3A_196 = arith.constant 0 : i32
      %dma_start3A_197 = tpu.memref_slice %arg2[%dma_start3A_195, %dma_start3A_196] : memref<10000x128xf32, #tpu.memory_space<hbm>> -> memref<10000x128xf32, #tpu.memory_space<hbm>>
      tpu.enqueue_indirect_dma source(%dma_start3A_197 : memref<10000x128xf32, #tpu.memory_space<hbm>>) target(%arg9 : memref<128x128xf32, #tpu.memory_space<vmem>>) offsets(%dma_start3A_194 : memref<128xi32, #tpu.memory_space<vmem>>) semaphore(%arg12 : memref<!tpu.dma_semaphore, #tpu.memory_space<semaphore_mem>>)
      %dma_wait3A_198 = arith.constant 10 : i32
      %dma_wait3A_199 = arith.constant 0 : i32
      %dma_wait3A_200 = tpu.memref_slice %arg6[%dma_wait3A_198, %dma_wait3A_199] : memref<16x128xi32, #tpu.memory_space<vmem>> -> memref<1x128xi32, #tpu.memory_space<vmem>>
      %dma_wait3A_201 = tpu.memref_squeeze %dma_wait3A_200 : memref<1x128xi32, #tpu.memory_space<vmem>> -> memref<128xi32, #tpu.memory_space<vmem>>
      %dma_wait3A_202 = arith.constant 0 : i32
      %dma_wait3A_203 = arith.constant 0 : i32
      %dma_wait3A_204 = tpu.memref_slice %arg2[%dma_wait3A_202, %dma_wait3A_203] : memref<10000x128xf32, #tpu.memory_space<hbm>> -> memref<10000x128xf32, #tpu.memory_space<hbm>>
      tpu.wait_indirect_dma semaphore(%arg11 : memref<!tpu.dma_semaphore, #tpu.memory_space<semaphore_mem>>) src(%dma_wait3A_204 : memref<10000x128xf32, #tpu.memory_space<hbm>>) dst(%arg8 : memref<128x128xf32, #tpu.memory_space<vmem>>)
      %run_scoped3A_205 = arith.constant 10 : i32
      "tpu.region"() ({
        %run_scoped3A_274 = tpu.sem_alloc : memref<!tpu.dma_semaphore, #tpu.memory_space<semaphore_mem>>
        %dma_start3A_275 = arith.constant 0 : i32
        %dma_start3A_276 = tpu.memref_slice %arg7[%run_scoped3A_205, %dma_start3A_275] : memref<16x128xi32, #tpu.memory_space<vmem>> -> memref<1x128xi32, #tpu.memory_space<vmem>>
        %dma_start3A_277 = tpu.memref_squeeze %dma_start3A_276 : memref<1x128xi32, #tpu.memory_space<vmem>> -> memref<128xi32, #tpu.memory_space<vmem>>
        %dma_start3A_278 = arith.constant 0 : i32
        %dma_start3A_279 = arith.constant 0 : i32
        %dma_start3A_280 = tpu.memref_slice %arg10[%dma_start3A_278, %dma_start3A_279] : memref<10240x128xf32, #tpu.memory_space<vmem_shared>> -> memref<10240x128xf32, #tpu.memory_space<vmem_shared>>
        tpu.enqueue_indirect_dma source(%arg8 : memref<128x128xf32, #tpu.memory_space<vmem>>) target(%dma_start3A_280 : memref<10240x128xf32, #tpu.memory_space<vmem_shared>>) offsets(%dma_start3A_277 : memref<128xi32, #tpu.memory_space<vmem>>) semaphore(%run_scoped3A_274 : memref<!tpu.dma_semaphore, #tpu.memory_space<semaphore_mem>>) {add = true}
        %dma_wait3A_281 = arith.constant 0 : i32
        %dma_wait3A_282 = tpu.memref_slice %arg7[%run_scoped3A_205, %dma_wait3A_281] : memref<16x128xi32, #tpu.memory_space<vmem>> -> memref<1x128xi32, #tpu.memory_space<vmem>>
        %dma_wait3A_283 = tpu.memref_squeeze %dma_wait3A_282 : memref<1x128xi32, #tpu.memory_space<vmem>> -> memref<128xi32, #tpu.memory_space<vmem>>
        %dma_wait3A_284 = arith.constant 0 : i32
        %dma_wait3A_285 = arith.constant 0 : i32
        %dma_wait3A_286 = tpu.memref_slice %arg10[%dma_wait3A_284, %dma_wait3A_285] : memref<10240x128xf32, #tpu.memory_space<vmem_shared>> -> memref<10240x128xf32, #tpu.memory_space<vmem_shared>>
        tpu.wait_indirect_dma semaphore(%run_scoped3A_274 : memref<!tpu.dma_semaphore, #tpu.memory_space<semaphore_mem>>) src(%arg8 : memref<128x128xf32, #tpu.memory_space<vmem>>) dst(%dma_wait3A_286 : memref<10240x128xf32, #tpu.memory_space<vmem_shared>>)
        tpu.yield
      }) : () -> ()
      %dma_start3A_206 = arith.constant 12 : i32
      %dma_start3A_207 = arith.constant 0 : i32
      %dma_start3A_208 = tpu.memref_slice %arg6[%dma_start3A_206, %dma_start3A_207] : memref<16x128xi32, #tpu.memory_space<vmem>> -> memref<1x128xi32, #tpu.memory_space<vmem>>
      %dma_start3A_209 = tpu.memref_squeeze %dma_start3A_208 : memref<1x128xi32, #tpu.memory_space<vmem>> -> memref<128xi32, #tpu.memory_space<vmem>>
      %dma_start3A_210 = arith.constant 0 : i32
      %dma_start3A_211 = arith.constant 0 : i32
      %dma_start3A_212 = tpu.memref_slice %arg2[%dma_start3A_210, %dma_start3A_211] : memref<10000x128xf32, #tpu.memory_space<hbm>> -> memref<10000x128xf32, #tpu.memory_space<hbm>>
      tpu.enqueue_indirect_dma source(%dma_start3A_212 : memref<10000x128xf32, #tpu.memory_space<hbm>>) target(%arg8 : memref<128x128xf32, #tpu.memory_space<vmem>>) offsets(%dma_start3A_209 : memref<128xi32, #tpu.memory_space<vmem>>) semaphore(%arg11 : memref<!tpu.dma_semaphore, #tpu.memory_space<semaphore_mem>>)
      %dma_wait3A_213 = arith.constant 11 : i32
      %dma_wait3A_214 = arith.constant 0 : i32
      %dma_wait3A_215 = tpu.memref_slice %arg6[%dma_wait3A_213, %dma_wait3A_214] : memref<16x128xi32, #tpu.memory_space<vmem>> -> memref<1x128xi32, #tpu.memory_space<vmem>>
      %dma_wait3A_216 = tpu.memref_squeeze %dma_wait3A_215 : memref<1x128xi32, #tpu.memory_space<vmem>> -> memref<128xi32, #tpu.memory_space<vmem>>
      %dma_wait3A_217 = arith.constant 0 : i32
      %dma_wait3A_218 = arith.constant 0 : i32
      %dma_wait3A_219 = tpu.memref_slice %arg2[%dma_wait3A_217, %dma_wait3A_218] : memref<10000x128xf32, #tpu.memory_space<hbm>> -> memref<10000x128xf32, #tpu.memory_space<hbm>>
      tpu.wait_indirect_dma semaphore(%arg12 : memref<!tpu.dma_semaphore, #tpu.memory_space<semaphore_mem>>) src(%dma_wait3A_219 : memref<10000x128xf32, #tpu.memory_space<hbm>>) dst(%arg9 : memref<128x128xf32, #tpu.memory_space<vmem>>)
      %run_scoped3A_220 = arith.constant 11 : i32
      "tpu.region"() ({
        %run_scoped3A_274 = tpu.sem_alloc : memref<!tpu.dma_semaphore, #tpu.memory_space<semaphore_mem>>
        %dma_start3A_275 = arith.constant 0 : i32
        %dma_start3A_276 = tpu.memref_slice %arg7[%run_scoped3A_220, %dma_start3A_275] : memref<16x128xi32, #tpu.memory_space<vmem>> -> memref<1x128xi32, #tpu.memory_space<vmem>>
        %dma_start3A_277 = tpu.memref_squeeze %dma_start3A_276 : memref<1x128xi32, #tpu.memory_space<vmem>> -> memref<128xi32, #tpu.memory_space<vmem>>
        %dma_start3A_278 = arith.constant 0 : i32
        %dma_start3A_279 = arith.constant 0 : i32
        %dma_start3A_280 = tpu.memref_slice %arg10[%dma_start3A_278, %dma_start3A_279] : memref<10240x128xf32, #tpu.memory_space<vmem_shared>> -> memref<10240x128xf32, #tpu.memory_space<vmem_shared>>
        tpu.enqueue_indirect_dma source(%arg9 : memref<128x128xf32, #tpu.memory_space<vmem>>) target(%dma_start3A_280 : memref<10240x128xf32, #tpu.memory_space<vmem_shared>>) offsets(%dma_start3A_277 : memref<128xi32, #tpu.memory_space<vmem>>) semaphore(%run_scoped3A_274 : memref<!tpu.dma_semaphore, #tpu.memory_space<semaphore_mem>>) {add = true}
        %dma_wait3A_281 = arith.constant 0 : i32
        %dma_wait3A_282 = tpu.memref_slice %arg7[%run_scoped3A_220, %dma_wait3A_281] : memref<16x128xi32, #tpu.memory_space<vmem>> -> memref<1x128xi32, #tpu.memory_space<vmem>>
        %dma_wait3A_283 = tpu.memref_squeeze %dma_wait3A_282 : memref<1x128xi32, #tpu.memory_space<vmem>> -> memref<128xi32, #tpu.memory_space<vmem>>
        %dma_wait3A_284 = arith.constant 0 : i32
        %dma_wait3A_285 = arith.constant 0 : i32
        %dma_wait3A_286 = tpu.memref_slice %arg10[%dma_wait3A_284, %dma_wait3A_285] : memref<10240x128xf32, #tpu.memory_space<vmem_shared>> -> memref<10240x128xf32, #tpu.memory_space<vmem_shared>>
        tpu.wait_indirect_dma semaphore(%run_scoped3A_274 : memref<!tpu.dma_semaphore, #tpu.memory_space<semaphore_mem>>) src(%arg9 : memref<128x128xf32, #tpu.memory_space<vmem>>) dst(%dma_wait3A_286 : memref<10240x128xf32, #tpu.memory_space<vmem_shared>>)
        tpu.yield
      }) : () -> ()
      %dma_start3A_221 = arith.constant 13 : i32
      %dma_start3A_222 = arith.constant 0 : i32
      %dma_start3A_223 = tpu.memref_slice %arg6[%dma_start3A_221, %dma_start3A_222] : memref<16x128xi32, #tpu.memory_space<vmem>> -> memref<1x128xi32, #tpu.memory_space<vmem>>
      %dma_start3A_224 = tpu.memref_squeeze %dma_start3A_223 : memref<1x128xi32, #tpu.memory_space<vmem>> -> memref<128xi32, #tpu.memory_space<vmem>>
      %dma_start3A_225 = arith.constant 0 : i32
      %dma_start3A_226 = arith.constant 0 : i32
      %dma_start3A_227 = tpu.memref_slice %arg2[%dma_start3A_225, %dma_start3A_226] : memref<10000x128xf32, #tpu.memory_space<hbm>> -> memref<10000x128xf32, #tpu.memory_space<hbm>>
      tpu.enqueue_indirect_dma source(%dma_start3A_227 : memref<10000x128xf32, #tpu.memory_space<hbm>>) target(%arg9 : memref<128x128xf32, #tpu.memory_space<vmem>>) offsets(%dma_start3A_224 : memref<128xi32, #tpu.memory_space<vmem>>) semaphore(%arg12 : memref<!tpu.dma_semaphore, #tpu.memory_space<semaphore_mem>>)
      %dma_wait3A_228 = arith.constant 12 : i32
      %dma_wait3A_229 = arith.constant 0 : i32
      %dma_wait3A_230 = tpu.memref_slice %arg6[%dma_wait3A_228, %dma_wait3A_229] : memref<16x128xi32, #tpu.memory_space<vmem>> -> memref<1x128xi32, #tpu.memory_space<vmem>>
      %dma_wait3A_231 = tpu.memref_squeeze %dma_wait3A_230 : memref<1x128xi32, #tpu.memory_space<vmem>> -> memref<128xi32, #tpu.memory_space<vmem>>
      %dma_wait3A_232 = arith.constant 0 : i32
      %dma_wait3A_233 = arith.constant 0 : i32
      %dma_wait3A_234 = tpu.memref_slice %arg2[%dma_wait3A_232, %dma_wait3A_233] : memref<10000x128xf32, #tpu.memory_space<hbm>> -> memref<10000x128xf32, #tpu.memory_space<hbm>>
      tpu.wait_indirect_dma semaphore(%arg11 : memref<!tpu.dma_semaphore, #tpu.memory_space<semaphore_mem>>) src(%dma_wait3A_234 : memref<10000x128xf32, #tpu.memory_space<hbm>>) dst(%arg8 : memref<128x128xf32, #tpu.memory_space<vmem>>)
      %run_scoped3A_235 = arith.constant 12 : i32
      "tpu.region"() ({
        %run_scoped3A_274 = tpu.sem_alloc : memref<!tpu.dma_semaphore, #tpu.memory_space<semaphore_mem>>
        %dma_start3A_275 = arith.constant 0 : i32
        %dma_start3A_276 = tpu.memref_slice %arg7[%run_scoped3A_235, %dma_start3A_275] : memref<16x128xi32, #tpu.memory_space<vmem>> -> memref<1x128xi32, #tpu.memory_space<vmem>>
        %dma_start3A_277 = tpu.memref_squeeze %dma_start3A_276 : memref<1x128xi32, #tpu.memory_space<vmem>> -> memref<128xi32, #tpu.memory_space<vmem>>
        %dma_start3A_278 = arith.constant 0 : i32
        %dma_start3A_279 = arith.constant 0 : i32
        %dma_start3A_280 = tpu.memref_slice %arg10[%dma_start3A_278, %dma_start3A_279] : memref<10240x128xf32, #tpu.memory_space<vmem_shared>> -> memref<10240x128xf32, #tpu.memory_space<vmem_shared>>
        tpu.enqueue_indirect_dma source(%arg8 : memref<128x128xf32, #tpu.memory_space<vmem>>) target(%dma_start3A_280 : memref<10240x128xf32, #tpu.memory_space<vmem_shared>>) offsets(%dma_start3A_277 : memref<128xi32, #tpu.memory_space<vmem>>) semaphore(%run_scoped3A_274 : memref<!tpu.dma_semaphore, #tpu.memory_space<semaphore_mem>>) {add = true}
        %dma_wait3A_281 = arith.constant 0 : i32
        %dma_wait3A_282 = tpu.memref_slice %arg7[%run_scoped3A_235, %dma_wait3A_281] : memref<16x128xi32, #tpu.memory_space<vmem>> -> memref<1x128xi32, #tpu.memory_space<vmem>>
        %dma_wait3A_283 = tpu.memref_squeeze %dma_wait3A_282 : memref<1x128xi32, #tpu.memory_space<vmem>> -> memref<128xi32, #tpu.memory_space<vmem>>
        %dma_wait3A_284 = arith.constant 0 : i32
        %dma_wait3A_285 = arith.constant 0 : i32
        %dma_wait3A_286 = tpu.memref_slice %arg10[%dma_wait3A_284, %dma_wait3A_285] : memref<10240x128xf32, #tpu.memory_space<vmem_shared>> -> memref<10240x128xf32, #tpu.memory_space<vmem_shared>>
        tpu.wait_indirect_dma semaphore(%run_scoped3A_274 : memref<!tpu.dma_semaphore, #tpu.memory_space<semaphore_mem>>) src(%arg8 : memref<128x128xf32, #tpu.memory_space<vmem>>) dst(%dma_wait3A_286 : memref<10240x128xf32, #tpu.memory_space<vmem_shared>>)
        tpu.yield
      }) : () -> ()
      %dma_start3A_236 = arith.constant 14 : i32
      %dma_start3A_237 = arith.constant 0 : i32
      %dma_start3A_238 = tpu.memref_slice %arg6[%dma_start3A_236, %dma_start3A_237] : memref<16x128xi32, #tpu.memory_space<vmem>> -> memref<1x128xi32, #tpu.memory_space<vmem>>
      %dma_start3A_239 = tpu.memref_squeeze %dma_start3A_238 : memref<1x128xi32, #tpu.memory_space<vmem>> -> memref<128xi32, #tpu.memory_space<vmem>>
      %dma_start3A_240 = arith.constant 0 : i32
      %dma_start3A_241 = arith.constant 0 : i32
      %dma_start3A_242 = tpu.memref_slice %arg2[%dma_start3A_240, %dma_start3A_241] : memref<10000x128xf32, #tpu.memory_space<hbm>> -> memref<10000x128xf32, #tpu.memory_space<hbm>>
      tpu.enqueue_indirect_dma source(%dma_start3A_242 : memref<10000x128xf32, #tpu.memory_space<hbm>>) target(%arg8 : memref<128x128xf32, #tpu.memory_space<vmem>>) offsets(%dma_start3A_239 : memref<128xi32, #tpu.memory_space<vmem>>) semaphore(%arg11 : memref<!tpu.dma_semaphore, #tpu.memory_space<semaphore_mem>>)
      %dma_wait3A_243 = arith.constant 13 : i32
      %dma_wait3A_244 = arith.constant 0 : i32
      %dma_wait3A_245 = tpu.memref_slice %arg6[%dma_wait3A_243, %dma_wait3A_244] : memref<16x128xi32, #tpu.memory_space<vmem>> -> memref<1x128xi32, #tpu.memory_space<vmem>>
      %dma_wait3A_246 = tpu.memref_squeeze %dma_wait3A_245 : memref<1x128xi32, #tpu.memory_space<vmem>> -> memref<128xi32, #tpu.memory_space<vmem>>
      %dma_wait3A_247 = arith.constant 0 : i32
      %dma_wait3A_248 = arith.constant 0 : i32
      %dma_wait3A_249 = tpu.memref_slice %arg2[%dma_wait3A_247, %dma_wait3A_248] : memref<10000x128xf32, #tpu.memory_space<hbm>> -> memref<10000x128xf32, #tpu.memory_space<hbm>>
      tpu.wait_indirect_dma semaphore(%arg12 : memref<!tpu.dma_semaphore, #tpu.memory_space<semaphore_mem>>) src(%dma_wait3A_249 : memref<10000x128xf32, #tpu.memory_space<hbm>>) dst(%arg9 : memref<128x128xf32, #tpu.memory_space<vmem>>)
      %run_scoped3A_250 = arith.constant 13 : i32
      "tpu.region"() ({
        %run_scoped3A_274 = tpu.sem_alloc : memref<!tpu.dma_semaphore, #tpu.memory_space<semaphore_mem>>
        %dma_start3A_275 = arith.constant 0 : i32
        %dma_start3A_276 = tpu.memref_slice %arg7[%run_scoped3A_250, %dma_start3A_275] : memref<16x128xi32, #tpu.memory_space<vmem>> -> memref<1x128xi32, #tpu.memory_space<vmem>>
        %dma_start3A_277 = tpu.memref_squeeze %dma_start3A_276 : memref<1x128xi32, #tpu.memory_space<vmem>> -> memref<128xi32, #tpu.memory_space<vmem>>
        %dma_start3A_278 = arith.constant 0 : i32
        %dma_start3A_279 = arith.constant 0 : i32
        %dma_start3A_280 = tpu.memref_slice %arg10[%dma_start3A_278, %dma_start3A_279] : memref<10240x128xf32, #tpu.memory_space<vmem_shared>> -> memref<10240x128xf32, #tpu.memory_space<vmem_shared>>
        tpu.enqueue_indirect_dma source(%arg9 : memref<128x128xf32, #tpu.memory_space<vmem>>) target(%dma_start3A_280 : memref<10240x128xf32, #tpu.memory_space<vmem_shared>>) offsets(%dma_start3A_277 : memref<128xi32, #tpu.memory_space<vmem>>) semaphore(%run_scoped3A_274 : memref<!tpu.dma_semaphore, #tpu.memory_space<semaphore_mem>>) {add = true}
        %dma_wait3A_281 = arith.constant 0 : i32
        %dma_wait3A_282 = tpu.memref_slice %arg7[%run_scoped3A_250, %dma_wait3A_281] : memref<16x128xi32, #tpu.memory_space<vmem>> -> memref<1x128xi32, #tpu.memory_space<vmem>>
        %dma_wait3A_283 = tpu.memref_squeeze %dma_wait3A_282 : memref<1x128xi32, #tpu.memory_space<vmem>> -> memref<128xi32, #tpu.memory_space<vmem>>
        %dma_wait3A_284 = arith.constant 0 : i32
        %dma_wait3A_285 = arith.constant 0 : i32
        %dma_wait3A_286 = tpu.memref_slice %arg10[%dma_wait3A_284, %dma_wait3A_285] : memref<10240x128xf32, #tpu.memory_space<vmem_shared>> -> memref<10240x128xf32, #tpu.memory_space<vmem_shared>>
        tpu.wait_indirect_dma semaphore(%run_scoped3A_274 : memref<!tpu.dma_semaphore, #tpu.memory_space<semaphore_mem>>) src(%arg9 : memref<128x128xf32, #tpu.memory_space<vmem>>) dst(%dma_wait3A_286 : memref<10240x128xf32, #tpu.memory_space<vmem_shared>>)
        tpu.yield
      }) : () -> ()
      %dma_start3A_251 = arith.constant 15 : i32
      %dma_start3A_252 = arith.constant 0 : i32
      %dma_start3A_253 = tpu.memref_slice %arg6[%dma_start3A_251, %dma_start3A_252] : memref<16x128xi32, #tpu.memory_space<vmem>> -> memref<1x128xi32, #tpu.memory_space<vmem>>
      %dma_start3A_254 = tpu.memref_squeeze %dma_start3A_253 : memref<1x128xi32, #tpu.memory_space<vmem>> -> memref<128xi32, #tpu.memory_space<vmem>>
      %dma_start3A_255 = arith.constant 0 : i32
      %dma_start3A_256 = arith.constant 0 : i32
      %dma_start3A_257 = tpu.memref_slice %arg2[%dma_start3A_255, %dma_start3A_256] : memref<10000x128xf32, #tpu.memory_space<hbm>> -> memref<10000x128xf32, #tpu.memory_space<hbm>>
      tpu.enqueue_indirect_dma source(%dma_start3A_257 : memref<10000x128xf32, #tpu.memory_space<hbm>>) target(%arg9 : memref<128x128xf32, #tpu.memory_space<vmem>>) offsets(%dma_start3A_254 : memref<128xi32, #tpu.memory_space<vmem>>) semaphore(%arg12 : memref<!tpu.dma_semaphore, #tpu.memory_space<semaphore_mem>>)
      %dma_wait3A_258 = arith.constant 14 : i32
      %dma_wait3A_259 = arith.constant 0 : i32
      %dma_wait3A_260 = tpu.memref_slice %arg6[%dma_wait3A_258, %dma_wait3A_259] : memref<16x128xi32, #tpu.memory_space<vmem>> -> memref<1x128xi32, #tpu.memory_space<vmem>>
      %dma_wait3A_261 = tpu.memref_squeeze %dma_wait3A_260 : memref<1x128xi32, #tpu.memory_space<vmem>> -> memref<128xi32, #tpu.memory_space<vmem>>
      %dma_wait3A_262 = arith.constant 0 : i32
      %dma_wait3A_263 = arith.constant 0 : i32
      %dma_wait3A_264 = tpu.memref_slice %arg2[%dma_wait3A_262, %dma_wait3A_263] : memref<10000x128xf32, #tpu.memory_space<hbm>> -> memref<10000x128xf32, #tpu.memory_space<hbm>>
      tpu.wait_indirect_dma semaphore(%arg11 : memref<!tpu.dma_semaphore, #tpu.memory_space<semaphore_mem>>) src(%dma_wait3A_264 : memref<10000x128xf32, #tpu.memory_space<hbm>>) dst(%arg8 : memref<128x128xf32, #tpu.memory_space<vmem>>)
      %run_scoped3A_265 = arith.constant 14 : i32
      "tpu.region"() ({
        %run_scoped3A_274 = tpu.sem_alloc : memref<!tpu.dma_semaphore, #tpu.memory_space<semaphore_mem>>
        %dma_start3A_275 = arith.constant 0 : i32
        %dma_start3A_276 = tpu.memref_slice %arg7[%run_scoped3A_265, %dma_start3A_275] : memref<16x128xi32, #tpu.memory_space<vmem>> -> memref<1x128xi32, #tpu.memory_space<vmem>>
        %dma_start3A_277 = tpu.memref_squeeze %dma_start3A_276 : memref<1x128xi32, #tpu.memory_space<vmem>> -> memref<128xi32, #tpu.memory_space<vmem>>
        %dma_start3A_278 = arith.constant 0 : i32
        %dma_start3A_279 = arith.constant 0 : i32
        %dma_start3A_280 = tpu.memref_slice %arg10[%dma_start3A_278, %dma_start3A_279] : memref<10240x128xf32, #tpu.memory_space<vmem_shared>> -> memref<10240x128xf32, #tpu.memory_space<vmem_shared>>
        tpu.enqueue_indirect_dma source(%arg8 : memref<128x128xf32, #tpu.memory_space<vmem>>) target(%dma_start3A_280 : memref<10240x128xf32, #tpu.memory_space<vmem_shared>>) offsets(%dma_start3A_277 : memref<128xi32, #tpu.memory_space<vmem>>) semaphore(%run_scoped3A_274 : memref<!tpu.dma_semaphore, #tpu.memory_space<semaphore_mem>>) {add = true}
        %dma_wait3A_281 = arith.constant 0 : i32
        %dma_wait3A_282 = tpu.memref_slice %arg7[%run_scoped3A_265, %dma_wait3A_281] : memref<16x128xi32, #tpu.memory_space<vmem>> -> memref<1x128xi32, #tpu.memory_space<vmem>>
        %dma_wait3A_283 = tpu.memref_squeeze %dma_wait3A_282 : memref<1x128xi32, #tpu.memory_space<vmem>> -> memref<128xi32, #tpu.memory_space<vmem>>
        %dma_wait3A_284 = arith.constant 0 : i32
        %dma_wait3A_285 = arith.constant 0 : i32
        %dma_wait3A_286 = tpu.memref_slice %arg10[%dma_wait3A_284, %dma_wait3A_285] : memref<10240x128xf32, #tpu.memory_space<vmem_shared>> -> memref<10240x128xf32, #tpu.memory_space<vmem_shared>>
        tpu.wait_indirect_dma semaphore(%run_scoped3A_274 : memref<!tpu.dma_semaphore, #tpu.memory_space<semaphore_mem>>) src(%arg8 : memref<128x128xf32, #tpu.memory_space<vmem>>) dst(%dma_wait3A_286 : memref<10240x128xf32, #tpu.memory_space<vmem_shared>>)
        tpu.yield
      }) : () -> ()
      %dma_wait3A_266 = arith.constant 15 : i32
      %dma_wait3A_267 = arith.constant 0 : i32
      %dma_wait3A_268 = tpu.memref_slice %arg6[%dma_wait3A_266, %dma_wait3A_267] : memref<16x128xi32, #tpu.memory_space<vmem>> -> memref<1x128xi32, #tpu.memory_space<vmem>>
      %dma_wait3A_269 = tpu.memref_squeeze %dma_wait3A_268 : memref<1x128xi32, #tpu.memory_space<vmem>> -> memref<128xi32, #tpu.memory_space<vmem>>
      %dma_wait3A_270 = arith.constant 0 : i32
      %dma_wait3A_271 = arith.constant 0 : i32
      %dma_wait3A_272 = tpu.memref_slice %arg2[%dma_wait3A_270, %dma_wait3A_271] : memref<10000x128xf32, #tpu.memory_space<hbm>> -> memref<10000x128xf32, #tpu.memory_space<hbm>>
      tpu.wait_indirect_dma semaphore(%arg12 : memref<!tpu.dma_semaphore, #tpu.memory_space<semaphore_mem>>) src(%dma_wait3A_272 : memref<10000x128xf32, #tpu.memory_space<hbm>>) dst(%arg9 : memref<128x128xf32, #tpu.memory_space<vmem>>)
      %run_scoped3A_273 = arith.constant 15 : i32
      "tpu.region"() ({
        %run_scoped3A_274 = tpu.sem_alloc : memref<!tpu.dma_semaphore, #tpu.memory_space<semaphore_mem>>
        %dma_start3A_275 = arith.constant 0 : i32
        %dma_start3A_276 = tpu.memref_slice %arg7[%run_scoped3A_273, %dma_start3A_275] : memref<16x128xi32, #tpu.memory_space<vmem>> -> memref<1x128xi32, #tpu.memory_space<vmem>>
        %dma_start3A_277 = tpu.memref_squeeze %dma_start3A_276 : memref<1x128xi32, #tpu.memory_space<vmem>> -> memref<128xi32, #tpu.memory_space<vmem>>
        %dma_start3A_278 = arith.constant 0 : i32
        %dma_start3A_279 = arith.constant 0 : i32
        %dma_start3A_280 = tpu.memref_slice %arg10[%dma_start3A_278, %dma_start3A_279] : memref<10240x128xf32, #tpu.memory_space<vmem_shared>> -> memref<10240x128xf32, #tpu.memory_space<vmem_shared>>
        tpu.enqueue_indirect_dma source(%arg9 : memref<128x128xf32, #tpu.memory_space<vmem>>) target(%dma_start3A_280 : memref<10240x128xf32, #tpu.memory_space<vmem_shared>>) offsets(%dma_start3A_277 : memref<128xi32, #tpu.memory_space<vmem>>) semaphore(%run_scoped3A_274 : memref<!tpu.dma_semaphore, #tpu.memory_space<semaphore_mem>>) {add = true}
        %dma_wait3A_281 = arith.constant 0 : i32
        %dma_wait3A_282 = tpu.memref_slice %arg7[%run_scoped3A_273, %dma_wait3A_281] : memref<16x128xi32, #tpu.memory_space<vmem>> -> memref<1x128xi32, #tpu.memory_space<vmem>>
        %dma_wait3A_283 = tpu.memref_squeeze %dma_wait3A_282 : memref<1x128xi32, #tpu.memory_space<vmem>> -> memref<128xi32, #tpu.memory_space<vmem>>
        %dma_wait3A_284 = arith.constant 0 : i32
        %dma_wait3A_285 = arith.constant 0 : i32
        %dma_wait3A_286 = tpu.memref_slice %arg10[%dma_wait3A_284, %dma_wait3A_285] : memref<10240x128xf32, #tpu.memory_space<vmem_shared>> -> memref<10240x128xf32, #tpu.memory_space<vmem_shared>>
        tpu.wait_indirect_dma semaphore(%run_scoped3A_274 : memref<!tpu.dma_semaphore, #tpu.memory_space<semaphore_mem>>) src(%arg9 : memref<128x128xf32, #tpu.memory_space<vmem>>) dst(%dma_wait3A_286 : memref<10240x128xf32, #tpu.memory_space<vmem_shared>>)
        tpu.yield
      }) : () -> ()
    }
    %scan3A_17 = arith.constant 5 : i32
    %barrier3A_18 = arith.constant 0 : index
    tpu.barrier barrier_id(%barrier3A_18)
    %mul3A_19 = arith.constant 640 : i32
    %mul3A_20 = arith.muli %arg1, %mul3A_19 : i32
    %mul3A_21 = arith.constant 10240 : i32
    %mul3A_22 = arith.muli %arg0, %mul3A_21 : i32
    %mul3A_23 = arith.constant 640 : i32
    %mul3A_24 = arith.muli %arg1, %mul3A_23 : i32
    %add3A_25 = arith.addi %mul3A_22, %mul3A_24 : i32
    "tpu.region"() ({
      %run_scoped3A = tpu.sem_alloc : memref<!tpu.dma_semaphore, #tpu.memory_space<semaphore_mem>>
      %dma_start3A = arith.constant 0 : i32
      %dma_start3A_26 = tpu.memref_slice %arg5[%add3A_25, %dma_start3A] : memref<20480x128xf32, #tpu.memory_space<hbm>> -> memref<640x128xf32, #tpu.memory_space<hbm>>
      %dma_start3A_27 = arith.constant 0 : i32
      %dma_start3A_28 = tpu.memref_slice %arg10[%mul3A_20, %dma_start3A_27] : memref<10240x128xf32, #tpu.memory_space<vmem_shared>> -> memref<640x128xf32, #tpu.memory_space<vmem_shared>>
      tpu.enqueue_dma source(%dma_start3A_28 : memref<640x128xf32, #tpu.memory_space<vmem_shared>>) target(%dma_start3A_26 : memref<640x128xf32, #tpu.memory_space<hbm>>) target_semaphore(%run_scoped3A : memref<!tpu.dma_semaphore, #tpu.memory_space<semaphore_mem>>)
      %dma_wait3A = arith.constant 0 : i32
      %dma_wait3A_29 = tpu.memref_slice %arg5[%add3A_25, %dma_wait3A] : memref<20480x128xf32, #tpu.memory_space<hbm>> -> memref<640x128xf32, #tpu.memory_space<hbm>>
      %dma_wait3A_30 = arith.constant 0 : i32
      %dma_wait3A_31 = tpu.memref_slice %arg10[%mul3A_20, %dma_wait3A_30] : memref<10240x128xf32, #tpu.memory_space<vmem_shared>> -> memref<640x128xf32, #tpu.memory_space<vmem_shared>>
      tpu.wait_dma2 semaphore(%run_scoped3A : memref<!tpu.dma_semaphore, #tpu.memory_space<semaphore_mem>>) src(%dma_wait3A_31 : memref<640x128xf32, #tpu.memory_space<vmem_shared>>) dst(%dma_wait3A_29 : memref<640x128xf32, #tpu.memory_space<hbm>>)
      tpu.yield
    }) : () -> ()
    return
  }
}

#map = affine_map<(d0, d1) -> (0, 0)>
module attributes {stable_mosaic.version = 14 : i64} {
  func.func @body(%arg0: i32, %arg1: i32, %arg2: memref<2560x128xi32, #tpu.memory_space<hbm>>, %arg3: memref<32x10240xf32, #tpu.memory_space<hbm>>, %arg4: memref<16x128xi32, #tpu.memory_space<vmem>>, %arg5: memref<10240xf32, #tpu.memory_space<vmem>>) attributes {dimension_semantics = [#tpu.dimension_semantics<core_parallel>, #tpu.dimension_semantics<subcore_parallel>], iteration_bounds = array<i64: 2, 16>, scalar_prefetch = 0 : i64, scratch_operands = 2 : i64, tpu.core_type = #tpu.core_type<sc_vector_subcore>, window_params = [{transform_indices = #map}, {transform_indices = #map}]} {
    %mul3A = arith.constant 16 : i32
    %mul3A_0 = arith.muli %arg0, %mul3A : i32
    %add3A = arith.addi %mul3A_0, %arg1 : i32
    %broadcast_in_dim3A = arith.constant 0.000000e+00 : f32
    %broadcast_in_dim3A_1 = vector.broadcast %broadcast_in_dim3A : f32 to vector<16xf32>
    %broadcast_in_dim3A_2 = arith.constant 1.000000e+00 : f32
    %broadcast_in_dim3A_3 = vector.broadcast %broadcast_in_dim3A_2 : f32 to vector<16xf32>
    %scan3A = arith.constant 0 : i32
    %scan3A_4 = arith.constant 640 : i32
    %scan3A_5 = arith.addi %scan3A, %scan3A_4 : i32
    %scan3A_6 = arith.constant 1 : i32
    scf.for %scan3A_15 = %scan3A to %scan3A_5 step %scan3A_6  : i32 {
      %mul3A_16 = arith.constant 1 : i32
      %mul3A_17 = arith.muli %scan3A_15, %mul3A_16 : i32
      %add3A_18 = arith.constant 0 : i32
      %add3A_19 = arith.addi %add3A_18, %mul3A_17 : i32
      %mul3A_20 = arith.constant 16 : i32
      %mul3A_21 = arith.muli %add3A_19, %mul3A_20 : i32
      %swap3A = arith.index_cast %mul3A_21 : i32 to index
      %swap3A_22 = tpu.vector_load %arg5[%swap3A] {strides = array<i32>} : memref<10240xf32, #tpu.memory_space<vmem>>, vector<16xf32>,
      tpu.vector_store %arg5[%swap3A], %broadcast_in_dim3A_1 {strides = array<i32>} : memref<10240xf32, #tpu.memory_space<vmem>>, vector<16xf32>,
    }
    %scan3A_7 = arith.constant 640 : i32
    %mul3A_8 = arith.constant 80 : i32
    %mul3A_9 = arith.muli %add3A, %mul3A_8 : i32
    %scan3A_10 = arith.constant 0 : i32
    %scan3A_11 = arith.constant 5 : i32
    %scan3A_12 = arith.addi %scan3A_10, %scan3A_11 : i32
    %scan3A_13 = arith.constant 1 : i32
    scf.for %scan3A_15 = %scan3A_10 to %scan3A_12 step %scan3A_13  : i32 {
      %mul3A_16 = arith.constant 1 : i32
      %mul3A_17 = arith.muli %scan3A_15, %mul3A_16 : i32
      %add3A_18 = arith.constant 0 : i32
      %add3A_19 = arith.addi %add3A_18, %mul3A_17 : i32
      %mul3A_20 = arith.constant 16 : i32
      %mul3A_21 = arith.muli %add3A_19, %mul3A_20 : i32
      %add3A_22 = arith.addi %mul3A_9, %mul3A_21 : i32
      "tpu.region"() ({
        %run_scoped3A = tpu.sem_alloc : memref<!tpu.dma_semaphore, #tpu.memory_space<semaphore_mem>>
        %dma_start3A = arith.constant 0 : i32
        %dma_start3A_28 = tpu.memref_slice %arg2[%add3A_22, %dma_start3A] : memref<2560x128xi32, #tpu.memory_space<hbm>> -> memref<16x128xi32, #tpu.memory_space<hbm>>
        %dma_start3A_29 = arith.constant 0 : i32
        %dma_start3A_30 = tpu.memref_slice %arg2[%add3A_22, %dma_start3A_29] : memref<2560x128xi32, #tpu.memory_space<hbm>> -> memref<16x128xi32, #tpu.memory_space<hbm>>
        tpu.enqueue_dma source(%dma_start3A_30 : memref<16x128xi32, #tpu.memory_space<hbm>>) target(%arg4 : memref<16x128xi32, #tpu.memory_space<vmem>>) target_semaphore(%run_scoped3A : memref<!tpu.dma_semaphore, #tpu.memory_space<semaphore_mem>>)
        %dma_wait3A = arith.constant 0 : i32
        %dma_wait3A_31 = tpu.memref_slice %arg2[%add3A_22, %dma_wait3A] : memref<2560x128xi32, #tpu.memory_space<hbm>> -> memref<16x128xi32, #tpu.memory_space<hbm>>
        %dma_wait3A_32 = arith.constant 0 : i32
        %dma_wait3A_33 = tpu.memref_slice %arg2[%add3A_22, %dma_wait3A_32] : memref<2560x128xi32, #tpu.memory_space<hbm>> -> memref<16x128xi32, #tpu.memory_space<hbm>>
        tpu.wait_dma2 semaphore(%run_scoped3A : memref<!tpu.dma_semaphore, #tpu.memory_space<semaphore_mem>>) src(%dma_wait3A_33 : memref<16x128xi32, #tpu.memory_space<hbm>>) dst(%arg4 : memref<16x128xi32, #tpu.memory_space<vmem>>)
        tpu.yield
      }) : () -> ()
      %scan3A_23 = arith.constant 0 : i32
      %scan3A_24 = arith.constant 16 : i32
      %scan3A_25 = arith.addi %scan3A_23, %scan3A_24 : i32
      %scan3A_26 = arith.constant 1 : i32
      scf.for %scan3A_28 = %scan3A_23 to %scan3A_25 step %scan3A_26  : i32 {
        %mul3A_29 = arith.constant 1 : i32
        %mul3A_30 = arith.muli %scan3A_28, %mul3A_29 : i32
        %add3A_31 = arith.constant 0 : i32
        %add3A_32 = arith.addi %add3A_31, %mul3A_30 : i32
        %scan3A_33 = arith.constant 0 : i32
        %scan3A_34 = arith.constant 8 : i32
        %scan3A_35 = arith.addi %scan3A_33, %scan3A_34 : i32
        %scan3A_36 = arith.constant 1 : i32
        scf.for %scan3A_38 = %scan3A_33 to %scan3A_35 step %scan3A_36  : i32 {
          %mul3A_39 = arith.constant 1 : i32
          %mul3A_40 = arith.muli %scan3A_38, %mul3A_39 : i32
          %add3A_41 = arith.constant 0 : i32
          %add3A_42 = arith.addi %add3A_41, %mul3A_40 : i32
          %mul3A_43 = arith.constant 16 : i32
          %mul3A_44 = arith.muli %add3A_42, %mul3A_43 : i32
          %get3A = arith.index_cast %add3A_32 : i32 to index
          %get3A_45 = arith.index_cast %mul3A_44 : i32 to index
          %get3A_46 = tpu.vector_load %arg4[%get3A, %get3A_45] {strides = array<i32>} : memref<16x128xi32, #tpu.memory_space<vmem>>, vector<16xi32>,
          tpu.vector_store_idx %arg5[%get3A_46], %broadcast_in_dim3A_3 {add = true} : memref<10240xf32, #tpu.memory_space<vmem>>[vector<16xi32>], vector<16xf32>,
        }
        %scan3A_37 = arith.constant 8 : i32
      }
      %scan3A_27 = arith.constant 16 : i32
    }
    %scan3A_14 = arith.constant 5 : i32
    "tpu.region"() ({
      %run_scoped3A = tpu.sem_alloc : memref<!tpu.dma_semaphore, #tpu.memory_space<semaphore_mem>>
      %dma_start3A = arith.constant 0 : i32
      %dma_start3A_15 = tpu.memref_slice %arg3[%add3A, %dma_start3A] : memref<32x10240xf32, #tpu.memory_space<hbm>> -> memref<1x10240xf32, #tpu.memory_space<hbm>>
      %dma_start3A_16 = tpu.memref_squeeze %dma_start3A_15 : memref<1x10240xf32, #tpu.memory_space<hbm>> -> memref<10240xf32, #tpu.memory_space<hbm>>
      %dma_start3A_17 = arith.constant 0 : i32
      %dma_start3A_18 = tpu.memref_slice %arg3[%add3A, %dma_start3A_17] : memref<32x10240xf32, #tpu.memory_space<hbm>> -> memref<1x10240xf32, #tpu.memory_space<hbm>>
      %dma_start3A_19 = tpu.memref_squeeze %dma_start3A_18 : memref<1x10240xf32, #tpu.memory_space<hbm>> -> memref<10240xf32, #tpu.memory_space<hbm>>
      tpu.enqueue_dma source(%arg5 : memref<10240xf32, #tpu.memory_space<vmem>>) target(%dma_start3A_19 : memref<10240xf32, #tpu.memory_space<hbm>>) target_semaphore(%run_scoped3A : memref<!tpu.dma_semaphore, #tpu.memory_space<semaphore_mem>>)
      %dma_wait3A = arith.constant 0 : i32
      %dma_wait3A_20 = tpu.memref_slice %arg3[%add3A, %dma_wait3A] : memref<32x10240xf32, #tpu.memory_space<hbm>> -> memref<1x10240xf32, #tpu.memory_space<hbm>>
      %dma_wait3A_21 = tpu.memref_squeeze %dma_wait3A_20 : memref<1x10240xf32, #tpu.memory_space<hbm>> -> memref<10240xf32, #tpu.memory_space<hbm>>
      %dma_wait3A_22 = arith.constant 0 : i32
      %dma_wait3A_23 = tpu.memref_slice %arg3[%add3A, %dma_wait3A_22] : memref<32x10240xf32, #tpu.memory_space<hbm>> -> memref<1x10240xf32, #tpu.memory_space<hbm>>
      %dma_wait3A_24 = tpu.memref_squeeze %dma_wait3A_23 : memref<1x10240xf32, #tpu.memory_space<hbm>> -> memref<10240xf32, #tpu.memory_space<hbm>>
      tpu.wait_dma2 semaphore(%run_scoped3A : memref<!tpu.dma_semaphore, #tpu.memory_space<semaphore_mem>>) src(%arg5 : memref<10240xf32, #tpu.memory_space<vmem>>) dst(%dma_wait3A_24 : memref<10240xf32, #tpu.memory_space<hbm>>)
      tpu.yield
    }) : () -> ()
    return
  }
}

#map = affine_map<(d0, d1) -> (0, 0)>
module attributes {stable_mosaic.version = 14 : i64} {
  func.func @body(%arg0: i32, %arg1: i32, %arg2: memref<10000x128xf32, #tpu.memory_space<hbm>>, %arg3: memref<2560x128xi32, #tpu.memory_space<hbm>>, %arg4: memref<2560x128xi32, #tpu.memory_space<hbm>>, %arg5: memref<20480x128xf32, #tpu.memory_space<hbm>>, %arg6: memref<16x128xi32, #tpu.memory_space<vmem>>, %arg7: memref<16x128xi32, #tpu.memory_space<vmem>>, %arg8: memref<128x128xf32, #tpu.memory_space<vmem>>, %arg9: memref<128x128xf32, #tpu.memory_space<vmem>>, %arg10: memref<10240x128xf32, #tpu.memory_space<vmem_shared>>, %arg11: memref<!tpu.dma_semaphore, #tpu.memory_space<semaphore_mem>>, %arg12: memref<!tpu.dma_semaphore, #tpu.memory_space<semaphore_mem>>) attributes {dimension_semantics = [#tpu.dimension_semantics<core_parallel>, #tpu.dimension_semantics<subcore_parallel>], iteration_bounds = array<i64: 2, 16>, scalar_prefetch = 0 : i64, scratch_operands = 7 : i64, tpu.core_type = #tpu.core_type<sc_vector_subcore>, window_params = [{transform_indices = #map}, {transform_indices = #map}, {transform_indices = #map}, {transform_indices = #map}]} {
    %mul3A = arith.constant 16 : i32
    %mul3A_0 = arith.muli %arg0, %mul3A : i32
    %add3A = arith.addi %mul3A_0, %arg1 : i32
    %broadcast_in_dim3A = arith.constant 0.000000e+00 : f32
    %broadcast_in_dim3A_1 = vector.broadcast %broadcast_in_dim3A : f32 to vector<16xf32>
    %scan3A = arith.constant 0 : i32
    %scan3A_2 = arith.constant 128 : i32
    %scan3A_3 = arith.addi %scan3A, %scan3A_2 : i32
    %scan3A_4 = arith.constant 1 : i32
    scf.for %scan3A_26 = %scan3A to %scan3A_3 step %scan3A_4  : i32 {
      %mul3A_27 = arith.constant 1 : i32
      %mul3A_28 = arith.muli %scan3A_26, %mul3A_27 : i32
      %add3A_29 = arith.constant 0 : i32
      %add3A_30 = arith.addi %add3A_29, %mul3A_28 : i32
      %scan3A_31 = arith.constant 0 : i32
      %scan3A_32 = arith.constant 8 : i32
      %scan3A_33 = arith.addi %scan3A_31, %scan3A_32 : i32
      %scan3A_34 = arith.constant 1 : i32
      scf.for %scan3A_36 = %scan3A_31 to %scan3A_33 step %scan3A_34  : i32 {
        %mul3A_37 = arith.constant 1 : i32
        %mul3A_38 = arith.muli %scan3A_36, %mul3A_37 : i32
        %add3A_39 = arith.constant 0 : i32
        %add3A_40 = arith.addi %add3A_39, %mul3A_38 : i32
        %mul3A_41 = arith.constant 16 : i32
        %mul3A_42 = arith.muli %add3A_40, %mul3A_41 : i32
        %swap3A = arith.index_cast %add3A_30 : i32 to index
        %swap3A_43 = arith.index_cast %mul3A_42 : i32 to index
        %swap3A_44 = tpu.vector_load %arg8[%swap3A, %swap3A_43] {strides = array<i32>} : memref<128x128xf32, #tpu.memory_space<vmem>>, vector<1x16xf32>,
        %swap3A_45 = vector.shape_cast %swap3A_44 : vector<1x16xf32> to vector<16xf32>
        %swap3A_46 = vector.shape_cast %broadcast_in_dim3A_1 : vector<16xf32> to vector<1x16xf32>
        tpu.vector_store %arg8[%swap3A, %swap3A_43], %swap3A_46 {strides = array<i32>} : memref<128x128xf32, #tpu.memory_space<vmem>>, vector<1x16xf32>,
      }
      %scan3A_35 = arith.constant 8 : i32
    }
    %scan3A_5 = arith.constant 128 : i32
    %scan3A_6 = arith.constant 0 : i32
    %scan3A_7 = arith.constant 5 : i32
    %scan3A_8 = arith.addi %scan3A_6, %scan3A_7 : i32
    %scan3A_9 = arith.constant 1 : i32
    scf.for %scan3A_26 = %scan3A_6 to %scan3A_8 step %scan3A_9  : i32 {
      %mul3A_27 = arith.constant 1 : i32
      %mul3A_28 = arith.muli %scan3A_26, %mul3A_27 : i32
      %add3A_29 = arith.constant 0 : i32
      %add3A_30 = arith.addi %add3A_29, %mul3A_28 : i32
      %mul3A_31 = arith.constant 640 : i32
      %mul3A_32 = arith.muli %arg1, %mul3A_31 : i32
      %mul3A_33 = arith.constant 128 : i32
      %mul3A_34 = arith.muli %add3A_30, %mul3A_33 : i32
      %add3A_35 = arith.addi %mul3A_32, %mul3A_34 : i32
      "tpu.region"() ({
        %run_scoped3A = tpu.sem_alloc : memref<!tpu.dma_semaphore, #tpu.memory_space<semaphore_mem>>
        %dma_start3A = arith.constant 0 : i32
        %dma_start3A_36 = tpu.memref_slice %arg10[%add3A_35, %dma_start3A] : memref<10240x128xf32, #tpu.memory_space<vmem_shared>> -> memref<128x128xf32, #tpu.memory_space<vmem_shared>>
        %dma_start3A_37 = arith.constant 0 : i32
        %dma_start3A_38 = tpu.memref_slice %arg10[%add3A_35, %dma_start3A_37] : memref<10240x128xf32, #tpu.memory_space<vmem_shared>> -> memref<128x128xf32, #tpu.memory_space<vmem_shared>>
        tpu.enqueue_dma source(%arg8 : memref<128x128xf32, #tpu.memory_space<vmem>>) target(%dma_start3A_38 : memref<128x128xf32, #tpu.memory_space<vmem_shared>>) target_semaphore(%run_scoped3A : memref<!tpu.dma_semaphore, #tpu.memory_space<semaphore_mem>>)
        %dma_wait3A = arith.constant 0 : i32
        %dma_wait3A_39 = tpu.memref_slice %arg10[%add3A_35, %dma_wait3A] : memref<10240x128xf32, #tpu.memory_space<vmem_shared>> -> memref<128x128xf32, #tpu.memory_space<vmem_shared>>
        %dma_wait3A_40 = arith.constant 0 : i32
        %dma_wait3A_41 = tpu.memref_slice %arg10[%add3A_35, %dma_wait3A_40] : memref<10240x128xf32, #tpu.memory_space<vmem_shared>> -> memref<128x128xf32, #tpu.memory_space<vmem_shared>>
        tpu.wait_dma2 semaphore(%run_scoped3A : memref<!tpu.dma_semaphore, #tpu.memory_space<semaphore_mem>>) src(%arg8 : memref<128x128xf32, #tpu.memory_space<vmem>>) dst(%dma_wait3A_41 : memref<128x128xf32, #tpu.memory_space<vmem_shared>>)
        tpu.yield
      }) : () -> ()
    }
    %scan3A_10 = arith.constant 5 : i32
    %barrier3A = arith.constant 0 : index
    tpu.barrier barrier_id(%barrier3A)
    %mul3A_11 = arith.constant 80 : i32
    %mul3A_12 = arith.muli %add3A, %mul3A_11 : i32
    %scan3A_13 = arith.constant 0 : i32
    %scan3A_14 = arith.constant 5 : i32
    %scan3A_15 = arith.addi %scan3A_13, %scan3A_14 : i32
    %scan3A_16 = arith.constant 1 : i32
    scf.for %scan3A_26 = %scan3A_13 to %scan3A_15 step %scan3A_16  : i32 {
      %mul3A_27 = arith.constant 1 : i32
      %mul3A_28 = arith.muli %scan3A_26, %mul3A_27 : i32
      %add3A_29 = arith.constant 0 : i32
      %add3A_30 = arith.addi %add3A_29, %mul3A_28 : i32
      %mul3A_31 = arith.constant 16 : i32
      %mul3A_32 = arith.muli %add3A_30, %mul3A_31 : i32
      %add3A_33 = arith.addi %mul3A_12, %mul3A_32 : i32
      "tpu.region"() ({
        %run_scoped3A_274 = tpu.sem_alloc : memref<!tpu.dma_semaphore, #tpu.memory_space<semaphore_mem>>
        %dma_start3A_275 = arith.constant 0 : i32
        %dma_start3A_276 = tpu.memref_slice %arg3[%add3A_33, %dma_start3A_275] : memref<2560x128xi32, #tpu.memory_space<hbm>> -> memref<16x128xi32, #tpu.memory_space<hbm>>
        %dma_start3A_277 = arith.constant 0 : i32
        %dma_start3A_278 = tpu.memref_slice %arg3[%add3A_33, %dma_start3A_277] : memref<2560x128xi32, #tpu.memory_space<hbm>> -> memref<16x128xi32, #tpu.memory_space<hbm>>
        tpu.enqueue_dma source(%dma_start3A_278 : memref<16x128xi32, #tpu.memory_space<hbm>>) target(%arg6 : memref<16x128xi32, #tpu.memory_space<vmem>>) target_semaphore(%run_scoped3A_274 : memref<!tpu.dma_semaphore, #tpu.memory_space<semaphore_mem>>)
        %dma_wait3A_279 = arith.constant 0 : i32
        %dma_wait3A_280 = tpu.memref_slice %arg3[%add3A_33, %dma_wait3A_279] : memref<2560x128xi32, #tpu.memory_space<hbm>> -> memref<16x128xi32, #tpu.memory_space<hbm>>
        %dma_wait3A_281 = arith.constant 0 : i32
        %dma_wait3A_282 = tpu.memref_slice %arg3[%add3A_33, %dma_wait3A_281] : memref<2560x128xi32, #tpu.memory_space<hbm>> -> memref<16x128xi32, #tpu.memory_space<hbm>>
        tpu.wait_dma2 semaphore(%run_scoped3A_274 : memref<!tpu.dma_semaphore, #tpu.memory_space<semaphore_mem>>) src(%dma_wait3A_282 : memref<16x128xi32, #tpu.memory_space<hbm>>) dst(%arg6 : memref<16x128xi32, #tpu.memory_space<vmem>>)
        tpu.yield
      }) : () -> ()
      %mul3A_34 = arith.constant 16 : i32
      %mul3A_35 = arith.muli %add3A_30, %mul3A_34 : i32
      %add3A_36 = arith.addi %mul3A_12, %mul3A_35 : i32
      "tpu.region"() ({
        %run_scoped3A_274 = tpu.sem_alloc : memref<!tpu.dma_semaphore, #tpu.memory_space<semaphore_mem>>
        %dma_start3A_275 = arith.constant 0 : i32
        %dma_start3A_276 = tpu.memref_slice %arg4[%add3A_36, %dma_start3A_275] : memref<2560x128xi32, #tpu.memory_space<hbm>> -> memref<16x128xi32, #tpu.memory_space<hbm>>
        %dma_start3A_277 = arith.constant 0 : i32
        %dma_start3A_278 = tpu.memref_slice %arg4[%add3A_36, %dma_start3A_277] : memref<2560x128xi32, #tpu.memory_space<hbm>> -> memref<16x128xi32, #tpu.memory_space<hbm>>
        tpu.enqueue_dma source(%dma_start3A_278 : memref<16x128xi32, #tpu.memory_space<hbm>>) target(%arg7 : memref<16x128xi32, #tpu.memory_space<vmem>>) target_semaphore(%run_scoped3A_274 : memref<!tpu.dma_semaphore, #tpu.memory_space<semaphore_mem>>)
        %dma_wait3A_279 = arith.constant 0 : i32
        %dma_wait3A_280 = tpu.memref_slice %arg4[%add3A_36, %dma_wait3A_279] : memref<2560x128xi32, #tpu.memory_space<hbm>> -> memref<16x128xi32, #tpu.memory_space<hbm>>
        %dma_wait3A_281 = arith.constant 0 : i32
        %dma_wait3A_282 = tpu.memref_slice %arg4[%add3A_36, %dma_wait3A_281] : memref<2560x128xi32, #tpu.memory_space<hbm>> -> memref<16x128xi32, #tpu.memory_space<hbm>>
        tpu.wait_dma2 semaphore(%run_scoped3A_274 : memref<!tpu.dma_semaphore, #tpu.memory_space<semaphore_mem>>) src(%dma_wait3A_282 : memref<16x128xi32, #tpu.memory_space<hbm>>) dst(%arg7 : memref<16x128xi32, #tpu.memory_space<vmem>>)
        tpu.yield
      }) : () -> ()
      %dma_start3A = arith.constant 0 : i32
      %dma_start3A_37 = arith.constant 0 : i32
      %dma_start3A_38 = tpu.memref_slice %arg6[%dma_start3A, %dma_start3A_37] : memref<16x128xi32, #tpu.memory_space<vmem>> -> memref<1x128xi32, #tpu.memory_space<vmem>>
      %dma_start3A_39 = tpu.memref_squeeze %dma_start3A_38 : memref<1x128xi32, #tpu.memory_space<vmem>> -> memref<128xi32, #tpu.memory_space<vmem>>
      %dma_start3A_40 = arith.constant 0 : i32
      %dma_start3A_41 = arith.constant 0 : i32
      %dma_start3A_42 = tpu.memref_slice %arg2[%dma_start3A_40, %dma_start3A_41] : memref<10000x128xf32, #tpu.memory_space<hbm>> -> memref<10000x128xf32, #tpu.memory_space<hbm>>
      tpu.enqueue_indirect_dma source(%dma_start3A_42 : memref<10000x128xf32, #tpu.memory_space<hbm>>) target(%arg8 : memref<128x128xf32, #tpu.memory_space<vmem>>) offsets(%dma_start3A_39 : memref<128xi32, #tpu.memory_space<vmem>>) semaphore(%arg11 : memref<!tpu.dma_semaphore, #tpu.memory_space<semaphore_mem>>)
      %dma_start3A_43 = arith.constant 1 : i32
      %dma_start3A_44 = arith.constant 0 : i32
      %dma_start3A_45 = tpu.memref_slice %arg6[%dma_start3A_43, %dma_start3A_44] : memref<16x128xi32, #tpu.memory_space<vmem>> -> memref<1x128xi32, #tpu.memory_space<vmem>>
      %dma_start3A_46 = tpu.memref_squeeze %dma_start3A_45 : memref<1x128xi32, #tpu.memory_space<vmem>> -> memref<128xi32, #tpu.memory_space<vmem>>
      %dma_start3A_47 = arith.constant 0 : i32
      %dma_start3A_48 = arith.constant 0 : i32
      %dma_start3A_49 = tpu.memref_slice %arg2[%dma_start3A_47, %dma_start3A_48] : memref<10000x128xf32, #tpu.memory_space<hbm>> -> memref<10000x128xf32, #tpu.memory_space<hbm>>
      tpu.enqueue_indirect_dma source(%dma_start3A_49 : memref<10000x128xf32, #tpu.memory_space<hbm>>) target(%arg9 : memref<128x128xf32, #tpu.memory_space<vmem>>) offsets(%dma_start3A_46 : memref<128xi32, #tpu.memory_space<vmem>>) semaphore(%arg12 : memref<!tpu.dma_semaphore, #tpu.memory_space<semaphore_mem>>)
      %dma_wait3A = arith.constant 0 : i32
      %dma_wait3A_50 = arith.constant 0 : i32
      %dma_wait3A_51 = tpu.memref_slice %arg6[%dma_wait3A, %dma_wait3A_50] : memref<16x128xi32, #tpu.memory_space<vmem>> -> memref<1x128xi32, #tpu.memory_space<vmem>>
      %dma_wait3A_52 = tpu.memref_squeeze %dma_wait3A_51 : memref<1x128xi32, #tpu.memory_space<vmem>> -> memref<128xi32, #tpu.memory_space<vmem>>
      %dma_wait3A_53 = arith.constant 0 : i32
      %dma_wait3A_54 = arith.constant 0 : i32
      %dma_wait3A_55 = tpu.memref_slice %arg2[%dma_wait3A_53, %dma_wait3A_54] : memref<10000x128xf32, #tpu.memory_space<hbm>> -> memref<10000x128xf32, #tpu.memory_space<hbm>>
      tpu.wait_indirect_dma semaphore(%arg11 : memref<!tpu.dma_semaphore, #tpu.memory_space<semaphore_mem>>) src(%dma_wait3A_55 : memref<10000x128xf32, #tpu.memory_space<hbm>>) dst(%arg8 : memref<128x128xf32, #tpu.memory_space<vmem>>)
      %run_scoped3A = arith.constant 0 : i32
      "tpu.region"() ({
        %run_scoped3A_274 = tpu.sem_alloc : memref<!tpu.dma_semaphore, #tpu.memory_space<semaphore_mem>>
        %dma_start3A_275 = arith.constant 0 : i32
        %dma_start3A_276 = tpu.memref_slice %arg7[%run_scoped3A, %dma_start3A_275] : memref<16x128xi32, #tpu.memory_space<vmem>> -> memref<1x128xi32, #tpu.memory_space<vmem>>
        %dma_start3A_277 = tpu.memref_squeeze %dma_start3A_276 : memref<1x128xi32, #tpu.memory_space<vmem>> -> memref<128xi32, #tpu.memory_space<vmem>>
        %dma_start3A_278 = arith.constant 0 : i32
        %dma_start3A_279 = arith.constant 0 : i32
        %dma_start3A_280 = tpu.memref_slice %arg10[%dma_start3A_278, %dma_start3A_279] : memref<10240x128xf32, #tpu.memory_space<vmem_shared>> -> memref<10240x128xf32, #tpu.memory_space<vmem_shared>>
        tpu.enqueue_indirect_dma source(%arg8 : memref<128x128xf32, #tpu.memory_space<vmem>>) target(%dma_start3A_280 : memref<10240x128xf32, #tpu.memory_space<vmem_shared>>) offsets(%dma_start3A_277 : memref<128xi32, #tpu.memory_space<vmem>>) semaphore(%run_scoped3A_274 : memref<!tpu.dma_semaphore, #tpu.memory_space<semaphore_mem>>) {add = true}
        %dma_wait3A_281 = arith.constant 0 : i32
        %dma_wait3A_282 = tpu.memref_slice %arg7[%run_scoped3A, %dma_wait3A_281] : memref<16x128xi32, #tpu.memory_space<vmem>> -> memref<1x128xi32, #tpu.memory_space<vmem>>
        %dma_wait3A_283 = tpu.memref_squeeze %dma_wait3A_282 : memref<1x128xi32, #tpu.memory_space<vmem>> -> memref<128xi32, #tpu.memory_space<vmem>>
        %dma_wait3A_284 = arith.constant 0 : i32
        %dma_wait3A_285 = arith.constant 0 : i32
        %dma_wait3A_286 = tpu.memref_slice %arg10[%dma_wait3A_284, %dma_wait3A_285] : memref<10240x128xf32, #tpu.memory_space<vmem_shared>> -> memref<10240x128xf32, #tpu.memory_space<vmem_shared>>
        tpu.wait_indirect_dma semaphore(%run_scoped3A_274 : memref<!tpu.dma_semaphore, #tpu.memory_space<semaphore_mem>>) src(%arg8 : memref<128x128xf32, #tpu.memory_space<vmem>>) dst(%dma_wait3A_286 : memref<10240x128xf32, #tpu.memory_space<vmem_shared>>)
        tpu.yield
      }) : () -> ()
      %dma_start3A_56 = arith.constant 2 : i32
      %dma_start3A_57 = arith.constant 0 : i32
      %dma_start3A_58 = tpu.memref_slice %arg6[%dma_start3A_56, %dma_start3A_57] : memref<16x128xi32, #tpu.memory_space<vmem>> -> memref<1x128xi32, #tpu.memory_space<vmem>>
      %dma_start3A_59 = tpu.memref_squeeze %dma_start3A_58 : memref<1x128xi32, #tpu.memory_space<vmem>> -> memref<128xi32, #tpu.memory_space<vmem>>
      %dma_start3A_60 = arith.constant 0 : i32
      %dma_start3A_61 = arith.constant 0 : i32
      %dma_start3A_62 = tpu.memref_slice %arg2[%dma_start3A_60, %dma_start3A_61] : memref<10000x128xf32, #tpu.memory_space<hbm>> -> memref<10000x128xf32, #tpu.memory_space<hbm>>
      tpu.enqueue_indirect_dma source(%dma_start3A_62 : memref<10000x128xf32, #tpu.memory_space<hbm>>) target(%arg8 : memref<128x128xf32, #tpu.memory_space<vmem>>) offsets(%dma_start3A_59 : memref<128xi32, #tpu.memory_space<vmem>>) semaphore(%arg11 : memref<!tpu.dma_semaphore, #tpu.memory_space<semaphore_mem>>)
      %dma_wait3A_63 = arith.constant 1 : i32
      %dma_wait3A_64 = arith.constant 0 : i32
      %dma_wait3A_65 = tpu.memref_slice %arg6[%dma_wait3A_63, %dma_wait3A_64] : memref<16x128xi32, #tpu.memory_space<vmem>> -> memref<1x128xi32, #tpu.memory_space<vmem>>
      %dma_wait3A_66 = tpu.memref_squeeze %dma_wait3A_65 : memref<1x128xi32, #tpu.memory_space<vmem>> -> memref<128xi32, #tpu.memory_space<vmem>>
      %dma_wait3A_67 = arith.constant 0 : i32
      %dma_wait3A_68 = arith.constant 0 : i32
      %dma_wait3A_69 = tpu.memref_slice %arg2[%dma_wait3A_67, %dma_wait3A_68] : memref<10000x128xf32, #tpu.memory_space<hbm>> -> memref<10000x128xf32, #tpu.memory_space<hbm>>
      tpu.wait_indirect_dma semaphore(%arg12 : memref<!tpu.dma_semaphore, #tpu.memory_space<semaphore_mem>>) src(%dma_wait3A_69 : memref<10000x128xf32, #tpu.memory_space<hbm>>) dst(%arg9 : memref<128x128xf32, #tpu.memory_space<vmem>>)
      %run_scoped3A_70 = arith.constant 1 : i32
      "tpu.region"() ({
        %run_scoped3A_274 = tpu.sem_alloc : memref<!tpu.dma_semaphore, #tpu.memory_space<semaphore_mem>>
        %dma_start3A_275 = arith.constant 0 : i32
        %dma_start3A_276 = tpu.memref_slice %arg7[%run_scoped3A_70, %dma_start3A_275] : memref<16x128xi32, #tpu.memory_space<vmem>> -> memref<1x128xi32, #tpu.memory_space<vmem>>
        %dma_start3A_277 = tpu.memref_squeeze %dma_start3A_276 : memref<1x128xi32, #tpu.memory_space<vmem>> -> memref<128xi32, #tpu.memory_space<vmem>>
        %dma_start3A_278 = arith.constant 0 : i32
        %dma_start3A_279 = arith.constant 0 : i32
        %dma_start3A_280 = tpu.memref_slice %arg10[%dma_start3A_278, %dma_start3A_279] : memref<10240x128xf32, #tpu.memory_space<vmem_shared>> -> memref<10240x128xf32, #tpu.memory_space<vmem_shared>>
        tpu.enqueue_indirect_dma source(%arg9 : memref<128x128xf32, #tpu.memory_space<vmem>>) target(%dma_start3A_280 : memref<10240x128xf32, #tpu.memory_space<vmem_shared>>) offsets(%dma_start3A_277 : memref<128xi32, #tpu.memory_space<vmem>>) semaphore(%run_scoped3A_274 : memref<!tpu.dma_semaphore, #tpu.memory_space<semaphore_mem>>) {add = true}
        %dma_wait3A_281 = arith.constant 0 : i32
        %dma_wait3A_282 = tpu.memref_slice %arg7[%run_scoped3A_70, %dma_wait3A_281] : memref<16x128xi32, #tpu.memory_space<vmem>> -> memref<1x128xi32, #tpu.memory_space<vmem>>
        %dma_wait3A_283 = tpu.memref_squeeze %dma_wait3A_282 : memref<1x128xi32, #tpu.memory_space<vmem>> -> memref<128xi32, #tpu.memory_space<vmem>>
        %dma_wait3A_284 = arith.constant 0 : i32
        %dma_wait3A_285 = arith.constant 0 : i32
        %dma_wait3A_286 = tpu.memref_slice %arg10[%dma_wait3A_284, %dma_wait3A_285] : memref<10240x128xf32, #tpu.memory_space<vmem_shared>> -> memref<10240x128xf32, #tpu.memory_space<vmem_shared>>
        tpu.wait_indirect_dma semaphore(%run_scoped3A_274 : memref<!tpu.dma_semaphore, #tpu.memory_space<semaphore_mem>>) src(%arg9 : memref<128x128xf32, #tpu.memory_space<vmem>>) dst(%dma_wait3A_286 : memref<10240x128xf32, #tpu.memory_space<vmem_shared>>)
        tpu.yield
      }) : () -> ()
      %dma_start3A_71 = arith.constant 3 : i32
      %dma_start3A_72 = arith.constant 0 : i32
      %dma_start3A_73 = tpu.memref_slice %arg6[%dma_start3A_71, %dma_start3A_72] : memref<16x128xi32, #tpu.memory_space<vmem>> -> memref<1x128xi32, #tpu.memory_space<vmem>>
      %dma_start3A_74 = tpu.memref_squeeze %dma_start3A_73 : memref<1x128xi32, #tpu.memory_space<vmem>> -> memref<128xi32, #tpu.memory_space<vmem>>
      %dma_start3A_75 = arith.constant 0 : i32
      %dma_start3A_76 = arith.constant 0 : i32
      %dma_start3A_77 = tpu.memref_slice %arg2[%dma_start3A_75, %dma_start3A_76] : memref<10000x128xf32, #tpu.memory_space<hbm>> -> memref<10000x128xf32, #tpu.memory_space<hbm>>
      tpu.enqueue_indirect_dma source(%dma_start3A_77 : memref<10000x128xf32, #tpu.memory_space<hbm>>) target(%arg9 : memref<128x128xf32, #tpu.memory_space<vmem>>) offsets(%dma_start3A_74 : memref<128xi32, #tpu.memory_space<vmem>>) semaphore(%arg12 : memref<!tpu.dma_semaphore, #tpu.memory_space<semaphore_mem>>)
      %dma_wait3A_78 = arith.constant 2 : i32
      %dma_wait3A_79 = arith.constant 0 : i32
      %dma_wait3A_80 = tpu.memref_slice %arg6[%dma_wait3A_78, %dma_wait3A_79] : memref<16x128xi32, #tpu.memory_space<vmem>> -> memref<1x128xi32, #tpu.memory_space<vmem>>
      %dma_wait3A_81 = tpu.memref_squeeze %dma_wait3A_80 : memref<1x128xi32, #tpu.memory_space<vmem>> -> memref<128xi32, #tpu.memory_space<vmem>>
      %dma_wait3A_82 = arith.constant 0 : i32
      %dma_wait3A_83 = arith.constant 0 : i32
      %dma_wait3A_84 = tpu.memref_slice %arg2[%dma_wait3A_82, %dma_wait3A_83] : memref<10000x128xf32, #tpu.memory_space<hbm>> -> memref<10000x128xf32, #tpu.memory_space<hbm>>
      tpu.wait_indirect_dma semaphore(%arg11 : memref<!tpu.dma_semaphore, #tpu.memory_space<semaphore_mem>>) src(%dma_wait3A_84 : memref<10000x128xf32, #tpu.memory_space<hbm>>) dst(%arg8 : memref<128x128xf32, #tpu.memory_space<vmem>>)
      %run_scoped3A_85 = arith.constant 2 : i32
      "tpu.region"() ({
        %run_scoped3A_274 = tpu.sem_alloc : memref<!tpu.dma_semaphore, #tpu.memory_space<semaphore_mem>>
        %dma_start3A_275 = arith.constant 0 : i32
        %dma_start3A_276 = tpu.memref_slice %arg7[%run_scoped3A_85, %dma_start3A_275] : memref<16x128xi32, #tpu.memory_space<vmem>> -> memref<1x128xi32, #tpu.memory_space<vmem>>
        %dma_start3A_277 = tpu.memref_squeeze %dma_start3A_276 : memref<1x128xi32, #tpu.memory_space<vmem>> -> memref<128xi32, #tpu.memory_space<vmem>>
        %dma_start3A_278 = arith.constant 0 : i32
        %dma_start3A_279 = arith.constant 0 : i32
        %dma_start3A_280 = tpu.memref_slice %arg10[%dma_start3A_278, %dma_start3A_279] : memref<10240x128xf32, #tpu.memory_space<vmem_shared>> -> memref<10240x128xf32, #tpu.memory_space<vmem_shared>>
        tpu.enqueue_indirect_dma source(%arg8 : memref<128x128xf32, #tpu.memory_space<vmem>>) target(%dma_start3A_280 : memref<10240x128xf32, #tpu.memory_space<vmem_shared>>) offsets(%dma_start3A_277 : memref<128xi32, #tpu.memory_space<vmem>>) semaphore(%run_scoped3A_274 : memref<!tpu.dma_semaphore, #tpu.memory_space<semaphore_mem>>) {add = true}
        %dma_wait3A_281 = arith.constant 0 : i32
        %dma_wait3A_282 = tpu.memref_slice %arg7[%run_scoped3A_85, %dma_wait3A_281] : memref<16x128xi32, #tpu.memory_space<vmem>> -> memref<1x128xi32, #tpu.memory_space<vmem>>
        %dma_wait3A_283 = tpu.memref_squeeze %dma_wait3A_282 : memref<1x128xi32, #tpu.memory_space<vmem>> -> memref<128xi32, #tpu.memory_space<vmem>>
        %dma_wait3A_284 = arith.constant 0 : i32
        %dma_wait3A_285 = arith.constant 0 : i32
        %dma_wait3A_286 = tpu.memref_slice %arg10[%dma_wait3A_284, %dma_wait3A_285] : memref<10240x128xf32, #tpu.memory_space<vmem_shared>> -> memref<10240x128xf32, #tpu.memory_space<vmem_shared>>
        tpu.wait_indirect_dma semaphore(%run_scoped3A_274 : memref<!tpu.dma_semaphore, #tpu.memory_space<semaphore_mem>>) src(%arg8 : memref<128x128xf32, #tpu.memory_space<vmem>>) dst(%dma_wait3A_286 : memref<10240x128xf32, #tpu.memory_space<vmem_shared>>)
        tpu.yield
      }) : () -> ()
      %dma_start3A_86 = arith.constant 4 : i32
      %dma_start3A_87 = arith.constant 0 : i32
      %dma_start3A_88 = tpu.memref_slice %arg6[%dma_start3A_86, %dma_start3A_87] : memref<16x128xi32, #tpu.memory_space<vmem>> -> memref<1x128xi32, #tpu.memory_space<vmem>>
      %dma_start3A_89 = tpu.memref_squeeze %dma_start3A_88 : memref<1x128xi32, #tpu.memory_space<vmem>> -> memref<128xi32, #tpu.memory_space<vmem>>
      %dma_start3A_90 = arith.constant 0 : i32
      %dma_start3A_91 = arith.constant 0 : i32
      %dma_start3A_92 = tpu.memref_slice %arg2[%dma_start3A_90, %dma_start3A_91] : memref<10000x128xf32, #tpu.memory_space<hbm>> -> memref<10000x128xf32, #tpu.memory_space<hbm>>
      tpu.enqueue_indirect_dma source(%dma_start3A_92 : memref<10000x128xf32, #tpu.memory_space<hbm>>) target(%arg8 : memref<128x128xf32, #tpu.memory_space<vmem>>) offsets(%dma_start3A_89 : memref<128xi32, #tpu.memory_space<vmem>>) semaphore(%arg11 : memref<!tpu.dma_semaphore, #tpu.memory_space<semaphore_mem>>)
      %dma_wait3A_93 = arith.constant 3 : i32
      %dma_wait3A_94 = arith.constant 0 : i32
      %dma_wait3A_95 = tpu.memref_slice %arg6[%dma_wait3A_93, %dma_wait3A_94] : memref<16x128xi32, #tpu.memory_space<vmem>> -> memref<1x128xi32, #tpu.memory_space<vmem>>
      %dma_wait3A_96 = tpu.memref_squeeze %dma_wait3A_95 : memref<1x128xi32, #tpu.memory_space<vmem>> -> memref<128xi32, #tpu.memory_space<vmem>>
      %dma_wait3A_97 = arith.constant 0 : i32
      %dma_wait3A_98 = arith.constant 0 : i32
      %dma_wait3A_99 = tpu.memref_slice %arg2[%dma_wait3A_97, %dma_wait3A_98] : memref<10000x128xf32, #tpu.memory_space<hbm>> -> memref<10000x128xf32, #tpu.memory_space<hbm>>
      tpu.wait_indirect_dma semaphore(%arg12 : memref<!tpu.dma_semaphore, #tpu.memory_space<semaphore_mem>>) src(%dma_wait3A_99 : memref<10000x128xf32, #tpu.memory_space<hbm>>) dst(%arg9 : memref<128x128xf32, #tpu.memory_space<vmem>>)
      %run_scoped3A_100 = arith.constant 3 : i32
      "tpu.region"() ({
        %run_scoped3A_274 = tpu.sem_alloc : memref<!tpu.dma_semaphore, #tpu.memory_space<semaphore_mem>>
        %dma_start3A_275 = arith.constant 0 : i32
        %dma_start3A_276 = tpu.memref_slice %arg7[%run_scoped3A_100, %dma_start3A_275] : memref<16x128xi32, #tpu.memory_space<vmem>> -> memref<1x128xi32, #tpu.memory_space<vmem>>
        %dma_start3A_277 = tpu.memref_squeeze %dma_start3A_276 : memref<1x128xi32, #tpu.memory_space<vmem>> -> memref<128xi32, #tpu.memory_space<vmem>>
        %dma_start3A_278 = arith.constant 0 : i32
        %dma_start3A_279 = arith.constant 0 : i32
        %dma_start3A_280 = tpu.memref_slice %arg10[%dma_start3A_278, %dma_start3A_279] : memref<10240x128xf32, #tpu.memory_space<vmem_shared>> -> memref<10240x128xf32, #tpu.memory_space<vmem_shared>>
        tpu.enqueue_indirect_dma source(%arg9 : memref<128x128xf32, #tpu.memory_space<vmem>>) target(%dma_start3A_280 : memref<10240x128xf32, #tpu.memory_space<vmem_shared>>) offsets(%dma_start3A_277 : memref<128xi32, #tpu.memory_space<vmem>>) semaphore(%run_scoped3A_274 : memref<!tpu.dma_semaphore, #tpu.memory_space<semaphore_mem>>) {add = true}
        %dma_wait3A_281 = arith.constant 0 : i32
        %dma_wait3A_282 = tpu.memref_slice %arg7[%run_scoped3A_100, %dma_wait3A_281] : memref<16x128xi32, #tpu.memory_space<vmem>> -> memref<1x128xi32, #tpu.memory_space<vmem>>
        %dma_wait3A_283 = tpu.memref_squeeze %dma_wait3A_282 : memref<1x128xi32, #tpu.memory_space<vmem>> -> memref<128xi32, #tpu.memory_space<vmem>>
        %dma_wait3A_284 = arith.constant 0 : i32
        %dma_wait3A_285 = arith.constant 0 : i32
        %dma_wait3A_286 = tpu.memref_slice %arg10[%dma_wait3A_284, %dma_wait3A_285] : memref<10240x128xf32, #tpu.memory_space<vmem_shared>> -> memref<10240x128xf32, #tpu.memory_space<vmem_shared>>
        tpu.wait_indirect_dma semaphore(%run_scoped3A_274 : memref<!tpu.dma_semaphore, #tpu.memory_space<semaphore_mem>>) src(%arg9 : memref<128x128xf32, #tpu.memory_space<vmem>>) dst(%dma_wait3A_286 : memref<10240x128xf32, #tpu.memory_space<vmem_shared>>)
        tpu.yield
      }) : () -> ()
      %dma_start3A_101 = arith.constant 5 : i32
      %dma_start3A_102 = arith.constant 0 : i32
      %dma_start3A_103 = tpu.memref_slice %arg6[%dma_start3A_101, %dma_start3A_102] : memref<16x128xi32, #tpu.memory_space<vmem>> -> memref<1x128xi32, #tpu.memory_space<vmem>>
      %dma_start3A_104 = tpu.memref_squeeze %dma_start3A_103 : memref<1x128xi32, #tpu.memory_space<vmem>> -> memref<128xi32, #tpu.memory_space<vmem>>
      %dma_start3A_105 = arith.constant 0 : i32
      %dma_start3A_106 = arith.constant 0 : i32
      %dma_start3A_107 = tpu.memref_slice %arg2[%dma_start3A_105, %dma_start3A_106] : memref<10000x128xf32, #tpu.memory_space<hbm>> -> memref<10000x128xf32, #tpu.memory_space<hbm>>
      tpu.enqueue_indirect_dma source(%dma_start3A_107 : memref<10000x128xf32, #tpu.memory_space<hbm>>) target(%arg9 : memref<128x128xf32, #tpu.memory_space<vmem>>) offsets(%dma_start3A_104 : memref<128xi32, #tpu.memory_space<vmem>>) semaphore(%arg12 : memref<!tpu.dma_semaphore, #tpu.memory_space<semaphore_mem>>)
      %dma_wait3A_108 = arith.constant 4 : i32
      %dma_wait3A_109 = arith.constant 0 : i32
      %dma_wait3A_110 = tpu.memref_slice %arg6[%dma_wait3A_108, %dma_wait3A_109] : memref<16x128xi32, #tpu.memory_space<vmem>> -> memref<1x128xi32, #tpu.memory_space<vmem>>
      %dma_wait3A_111 = tpu.memref_squeeze %dma_wait3A_110 : memref<1x128xi32, #tpu.memory_space<vmem>> -> memref<128xi32, #tpu.memory_space<vmem>>
      %dma_wait3A_112 = arith.constant 0 : i32
      %dma_wait3A_113 = arith.constant 0 : i32
      %dma_wait3A_114 = tpu.memref_slice %arg2[%dma_wait3A_112, %dma_wait3A_113] : memref<10000x128xf32, #tpu.memory_space<hbm>> -> memref<10000x128xf32, #tpu.memory_space<hbm>>
      tpu.wait_indirect_dma semaphore(%arg11 : memref<!tpu.dma_semaphore, #tpu.memory_space<semaphore_mem>>) src(%dma_wait3A_114 : memref<10000x128xf32, #tpu.memory_space<hbm>>) dst(%arg8 : memref<128x128xf32, #tpu.memory_space<vmem>>)
      %run_scoped3A_115 = arith.constant 4 : i32
      "tpu.region"() ({
        %run_scoped3A_274 = tpu.sem_alloc : memref<!tpu.dma_semaphore, #tpu.memory_space<semaphore_mem>>
        %dma_start3A_275 = arith.constant 0 : i32
        %dma_start3A_276 = tpu.memref_slice %arg7[%run_scoped3A_115, %dma_start3A_275] : memref<16x128xi32, #tpu.memory_space<vmem>> -> memref<1x128xi32, #tpu.memory_space<vmem>>
        %dma_start3A_277 = tpu.memref_squeeze %dma_start3A_276 : memref<1x128xi32, #tpu.memory_space<vmem>> -> memref<128xi32, #tpu.memory_space<vmem>>
        %dma_start3A_278 = arith.constant 0 : i32
        %dma_start3A_279 = arith.constant 0 : i32
        %dma_start3A_280 = tpu.memref_slice %arg10[%dma_start3A_278, %dma_start3A_279] : memref<10240x128xf32, #tpu.memory_space<vmem_shared>> -> memref<10240x128xf32, #tpu.memory_space<vmem_shared>>
        tpu.enqueue_indirect_dma source(%arg8 : memref<128x128xf32, #tpu.memory_space<vmem>>) target(%dma_start3A_280 : memref<10240x128xf32, #tpu.memory_space<vmem_shared>>) offsets(%dma_start3A_277 : memref<128xi32, #tpu.memory_space<vmem>>) semaphore(%run_scoped3A_274 : memref<!tpu.dma_semaphore, #tpu.memory_space<semaphore_mem>>) {add = true}
        %dma_wait3A_281 = arith.constant 0 : i32
        %dma_wait3A_282 = tpu.memref_slice %arg7[%run_scoped3A_115, %dma_wait3A_281] : memref<16x128xi32, #tpu.memory_space<vmem>> -> memref<1x128xi32, #tpu.memory_space<vmem>>
        %dma_wait3A_283 = tpu.memref_squeeze %dma_wait3A_282 : memref<1x128xi32, #tpu.memory_space<vmem>> -> memref<128xi32, #tpu.memory_space<vmem>>
        %dma_wait3A_284 = arith.constant 0 : i32
        %dma_wait3A_285 = arith.constant 0 : i32
        %dma_wait3A_286 = tpu.memref_slice %arg10[%dma_wait3A_284, %dma_wait3A_285] : memref<10240x128xf32, #tpu.memory_space<vmem_shared>> -> memref<10240x128xf32, #tpu.memory_space<vmem_shared>>
        tpu.wait_indirect_dma semaphore(%run_scoped3A_274 : memref<!tpu.dma_semaphore, #tpu.memory_space<semaphore_mem>>) src(%arg8 : memref<128x128xf32, #tpu.memory_space<vmem>>) dst(%dma_wait3A_286 : memref<10240x128xf32, #tpu.memory_space<vmem_shared>>)
        tpu.yield
      }) : () -> ()
      %dma_start3A_116 = arith.constant 6 : i32
      %dma_start3A_117 = arith.constant 0 : i32
      %dma_start3A_118 = tpu.memref_slice %arg6[%dma_start3A_116, %dma_start3A_117] : memref<16x128xi32, #tpu.memory_space<vmem>> -> memref<1x128xi32, #tpu.memory_space<vmem>>
      %dma_start3A_119 = tpu.memref_squeeze %dma_start3A_118 : memref<1x128xi32, #tpu.memory_space<vmem>> -> memref<128xi32, #tpu.memory_space<vmem>>
      %dma_start3A_120 = arith.constant 0 : i32
      %dma_start3A_121 = arith.constant 0 : i32
      %dma_start3A_122 = tpu.memref_slice %arg2[%dma_start3A_120, %dma_start3A_121] : memref<10000x128xf32, #tpu.memory_space<hbm>> -> memref<10000x128xf32, #tpu.memory_space<hbm>>
      tpu.enqueue_indirect_dma source(%dma_start3A_122 : memref<10000x128xf32, #tpu.memory_space<hbm>>) target(%arg8 : memref<128x128xf32, #tpu.memory_space<vmem>>) offsets(%dma_start3A_119 : memref<128xi32, #tpu.memory_space<vmem>>) semaphore(%arg11 : memref<!tpu.dma_semaphore, #tpu.memory_space<semaphore_mem>>)
      %dma_wait3A_123 = arith.constant 5 : i32
      %dma_wait3A_124 = arith.constant 0 : i32
      %dma_wait3A_125 = tpu.memref_slice %arg6[%dma_wait3A_123, %dma_wait3A_124] : memref<16x128xi32, #tpu.memory_space<vmem>> -> memref<1x128xi32, #tpu.memory_space<vmem>>
      %dma_wait3A_126 = tpu.memref_squeeze %dma_wait3A_125 : memref<1x128xi32, #tpu.memory_space<vmem>> -> memref<128xi32, #tpu.memory_space<vmem>>
      %dma_wait3A_127 = arith.constant 0 : i32
      %dma_wait3A_128 = arith.constant 0 : i32
      %dma_wait3A_129 = tpu.memref_slice %arg2[%dma_wait3A_127, %dma_wait3A_128] : memref<10000x128xf32, #tpu.memory_space<hbm>> -> memref<10000x128xf32, #tpu.memory_space<hbm>>
      tpu.wait_indirect_dma semaphore(%arg12 : memref<!tpu.dma_semaphore, #tpu.memory_space<semaphore_mem>>) src(%dma_wait3A_129 : memref<10000x128xf32, #tpu.memory_space<hbm>>) dst(%arg9 : memref<128x128xf32, #tpu.memory_space<vmem>>)
      %run_scoped3A_130 = arith.constant 5 : i32
      "tpu.region"() ({
        %run_scoped3A_274 = tpu.sem_alloc : memref<!tpu.dma_semaphore, #tpu.memory_space<semaphore_mem>>
        %dma_start3A_275 = arith.constant 0 : i32
        %dma_start3A_276 = tpu.memref_slice %arg7[%run_scoped3A_130, %dma_start3A_275] : memref<16x128xi32, #tpu.memory_space<vmem>> -> memref<1x128xi32, #tpu.memory_space<vmem>>
        %dma_start3A_277 = tpu.memref_squeeze %dma_start3A_276 : memref<1x128xi32, #tpu.memory_space<vmem>> -> memref<128xi32, #tpu.memory_space<vmem>>
        %dma_start3A_278 = arith.constant 0 : i32
        %dma_start3A_279 = arith.constant 0 : i32
        %dma_start3A_280 = tpu.memref_slice %arg10[%dma_start3A_278, %dma_start3A_279] : memref<10240x128xf32, #tpu.memory_space<vmem_shared>> -> memref<10240x128xf32, #tpu.memory_space<vmem_shared>>
        tpu.enqueue_indirect_dma source(%arg9 : memref<128x128xf32, #tpu.memory_space<vmem>>) target(%dma_start3A_280 : memref<10240x128xf32, #tpu.memory_space<vmem_shared>>) offsets(%dma_start3A_277 : memref<128xi32, #tpu.memory_space<vmem>>) semaphore(%run_scoped3A_274 : memref<!tpu.dma_semaphore, #tpu.memory_space<semaphore_mem>>) {add = true}
        %dma_wait3A_281 = arith.constant 0 : i32
        %dma_wait3A_282 = tpu.memref_slice %arg7[%run_scoped3A_130, %dma_wait3A_281] : memref<16x128xi32, #tpu.memory_space<vmem>> -> memref<1x128xi32, #tpu.memory_space<vmem>>
        %dma_wait3A_283 = tpu.memref_squeeze %dma_wait3A_282 : memref<1x128xi32, #tpu.memory_space<vmem>> -> memref<128xi32, #tpu.memory_space<vmem>>
        %dma_wait3A_284 = arith.constant 0 : i32
        %dma_wait3A_285 = arith.constant 0 : i32
        %dma_wait3A_286 = tpu.memref_slice %arg10[%dma_wait3A_284, %dma_wait3A_285] : memref<10240x128xf32, #tpu.memory_space<vmem_shared>> -> memref<10240x128xf32, #tpu.memory_space<vmem_shared>>
        tpu.wait_indirect_dma semaphore(%run_scoped3A_274 : memref<!tpu.dma_semaphore, #tpu.memory_space<semaphore_mem>>) src(%arg9 : memref<128x128xf32, #tpu.memory_space<vmem>>) dst(%dma_wait3A_286 : memref<10240x128xf32, #tpu.memory_space<vmem_shared>>)
        tpu.yield
      }) : () -> ()
      %dma_start3A_131 = arith.constant 7 : i32
      %dma_start3A_132 = arith.constant 0 : i32
      %dma_start3A_133 = tpu.memref_slice %arg6[%dma_start3A_131, %dma_start3A_132] : memref<16x128xi32, #tpu.memory_space<vmem>> -> memref<1x128xi32, #tpu.memory_space<vmem>>
      %dma_start3A_134 = tpu.memref_squeeze %dma_start3A_133 : memref<1x128xi32, #tpu.memory_space<vmem>> -> memref<128xi32, #tpu.memory_space<vmem>>
      %dma_start3A_135 = arith.constant 0 : i32
      %dma_start3A_136 = arith.constant 0 : i32
      %dma_start3A_137 = tpu.memref_slice %arg2[%dma_start3A_135, %dma_start3A_136] : memref<10000x128xf32, #tpu.memory_space<hbm>> -> memref<10000x128xf32, #tpu.memory_space<hbm>>
      tpu.enqueue_indirect_dma source(%dma_start3A_137 : memref<10000x128xf32, #tpu.memory_space<hbm>>) target(%arg9 : memref<128x128xf32, #tpu.memory_space<vmem>>) offsets(%dma_start3A_134 : memref<128xi32, #tpu.memory_space<vmem>>) semaphore(%arg12 : memref<!tpu.dma_semaphore, #tpu.memory_space<semaphore_mem>>)
      %dma_wait3A_138 = arith.constant 6 : i32
      %dma_wait3A_139 = arith.constant 0 : i32
      %dma_wait3A_140 = tpu.memref_slice %arg6[%dma_wait3A_138, %dma_wait3A_139] : memref<16x128xi32, #tpu.memory_space<vmem>> -> memref<1x128xi32, #tpu.memory_space<vmem>>
      %dma_wait3A_141 = tpu.memref_squeeze %dma_wait3A_140 : memref<1x128xi32, #tpu.memory_space<vmem>> -> memref<128xi32, #tpu.memory_space<vmem>>
      %dma_wait3A_142 = arith.constant 0 : i32
      %dma_wait3A_143 = arith.constant 0 : i32
      %dma_wait3A_144 = tpu.memref_slice %arg2[%dma_wait3A_142, %dma_wait3A_143] : memref<10000x128xf32, #tpu.memory_space<hbm>> -> memref<10000x128xf32, #tpu.memory_space<hbm>>
      tpu.wait_indirect_dma semaphore(%arg11 : memref<!tpu.dma_semaphore, #tpu.memory_space<semaphore_mem>>) src(%dma_wait3A_144 : memref<10000x128xf32, #tpu.memory_space<hbm>>) dst(%arg8 : memref<128x128xf32, #tpu.memory_space<vmem>>)
      %run_scoped3A_145 = arith.constant 6 : i32
      "tpu.region"() ({
        %run_scoped3A_274 = tpu.sem_alloc : memref<!tpu.dma_semaphore, #tpu.memory_space<semaphore_mem>>
        %dma_start3A_275 = arith.constant 0 : i32
        %dma_start3A_276 = tpu.memref_slice %arg7[%run_scoped3A_145, %dma_start3A_275] : memref<16x128xi32, #tpu.memory_space<vmem>> -> memref<1x128xi32, #tpu.memory_space<vmem>>
        %dma_start3A_277 = tpu.memref_squeeze %dma_start3A_276 : memref<1x128xi32, #tpu.memory_space<vmem>> -> memref<128xi32, #tpu.memory_space<vmem>>
        %dma_start3A_278 = arith.constant 0 : i32
        %dma_start3A_279 = arith.constant 0 : i32
        %dma_start3A_280 = tpu.memref_slice %arg10[%dma_start3A_278, %dma_start3A_279] : memref<10240x128xf32, #tpu.memory_space<vmem_shared>> -> memref<10240x128xf32, #tpu.memory_space<vmem_shared>>
        tpu.enqueue_indirect_dma source(%arg8 : memref<128x128xf32, #tpu.memory_space<vmem>>) target(%dma_start3A_280 : memref<10240x128xf32, #tpu.memory_space<vmem_shared>>) offsets(%dma_start3A_277 : memref<128xi32, #tpu.memory_space<vmem>>) semaphore(%run_scoped3A_274 : memref<!tpu.dma_semaphore, #tpu.memory_space<semaphore_mem>>) {add = true}
        %dma_wait3A_281 = arith.constant 0 : i32
        %dma_wait3A_282 = tpu.memref_slice %arg7[%run_scoped3A_145, %dma_wait3A_281] : memref<16x128xi32, #tpu.memory_space<vmem>> -> memref<1x128xi32, #tpu.memory_space<vmem>>
        %dma_wait3A_283 = tpu.memref_squeeze %dma_wait3A_282 : memref<1x128xi32, #tpu.memory_space<vmem>> -> memref<128xi32, #tpu.memory_space<vmem>>
        %dma_wait3A_284 = arith.constant 0 : i32
        %dma_wait3A_285 = arith.constant 0 : i32
        %dma_wait3A_286 = tpu.memref_slice %arg10[%dma_wait3A_284, %dma_wait3A_285] : memref<10240x128xf32, #tpu.memory_space<vmem_shared>> -> memref<10240x128xf32, #tpu.memory_space<vmem_shared>>
        tpu.wait_indirect_dma semaphore(%run_scoped3A_274 : memref<!tpu.dma_semaphore, #tpu.memory_space<semaphore_mem>>) src(%arg8 : memref<128x128xf32, #tpu.memory_space<vmem>>) dst(%dma_wait3A_286 : memref<10240x128xf32, #tpu.memory_space<vmem_shared>>)
        tpu.yield
      }) : () -> ()
      %dma_start3A_146 = arith.constant 8 : i32
      %dma_start3A_147 = arith.constant 0 : i32
      %dma_start3A_148 = tpu.memref_slice %arg6[%dma_start3A_146, %dma_start3A_147] : memref<16x128xi32, #tpu.memory_space<vmem>> -> memref<1x128xi32, #tpu.memory_space<vmem>>
      %dma_start3A_149 = tpu.memref_squeeze %dma_start3A_148 : memref<1x128xi32, #tpu.memory_space<vmem>> -> memref<128xi32, #tpu.memory_space<vmem>>
      %dma_start3A_150 = arith.constant 0 : i32
      %dma_start3A_151 = arith.constant 0 : i32
      %dma_start3A_152 = tpu.memref_slice %arg2[%dma_start3A_150, %dma_start3A_151] : memref<10000x128xf32, #tpu.memory_space<hbm>> -> memref<10000x128xf32, #tpu.memory_space<hbm>>
      tpu.enqueue_indirect_dma source(%dma_start3A_152 : memref<10000x128xf32, #tpu.memory_space<hbm>>) target(%arg8 : memref<128x128xf32, #tpu.memory_space<vmem>>) offsets(%dma_start3A_149 : memref<128xi32, #tpu.memory_space<vmem>>) semaphore(%arg11 : memref<!tpu.dma_semaphore, #tpu.memory_space<semaphore_mem>>)
      %dma_wait3A_153 = arith.constant 7 : i32
      %dma_wait3A_154 = arith.constant 0 : i32
      %dma_wait3A_155 = tpu.memref_slice %arg6[%dma_wait3A_153, %dma_wait3A_154] : memref<16x128xi32, #tpu.memory_space<vmem>> -> memref<1x128xi32, #tpu.memory_space<vmem>>
      %dma_wait3A_156 = tpu.memref_squeeze %dma_wait3A_155 : memref<1x128xi32, #tpu.memory_space<vmem>> -> memref<128xi32, #tpu.memory_space<vmem>>
      %dma_wait3A_157 = arith.constant 0 : i32
      %dma_wait3A_158 = arith.constant 0 : i32
      %dma_wait3A_159 = tpu.memref_slice %arg2[%dma_wait3A_157, %dma_wait3A_158] : memref<10000x128xf32, #tpu.memory_space<hbm>> -> memref<10000x128xf32, #tpu.memory_space<hbm>>
      tpu.wait_indirect_dma semaphore(%arg12 : memref<!tpu.dma_semaphore, #tpu.memory_space<semaphore_mem>>) src(%dma_wait3A_159 : memref<10000x128xf32, #tpu.memory_space<hbm>>) dst(%arg9 : memref<128x128xf32, #tpu.memory_space<vmem>>)
      %run_scoped3A_160 = arith.constant 7 : i32
      "tpu.region"() ({
        %run_scoped3A_274 = tpu.sem_alloc : memref<!tpu.dma_semaphore, #tpu.memory_space<semaphore_mem>>
        %dma_start3A_275 = arith.constant 0 : i32
        %dma_start3A_276 = tpu.memref_slice %arg7[%run_scoped3A_160, %dma_start3A_275] : memref<16x128xi32, #tpu.memory_space<vmem>> -> memref<1x128xi32, #tpu.memory_space<vmem>>
        %dma_start3A_277 = tpu.memref_squeeze %dma_start3A_276 : memref<1x128xi32, #tpu.memory_space<vmem>> -> memref<128xi32, #tpu.memory_space<vmem>>
        %dma_start3A_278 = arith.constant 0 : i32
        %dma_start3A_279 = arith.constant 0 : i32
        %dma_start3A_280 = tpu.memref_slice %arg10[%dma_start3A_278, %dma_start3A_279] : memref<10240x128xf32, #tpu.memory_space<vmem_shared>> -> memref<10240x128xf32, #tpu.memory_space<vmem_shared>>
        tpu.enqueue_indirect_dma source(%arg9 : memref<128x128xf32, #tpu.memory_space<vmem>>) target(%dma_start3A_280 : memref<10240x128xf32, #tpu.memory_space<vmem_shared>>) offsets(%dma_start3A_277 : memref<128xi32, #tpu.memory_space<vmem>>) semaphore(%run_scoped3A_274 : memref<!tpu.dma_semaphore, #tpu.memory_space<semaphore_mem>>) {add = true}
        %dma_wait3A_281 = arith.constant 0 : i32
        %dma_wait3A_282 = tpu.memref_slice %arg7[%run_scoped3A_160, %dma_wait3A_281] : memref<16x128xi32, #tpu.memory_space<vmem>> -> memref<1x128xi32, #tpu.memory_space<vmem>>
        %dma_wait3A_283 = tpu.memref_squeeze %dma_wait3A_282 : memref<1x128xi32, #tpu.memory_space<vmem>> -> memref<128xi32, #tpu.memory_space<vmem>>
        %dma_wait3A_284 = arith.constant 0 : i32
        %dma_wait3A_285 = arith.constant 0 : i32
        %dma_wait3A_286 = tpu.memref_slice %arg10[%dma_wait3A_284, %dma_wait3A_285] : memref<10240x128xf32, #tpu.memory_space<vmem_shared>> -> memref<10240x128xf32, #tpu.memory_space<vmem_shared>>
        tpu.wait_indirect_dma semaphore(%run_scoped3A_274 : memref<!tpu.dma_semaphore, #tpu.memory_space<semaphore_mem>>) src(%arg9 : memref<128x128xf32, #tpu.memory_space<vmem>>) dst(%dma_wait3A_286 : memref<10240x128xf32, #tpu.memory_space<vmem_shared>>)
        tpu.yield
      }) : () -> ()
      %dma_start3A_161 = arith.constant 9 : i32
      %dma_start3A_162 = arith.constant 0 : i32
      %dma_start3A_163 = tpu.memref_slice %arg6[%dma_start3A_161, %dma_start3A_162] : memref<16x128xi32, #tpu.memory_space<vmem>> -> memref<1x128xi32, #tpu.memory_space<vmem>>
      %dma_start3A_164 = tpu.memref_squeeze %dma_start3A_163 : memref<1x128xi32, #tpu.memory_space<vmem>> -> memref<128xi32, #tpu.memory_space<vmem>>
      %dma_start3A_165 = arith.constant 0 : i32
      %dma_start3A_166 = arith.constant 0 : i32
      %dma_start3A_167 = tpu.memref_slice %arg2[%dma_start3A_165, %dma_start3A_166] : memref<10000x128xf32, #tpu.memory_space<hbm>> -> memref<10000x128xf32, #tpu.memory_space<hbm>>
      tpu.enqueue_indirect_dma source(%dma_start3A_167 : memref<10000x128xf32, #tpu.memory_space<hbm>>) target(%arg9 : memref<128x128xf32, #tpu.memory_space<vmem>>) offsets(%dma_start3A_164 : memref<128xi32, #tpu.memory_space<vmem>>) semaphore(%arg12 : memref<!tpu.dma_semaphore, #tpu.memory_space<semaphore_mem>>)
      %dma_wait3A_168 = arith.constant 8 : i32
      %dma_wait3A_169 = arith.constant 0 : i32
      %dma_wait3A_170 = tpu.memref_slice %arg6[%dma_wait3A_168, %dma_wait3A_169] : memref<16x128xi32, #tpu.memory_space<vmem>> -> memref<1x128xi32, #tpu.memory_space<vmem>>
      %dma_wait3A_171 = tpu.memref_squeeze %dma_wait3A_170 : memref<1x128xi32, #tpu.memory_space<vmem>> -> memref<128xi32, #tpu.memory_space<vmem>>
      %dma_wait3A_172 = arith.constant 0 : i32
      %dma_wait3A_173 = arith.constant 0 : i32
      %dma_wait3A_174 = tpu.memref_slice %arg2[%dma_wait3A_172, %dma_wait3A_173] : memref<10000x128xf32, #tpu.memory_space<hbm>> -> memref<10000x128xf32, #tpu.memory_space<hbm>>
      tpu.wait_indirect_dma semaphore(%arg11 : memref<!tpu.dma_semaphore, #tpu.memory_space<semaphore_mem>>) src(%dma_wait3A_174 : memref<10000x128xf32, #tpu.memory_space<hbm>>) dst(%arg8 : memref<128x128xf32, #tpu.memory_space<vmem>>)
      %run_scoped3A_175 = arith.constant 8 : i32
      "tpu.region"() ({
        %run_scoped3A_274 = tpu.sem_alloc : memref<!tpu.dma_semaphore, #tpu.memory_space<semaphore_mem>>
        %dma_start3A_275 = arith.constant 0 : i32
        %dma_start3A_276 = tpu.memref_slice %arg7[%run_scoped3A_175, %dma_start3A_275] : memref<16x128xi32, #tpu.memory_space<vmem>> -> memref<1x128xi32, #tpu.memory_space<vmem>>
        %dma_start3A_277 = tpu.memref_squeeze %dma_start3A_276 : memref<1x128xi32, #tpu.memory_space<vmem>> -> memref<128xi32, #tpu.memory_space<vmem>>
        %dma_start3A_278 = arith.constant 0 : i32
        %dma_start3A_279 = arith.constant 0 : i32
        %dma_start3A_280 = tpu.memref_slice %arg10[%dma_start3A_278, %dma_start3A_279] : memref<10240x128xf32, #tpu.memory_space<vmem_shared>> -> memref<10240x128xf32, #tpu.memory_space<vmem_shared>>
        tpu.enqueue_indirect_dma source(%arg8 : memref<128x128xf32, #tpu.memory_space<vmem>>) target(%dma_start3A_280 : memref<10240x128xf32, #tpu.memory_space<vmem_shared>>) offsets(%dma_start3A_277 : memref<128xi32, #tpu.memory_space<vmem>>) semaphore(%run_scoped3A_274 : memref<!tpu.dma_semaphore, #tpu.memory_space<semaphore_mem>>) {add = true}
        %dma_wait3A_281 = arith.constant 0 : i32
        %dma_wait3A_282 = tpu.memref_slice %arg7[%run_scoped3A_175, %dma_wait3A_281] : memref<16x128xi32, #tpu.memory_space<vmem>> -> memref<1x128xi32, #tpu.memory_space<vmem>>
        %dma_wait3A_283 = tpu.memref_squeeze %dma_wait3A_282 : memref<1x128xi32, #tpu.memory_space<vmem>> -> memref<128xi32, #tpu.memory_space<vmem>>
        %dma_wait3A_284 = arith.constant 0 : i32
        %dma_wait3A_285 = arith.constant 0 : i32
        %dma_wait3A_286 = tpu.memref_slice %arg10[%dma_wait3A_284, %dma_wait3A_285] : memref<10240x128xf32, #tpu.memory_space<vmem_shared>> -> memref<10240x128xf32, #tpu.memory_space<vmem_shared>>
        tpu.wait_indirect_dma semaphore(%run_scoped3A_274 : memref<!tpu.dma_semaphore, #tpu.memory_space<semaphore_mem>>) src(%arg8 : memref<128x128xf32, #tpu.memory_space<vmem>>) dst(%dma_wait3A_286 : memref<10240x128xf32, #tpu.memory_space<vmem_shared>>)
        tpu.yield
      }) : () -> ()
      %dma_start3A_176 = arith.constant 10 : i32
      %dma_start3A_177 = arith.constant 0 : i32
      %dma_start3A_178 = tpu.memref_slice %arg6[%dma_start3A_176, %dma_start3A_177] : memref<16x128xi32, #tpu.memory_space<vmem>> -> memref<1x128xi32, #tpu.memory_space<vmem>>
      %dma_start3A_179 = tpu.memref_squeeze %dma_start3A_178 : memref<1x128xi32, #tpu.memory_space<vmem>> -> memref<128xi32, #tpu.memory_space<vmem>>
      %dma_start3A_180 = arith.constant 0 : i32
      %dma_start3A_181 = arith.constant 0 : i32
      %dma_start3A_182 = tpu.memref_slice %arg2[%dma_start3A_180, %dma_start3A_181] : memref<10000x128xf32, #tpu.memory_space<hbm>> -> memref<10000x128xf32, #tpu.memory_space<hbm>>
      tpu.enqueue_indirect_dma source(%dma_start3A_182 : memref<10000x128xf32, #tpu.memory_space<hbm>>) target(%arg8 : memref<128x128xf32, #tpu.memory_space<vmem>>) offsets(%dma_start3A_179 : memref<128xi32, #tpu.memory_space<vmem>>) semaphore(%arg11 : memref<!tpu.dma_semaphore, #tpu.memory_space<semaphore_mem>>)
      %dma_wait3A_183 = arith.constant 9 : i32
      %dma_wait3A_184 = arith.constant 0 : i32
      %dma_wait3A_185 = tpu.memref_slice %arg6[%dma_wait3A_183, %dma_wait3A_184] : memref<16x128xi32, #tpu.memory_space<vmem>> -> memref<1x128xi32, #tpu.memory_space<vmem>>
      %dma_wait3A_186 = tpu.memref_squeeze %dma_wait3A_185 : memref<1x128xi32, #tpu.memory_space<vmem>> -> memref<128xi32, #tpu.memory_space<vmem>>
      %dma_wait3A_187 = arith.constant 0 : i32
      %dma_wait3A_188 = arith.constant 0 : i32
      %dma_wait3A_189 = tpu.memref_slice %arg2[%dma_wait3A_187, %dma_wait3A_188] : memref<10000x128xf32, #tpu.memory_space<hbm>> -> memref<10000x128xf32, #tpu.memory_space<hbm>>
      tpu.wait_indirect_dma semaphore(%arg12 : memref<!tpu.dma_semaphore, #tpu.memory_space<semaphore_mem>>) src(%dma_wait3A_189 : memref<10000x128xf32, #tpu.memory_space<hbm>>) dst(%arg9 : memref<128x128xf32, #tpu.memory_space<vmem>>)
      %run_scoped3A_190 = arith.constant 9 : i32
      "tpu.region"() ({
        %run_scoped3A_274 = tpu.sem_alloc : memref<!tpu.dma_semaphore, #tpu.memory_space<semaphore_mem>>
        %dma_start3A_275 = arith.constant 0 : i32
        %dma_start3A_276 = tpu.memref_slice %arg7[%run_scoped3A_190, %dma_start3A_275] : memref<16x128xi32, #tpu.memory_space<vmem>> -> memref<1x128xi32, #tpu.memory_space<vmem>>
        %dma_start3A_277 = tpu.memref_squeeze %dma_start3A_276 : memref<1x128xi32, #tpu.memory_space<vmem>> -> memref<128xi32, #tpu.memory_space<vmem>>
        %dma_start3A_278 = arith.constant 0 : i32
        %dma_start3A_279 = arith.constant 0 : i32
        %dma_start3A_280 = tpu.memref_slice %arg10[%dma_start3A_278, %dma_start3A_279] : memref<10240x128xf32, #tpu.memory_space<vmem_shared>> -> memref<10240x128xf32, #tpu.memory_space<vmem_shared>>
        tpu.enqueue_indirect_dma source(%arg9 : memref<128x128xf32, #tpu.memory_space<vmem>>) target(%dma_start3A_280 : memref<10240x128xf32, #tpu.memory_space<vmem_shared>>) offsets(%dma_start3A_277 : memref<128xi32, #tpu.memory_space<vmem>>) semaphore(%run_scoped3A_274 : memref<!tpu.dma_semaphore, #tpu.memory_space<semaphore_mem>>) {add = true}
        %dma_wait3A_281 = arith.constant 0 : i32
        %dma_wait3A_282 = tpu.memref_slice %arg7[%run_scoped3A_190, %dma_wait3A_281] : memref<16x128xi32, #tpu.memory_space<vmem>> -> memref<1x128xi32, #tpu.memory_space<vmem>>
        %dma_wait3A_283 = tpu.memref_squeeze %dma_wait3A_282 : memref<1x128xi32, #tpu.memory_space<vmem>> -> memref<128xi32, #tpu.memory_space<vmem>>
        %dma_wait3A_284 = arith.constant 0 : i32
        %dma_wait3A_285 = arith.constant 0 : i32
        %dma_wait3A_286 = tpu.memref_slice %arg10[%dma_wait3A_284, %dma_wait3A_285] : memref<10240x128xf32, #tpu.memory_space<vmem_shared>> -> memref<10240x128xf32, #tpu.memory_space<vmem_shared>>
        tpu.wait_indirect_dma semaphore(%run_scoped3A_274 : memref<!tpu.dma_semaphore, #tpu.memory_space<semaphore_mem>>) src(%arg9 : memref<128x128xf32, #tpu.memory_space<vmem>>) dst(%dma_wait3A_286 : memref<10240x128xf32, #tpu.memory_space<vmem_shared>>)
        tpu.yield
      }) : () -> ()
      %dma_start3A_191 = arith.constant 11 : i32
      %dma_start3A_192 = arith.constant 0 : i32
      %dma_start3A_193 = tpu.memref_slice %arg6[%dma_start3A_191, %dma_start3A_192] : memref<16x128xi32, #tpu.memory_space<vmem>> -> memref<1x128xi32, #tpu.memory_space<vmem>>
      %dma_start3A_194 = tpu.memref_squeeze %dma_start3A_193 : memref<1x128xi32, #tpu.memory_space<vmem>> -> memref<128xi32, #tpu.memory_space<vmem>>
      %dma_start3A_195 = arith.constant 0 : i32
      %dma_start3A_196 = arith.constant 0 : i32
      %dma_start3A_197 = tpu.memref_slice %arg2[%dma_start3A_195, %dma_start3A_196] : memref<10000x128xf32, #tpu.memory_space<hbm>> -> memref<10000x128xf32, #tpu.memory_space<hbm>>
      tpu.enqueue_indirect_dma source(%dma_start3A_197 : memref<10000x128xf32, #tpu.memory_space<hbm>>) target(%arg9 : memref<128x128xf32, #tpu.memory_space<vmem>>) offsets(%dma_start3A_194 : memref<128xi32, #tpu.memory_space<vmem>>) semaphore(%arg12 : memref<!tpu.dma_semaphore, #tpu.memory_space<semaphore_mem>>)
      %dma_wait3A_198 = arith.constant 10 : i32
      %dma_wait3A_199 = arith.constant 0 : i32
      %dma_wait3A_200 = tpu.memref_slice %arg6[%dma_wait3A_198, %dma_wait3A_199] : memref<16x128xi32, #tpu.memory_space<vmem>> -> memref<1x128xi32, #tpu.memory_space<vmem>>
      %dma_wait3A_201 = tpu.memref_squeeze %dma_wait3A_200 : memref<1x128xi32, #tpu.memory_space<vmem>> -> memref<128xi32, #tpu.memory_space<vmem>>
      %dma_wait3A_202 = arith.constant 0 : i32
      %dma_wait3A_203 = arith.constant 0 : i32
      %dma_wait3A_204 = tpu.memref_slice %arg2[%dma_wait3A_202, %dma_wait3A_203] : memref<10000x128xf32, #tpu.memory_space<hbm>> -> memref<10000x128xf32, #tpu.memory_space<hbm>>
      tpu.wait_indirect_dma semaphore(%arg11 : memref<!tpu.dma_semaphore, #tpu.memory_space<semaphore_mem>>) src(%dma_wait3A_204 : memref<10000x128xf32, #tpu.memory_space<hbm>>) dst(%arg8 : memref<128x128xf32, #tpu.memory_space<vmem>>)
      %run_scoped3A_205 = arith.constant 10 : i32
      "tpu.region"() ({
        %run_scoped3A_274 = tpu.sem_alloc : memref<!tpu.dma_semaphore, #tpu.memory_space<semaphore_mem>>
        %dma_start3A_275 = arith.constant 0 : i32
        %dma_start3A_276 = tpu.memref_slice %arg7[%run_scoped3A_205, %dma_start3A_275] : memref<16x128xi32, #tpu.memory_space<vmem>> -> memref<1x128xi32, #tpu.memory_space<vmem>>
        %dma_start3A_277 = tpu.memref_squeeze %dma_start3A_276 : memref<1x128xi32, #tpu.memory_space<vmem>> -> memref<128xi32, #tpu.memory_space<vmem>>
        %dma_start3A_278 = arith.constant 0 : i32
        %dma_start3A_279 = arith.constant 0 : i32
        %dma_start3A_280 = tpu.memref_slice %arg10[%dma_start3A_278, %dma_start3A_279] : memref<10240x128xf32, #tpu.memory_space<vmem_shared>> -> memref<10240x128xf32, #tpu.memory_space<vmem_shared>>
        tpu.enqueue_indirect_dma source(%arg8 : memref<128x128xf32, #tpu.memory_space<vmem>>) target(%dma_start3A_280 : memref<10240x128xf32, #tpu.memory_space<vmem_shared>>) offsets(%dma_start3A_277 : memref<128xi32, #tpu.memory_space<vmem>>) semaphore(%run_scoped3A_274 : memref<!tpu.dma_semaphore, #tpu.memory_space<semaphore_mem>>) {add = true}
        %dma_wait3A_281 = arith.constant 0 : i32
        %dma_wait3A_282 = tpu.memref_slice %arg7[%run_scoped3A_205, %dma_wait3A_281] : memref<16x128xi32, #tpu.memory_space<vmem>> -> memref<1x128xi32, #tpu.memory_space<vmem>>
        %dma_wait3A_283 = tpu.memref_squeeze %dma_wait3A_282 : memref<1x128xi32, #tpu.memory_space<vmem>> -> memref<128xi32, #tpu.memory_space<vmem>>
        %dma_wait3A_284 = arith.constant 0 : i32
        %dma_wait3A_285 = arith.constant 0 : i32
        %dma_wait3A_286 = tpu.memref_slice %arg10[%dma_wait3A_284, %dma_wait3A_285] : memref<10240x128xf32, #tpu.memory_space<vmem_shared>> -> memref<10240x128xf32, #tpu.memory_space<vmem_shared>>
        tpu.wait_indirect_dma semaphore(%run_scoped3A_274 : memref<!tpu.dma_semaphore, #tpu.memory_space<semaphore_mem>>) src(%arg8 : memref<128x128xf32, #tpu.memory_space<vmem>>) dst(%dma_wait3A_286 : memref<10240x128xf32, #tpu.memory_space<vmem_shared>>)
        tpu.yield
      }) : () -> ()
      %dma_start3A_206 = arith.constant 12 : i32
      %dma_start3A_207 = arith.constant 0 : i32
      %dma_start3A_208 = tpu.memref_slice %arg6[%dma_start3A_206, %dma_start3A_207] : memref<16x128xi32, #tpu.memory_space<vmem>> -> memref<1x128xi32, #tpu.memory_space<vmem>>
      %dma_start3A_209 = tpu.memref_squeeze %dma_start3A_208 : memref<1x128xi32, #tpu.memory_space<vmem>> -> memref<128xi32, #tpu.memory_space<vmem>>
      %dma_start3A_210 = arith.constant 0 : i32
      %dma_start3A_211 = arith.constant 0 : i32
      %dma_start3A_212 = tpu.memref_slice %arg2[%dma_start3A_210, %dma_start3A_211] : memref<10000x128xf32, #tpu.memory_space<hbm>> -> memref<10000x128xf32, #tpu.memory_space<hbm>>
      tpu.enqueue_indirect_dma source(%dma_start3A_212 : memref<10000x128xf32, #tpu.memory_space<hbm>>) target(%arg8 : memref<128x128xf32, #tpu.memory_space<vmem>>) offsets(%dma_start3A_209 : memref<128xi32, #tpu.memory_space<vmem>>) semaphore(%arg11 : memref<!tpu.dma_semaphore, #tpu.memory_space<semaphore_mem>>)
      %dma_wait3A_213 = arith.constant 11 : i32
      %dma_wait3A_214 = arith.constant 0 : i32
      %dma_wait3A_215 = tpu.memref_slice %arg6[%dma_wait3A_213, %dma_wait3A_214] : memref<16x128xi32, #tpu.memory_space<vmem>> -> memref<1x128xi32, #tpu.memory_space<vmem>>
      %dma_wait3A_216 = tpu.memref_squeeze %dma_wait3A_215 : memref<1x128xi32, #tpu.memory_space<vmem>> -> memref<128xi32, #tpu.memory_space<vmem>>
      %dma_wait3A_217 = arith.constant 0 : i32
      %dma_wait3A_218 = arith.constant 0 : i32
      %dma_wait3A_219 = tpu.memref_slice %arg2[%dma_wait3A_217, %dma_wait3A_218] : memref<10000x128xf32, #tpu.memory_space<hbm>> -> memref<10000x128xf32, #tpu.memory_space<hbm>>
      tpu.wait_indirect_dma semaphore(%arg12 : memref<!tpu.dma_semaphore, #tpu.memory_space<semaphore_mem>>) src(%dma_wait3A_219 : memref<10000x128xf32, #tpu.memory_space<hbm>>) dst(%arg9 : memref<128x128xf32, #tpu.memory_space<vmem>>)
      %run_scoped3A_220 = arith.constant 11 : i32
      "tpu.region"() ({
        %run_scoped3A_274 = tpu.sem_alloc : memref<!tpu.dma_semaphore, #tpu.memory_space<semaphore_mem>>
        %dma_start3A_275 = arith.constant 0 : i32
        %dma_start3A_276 = tpu.memref_slice %arg7[%run_scoped3A_220, %dma_start3A_275] : memref<16x128xi32, #tpu.memory_space<vmem>> -> memref<1x128xi32, #tpu.memory_space<vmem>>
        %dma_start3A_277 = tpu.memref_squeeze %dma_start3A_276 : memref<1x128xi32, #tpu.memory_space<vmem>> -> memref<128xi32, #tpu.memory_space<vmem>>
        %dma_start3A_278 = arith.constant 0 : i32
        %dma_start3A_279 = arith.constant 0 : i32
        %dma_start3A_280 = tpu.memref_slice %arg10[%dma_start3A_278, %dma_start3A_279] : memref<10240x128xf32, #tpu.memory_space<vmem_shared>> -> memref<10240x128xf32, #tpu.memory_space<vmem_shared>>
        tpu.enqueue_indirect_dma source(%arg9 : memref<128x128xf32, #tpu.memory_space<vmem>>) target(%dma_start3A_280 : memref<10240x128xf32, #tpu.memory_space<vmem_shared>>) offsets(%dma_start3A_277 : memref<128xi32, #tpu.memory_space<vmem>>) semaphore(%run_scoped3A_274 : memref<!tpu.dma_semaphore, #tpu.memory_space<semaphore_mem>>) {add = true}
        %dma_wait3A_281 = arith.constant 0 : i32
        %dma_wait3A_282 = tpu.memref_slice %arg7[%run_scoped3A_220, %dma_wait3A_281] : memref<16x128xi32, #tpu.memory_space<vmem>> -> memref<1x128xi32, #tpu.memory_space<vmem>>
        %dma_wait3A_283 = tpu.memref_squeeze %dma_wait3A_282 : memref<1x128xi32, #tpu.memory_space<vmem>> -> memref<128xi32, #tpu.memory_space<vmem>>
        %dma_wait3A_284 = arith.constant 0 : i32
        %dma_wait3A_285 = arith.constant 0 : i32
        %dma_wait3A_286 = tpu.memref_slice %arg10[%dma_wait3A_284, %dma_wait3A_285] : memref<10240x128xf32, #tpu.memory_space<vmem_shared>> -> memref<10240x128xf32, #tpu.memory_space<vmem_shared>>
        tpu.wait_indirect_dma semaphore(%run_scoped3A_274 : memref<!tpu.dma_semaphore, #tpu.memory_space<semaphore_mem>>) src(%arg9 : memref<128x128xf32, #tpu.memory_space<vmem>>) dst(%dma_wait3A_286 : memref<10240x128xf32, #tpu.memory_space<vmem_shared>>)
        tpu.yield
      }) : () -> ()
      %dma_start3A_221 = arith.constant 13 : i32
      %dma_start3A_222 = arith.constant 0 : i32
      %dma_start3A_223 = tpu.memref_slice %arg6[%dma_start3A_221, %dma_start3A_222] : memref<16x128xi32, #tpu.memory_space<vmem>> -> memref<1x128xi32, #tpu.memory_space<vmem>>
      %dma_start3A_224 = tpu.memref_squeeze %dma_start3A_223 : memref<1x128xi32, #tpu.memory_space<vmem>> -> memref<128xi32, #tpu.memory_space<vmem>>
      %dma_start3A_225 = arith.constant 0 : i32
      %dma_start3A_226 = arith.constant 0 : i32
      %dma_start3A_227 = tpu.memref_slice %arg2[%dma_start3A_225, %dma_start3A_226] : memref<10000x128xf32, #tpu.memory_space<hbm>> -> memref<10000x128xf32, #tpu.memory_space<hbm>>
      tpu.enqueue_indirect_dma source(%dma_start3A_227 : memref<10000x128xf32, #tpu.memory_space<hbm>>) target(%arg9 : memref<128x128xf32, #tpu.memory_space<vmem>>) offsets(%dma_start3A_224 : memref<128xi32, #tpu.memory_space<vmem>>) semaphore(%arg12 : memref<!tpu.dma_semaphore, #tpu.memory_space<semaphore_mem>>)
      %dma_wait3A_228 = arith.constant 12 : i32
      %dma_wait3A_229 = arith.constant 0 : i32
      %dma_wait3A_230 = tpu.memref_slice %arg6[%dma_wait3A_228, %dma_wait3A_229] : memref<16x128xi32, #tpu.memory_space<vmem>> -> memref<1x128xi32, #tpu.memory_space<vmem>>
      %dma_wait3A_231 = tpu.memref_squeeze %dma_wait3A_230 : memref<1x128xi32, #tpu.memory_space<vmem>> -> memref<128xi32, #tpu.memory_space<vmem>>
      %dma_wait3A_232 = arith.constant 0 : i32
      %dma_wait3A_233 = arith.constant 0 : i32
      %dma_wait3A_234 = tpu.memref_slice %arg2[%dma_wait3A_232, %dma_wait3A_233] : memref<10000x128xf32, #tpu.memory_space<hbm>> -> memref<10000x128xf32, #tpu.memory_space<hbm>>
      tpu.wait_indirect_dma semaphore(%arg11 : memref<!tpu.dma_semaphore, #tpu.memory_space<semaphore_mem>>) src(%dma_wait3A_234 : memref<10000x128xf32, #tpu.memory_space<hbm>>) dst(%arg8 : memref<128x128xf32, #tpu.memory_space<vmem>>)
      %run_scoped3A_235 = arith.constant 12 : i32
      "tpu.region"() ({
        %run_scoped3A_274 = tpu.sem_alloc : memref<!tpu.dma_semaphore, #tpu.memory_space<semaphore_mem>>
        %dma_start3A_275 = arith.constant 0 : i32
        %dma_start3A_276 = tpu.memref_slice %arg7[%run_scoped3A_235, %dma_start3A_275] : memref<16x128xi32, #tpu.memory_space<vmem>> -> memref<1x128xi32, #tpu.memory_space<vmem>>
        %dma_start3A_277 = tpu.memref_squeeze %dma_start3A_276 : memref<1x128xi32, #tpu.memory_space<vmem>> -> memref<128xi32, #tpu.memory_space<vmem>>
        %dma_start3A_278 = arith.constant 0 : i32
        %dma_start3A_279 = arith.constant 0 : i32
        %dma_start3A_280 = tpu.memref_slice %arg10[%dma_start3A_278, %dma_start3A_279] : memref<10240x128xf32, #tpu.memory_space<vmem_shared>> -> memref<10240x128xf32, #tpu.memory_space<vmem_shared>>
        tpu.enqueue_indirect_dma source(%arg8 : memref<128x128xf32, #tpu.memory_space<vmem>>) target(%dma_start3A_280 : memref<10240x128xf32, #tpu.memory_space<vmem_shared>>) offsets(%dma_start3A_277 : memref<128xi32, #tpu.memory_space<vmem>>) semaphore(%run_scoped3A_274 : memref<!tpu.dma_semaphore, #tpu.memory_space<semaphore_mem>>) {add = true}
        %dma_wait3A_281 = arith.constant 0 : i32
        %dma_wait3A_282 = tpu.memref_slice %arg7[%run_scoped3A_235, %dma_wait3A_281] : memref<16x128xi32, #tpu.memory_space<vmem>> -> memref<1x128xi32, #tpu.memory_space<vmem>>
        %dma_wait3A_283 = tpu.memref_squeeze %dma_wait3A_282 : memref<1x128xi32, #tpu.memory_space<vmem>> -> memref<128xi32, #tpu.memory_space<vmem>>
        %dma_wait3A_284 = arith.constant 0 : i32
        %dma_wait3A_285 = arith.constant 0 : i32
        %dma_wait3A_286 = tpu.memref_slice %arg10[%dma_wait3A_284, %dma_wait3A_285] : memref<10240x128xf32, #tpu.memory_space<vmem_shared>> -> memref<10240x128xf32, #tpu.memory_space<vmem_shared>>
        tpu.wait_indirect_dma semaphore(%run_scoped3A_274 : memref<!tpu.dma_semaphore, #tpu.memory_space<semaphore_mem>>) src(%arg8 : memref<128x128xf32, #tpu.memory_space<vmem>>) dst(%dma_wait3A_286 : memref<10240x128xf32, #tpu.memory_space<vmem_shared>>)
        tpu.yield
      }) : () -> ()
      %dma_start3A_236 = arith.constant 14 : i32
      %dma_start3A_237 = arith.constant 0 : i32
      %dma_start3A_238 = tpu.memref_slice %arg6[%dma_start3A_236, %dma_start3A_237] : memref<16x128xi32, #tpu.memory_space<vmem>> -> memref<1x128xi32, #tpu.memory_space<vmem>>
      %dma_start3A_239 = tpu.memref_squeeze %dma_start3A_238 : memref<1x128xi32, #tpu.memory_space<vmem>> -> memref<128xi32, #tpu.memory_space<vmem>>
      %dma_start3A_240 = arith.constant 0 : i32
      %dma_start3A_241 = arith.constant 0 : i32
      %dma_start3A_242 = tpu.memref_slice %arg2[%dma_start3A_240, %dma_start3A_241] : memref<10000x128xf32, #tpu.memory_space<hbm>> -> memref<10000x128xf32, #tpu.memory_space<hbm>>
      tpu.enqueue_indirect_dma source(%dma_start3A_242 : memref<10000x128xf32, #tpu.memory_space<hbm>>) target(%arg8 : memref<128x128xf32, #tpu.memory_space<vmem>>) offsets(%dma_start3A_239 : memref<128xi32, #tpu.memory_space<vmem>>) semaphore(%arg11 : memref<!tpu.dma_semaphore, #tpu.memory_space<semaphore_mem>>)
      %dma_wait3A_243 = arith.constant 13 : i32
      %dma_wait3A_244 = arith.constant 0 : i32
      %dma_wait3A_245 = tpu.memref_slice %arg6[%dma_wait3A_243, %dma_wait3A_244] : memref<16x128xi32, #tpu.memory_space<vmem>> -> memref<1x128xi32, #tpu.memory_space<vmem>>
      %dma_wait3A_246 = tpu.memref_squeeze %dma_wait3A_245 : memref<1x128xi32, #tpu.memory_space<vmem>> -> memref<128xi32, #tpu.memory_space<vmem>>
      %dma_wait3A_247 = arith.constant 0 : i32
      %dma_wait3A_248 = arith.constant 0 : i32
      %dma_wait3A_249 = tpu.memref_slice %arg2[%dma_wait3A_247, %dma_wait3A_248] : memref<10000x128xf32, #tpu.memory_space<hbm>> -> memref<10000x128xf32, #tpu.memory_space<hbm>>
      tpu.wait_indirect_dma semaphore(%arg12 : memref<!tpu.dma_semaphore, #tpu.memory_space<semaphore_mem>>) src(%dma_wait3A_249 : memref<10000x128xf32, #tpu.memory_space<hbm>>) dst(%arg9 : memref<128x128xf32, #tpu.memory_space<vmem>>)
      %run_scoped3A_250 = arith.constant 13 : i32
      "tpu.region"() ({
        %run_scoped3A_274 = tpu.sem_alloc : memref<!tpu.dma_semaphore, #tpu.memory_space<semaphore_mem>>
        %dma_start3A_275 = arith.constant 0 : i32
        %dma_start3A_276 = tpu.memref_slice %arg7[%run_scoped3A_250, %dma_start3A_275] : memref<16x128xi32, #tpu.memory_space<vmem>> -> memref<1x128xi32, #tpu.memory_space<vmem>>
        %dma_start3A_277 = tpu.memref_squeeze %dma_start3A_276 : memref<1x128xi32, #tpu.memory_space<vmem>> -> memref<128xi32, #tpu.memory_space<vmem>>
        %dma_start3A_278 = arith.constant 0 : i32
        %dma_start3A_279 = arith.constant 0 : i32
        %dma_start3A_280 = tpu.memref_slice %arg10[%dma_start3A_278, %dma_start3A_279] : memref<10240x128xf32, #tpu.memory_space<vmem_shared>> -> memref<10240x128xf32, #tpu.memory_space<vmem_shared>>
        tpu.enqueue_indirect_dma source(%arg9 : memref<128x128xf32, #tpu.memory_space<vmem>>) target(%dma_start3A_280 : memref<10240x128xf32, #tpu.memory_space<vmem_shared>>) offsets(%dma_start3A_277 : memref<128xi32, #tpu.memory_space<vmem>>) semaphore(%run_scoped3A_274 : memref<!tpu.dma_semaphore, #tpu.memory_space<semaphore_mem>>) {add = true}
        %dma_wait3A_281 = arith.constant 0 : i32
        %dma_wait3A_282 = tpu.memref_slice %arg7[%run_scoped3A_250, %dma_wait3A_281] : memref<16x128xi32, #tpu.memory_space<vmem>> -> memref<1x128xi32, #tpu.memory_space<vmem>>
        %dma_wait3A_283 = tpu.memref_squeeze %dma_wait3A_282 : memref<1x128xi32, #tpu.memory_space<vmem>> -> memref<128xi32, #tpu.memory_space<vmem>>
        %dma_wait3A_284 = arith.constant 0 : i32
        %dma_wait3A_285 = arith.constant 0 : i32
        %dma_wait3A_286 = tpu.memref_slice %arg10[%dma_wait3A_284, %dma_wait3A_285] : memref<10240x128xf32, #tpu.memory_space<vmem_shared>> -> memref<10240x128xf32, #tpu.memory_space<vmem_shared>>
        tpu.wait_indirect_dma semaphore(%run_scoped3A_274 : memref<!tpu.dma_semaphore, #tpu.memory_space<semaphore_mem>>) src(%arg9 : memref<128x128xf32, #tpu.memory_space<vmem>>) dst(%dma_wait3A_286 : memref<10240x128xf32, #tpu.memory_space<vmem_shared>>)
        tpu.yield
      }) : () -> ()
      %dma_start3A_251 = arith.constant 15 : i32
      %dma_start3A_252 = arith.constant 0 : i32
      %dma_start3A_253 = tpu.memref_slice %arg6[%dma_start3A_251, %dma_start3A_252] : memref<16x128xi32, #tpu.memory_space<vmem>> -> memref<1x128xi32, #tpu.memory_space<vmem>>
      %dma_start3A_254 = tpu.memref_squeeze %dma_start3A_253 : memref<1x128xi32, #tpu.memory_space<vmem>> -> memref<128xi32, #tpu.memory_space<vmem>>
      %dma_start3A_255 = arith.constant 0 : i32
      %dma_start3A_256 = arith.constant 0 : i32
      %dma_start3A_257 = tpu.memref_slice %arg2[%dma_start3A_255, %dma_start3A_256] : memref<10000x128xf32, #tpu.memory_space<hbm>> -> memref<10000x128xf32, #tpu.memory_space<hbm>>
      tpu.enqueue_indirect_dma source(%dma_start3A_257 : memref<10000x128xf32, #tpu.memory_space<hbm>>) target(%arg9 : memref<128x128xf32, #tpu.memory_space<vmem>>) offsets(%dma_start3A_254 : memref<128xi32, #tpu.memory_space<vmem>>) semaphore(%arg12 : memref<!tpu.dma_semaphore, #tpu.memory_space<semaphore_mem>>)
      %dma_wait3A_258 = arith.constant 14 : i32
      %dma_wait3A_259 = arith.constant 0 : i32
      %dma_wait3A_260 = tpu.memref_slice %arg6[%dma_wait3A_258, %dma_wait3A_259] : memref<16x128xi32, #tpu.memory_space<vmem>> -> memref<1x128xi32, #tpu.memory_space<vmem>>
      %dma_wait3A_261 = tpu.memref_squeeze %dma_wait3A_260 : memref<1x128xi32, #tpu.memory_space<vmem>> -> memref<128xi32, #tpu.memory_space<vmem>>
      %dma_wait3A_262 = arith.constant 0 : i32
      %dma_wait3A_263 = arith.constant 0 : i32
      %dma_wait3A_264 = tpu.memref_slice %arg2[%dma_wait3A_262, %dma_wait3A_263] : memref<10000x128xf32, #tpu.memory_space<hbm>> -> memref<10000x128xf32, #tpu.memory_space<hbm>>
      tpu.wait_indirect_dma semaphore(%arg11 : memref<!tpu.dma_semaphore, #tpu.memory_space<semaphore_mem>>) src(%dma_wait3A_264 : memref<10000x128xf32, #tpu.memory_space<hbm>>) dst(%arg8 : memref<128x128xf32, #tpu.memory_space<vmem>>)
      %run_scoped3A_265 = arith.constant 14 : i32
      "tpu.region"() ({
        %run_scoped3A_274 = tpu.sem_alloc : memref<!tpu.dma_semaphore, #tpu.memory_space<semaphore_mem>>
        %dma_start3A_275 = arith.constant 0 : i32
        %dma_start3A_276 = tpu.memref_slice %arg7[%run_scoped3A_265, %dma_start3A_275] : memref<16x128xi32, #tpu.memory_space<vmem>> -> memref<1x128xi32, #tpu.memory_space<vmem>>
        %dma_start3A_277 = tpu.memref_squeeze %dma_start3A_276 : memref<1x128xi32, #tpu.memory_space<vmem>> -> memref<128xi32, #tpu.memory_space<vmem>>
        %dma_start3A_278 = arith.constant 0 : i32
        %dma_start3A_279 = arith.constant 0 : i32
        %dma_start3A_280 = tpu.memref_slice %arg10[%dma_start3A_278, %dma_start3A_279] : memref<10240x128xf32, #tpu.memory_space<vmem_shared>> -> memref<10240x128xf32, #tpu.memory_space<vmem_shared>>
        tpu.enqueue_indirect_dma source(%arg8 : memref<128x128xf32, #tpu.memory_space<vmem>>) target(%dma_start3A_280 : memref<10240x128xf32, #tpu.memory_space<vmem_shared>>) offsets(%dma_start3A_277 : memref<128xi32, #tpu.memory_space<vmem>>) semaphore(%run_scoped3A_274 : memref<!tpu.dma_semaphore, #tpu.memory_space<semaphore_mem>>) {add = true}
        %dma_wait3A_281 = arith.constant 0 : i32
        %dma_wait3A_282 = tpu.memref_slice %arg7[%run_scoped3A_265, %dma_wait3A_281] : memref<16x128xi32, #tpu.memory_space<vmem>> -> memref<1x128xi32, #tpu.memory_space<vmem>>
        %dma_wait3A_283 = tpu.memref_squeeze %dma_wait3A_282 : memref<1x128xi32, #tpu.memory_space<vmem>> -> memref<128xi32, #tpu.memory_space<vmem>>
        %dma_wait3A_284 = arith.constant 0 : i32
        %dma_wait3A_285 = arith.constant 0 : i32
        %dma_wait3A_286 = tpu.memref_slice %arg10[%dma_wait3A_284, %dma_wait3A_285] : memref<10240x128xf32, #tpu.memory_space<vmem_shared>> -> memref<10240x128xf32, #tpu.memory_space<vmem_shared>>
        tpu.wait_indirect_dma semaphore(%run_scoped3A_274 : memref<!tpu.dma_semaphore, #tpu.memory_space<semaphore_mem>>) src(%arg8 : memref<128x128xf32, #tpu.memory_space<vmem>>) dst(%dma_wait3A_286 : memref<10240x128xf32, #tpu.memory_space<vmem_shared>>)
        tpu.yield
      }) : () -> ()
      %dma_wait3A_266 = arith.constant 15 : i32
      %dma_wait3A_267 = arith.constant 0 : i32
      %dma_wait3A_268 = tpu.memref_slice %arg6[%dma_wait3A_266, %dma_wait3A_267] : memref<16x128xi32, #tpu.memory_space<vmem>> -> memref<1x128xi32, #tpu.memory_space<vmem>>
      %dma_wait3A_269 = tpu.memref_squeeze %dma_wait3A_268 : memref<1x128xi32, #tpu.memory_space<vmem>> -> memref<128xi32, #tpu.memory_space<vmem>>
      %dma_wait3A_270 = arith.constant 0 : i32
      %dma_wait3A_271 = arith.constant 0 : i32
      %dma_wait3A_272 = tpu.memref_slice %arg2[%dma_wait3A_270, %dma_wait3A_271] : memref<10000x128xf32, #tpu.memory_space<hbm>> -> memref<10000x128xf32, #tpu.memory_space<hbm>>
      tpu.wait_indirect_dma semaphore(%arg12 : memref<!tpu.dma_semaphore, #tpu.memory_space<semaphore_mem>>) src(%dma_wait3A_272 : memref<10000x128xf32, #tpu.memory_space<hbm>>) dst(%arg9 : memref<128x128xf32, #tpu.memory_space<vmem>>)
      %run_scoped3A_273 = arith.constant 15 : i32
      "tpu.region"() ({
        %run_scoped3A_274 = tpu.sem_alloc : memref<!tpu.dma_semaphore, #tpu.memory_space<semaphore_mem>>
        %dma_start3A_275 = arith.constant 0 : i32
        %dma_start3A_276 = tpu.memref_slice %arg7[%run_scoped3A_273, %dma_start3A_275] : memref<16x128xi32, #tpu.memory_space<vmem>> -> memref<1x128xi32, #tpu.memory_space<vmem>>
        %dma_start3A_277 = tpu.memref_squeeze %dma_start3A_276 : memref<1x128xi32, #tpu.memory_space<vmem>> -> memref<128xi32, #tpu.memory_space<vmem>>
        %dma_start3A_278 = arith.constant 0 : i32
        %dma_start3A_279 = arith.constant 0 : i32
        %dma_start3A_280 = tpu.memref_slice %arg10[%dma_start3A_278, %dma_start3A_279] : memref<10240x128xf32, #tpu.memory_space<vmem_shared>> -> memref<10240x128xf32, #tpu.memory_space<vmem_shared>>
        tpu.enqueue_indirect_dma source(%arg9 : memref<128x128xf32, #tpu.memory_space<vmem>>) target(%dma_start3A_280 : memref<10240x128xf32, #tpu.memory_space<vmem_shared>>) offsets(%dma_start3A_277 : memref<128xi32, #tpu.memory_space<vmem>>) semaphore(%run_scoped3A_274 : memref<!tpu.dma_semaphore, #tpu.memory_space<semaphore_mem>>) {add = true}
        %dma_wait3A_281 = arith.constant 0 : i32
        %dma_wait3A_282 = tpu.memref_slice %arg7[%run_scoped3A_273, %dma_wait3A_281] : memref<16x128xi32, #tpu.memory_space<vmem>> -> memref<1x128xi32, #tpu.memory_space<vmem>>
        %dma_wait3A_283 = tpu.memref_squeeze %dma_wait3A_282 : memref<1x128xi32, #tpu.memory_space<vmem>> -> memref<128xi32, #tpu.memory_space<vmem>>
        %dma_wait3A_284 = arith.constant 0 : i32
        %dma_wait3A_285 = arith.constant 0 : i32
        %dma_wait3A_286 = tpu.memref_slice %arg10[%dma_wait3A_284, %dma_wait3A_285] : memref<10240x128xf32, #tpu.memory_space<vmem_shared>> -> memref<10240x128xf32, #tpu.memory_space<vmem_shared>>
        tpu.wait_indirect_dma semaphore(%run_scoped3A_274 : memref<!tpu.dma_semaphore, #tpu.memory_space<semaphore_mem>>) src(%arg9 : memref<128x128xf32, #tpu.memory_space<vmem>>) dst(%dma_wait3A_286 : memref<10240x128xf32, #tpu.memory_space<vmem_shared>>)
        tpu.yield
      }) : () -> ()
    }
    %scan3A_17 = arith.constant 5 : i32
    %barrier3A_18 = arith.constant 0 : index
    tpu.barrier barrier_id(%barrier3A_18)
    %mul3A_19 = arith.constant 640 : i32
    %mul3A_20 = arith.muli %arg1, %mul3A_19 : i32
    %mul3A_21 = arith.constant 10240 : i32
    %mul3A_22 = arith.muli %arg0, %mul3A_21 : i32
    %mul3A_23 = arith.constant 640 : i32
    %mul3A_24 = arith.muli %arg1, %mul3A_23 : i32
    %add3A_25 = arith.addi %mul3A_22, %mul3A_24 : i32
    "tpu.region"() ({
      %run_scoped3A = tpu.sem_alloc : memref<!tpu.dma_semaphore, #tpu.memory_space<semaphore_mem>>
      %dma_start3A = arith.constant 0 : i32
      %dma_start3A_26 = tpu.memref_slice %arg5[%add3A_25, %dma_start3A] : memref<20480x128xf32, #tpu.memory_space<hbm>> -> memref<640x128xf32, #tpu.memory_space<hbm>>
      %dma_start3A_27 = arith.constant 0 : i32
      %dma_start3A_28 = tpu.memref_slice %arg10[%mul3A_20, %dma_start3A_27] : memref<10240x128xf32, #tpu.memory_space<vmem_shared>> -> memref<640x128xf32, #tpu.memory_space<vmem_shared>>
      tpu.enqueue_dma source(%dma_start3A_28 : memref<640x128xf32, #tpu.memory_space<vmem_shared>>) target(%dma_start3A_26 : memref<640x128xf32, #tpu.memory_space<hbm>>) target_semaphore(%run_scoped3A : memref<!tpu.dma_semaphore, #tpu.memory_space<semaphore_mem>>)
      %dma_wait3A = arith.constant 0 : i32
      %dma_wait3A_29 = tpu.memref_slice %arg5[%add3A_25, %dma_wait3A] : memref<20480x128xf32, #tpu.memory_space<hbm>> -> memref<640x128xf32, #tpu.memory_space<hbm>>
      %dma_wait3A_30 = arith.constant 0 : i32
      %dma_wait3A_31 = tpu.memref_slice %arg10[%mul3A_20, %dma_wait3A_30] : memref<10240x128xf32, #tpu.memory_space<vmem_shared>> -> memref<640x128xf32, #tpu.memory_space<vmem_shared>>
      tpu.wait_dma2 semaphore(%run_scoped3A : memref<!tpu.dma_semaphore, #tpu.memory_space<semaphore_mem>>) src(%dma_wait3A_31 : memref<640x128xf32, #tpu.memory_space<vmem_shared>>) dst(%dma_wait3A_29 : memref<640x128xf32, #tpu.memory_space<hbm>>)
      tpu.yield
    }) : () -> ()
    return
  }
}

module attributes {stable_mosaic.version = 14 : i64} {
  func.func @body(%arg0: i32, %arg1: memref<1000x128xf32, #tpu.memory_space<vmem>>, %arg2: memref<128x128xf32, #tpu.memory_space<vmem>>, %arg3: memref<128x128xf32, #tpu.memory_space<vmem>>, %arg4: memref<1x128xf32, #tpu.memory_space<vmem>>, %arg5: memref<1000x128xf32, #tpu.memory_space<vmem>>, %arg6: memref<1000x128xf32, #tpu.memory_space<vmem>>) attributes {dimension_semantics = [#tpu.dimension_semantics<arbitrary>], iteration_bounds = array<i64: 10>, scalar_prefetch = 0 : i64, scratch_operands = 0 : i64, tpu.core_type = #tpu.core_type<tc>, window_params = [{transform_indices = @transform_0, window_bounds = array<i64: 1000, 128>}, {pipeline_mode = #tpu.pipeline_mode<synchronous>, transform_indices = @transform_1, window_bounds = array<i64: 128, 128>}, {pipeline_mode = #tpu.pipeline_mode<synchronous>, transform_indices = @transform_2, window_bounds = array<i64: 128, 128>}, {pipeline_mode = #tpu.pipeline_mode<synchronous>, transform_indices = @transform_3, window_bounds = array<i64: 1, 128>}, {transform_indices = @transform_4, window_bounds = array<i64: 1000, 128>}, {transform_indices = @transform_5, window_bounds = array<i64: 1000, 128>}]} {
    %get3A = arith.constant 0 : index
    %get3A_0 = arith.constant 0 : index
    %get3A_1 = vector.load %arg1[%get3A, %get3A_0] : memref<1000x128xf32, #tpu.memory_space<vmem>>, vector<1000x128xf32>
    %get3A_2 = arith.constant 0 : index
    %get3A_3 = arith.constant 0 : index
    %get3A_4 = vector.load %arg2[%get3A_2, %get3A_3] : memref<128x128xf32, #tpu.memory_space<vmem>>, vector<128x128xf32>
    %dot_general3A = arith.constant dense<0.000000e+00> : vector<1000x128xf32>
    %dot_general3A_5 = tpu.matmul %get3A_1, %get3A_4, %dot_general3A {dimension_numbers = #tpu.dot_dimension_numbers<[1], [0], [0], [1], [0, 0, 1, 1], [], []>, transpose_lhs_hint = false} : vector<1000x128xf32>, vector<128x128xf32>, vector<1000x128xf32> -> vector<1000x128xf32>
    %swap3A = arith.constant 0 : index
    %swap3A_6 = arith.constant 0 : index
    %swap3A_7 = vector.load %arg5[%swap3A, %swap3A_6] : memref<1000x128xf32, #tpu.memory_space<vmem>>, vector<1000x128xf32>
    tpu.vector_store %arg5[%swap3A, %swap3A_6], %dot_general3A_5 {strides = array<i32>} : memref<1000x128xf32, #tpu.memory_space<vmem>>, vector<1000x128xf32>,
    %get3A_8 = arith.constant 0 : index
    %get3A_9 = arith.constant 0 : index
    %get3A_10 = vector.load %arg3[%get3A_8, %get3A_9] : memref<128x128xf32, #tpu.memory_space<vmem>>, vector<128x128xf32>
    %dot_general3A_11 = arith.constant dense<0.000000e+00> : vector<1000x128xf32>
    %dot_general3A_12 = tpu.matmul %get3A_1, %get3A_10, %dot_general3A_11 {dimension_numbers = #tpu.dot_dimension_numbers<[1], [0], [0], [1], [0, 0, 1, 1], [], []>, transpose_lhs_hint = false} : vector<1000x128xf32>, vector<128x128xf32>, vector<1000x128xf32> -> vector<1000x128xf32>
    %get3A_13 = arith.constant 0 : index
    %get3A_14 = arith.constant 0 : index
    %get3A_15 = vector.load %arg4[%get3A_13, %get3A_14] : memref<1x128xf32, #tpu.memory_space<vmem>>, vector<1x128xf32>
    %add3A = vector.broadcast %get3A_15 : vector<1x128xf32> to vector<1000x128xf32>
    %add3A_16 = arith.addf %dot_general3A_12, %add3A : vector<1000x128xf32>
    %swap3A_17 = arith.constant 0 : index
    %swap3A_18 = arith.constant 0 : index
    %swap3A_19 = vector.load %arg6[%swap3A_17, %swap3A_18] : memref<1000x128xf32, #tpu.memory_space<vmem>>, vector<1000x128xf32>
    tpu.vector_store %arg6[%swap3A_17, %swap3A_18], %add3A_16 {strides = array<i32>} : memref<1000x128xf32, #tpu.memory_space<vmem>>, vector<1000x128xf32>,
    return
  }
  func.func @transform_0(%arg0: i32) -> (i32, i32) {
    %c0_i32 = arith.constant 0 : i32
    %c0_i32_0 = arith.constant 0 : i32
    return %arg0, %c0_i32 : i32, i32
  }
  func.func @transform_1(%arg0: i32) -> (i32, i32) {
    %c0_i32 = arith.constant 0 : i32
    %c0_i32_0 = arith.constant 0 : i32
    %c0_i32_1 = arith.constant 0 : i32
    return %c0_i32, %c0_i32_0 : i32, i32
  }
  func.func @transform_2(%arg0: i32) -> (i32, i32) {
    %c0_i32 = arith.constant 0 : i32
    %c0_i32_0 = arith.constant 0 : i32
    %c0_i32_1 = arith.constant 0 : i32
    return %c0_i32, %c0_i32_0 : i32, i32
  }
  func.func @transform_3(%arg0: i32) -> (i32, i32) {
    %c0_i32 = arith.constant 0 : i32
    %c0_i32_0 = arith.constant 0 : i32
    %c0_i32_1 = arith.constant 0 : i32
    return %c0_i32, %c0_i32_0 : i32, i32
  }
  func.func @transform_4(%arg0: i32) -> (i32, i32) {
    %c0_i32 = arith.constant 0 : i32
    %c0_i32_0 = arith.constant 0 : i32
    return %arg0, %c0_i32 : i32, i32
  }
  func.func @transform_5(%arg0: i32) -> (i32, i32) {
    %c0_i32 = arith.constant 0 : i32
    %c0_i32_0 = arith.constant 0 : i32
    return %arg0, %c0_i32 : i32, i32
  }
}

module attributes {stable_mosaic.version = 14 : i64} {
  func.func @body(%arg0: i32, %arg1: i32, %arg2: memref<2x1000x128xf32, #tpu.memory_space<vmem>>, %arg3: memref<1000x32xf32, #tpu.memory_space<vmem>>, %arg4: memref<1000x128xf32, #tpu.memory_space<vmem>>, %arg5: memref<1000x128xf32, #tpu.memory_space<vmem>>, %arg6: memref<128x128xf32, #tpu.memory_space<vmem>>, %arg7: memref<1x128xf32, #tpu.memory_space<vmem>>, %arg8: memref<1x128xf32, #tpu.memory_space<vmem>>, %arg9: memref<1x128xf32, #tpu.memory_space<vmem>>, %arg10: memref<1000x128xf32, #tpu.memory_space<vmem>>, %arg11: memref<10000x128xf32, #tpu.memory_space<vmem>>, %arg12: memref<8x128xf32, #tpu.memory_space<vmem>>) attributes {dimension_semantics = [#tpu.dimension_semantics<arbitrary>, #tpu.dimension_semantics<arbitrary>], iteration_bounds = array<i64: 2, 10>, scalar_prefetch = 0 : i64, scratch_operands = 2 : i64, tpu.core_type = #tpu.core_type<tc>, window_params = [{transform_indices = @transform_0, window_bounds = array<i64: 2, 1000, 128>}, {transform_indices = @transform_1, window_bounds = array<i64: 1000, 32>}, {transform_indices = @transform_2, window_bounds = array<i64: 1000, 128>}, {transform_indices = @transform_3, window_bounds = array<i64: 1000, 128>}, {pipeline_mode = #tpu.pipeline_mode<synchronous>, transform_indices = @transform_4, window_bounds = array<i64: 128, 128>}, {pipeline_mode = #tpu.pipeline_mode<synchronous>, transform_indices = @transform_5, window_bounds = array<i64: 1, 128>}, {pipeline_mode = #tpu.pipeline_mode<synchronous>, transform_indices = @transform_6, window_bounds = array<i64: 1, 128>}, {pipeline_mode = #tpu.pipeline_mode<synchronous>, transform_indices = @transform_7, window_bounds = array<i64: 1, 128>}, {transform_indices = @transform_8, window_bounds = array<i64: 1000, 128>}]} {
    %eq3A = arith.constant 0 : i32
    %eq3A_0 = arith.cmpi eq, %arg0, %eq3A : i32
    %convert_element_type3A = arith.extui %eq3A_0 : i1 to i32
    %cond3A = arith.constant 0 : i32
    %cond3A_1 = arith.cmpi ne, %convert_element_type3A, %cond3A : i32
    scf.if %cond3A_1 {
      %get3A = arith.constant 0 : index
      %get3A_7 = arith.constant 0 : index
      %get3A_8 = arith.constant 0 : index
      %get3A_9 = vector.load %arg2[%get3A, %get3A_7, %get3A_8] : memref<2x1000x128xf32, #tpu.memory_space<vmem>>, vector<1x1000x128xf32>
      %get3A_10 = vector.shape_cast %get3A_9 : vector<1x1000x128xf32> to vector<1000x128xf32>
      %get3A_11 = arith.constant 1 : index
      %get3A_12 = arith.constant 0 : index
      %get3A_13 = arith.constant 0 : index
      %get3A_14 = vector.load %arg2[%get3A_11, %get3A_12, %get3A_13] : memref<2x1000x128xf32, #tpu.memory_space<vmem>>, vector<1x1000x128xf32>
      %get3A_15 = vector.shape_cast %get3A_14 : vector<1x1000x128xf32> to vector<1000x128xf32>
      %add3A = arith.addf %get3A_10, %get3A_15 : vector<1000x128xf32>
      %get3A_16 = arith.constant 0 : index
      %get3A_17 = arith.constant 0 : index
      %get3A_18 = vector.load %arg3[%get3A_16, %get3A_17] : memref<1000x32xf32, #tpu.memory_space<vmem>>, vector<1000x32xf32>
      %reduce_sum3A = arith.constant dense<0.000000e+00> : vector<1000xf32>
      %reduce_sum3A_19 = vector.multi_reduction <add>, %get3A_18, %reduce_sum3A [1] : vector<1000x32xf32> to vector<1000xf32>
      %broadcast_in_dim3A = vector.shape_cast %reduce_sum3A_19 : vector<1000xf32> to vector<1000x1xf32>
      %max3A = arith.constant 1.000000e+00 : f32
      %max3A_20 = vector.broadcast %max3A : f32 to vector<1000x1xf32>
      %max3A_21 = arith.maximumf %broadcast_in_dim3A, %max3A_20 : vector<1000x1xf32>
      %div3A = vector.broadcast %max3A_21 : vector<1000x1xf32> to vector<1000x128xf32>
      %div3A_22 = arith.divf %add3A, %div3A : vector<1000x128xf32>
      %get3A_23 = arith.constant 0 : index
      %get3A_24 = arith.constant 0 : index
      %get3A_25 = vector.load %arg6[%get3A_23, %get3A_24] : memref<128x128xf32, #tpu.memory_space<vmem>>, vector<128x128xf32>
      %dot_general3A = arith.constant dense<0.000000e+00> : vector<1000x128xf32>
      %dot_general3A_26 = tpu.matmul %div3A_22, %get3A_25, %dot_general3A {dimension_numbers = #tpu.dot_dimension_numbers<[1], [0], [0], [1], [0, 0, 1, 1], [], []>, transpose_lhs_hint = false} : vector<1000x128xf32>, vector<128x128xf32>, vector<1000x128xf32> -> vector<1000x128xf32>
      %get3A_27 = arith.constant 0 : index
      %get3A_28 = arith.constant 0 : index
      %get3A_29 = vector.load %arg7[%get3A_27, %get3A_28] : memref<1x128xf32, #tpu.memory_space<vmem>>, vector<1x128xf32>
      %add3A_30 = vector.broadcast %get3A_29 : vector<1x128xf32> to vector<1000x128xf32>
      %add3A_31 = arith.addf %dot_general3A_26, %add3A_30 : vector<1000x128xf32>
      %get3A_32 = arith.constant 0 : index
      %get3A_33 = arith.constant 0 : index
      %get3A_34 = vector.load %arg4[%get3A_32, %get3A_33] : memref<1000x128xf32, #tpu.memory_space<vmem>>, vector<1000x128xf32>
      %add3A_35 = arith.addf %add3A_31, %get3A_34 : vector<1000x128xf32>
      %mul3A = arith.mulf %add3A_35, %add3A_35 : vector<1000x128xf32>
      %reduce_sum3A_36 = arith.constant dense<0.000000e+00> : vector<1000xf32>
      %reduce_sum3A_37 = vector.multi_reduction <add>, %mul3A, %reduce_sum3A_36 [1] : vector<1000x128xf32> to vector<1000xf32>
      %broadcast_in_dim3A_38 = vector.shape_cast %reduce_sum3A_37 : vector<1000xf32> to vector<1000x1xf32>
      %max3A_39 = arith.constant 1.000000e-24 : f32
      %max3A_40 = vector.broadcast %max3A_39 : f32 to vector<1000x1xf32>
      %max3A_41 = arith.maximumf %broadcast_in_dim3A_38, %max3A_40 : vector<1000x1xf32>
      %rsqrt3A = math.rsqrt %max3A_41 : vector<1000x1xf32>
      %mul3A_42 = vector.broadcast %rsqrt3A : vector<1000x1xf32> to vector<1000x128xf32>
      %mul3A_43 = arith.mulf %add3A_35, %mul3A_42 : vector<1000x128xf32>
      %mul3A_44 = arith.constant 1000 : i32
      %mul3A_45 = arith.muli %arg1, %mul3A_44 : i32
      %swap3A = arith.index_cast %mul3A_45 : i32 to index
      %swap3A_46 = arith.constant 0 : index
      %swap3A_47 = vector.load %arg11[%swap3A, %swap3A_46] : memref<10000x128xf32, #tpu.memory_space<vmem>>, vector<1000x128xf32>
      tpu.vector_store %arg11[%swap3A, %swap3A_46], %mul3A_43 {strides = array<i32>} : memref<10000x128xf32, #tpu.memory_space<vmem>>, vector<1000x128xf32>,
      %eq3A_48 = arith.constant 0 : i32
      %eq3A_49 = arith.cmpi eq, %arg1, %eq3A_48 : i32
      %convert_element_type3A_50 = arith.extui %eq3A_49 : i1 to i32
      %cond3A_51 = arith.constant 0 : i32
      %cond3A_52 = arith.cmpi ne, %convert_element_type3A_50, %cond3A_51 : i32
      scf.if %cond3A_52 {
        %broadcast_in_dim3A_74 = arith.constant 0.000000e+00 : f32
        %broadcast_in_dim3A_75 = vector.broadcast %broadcast_in_dim3A_74 : f32 to vector<8x128xf32>
        %swap3A_76 = arith.constant 0 : index
        %swap3A_77 = arith.constant 0 : index
        %swap3A_78 = vector.load %arg12[%swap3A_76, %swap3A_77] : memref<8x128xf32, #tpu.memory_space<vmem>>, vector<8x128xf32>
        tpu.vector_store %arg12[%swap3A_76, %swap3A_77], %broadcast_in_dim3A_75 {strides = array<i32>} : memref<8x128xf32, #tpu.memory_space<vmem>>, vector<8x128xf32>,
      } else {
      }
      %get3A_53 = arith.constant 0 : index
      %get3A_54 = arith.constant 0 : index
      %get3A_55 = vector.load %arg12[%get3A_53, %get3A_54] : memref<8x128xf32, #tpu.memory_space<vmem>>, vector<1x128xf32>
      %reduce_sum3A_56 = arith.constant dense<0.000000e+00> : vector<128xf32>
      %reduce_sum3A_57 = vector.multi_reduction <add>, %mul3A_43, %reduce_sum3A_56 [0] : vector<1000x128xf32> to vector<128xf32>
      %broadcast_in_dim3A_58 = vector.shape_cast %reduce_sum3A_57 : vector<128xf32> to vector<1x128xf32>
      %add3A_59 = arith.addf %get3A_55, %broadcast_in_dim3A_58 : vector<1x128xf32>
      %swap3A_60 = arith.constant 0 : index
      %swap3A_61 = arith.constant 0 : index
      %swap3A_62 = vector.load %arg12[%swap3A_60, %swap3A_61] : memref<8x128xf32, #tpu.memory_space<vmem>>, vector<1x128xf32>
      tpu.vector_store %arg12[%swap3A_60, %swap3A_61], %add3A_59 {strides = array<i32>} : memref<8x128xf32, #tpu.memory_space<vmem>>, vector<1x128xf32>,
      %get3A_63 = arith.constant 1 : index
      %get3A_64 = arith.constant 0 : index
      %get3A_65 = vector.load %arg12[%get3A_63, %get3A_64] : memref<8x128xf32, #tpu.memory_space<vmem>>, vector<1x128xf32>
      %mul3A_66 = arith.mulf %mul3A_43, %mul3A_43 : vector<1000x128xf32>
      %reduce_sum3A_67 = arith.constant dense<0.000000e+00> : vector<128xf32>
      %reduce_sum3A_68 = vector.multi_reduction <add>, %mul3A_66, %reduce_sum3A_67 [0] : vector<1000x128xf32> to vector<128xf32>
      %broadcast_in_dim3A_69 = vector.shape_cast %reduce_sum3A_68 : vector<128xf32> to vector<1x128xf32>
      %add3A_70 = arith.addf %get3A_65, %broadcast_in_dim3A_69 : vector<1x128xf32>
      %swap3A_71 = arith.constant 1 : index
      %swap3A_72 = arith.constant 0 : index
      %swap3A_73 = vector.load %arg12[%swap3A_71, %swap3A_72] : memref<8x128xf32, #tpu.memory_space<vmem>>, vector<1x128xf32>
      tpu.vector_store %arg12[%swap3A_71, %swap3A_72], %add3A_70 {strides = array<i32>} : memref<8x128xf32, #tpu.memory_space<vmem>>, vector<1x128xf32>,
    } else {
    }
    %eq3A_2 = arith.constant 1 : i32
    %eq3A_3 = arith.cmpi eq, %arg0, %eq3A_2 : i32
    %convert_element_type3A_4 = arith.extui %eq3A_3 : i1 to i32
    %cond3A_5 = arith.constant 0 : i32
    %cond3A_6 = arith.cmpi ne, %convert_element_type3A_4, %cond3A_5 : i32
    scf.if %cond3A_6 {
      %get3A = arith.constant 0 : index
      %get3A_7 = arith.constant 0 : index
      %get3A_8 = vector.load %arg12[%get3A, %get3A_7] : memref<8x128xf32, #tpu.memory_space<vmem>>, vector<1x128xf32>
      %div3A = arith.constant 1.000000e+04 : f32
      %div3A_9 = vector.broadcast %div3A : f32 to vector<1x128xf32>
      %div3A_10 = arith.divf %get3A_8, %div3A_9 : vector<1x128xf32>
      %get3A_11 = arith.constant 1 : index
      %get3A_12 = arith.constant 0 : index
      %get3A_13 = vector.load %arg12[%get3A_11, %get3A_12] : memref<8x128xf32, #tpu.memory_space<vmem>>, vector<1x128xf32>
      %div3A_14 = arith.constant 1.000000e+04 : f32
      %div3A_15 = vector.broadcast %div3A_14 : f32 to vector<1x128xf32>
      %div3A_16 = arith.divf %get3A_13, %div3A_15 : vector<1x128xf32>
      %mul3A = arith.mulf %div3A_10, %div3A_10 : vector<1x128xf32>
      %sub3A = arith.subf %div3A_16, %mul3A : vector<1x128xf32>
      %get3A_17 = arith.constant 0 : index
      %get3A_18 = arith.constant 0 : index
      %get3A_19 = vector.load %arg8[%get3A_17, %get3A_18] : memref<1x128xf32, #tpu.memory_space<vmem>>, vector<1x128xf32>
      %add3A = arith.constant 9.99999974E-6 : f32
      %add3A_20 = vector.broadcast %add3A : f32 to vector<1x128xf32>
      %add3A_21 = arith.addf %sub3A, %add3A_20 : vector<1x128xf32>
      %rsqrt3A = math.rsqrt %add3A_21 : vector<1x128xf32>
      %mul3A_22 = arith.mulf %get3A_19, %rsqrt3A : vector<1x128xf32>
      %mul3A_23 = arith.constant 1000 : i32
      %mul3A_24 = arith.muli %arg1, %mul3A_23 : i32
      %get3A_25 = arith.index_cast %mul3A_24 : i32 to index
      %get3A_26 = arith.constant 0 : index
      %get3A_27 = vector.load %arg11[%get3A_25, %get3A_26] : memref<10000x128xf32, #tpu.memory_space<vmem>>, vector<1000x128xf32>
      %sub3A_28 = vector.broadcast %div3A_10 : vector<1x128xf32> to vector<1000x128xf32>
      %sub3A_29 = arith.subf %get3A_27, %sub3A_28 : vector<1000x128xf32>
      %mul3A_30 = vector.broadcast %mul3A_22 : vector<1x128xf32> to vector<1000x128xf32>
      %mul3A_31 = arith.mulf %sub3A_29, %mul3A_30 : vector<1000x128xf32>
      %get3A_32 = arith.constant 0 : index
      %get3A_33 = arith.constant 0 : index
      %get3A_34 = vector.load %arg9[%get3A_32, %get3A_33] : memref<1x128xf32, #tpu.memory_space<vmem>>, vector<1x128xf32>
      %add3A_35 = vector.broadcast %get3A_34 : vector<1x128xf32> to vector<1000x128xf32>
      %add3A_36 = arith.addf %mul3A_31, %add3A_35 : vector<1000x128xf32>
      %ge3A = arith.constant 0.000000e+00 : f32
      %ge3A_37 = vector.broadcast %ge3A : f32 to vector<1000x128xf32>
      %ge3A_38 = arith.cmpf oge, %add3A_36, %ge3A_37 : vector<1000x128xf32>
      %mul3A_39 = arith.constant 1.000000e-01 : f32
      %mul3A_40 = vector.broadcast %mul3A_39 : f32 to vector<1000x128xf32>
      %mul3A_41 = arith.mulf %mul3A_40, %add3A_36 : vector<1000x128xf32>
      %select_n3A = arith.select %ge3A_38, %add3A_36, %mul3A_41 : vector<1000x128xi1>, vector<1000x128xf32>
      %get3A_42 = arith.constant 0 : index
      %get3A_43 = arith.constant 0 : index
      %get3A_44 = vector.load %arg5[%get3A_42, %get3A_43] : memref<1000x128xf32, #tpu.memory_space<vmem>>, vector<1000x128xf32>
      %add3A_45 = arith.addf %select_n3A, %get3A_44 : vector<1000x128xf32>
      %swap3A = arith.constant 0 : index
      %swap3A_46 = arith.constant 0 : index
      %swap3A_47 = vector.load %arg10[%swap3A, %swap3A_46] : memref<1000x128xf32, #tpu.memory_space<vmem>>, vector<1000x128xf32>
      tpu.vector_store %arg10[%swap3A, %swap3A_46], %add3A_45 {strides = array<i32>} : memref<1000x128xf32, #tpu.memory_space<vmem>>, vector<1000x128xf32>,
    } else {
    }
    return
  }
  func.func @transform_0(%arg0: i32, %arg1: i32) -> (i32, i32, i32) {
    %sub3A = arith.constant 1 : i32
    %sub3A_0 = arith.subi %sub3A, %arg0 : i32
    %mul3A = arith.muli %arg1, %sub3A_0 : i32
    %c0_i32 = arith.constant 0 : i32
    %c0_i32_1 = arith.constant 0 : i32
    %c0_i32_2 = arith.constant 0 : i32
    return %c0_i32, %mul3A, %c0_i32_1 : i32, i32, i32
  }
  func.func @transform_1(%arg0: i32, %arg1: i32) -> (i32, i32) {
    %sub3A = arith.constant 1 : i32
    %sub3A_0 = arith.subi %sub3A, %arg0 : i32
    %mul3A = arith.muli %arg1, %sub3A_0 : i32
    %c0_i32 = arith.constant 0 : i32
    %c0_i32_1 = arith.constant 0 : i32
    return %mul3A, %c0_i32 : i32, i32
  }
  func.func @transform_2(%arg0: i32, %arg1: i32) -> (i32, i32) {
    %sub3A = arith.constant 1 : i32
    %sub3A_0 = arith.subi %sub3A, %arg0 : i32
    %mul3A = arith.muli %arg1, %sub3A_0 : i32
    %c0_i32 = arith.constant 0 : i32
    %c0_i32_1 = arith.constant 0 : i32
    return %mul3A, %c0_i32 : i32, i32
  }
  func.func @transform_3(%arg0: i32, %arg1: i32) -> (i32, i32) {
    %mul3A = arith.muli %arg1, %arg0 : i32
    %c0_i32 = arith.constant 0 : i32
    %c0_i32_0 = arith.constant 0 : i32
    return %mul3A, %c0_i32 : i32, i32
  }
  func.func @transform_4(%arg0: i32, %arg1: i32) -> (i32, i32) {
    %c0_i32 = arith.constant 0 : i32
    %c0_i32_0 = arith.constant 0 : i32
    %c0_i32_1 = arith.constant 0 : i32
    return %c0_i32, %c0_i32_0 : i32, i32
  }
  func.func @transform_5(%arg0: i32, %arg1: i32) -> (i32, i32) {
    %c0_i32 = arith.constant 0 : i32
    %c0_i32_0 = arith.constant 0 : i32
    %c0_i32_1 = arith.constant 0 : i32
    return %c0_i32, %c0_i32_0 : i32, i32
  }
  func.func @transform_6(%arg0: i32, %arg1: i32) -> (i32, i32) {
    %c0_i32 = arith.constant 0 : i32
    %c0_i32_0 = arith.constant 0 : i32
    %c0_i32_1 = arith.constant 0 : i32
    return %c0_i32, %c0_i32_0 : i32, i32
  }
  func.func @transform_7(%arg0: i32, %arg1: i32) -> (i32, i32) {
    %c0_i32 = arith.constant 0 : i32
    %c0_i32_0 = arith.constant 0 : i32
    %c0_i32_1 = arith.constant 0 : i32
    return %c0_i32, %c0_i32_0 : i32, i32
  }
  func.func @transform_8(%arg0: i32, %arg1: i32) -> (i32, i32) {
    %mul3A = arith.muli %arg1, %arg0 : i32
    %c0_i32 = arith.constant 0 : i32
    %c0_i32_0 = arith.constant 0 : i32
    return %mul3A, %c0_i32 : i32, i32
  }
}

module attributes {stable_mosaic.version = 14 : i64} {
  func.func @body(%arg0: i32, %arg1: i32, %arg2: memref<2x1000x128xf32, #tpu.memory_space<vmem>>, %arg3: memref<1000x32xf32, #tpu.memory_space<vmem>>, %arg4: memref<1000x128xf32, #tpu.memory_space<vmem>>, %arg5: memref<1000x128xf32, #tpu.memory_space<vmem>>, %arg6: memref<128x128xf32, #tpu.memory_space<vmem>>, %arg7: memref<1x128xf32, #tpu.memory_space<vmem>>, %arg8: memref<1x128xf32, #tpu.memory_space<vmem>>, %arg9: memref<1x128xf32, #tpu.memory_space<vmem>>, %arg10: memref<1000x128xf32, #tpu.memory_space<vmem>>, %arg11: memref<10000x128xf32, #tpu.memory_space<vmem>>, %arg12: memref<8x128xf32, #tpu.memory_space<vmem>>) attributes {dimension_semantics = [#tpu.dimension_semantics<arbitrary>, #tpu.dimension_semantics<arbitrary>], iteration_bounds = array<i64: 2, 10>, scalar_prefetch = 0 : i64, scratch_operands = 2 : i64, tpu.core_type = #tpu.core_type<tc>, window_params = [{transform_indices = @transform_0, window_bounds = array<i64: 2, 1000, 128>}, {transform_indices = @transform_1, window_bounds = array<i64: 1000, 32>}, {transform_indices = @transform_2, window_bounds = array<i64: 1000, 128>}, {transform_indices = @transform_3, window_bounds = array<i64: 1000, 128>}, {pipeline_mode = #tpu.pipeline_mode<synchronous>, transform_indices = @transform_4, window_bounds = array<i64: 128, 128>}, {pipeline_mode = #tpu.pipeline_mode<synchronous>, transform_indices = @transform_5, window_bounds = array<i64: 1, 128>}, {pipeline_mode = #tpu.pipeline_mode<synchronous>, transform_indices = @transform_6, window_bounds = array<i64: 1, 128>}, {pipeline_mode = #tpu.pipeline_mode<synchronous>, transform_indices = @transform_7, window_bounds = array<i64: 1, 128>}, {transform_indices = @transform_8, window_bounds = array<i64: 1000, 128>}]} {
    %eq3A = arith.constant 0 : i32
    %eq3A_0 = arith.cmpi eq, %arg0, %eq3A : i32
    %convert_element_type3A = arith.extui %eq3A_0 : i1 to i32
    %cond3A = arith.constant 0 : i32
    %cond3A_1 = arith.cmpi ne, %convert_element_type3A, %cond3A : i32
    scf.if %cond3A_1 {
      %get3A = arith.constant 0 : index
      %get3A_7 = arith.constant 0 : index
      %get3A_8 = arith.constant 0 : index
      %get3A_9 = vector.load %arg2[%get3A, %get3A_7, %get3A_8] : memref<2x1000x128xf32, #tpu.memory_space<vmem>>, vector<1x1000x128xf32>
      %get3A_10 = vector.shape_cast %get3A_9 : vector<1x1000x128xf32> to vector<1000x128xf32>
      %get3A_11 = arith.constant 1 : index
      %get3A_12 = arith.constant 0 : index
      %get3A_13 = arith.constant 0 : index
      %get3A_14 = vector.load %arg2[%get3A_11, %get3A_12, %get3A_13] : memref<2x1000x128xf32, #tpu.memory_space<vmem>>, vector<1x1000x128xf32>
      %get3A_15 = vector.shape_cast %get3A_14 : vector<1x1000x128xf32> to vector<1000x128xf32>
      %add3A = arith.addf %get3A_10, %get3A_15 : vector<1000x128xf32>
      %get3A_16 = arith.constant 0 : index
      %get3A_17 = arith.constant 0 : index
      %get3A_18 = vector.load %arg3[%get3A_16, %get3A_17] : memref<1000x32xf32, #tpu.memory_space<vmem>>, vector<1000x32xf32>
      %reduce_sum3A = arith.constant dense<0.000000e+00> : vector<1000xf32>
      %reduce_sum3A_19 = vector.multi_reduction <add>, %get3A_18, %reduce_sum3A [1] : vector<1000x32xf32> to vector<1000xf32>
      %broadcast_in_dim3A = vector.shape_cast %reduce_sum3A_19 : vector<1000xf32> to vector<1000x1xf32>
      %max3A = arith.constant 1.000000e+00 : f32
      %max3A_20 = vector.broadcast %max3A : f32 to vector<1000x1xf32>
      %max3A_21 = arith.maximumf %broadcast_in_dim3A, %max3A_20 : vector<1000x1xf32>
      %div3A = vector.broadcast %max3A_21 : vector<1000x1xf32> to vector<1000x128xf32>
      %div3A_22 = arith.divf %add3A, %div3A : vector<1000x128xf32>
      %get3A_23 = arith.constant 0 : index
      %get3A_24 = arith.constant 0 : index
      %get3A_25 = vector.load %arg6[%get3A_23, %get3A_24] : memref<128x128xf32, #tpu.memory_space<vmem>>, vector<128x128xf32>
      %dot_general3A = arith.constant dense<0.000000e+00> : vector<1000x128xf32>
      %dot_general3A_26 = tpu.matmul %div3A_22, %get3A_25, %dot_general3A {dimension_numbers = #tpu.dot_dimension_numbers<[1], [0], [0], [1], [0, 0, 1, 1], [], []>, transpose_lhs_hint = false} : vector<1000x128xf32>, vector<128x128xf32>, vector<1000x128xf32> -> vector<1000x128xf32>
      %get3A_27 = arith.constant 0 : index
      %get3A_28 = arith.constant 0 : index
      %get3A_29 = vector.load %arg7[%get3A_27, %get3A_28] : memref<1x128xf32, #tpu.memory_space<vmem>>, vector<1x128xf32>
      %add3A_30 = vector.broadcast %get3A_29 : vector<1x128xf32> to vector<1000x128xf32>
      %add3A_31 = arith.addf %dot_general3A_26, %add3A_30 : vector<1000x128xf32>
      %get3A_32 = arith.constant 0 : index
      %get3A_33 = arith.constant 0 : index
      %get3A_34 = vector.load %arg4[%get3A_32, %get3A_33] : memref<1000x128xf32, #tpu.memory_space<vmem>>, vector<1000x128xf32>
      %add3A_35 = arith.addf %add3A_31, %get3A_34 : vector<1000x128xf32>
      %mul3A = arith.mulf %add3A_35, %add3A_35 : vector<1000x128xf32>
      %reduce_sum3A_36 = arith.constant dense<0.000000e+00> : vector<1000xf32>
      %reduce_sum3A_37 = vector.multi_reduction <add>, %mul3A, %reduce_sum3A_36 [1] : vector<1000x128xf32> to vector<1000xf32>
      %broadcast_in_dim3A_38 = vector.shape_cast %reduce_sum3A_37 : vector<1000xf32> to vector<1000x1xf32>
      %max3A_39 = arith.constant 1.000000e-24 : f32
      %max3A_40 = vector.broadcast %max3A_39 : f32 to vector<1000x1xf32>
      %max3A_41 = arith.maximumf %broadcast_in_dim3A_38, %max3A_40 : vector<1000x1xf32>
      %rsqrt3A = math.rsqrt %max3A_41 : vector<1000x1xf32>
      %mul3A_42 = vector.broadcast %rsqrt3A : vector<1000x1xf32> to vector<1000x128xf32>
      %mul3A_43 = arith.mulf %add3A_35, %mul3A_42 : vector<1000x128xf32>
      %mul3A_44 = arith.constant 1000 : i32
      %mul3A_45 = arith.muli %arg1, %mul3A_44 : i32
      %swap3A = arith.index_cast %mul3A_45 : i32 to index
      %swap3A_46 = arith.constant 0 : index
      %swap3A_47 = vector.load %arg11[%swap3A, %swap3A_46] : memref<10000x128xf32, #tpu.memory_space<vmem>>, vector<1000x128xf32>
      tpu.vector_store %arg11[%swap3A, %swap3A_46], %mul3A_43 {strides = array<i32>} : memref<10000x128xf32, #tpu.memory_space<vmem>>, vector<1000x128xf32>,
      %eq3A_48 = arith.constant 0 : i32
      %eq3A_49 = arith.cmpi eq, %arg1, %eq3A_48 : i32
      %convert_element_type3A_50 = arith.extui %eq3A_49 : i1 to i32
      %cond3A_51 = arith.constant 0 : i32
      %cond3A_52 = arith.cmpi ne, %convert_element_type3A_50, %cond3A_51 : i32
      scf.if %cond3A_52 {
        %broadcast_in_dim3A_74 = arith.constant 0.000000e+00 : f32
        %broadcast_in_dim3A_75 = vector.broadcast %broadcast_in_dim3A_74 : f32 to vector<8x128xf32>
        %swap3A_76 = arith.constant 0 : index
        %swap3A_77 = arith.constant 0 : index
        %swap3A_78 = vector.load %arg12[%swap3A_76, %swap3A_77] : memref<8x128xf32, #tpu.memory_space<vmem>>, vector<8x128xf32>
        tpu.vector_store %arg12[%swap3A_76, %swap3A_77], %broadcast_in_dim3A_75 {strides = array<i32>} : memref<8x128xf32, #tpu.memory_space<vmem>>, vector<8x128xf32>,
      } else {
      }
      %get3A_53 = arith.constant 0 : index
      %get3A_54 = arith.constant 0 : index
      %get3A_55 = vector.load %arg12[%get3A_53, %get3A_54] : memref<8x128xf32, #tpu.memory_space<vmem>>, vector<1x128xf32>
      %reduce_sum3A_56 = arith.constant dense<0.000000e+00> : vector<128xf32>
      %reduce_sum3A_57 = vector.multi_reduction <add>, %mul3A_43, %reduce_sum3A_56 [0] : vector<1000x128xf32> to vector<128xf32>
      %broadcast_in_dim3A_58 = vector.shape_cast %reduce_sum3A_57 : vector<128xf32> to vector<1x128xf32>
      %add3A_59 = arith.addf %get3A_55, %broadcast_in_dim3A_58 : vector<1x128xf32>
      %swap3A_60 = arith.constant 0 : index
      %swap3A_61 = arith.constant 0 : index
      %swap3A_62 = vector.load %arg12[%swap3A_60, %swap3A_61] : memref<8x128xf32, #tpu.memory_space<vmem>>, vector<1x128xf32>
      tpu.vector_store %arg12[%swap3A_60, %swap3A_61], %add3A_59 {strides = array<i32>} : memref<8x128xf32, #tpu.memory_space<vmem>>, vector<1x128xf32>,
      %get3A_63 = arith.constant 1 : index
      %get3A_64 = arith.constant 0 : index
      %get3A_65 = vector.load %arg12[%get3A_63, %get3A_64] : memref<8x128xf32, #tpu.memory_space<vmem>>, vector<1x128xf32>
      %mul3A_66 = arith.mulf %mul3A_43, %mul3A_43 : vector<1000x128xf32>
      %reduce_sum3A_67 = arith.constant dense<0.000000e+00> : vector<128xf32>
      %reduce_sum3A_68 = vector.multi_reduction <add>, %mul3A_66, %reduce_sum3A_67 [0] : vector<1000x128xf32> to vector<128xf32>
      %broadcast_in_dim3A_69 = vector.shape_cast %reduce_sum3A_68 : vector<128xf32> to vector<1x128xf32>
      %add3A_70 = arith.addf %get3A_65, %broadcast_in_dim3A_69 : vector<1x128xf32>
      %swap3A_71 = arith.constant 1 : index
      %swap3A_72 = arith.constant 0 : index
      %swap3A_73 = vector.load %arg12[%swap3A_71, %swap3A_72] : memref<8x128xf32, #tpu.memory_space<vmem>>, vector<1x128xf32>
      tpu.vector_store %arg12[%swap3A_71, %swap3A_72], %add3A_70 {strides = array<i32>} : memref<8x128xf32, #tpu.memory_space<vmem>>, vector<1x128xf32>,
    } else {
    }
    %eq3A_2 = arith.constant 1 : i32
    %eq3A_3 = arith.cmpi eq, %arg0, %eq3A_2 : i32
    %convert_element_type3A_4 = arith.extui %eq3A_3 : i1 to i32
    %cond3A_5 = arith.constant 0 : i32
    %cond3A_6 = arith.cmpi ne, %convert_element_type3A_4, %cond3A_5 : i32
    scf.if %cond3A_6 {
      %get3A = arith.constant 0 : index
      %get3A_7 = arith.constant 0 : index
      %get3A_8 = vector.load %arg12[%get3A, %get3A_7] : memref<8x128xf32, #tpu.memory_space<vmem>>, vector<1x128xf32>
      %div3A = arith.constant 1.000000e+04 : f32
      %div3A_9 = vector.broadcast %div3A : f32 to vector<1x128xf32>
      %div3A_10 = arith.divf %get3A_8, %div3A_9 : vector<1x128xf32>
      %get3A_11 = arith.constant 1 : index
      %get3A_12 = arith.constant 0 : index
      %get3A_13 = vector.load %arg12[%get3A_11, %get3A_12] : memref<8x128xf32, #tpu.memory_space<vmem>>, vector<1x128xf32>
      %div3A_14 = arith.constant 1.000000e+04 : f32
      %div3A_15 = vector.broadcast %div3A_14 : f32 to vector<1x128xf32>
      %div3A_16 = arith.divf %get3A_13, %div3A_15 : vector<1x128xf32>
      %mul3A = arith.mulf %div3A_10, %div3A_10 : vector<1x128xf32>
      %sub3A = arith.subf %div3A_16, %mul3A : vector<1x128xf32>
      %get3A_17 = arith.constant 0 : index
      %get3A_18 = arith.constant 0 : index
      %get3A_19 = vector.load %arg8[%get3A_17, %get3A_18] : memref<1x128xf32, #tpu.memory_space<vmem>>, vector<1x128xf32>
      %add3A = arith.constant 9.99999974E-6 : f32
      %add3A_20 = vector.broadcast %add3A : f32 to vector<1x128xf32>
      %add3A_21 = arith.addf %sub3A, %add3A_20 : vector<1x128xf32>
      %rsqrt3A = math.rsqrt %add3A_21 : vector<1x128xf32>
      %mul3A_22 = arith.mulf %get3A_19, %rsqrt3A : vector<1x128xf32>
      %mul3A_23 = arith.constant 1000 : i32
      %mul3A_24 = arith.muli %arg1, %mul3A_23 : i32
      %get3A_25 = arith.index_cast %mul3A_24 : i32 to index
      %get3A_26 = arith.constant 0 : index
      %get3A_27 = vector.load %arg11[%get3A_25, %get3A_26] : memref<10000x128xf32, #tpu.memory_space<vmem>>, vector<1000x128xf32>
      %sub3A_28 = vector.broadcast %div3A_10 : vector<1x128xf32> to vector<1000x128xf32>
      %sub3A_29 = arith.subf %get3A_27, %sub3A_28 : vector<1000x128xf32>
      %mul3A_30 = vector.broadcast %mul3A_22 : vector<1x128xf32> to vector<1000x128xf32>
      %mul3A_31 = arith.mulf %sub3A_29, %mul3A_30 : vector<1000x128xf32>
      %get3A_32 = arith.constant 0 : index
      %get3A_33 = arith.constant 0 : index
      %get3A_34 = vector.load %arg9[%get3A_32, %get3A_33] : memref<1x128xf32, #tpu.memory_space<vmem>>, vector<1x128xf32>
      %add3A_35 = vector.broadcast %get3A_34 : vector<1x128xf32> to vector<1000x128xf32>
      %add3A_36 = arith.addf %mul3A_31, %add3A_35 : vector<1000x128xf32>
      %ge3A = arith.constant 0.000000e+00 : f32
      %ge3A_37 = vector.broadcast %ge3A : f32 to vector<1000x128xf32>
      %ge3A_38 = arith.cmpf oge, %add3A_36, %ge3A_37 : vector<1000x128xf32>
      %mul3A_39 = arith.constant 1.000000e-01 : f32
      %mul3A_40 = vector.broadcast %mul3A_39 : f32 to vector<1000x128xf32>
      %mul3A_41 = arith.mulf %mul3A_40, %add3A_36 : vector<1000x128xf32>
      %select_n3A = arith.select %ge3A_38, %add3A_36, %mul3A_41 : vector<1000x128xi1>, vector<1000x128xf32>
      %get3A_42 = arith.constant 0 : index
      %get3A_43 = arith.constant 0 : index
      %get3A_44 = vector.load %arg5[%get3A_42, %get3A_43] : memref<1000x128xf32, #tpu.memory_space<vmem>>, vector<1000x128xf32>
      %add3A_45 = arith.addf %select_n3A, %get3A_44 : vector<1000x128xf32>
      %swap3A = arith.constant 0 : index
      %swap3A_46 = arith.constant 0 : index
      %swap3A_47 = vector.load %arg10[%swap3A, %swap3A_46] : memref<1000x128xf32, #tpu.memory_space<vmem>>, vector<1000x128xf32>
      tpu.vector_store %arg10[%swap3A, %swap3A_46], %add3A_45 {strides = array<i32>} : memref<1000x128xf32, #tpu.memory_space<vmem>>, vector<1000x128xf32>,
    } else {
    }
    return
  }
  func.func @transform_0(%arg0: i32, %arg1: i32) -> (i32, i32, i32) {
    %sub3A = arith.constant 1 : i32
    %sub3A_0 = arith.subi %sub3A, %arg0 : i32
    %mul3A = arith.muli %arg1, %sub3A_0 : i32
    %c0_i32 = arith.constant 0 : i32
    %c0_i32_1 = arith.constant 0 : i32
    %c0_i32_2 = arith.constant 0 : i32
    return %c0_i32, %mul3A, %c0_i32_1 : i32, i32, i32
  }
  func.func @transform_1(%arg0: i32, %arg1: i32) -> (i32, i32) {
    %sub3A = arith.constant 1 : i32
    %sub3A_0 = arith.subi %sub3A, %arg0 : i32
    %mul3A = arith.muli %arg1, %sub3A_0 : i32
    %c0_i32 = arith.constant 0 : i32
    %c0_i32_1 = arith.constant 0 : i32
    return %mul3A, %c0_i32 : i32, i32
  }
  func.func @transform_2(%arg0: i32, %arg1: i32) -> (i32, i32) {
    %sub3A = arith.constant 1 : i32
    %sub3A_0 = arith.subi %sub3A, %arg0 : i32
    %mul3A = arith.muli %arg1, %sub3A_0 : i32
    %c0_i32 = arith.constant 0 : i32
    %c0_i32_1 = arith.constant 0 : i32
    return %mul3A, %c0_i32 : i32, i32
  }
  func.func @transform_3(%arg0: i32, %arg1: i32) -> (i32, i32) {
    %mul3A = arith.muli %arg1, %arg0 : i32
    %c0_i32 = arith.constant 0 : i32
    %c0_i32_0 = arith.constant 0 : i32
    return %mul3A, %c0_i32 : i32, i32
  }
  func.func @transform_4(%arg0: i32, %arg1: i32) -> (i32, i32) {
    %c0_i32 = arith.constant 0 : i32
    %c0_i32_0 = arith.constant 0 : i32
    %c0_i32_1 = arith.constant 0 : i32
    return %c0_i32, %c0_i32_0 : i32, i32
  }
  func.func @transform_5(%arg0: i32, %arg1: i32) -> (i32, i32) {
    %c0_i32 = arith.constant 0 : i32
    %c0_i32_0 = arith.constant 0 : i32
    %c0_i32_1 = arith.constant 0 : i32
    return %c0_i32, %c0_i32_0 : i32, i32
  }
  func.func @transform_6(%arg0: i32, %arg1: i32) -> (i32, i32) {
    %c0_i32 = arith.constant 0 : i32
    %c0_i32_0 = arith.constant 0 : i32
    %c0_i32_1 = arith.constant 0 : i32
    return %c0_i32, %c0_i32_0 : i32, i32
  }
  func.func @transform_7(%arg0: i32, %arg1: i32) -> (i32, i32) {
    %c0_i32 = arith.constant 0 : i32
    %c0_i32_0 = arith.constant 0 : i32
    %c0_i32_1 = arith.constant 0 : i32
    return %c0_i32, %c0_i32_0 : i32, i32
  }
  func.func @transform_8(%arg0: i32, %arg1: i32) -> (i32, i32) {
    %mul3A = arith.muli %arg1, %arg0 : i32
    %c0_i32 = arith.constant 0 : i32
    %c0_i32_0 = arith.constant 0 : i32
    return %mul3A, %c0_i32 : i32, i32
  }
}

</mosaic_0001>

<sc_bundles>
// kernel: kernel.12.cloned.1.call-start
scs
__scs_entry_jumppad:
0x0: {  	(pc) =	sbr.rel $0x88, $3  }
0x1: {  	(tag) =	ssettag $0x0;
	lr =	simm.s32 $0x1  }
0x2: {  	[smem:$0x3F93] =	sst lr;
	_ =	strace $0xD0000000  }
0x3: {  	_ = 	snop  }
0x4: {  	_ = 	snop  }
0x5: {  	_ = 	snop  }
0x6: {  	_ = 	snop  }
0x7: {  	_ = 	snop  }
__scs_overlays_trampoline_lowered:
0x8: {  	[smem:$0x3FA2] =	sst s0  }
0x9: {  	[smem:$0x3FA3] =	sst s1  }
0xa: {  	[smem:$0x3FA4] =	sst s2  }
0xb: {  	[smem:$0x3FA5] =	sst s3  }
0xc: {  	[smem:$0x3FA6] =	sst s4  }
0xd: {  	[smem:$0x3FA7] =	sst s5  }
0xe: {  	[smem:$0x3FA8] =	sst s6  }
0xf: {  	[smem:$0x3FA9] =	sst s7  }
0x10: {  	[smem:$0x3FAA] =	sst s8  }
0x11: {  	[smem:$0x3FAB] =	sst s9;
	s0 =	simm.s32 @!p0 $0x0  }
0x12: {  	s1 =	sld [smem:$0x3F91];
	s0 =	simm.s32 @p0 $0x1  }
0x13: {  	[smem:$0x3FAC] =	sst s0;
	s0 =	simm.s32 @!p1 $0x0  }
0x14: {  	s2 =	sld [smem:$0x3F90];
	s0 =	simm.s32 @p1 $0x1  }
0x15: {  	[smem:$0x3FAD] =	sst s0;
	s0 =	simm.s32 @!p2 $0x0  }
0x16: {  	s3 =	sld [smem:$0x3FDB];
	s0 =	simm.s32 @p2 $0x1  }
0x17: {  	s4 =	simm.s32 $0x1BF5;
	[smem:$0x3FAF] =	sst s0  }
0x18: {  	s0 =	sld [smem:$0x3F92];
	_ =	swait.ge [sflag:s4], $0x0  }
0x19: {  	s7 =	sld [smem:$0x3F93]  }
0x1a: {  	s8 =	sadd.s32 $0xFFFFE003, lr  }
0x1b: {  	s9 =	sadd.s32 $0xFFFFFEF7, lr;
	s5 =	simm.s32 $0xFFFFFFFF;
	p2 =	slt.u32 s8, $0xFFFFF086  }
0x1c: {  	p1 =	slt.u32 s9, $0xF7A;
	s5 =	simm.s32 @!p2 $0x0  }
0x1d: {  	s5 =	simm.s32 @p1 $0x1;
	p0 =	seq.s32 s7, s2  }
0x1e: {  	s7 =	smul.u32 @!p0 $0xF7A, s2;
	p2 =	seq.s32 @!p0 s5, $0x0  }
0x1f: {  	s9 =	smul.u32 $0xF7A, s1;
	s8 =	simm.s32 @!p0 $0x1BF5;
	p2 =	por !p2, p0  }
0x20: {  	[sflag:s8] =	ssyncset.s32 @!p0 $0xFFFFF086;
	s6 =	sadd.s32 @!p0 s3, s7;
	s7 =	simm.s32 @!p0 $0x108  }
0x21: {  	s3 =	sadd.s32 s3, s9;
	s6 =	sadd.s32 @!p0 $0x88, s6;
	s7 =	simm.s32 @p2 $0x1082  }
0x22: {  	[simem:s7], [sflag:s8] =	dma.local @!p0 [hbm:s6], $0xF7A  }
0x23: {  	s9 =	sor.u32 $0xD0000000, s2;
	s6 =	simm.s32 $0x108;
	_ =	swait.ge @!p0 [sflag:s8], $0x0  }
0x24: {  	s3 =	sadd.s32 $0x88, s3;
	s6 =	simm.s32 @!p1 $0x1082;
	[sflag:s4] =	ssyncset.s32 $0xFFFFF086  }
0x25: {  	[simem:s6], [sflag:s4] =	dma.local [hbm:s3], $0xF7A  }
0x26: {  	[smem:$0x3F93] =	sst s1;
	(tag) =	ssettag s2;
	_ =	strace s9  }
0x27: {  	s1 =	sld [smem:$0x3FA3]  }
0x28: {  	s2 =	sld [smem:$0x3FA4]  }
0x29: {  	s4 =	sld [smem:$0x3FA6]  }
0x2a: {  	p0 =	seq.s32 s5, $0x0;
	s5 =	sld [smem:$0x3FA7]  }
0x2b: {  	s6 =	sld [smem:$0x3FA8]  }
0x2c: {  	s7 =	sld [smem:$0x3FA9]  }
0x2d: {  	s3 =	simm.s32 $0x108;
	s8 =	sld [smem:$0x3FAA]  }
0x2e: {  	s3 =	simm.s32 @!p0 $0x1082;
	s9 =	sld [smem:$0x3FAB]  }
0x2f: {  	lr =	sadd.s32 s0, s3;
	s0 =	sld [smem:$0x3FA2]  }
0x30: {  	s3 =	sld [smem:$0x3FA5]  }
0x31: {  	[smem:$0x3FAE] =	sst s10  }
0x32: {  	s10 =	sld [smem:$0x3FAC];
	_ =	sdelay $0x3  }
0x33: {  	p0 =	seq.s32 s10, $0x1;
	s10 =	sld [smem:$0x3FAE];
	_ =	sdelay $0x3  }
0x34: {  	[smem:$0x3FAE] =	sst s10  }
0x35: {  	s10 =	sld [smem:$0x3FAD];
	_ =	sdelay $0x3  }
0x36: {  	p1 =	seq.s32 s10, $0x1;
	s10 =	sld [smem:$0x3FAE];
	_ =	sdelay $0x3  }
0x37: {  	[smem:$0x3FAE] =	sst s10  }
0x38: {  	s10 =	sld [smem:$0x3FAF]  }
0x39: {  	_ = 	snop;
	(pc) =	sbr.ind lr, $3  }
0x3a: {  	_ = 	snop  }
0x3b: {  	_ = 	snop  }
0x3c: {  	p2 =	seq.s32 s10, $0x1;
	s10 =	sld [smem:$0x3FAE]  }
0x3d: {  	_ =	shalt  }
0x3e: {  	_ =	shalt  }
0x3f: {  	_ =	shalt  }
0x40: {  	_ =	shalt  }
0x41: {  	_ =	shalt  }
0x42: {  	_ =	shalt  }
0x43: {  	_ =	shalt  }
0x44: {  	_ =	shalt  }
0x45: {  	_ =	shalt  }
0x46: {  	_ =	shalt  }
0x47: {  	_ =	shalt  }
0x48: {  	_ =	shalt  }
0x49: {  	_ =	shalt  }
0x4a: {  	_ =	shalt  }
0x4b: {  	_ =	shalt  }
0x4c: {  	_ =	shalt  }
0x4d: {  	_ =	shalt  }
0x4e: {  	_ =	shalt  }
0x4f: {  	_ =	shalt  }
0x50: {  	_ =	shalt  }
0x51: {  	_ =	shalt  }
0x52: {  	_ =	shalt  }
0x53: {  	_ =	shalt  }
0x54: {  	_ =	shalt  }
0x55: {  	_ =	shalt  }
0x56: {  	_ =	shalt  }
0x57: {  	_ =	shalt  }
0x58: {  	_ =	shalt  }
0x59: {  	_ =	shalt  }
0x5a: {  	_ =	shalt  }
0x5b: {  	_ =	shalt  }
0x5c: {  	_ =	shalt  }
0x5d: {  	_ =	shalt  }
0x5e: {  	_ =	shalt  }
0x5f: {  	_ =	shalt  }
0x60: {  	_ =	shalt  }
0x61: {  	_ =	shalt  }
0x62: {  	_ =	shalt  }
0x63: {  	_ =	shalt  }
0x64: {  	_ =	shalt  }
0x65: {  	_ =	shalt  }
0x66: {  	_ =	shalt  }
0x67: {  	_ =	shalt  }
0x68: {  	_ =	shalt  }
0x69: {  	_ =	shalt  }
0x6a: {  	_ =	shalt  }
0x6b: {  	_ =	shalt  }
0x6c: {  	_ =	shalt  }
0x6d: {  	_ =	shalt  }
0x6e: {  	_ =	shalt  }
0x6f: {  	_ =	shalt  }
0x70: {  	_ =	shalt  }
0x71: {  	_ =	shalt  }
0x72: {  	_ =	shalt  }
0x73: {  	_ =	shalt  }
0x74: {  	_ =	shalt  }
0x75: {  	_ =	shalt  }
0x76: {  	_ =	shalt  }
0x77: {  	_ =	shalt  }
0x78: {  	_ =	shalt  }
0x79: {  	_ =	shalt  }
0x7a: {  	_ =	shalt  }
0x7b: {  	_ =	shalt  }
0x7c: {  	_ =	shalt  }
0x7d: {  	_ =	shalt  }
0x7e: {  	_ =	shalt  }
0x7f: {  	_ =	shalt  }
0x80: {  	_ =	shalt  }
0x81: {  	_ =	shalt  }
0x82: {  	_ =	shalt  }
0x83: {  	_ =	shalt  }
0x84: {  	_ =	shalt  }
0x85: {  	_ =	shalt  }
0x86: {  	_ =	shalt  }
0x87: {  	_ =	shalt  }
.Lfunc_end0:
.L_simem_size_0:
called_computation.1_lowered:
.L_overlay_start_0:
0x88: {  	s2 =	sld [smem:$0x3FD9]  }
0x89: {  	s3 =	sld [smem:$0x3FFE];
	_ =	sdelay $0x1  }
0x8a: {  	s1 =	srdreg.scid  }
0x8b: {  	s0 =	sand.u32 $0x1, s1  }
0x8c: {  	s17 =	sshll.u32 s0, $0xA;
	s2 =	sadd.s32 s3, s2  }
0x8d: {  	s2 =	sadd.s32 s2, s17  }
0x8e: {  	[smem:$0x3FBA] =	sst s2  }
0x8f: {  	_ = 	snop  }
0x90: {  	s18 =	sld [smem:$0x3FC9];
	(tm) =	ssettm $0x1  }
0x91: {  	s19 =	sld [smem:$0x3FFB];
	_ =	sdelay $0x3  }
0x92: {  	_ =	strace s19  }
0x93: {  	s2 =	sld [smem:$0x3FFC];
	_ =	sdelay $0x3  }
0x94: {  	_ =	strace s2  }
0x95: {  	s2 =	sld [smem:$0x3FFD];
	_ =	sdelay $0x3  }
0x96: {  	_ =	strace s2  }
0x97: {  	_ =	strace $0x8FFFFFFF  }
0x98: {  	s20 =	sld [smem:$0x3FDB];
	_ =	sdelay $0x1  }
0x99: {  	s4 =	simm.s32 $_scs_section_size  }
0x9a: {  	s5 =	simm.s32 $_size__tile_overlayer_lowered;
	s6 =	simm.s32 $_tile_overlayer_lowered  }
0x9b: {  	s7 =	simm.s32 $0x1BFF;
	s21 =	sshll.u32 s6, $0x1;
	s4 =	sadd.s32 s4, s20  }
0x9c: {  	s22 =	simm.s32 $0x0;
	s5 =	sshll.u32 s5, $0x1;
	s6 =	sadd.s32 s21, s4  }
0x9d: {  	[timem:s22], [sflag:s7] =	dma.local [hbm:s6], s5  }
0x9e: {  	_ =	swait.ge [sflag:s7], s5  }
0x9f: {  	s5 =	ssub.s32 $0x0, s5;
	[sflag:s7] =	ssyncset.done $0x0  }
0xa0: {  	[sflag:s7] =	ssyncadd.s32 s5;
	_ =	sdelay $0x1  }
0xa1: {  	s23 =	simm.s32 $0x1B8B  }
0xa2: {  	_ =	swait.ge [sflag:s23], $0x1  }
0xa3: {  	[sflag:s23] =	ssyncset.done $0x0  }
0xa4: {  	[sflag:s23] =	ssyncadd.s32 $0xFFFFFFFF  }
0xa5: {  	s5 =	sld [smem:$0x0]  }
0xa6: {  	s6 =	sand.u32 $0xFFFFFFFE, s1  }
0xa7: {  	p0 =	sne.s32 s1, s6  }
0xa8: {  	s6 =	sshll.u32 @p0 s6, $0xE  }
0xa9: {  	s6 =	sadd.s32 @p0 $0x11B8D, s6;
	s7 =	sshll.u32 @p0 s5, $0x11  }
0xaa: {  	s6 =	sor.u32 @p0 s7, s6  }
0xab: {  	[sflag:s6] =	ssyncadd.remote.s32 @p0 $0x1;
	_ =	sdelay $0x1  }
0xac: {  	s6 =	simm.s32 @p0 $0x1B8D  }
0xad: {  	_ =	swait.eq @p0 [sflag:s6], $0x1  }
0xae: {  	[sflag:s6] =	ssyncadd.s32 @p0 $0xFFFFFFFF  }
0xaf: {  	s7 =	sshll.u32 @!p0 s1, $0xE  }
0xb0: {  	s7 =	sor.u32 @!p0 $0x4000, s7;
	s6 =	simm.s32 @!p0 $0x1B8D  }
0xb1: {  	s5 =	sshll.u32 @!p0 s5, $0x11;
	s7 =	sadd.s32 @!p0 $0x11B8D, s7;
	_ =	swait.eq @!p0 [sflag:s6], $0x1  }
0xb2: {  	s5 =	sor.u32 @!p0 s5, s7;
	[sflag:s6] =	ssyncadd.s32 @!p0 $0xFFFFFFFF  }
0xb3: {  	s25 =	simm.s32 $0x1B8E;
	s24 =	sld [smem:$0x3FFE];
	[sflag:s5] =	ssyncadd.remote.s32 @!p0 $0x1  }
0xb4: {  	s26 =	simm.s32 $execute0_lowered;
	[smem:$0x3FD2] =	sst s25  }
0xb5: {  	s6 =	sshll.u32 s26, $0x1;
	_ =	strace $0x80000049;
	[dreg:$0x1] =	wrdreg $0xFFFFFFFF  }
0xb6: {  	s28 =	simm.s32 $_size_execute0_lowered;
	s4 =	sadd.s32 s4, s6;
	[dreg:$0x0] =	wrdreg $0x0  }
0xb7: {  	s6 =	sshll.u32 s28, $0x1;
	[dreg:$0x2] =	wrdreg s4  }
0xb8: {  	[dreg:$0x3] =	wrdreg s6  }
0xb9: {  	[dreg:$0x4] =	wrdreg $0xC0  }
0xba: {  	_ =	task [dreg:s22], $0x5FFFF  }
0xbb: {  	[dreg:$0x1] =	wrdreg $0xFFFFFFFF  }
0xbc: {  	[dreg:$0x0] =	wrdreg $0x60  }
0xbd: {  	[dreg:$0x2] =	wrdreg s18  }
0xbe: {  	[dreg:$0x3] =	wrdreg s24  }
0xbf: {  	[dreg:$0x4] =	wrdreg $0x90000  }
0xc0: {  	[dreg:$0x5] =	wrdreg $0xA  }
0xc1: {  	_ =	task.clear_ibuf [dreg:s22], $0x6FFFF;
	_ =	strace $0x90000049  }
0xc2: {  	s29 =	simm.s32 $0xA;
	_ =	strace $0x8000004B  }
0xc3: {  	_ =	swait.ge [sflag:s29], $0x1  }
0xc4: {  	[sflag:s29] =	ssyncadd.s32 $0xFFFFFFFF  }
0xc5: {  	_ =	strace $0x9000004B  }
0xc6: {  	_ =	sfence  }
0xc7: {  	s30 =	sld [smem:$0x0];
	_ =	sdelay $0x2  }
0xc8: {  	s31 =	sshll.u32 s1, $0xD;
	s1 =	sshrl.u32 s1, $0x2  }
0xc9: {  	s4 =	sand.u32 $0x4000, s31;
	s1 =	sadd.s32 s1, s30  }
0xca: {  	s0 =	sor.u32 s4, s0;
	s1 =	sshll.u32 s1, $0x11  }
0xcb: {  	s0 =	sor.u32 s1, s0  }
0xcc: {  	s0 =	sadd.s32 $0x8F2B, s0  }
0xcd: {  	[sflag:s0] =	ssyncadd.remote.s32 $0x1  }
0xce: {  	_ =	sfence.sel $0xFFFF  }
0xcf: {  	[dreg:$0x0] =	wrdreg $0xFFFFFFFF;
	(pc) =	sbr.abs _section_cstart, $3  }
0xd0: {  	[dreg:$0x1] =	wrdreg $0xFFFFFFFF  }
0xd1: {  	_ =	task.clear_ibuf [dreg:s22], $0x2FFFF;
	_ =	strace $0x9FFFFFFF  }
0xd2: {  	(tm) =	ssettm $0x7FFFFFFF  }
0xd3: {  	_ =	shalt  }
tec
execute0_lowered:
.L_overlay_start_1:
0x0: {  	(tag) =	ssettag $0x1  }
0x1: {  	s1 =	rddreg [dreg:$0x0]  }
0x2: {  	s0 =	srdreg.scid;
	s2 =	rddreg [dreg:$0x1]  }
0x3: {  	s8 =	stileid.u32;
	s3 =	rddreg [dreg:$0x2];
	s4 =	simm.s32 $0x0  }
0x4: {  	s11 =	simm.s32 $0x100;
	s12 =	simm.s32 $0x880;
	[smem:$0x7FF] =	sst s4  }
0x5: {  	s13 =	simm.s32 $0x180;
	_ =	strace $0x8000004A;
	[dreg:$0x6] =	wrdreg s11  }
0x6: {  	s15 =	simm.s32 $0x900;
	s17 =	simm.s32 $0x200;
	[dreg:$0x7] =	wrdreg s12  }
0x7: {  	s19 =	simm.s32 $0x980;
	s21 =	simm.s32 $0x280;
	[dreg:$0x8] =	wrdreg s13  }
0x8: {  	s22 =	simm.s32 $0xA00;
	s23 =	simm.s32 $0x300;
	[dreg:$0x9] =	wrdreg s15  }
0x9: {  	s24 =	simm.s32 $0xA80;
	s25 =	simm.s32 $0x380;
	[dreg:$0xa] =	wrdreg s17  }
0xa: {  	s26 =	simm.s32 $0xB00;
	s28 =	simm.s32 $0x600;
	[dreg:$0xb] =	wrdreg s19  }
0xb: {  	s29 =	simm.s32 $0xD80;
	s30 =	simm.s32 $0x680;
	[dreg:$0xc] =	wrdreg s21  }
0xc: {  	s31 =	simm.s32 $0xE00;
	s6 =	smul.u32 $0x2800, s8;
	[dreg:$0xd] =	wrdreg s22  }
0xd: {  	s0 =	sand.u32 $0x1, s0;
	s8 =	smul.u32 $0x50000, s8;
	[dreg:$0xe] =	wrdreg s23  }
0xe: {  	s5 =	smul.u32 $0x28000, s0;
	s0 =	ssub.s32 $0x2, s0;
	[dreg:$0xf] =	wrdreg s24  }
0xf: {  	s12 =	simm.s32 $0x1000;
	s13 =	simm.s32 $0x3;
	[dreg:$0x10] =	wrdreg s25  }
0x10: {  	s15 =	simm.s32 $0x80;
	s17 =	simm.s32 $0x1;
	[dreg:$0x11] =	wrdreg s26  }
0x11: {  	s19 =	simm.s32 $0x400;
	s21 =	simm.s32 $0x480;
	s22 =	simm.s32 $0xC00  }
0x12: {  	s23 =	simm.s32 $0x500;
	s7 =	sshrl.u32 s0, $0x1;
	s8 =	sshrl.u32 s8, $0x2  }
0x13: {  	s24 =	simm.s32 $0xC80;
	s0 =	ssub.s32 s0, s7;
	s10 =	sadd.s32 s8, s3  }
0x14: {  	s25 =	simm.s32 $0x580;
	s0 =	smax.u32 s0, $0x1;
	[dreg:$0x12] =	wrdreg s10  }
0x15: {  	s26 =	simm.s32 $0xD00;
	s14 =	sadd.s32 $0x4000, s10;
	[dreg:$0x14] =	wrdreg s0  }
0x16: {  	s5 =	sadd.s32 s6, s5;
	s16 =	sadd.s32 $0x8000, s10;
	[dreg:$0x15] =	wrdreg s14  }
0x17: {  	s8 =	simm.s32 $0xF80;
	s18 =	sadd.s32 $0xC000, s10;
	[dreg:$0x16] =	wrdreg s16  }
0x18: {  	s6 =	sshrl.u32 s5, $0x3;
	s20 =	sadd.s32 $0x10000, s10;
	[dreg:$0x17] =	wrdreg s18  }
0x19: {  	s6 =	sadd.s32 s6, s2;
	s2 =	sadd.s32 s5, s2;
	[dreg:$0x18] =	wrdreg s20  }
0x1a: {  	s14 =	simm.s32 $0x800;
	s16 =	simm.s32 $0x5000;
	s7 =	sadd.s32 $0xCE00, s6  }
0x1b: {  	s18 =	simm.s32 $0x2;
	s9 =	sadd.s32 $0x2E00, s6;
	[dreg:$0x4] =	wrdreg s7  }
0x1c: {  	s20 =	simm.s32 $0xB80;
	s2 =	sadd.s32 $0x16E00, s2;
	[dreg:$0x5] =	wrdreg s9  }
0x1d: {  	s0 =	simm.s32 $0xE80;
	s6 =	simm.s32 $0x780;
	[dreg:$0x13] =	wrdreg s2  }
0x1e: {  	v0 =	vimm.f32 $0.0e+00;
	s2 =	simm.s32 $0x700;
	s7 =	simm.s32 $0xF00;
	s9 =	simm.s32 $0x0  }
.LBB2_1:
0x1f: {  	s10 =	simm.s32 $0x0;
	s11 =	simm.s32 $0x200  }
.LBB2_2:
0x20: {  	p0 =	sne.s32 s11, $0xFE00;
	[tilespmem:s10+$0x1070] =	vst v0  }
0x21: {  	[tilespmem:s10+$0x1000] =	vst v0  }
0x22: {  	[tilespmem:s10+$0x1010] =	vst v0  }
.Ltmp0:
0x23: {  	[tilespmem:s10+$0x1020] =	vst v0;
	(pc) =	sbr.rel @p0 .LBB2_2-.Ltmp0, $4  }
0x24: {  	[tilespmem:s10+$0x1030] =	vst v0  }
0x25: {  	[tilespmem:s10+$0x1040] =	vst v0  }
0x26: {  	[tilespmem:s10+$0x1050] =	vst v0  }
0x27: {  	[tilespmem:s10+$0x1060] =	vst v0;
	s10 =	sshra.s32 s11, $0x2;
	s11 =	sadd.s32 $0x200, s11  }
0x28: {  	[tilespmem:s10+$0x1070] =	vst v0  }
0x29: {  	[tilespmem:s10+$0x1000] =	vst v0  }
0x2a: {  	[tilespmem:s10+$0x1010] =	vst v0  }
0x2b: {  	[tilespmem:s10+$0x1020] =	vst v0  }
0x2c: {  	[tilespmem:s10+$0x1030] =	vst v0  }
0x2d: {  	[tilespmem:s10+$0x1040] =	vst v0  }
0x2e: {  	[dreg:$0x19] =	wrdreg s9;
	[tilespmem:s10+$0x1050] =	vst v0  }
0x2f: {  	[tilespmem:s10+$0x1060] =	vst v0;
	s5 =	rddreg [dreg:$0x12]  }
0x30: {  	[spmem:s5] =	stream.linear.scatter [tilespmem:s12], [sflag:$0x3], $0x4000, $0x38;
	[tilespmem:$0x1D000] =	vst v63  }
0x31: {  	_ =	swait.ge [sflag:s13], $0x4000  }
0x32: {  	[sflag:s13] =	ssyncset.done $0x0  }
0x33: {  	s9 =	rddreg [dreg:$0x15];
	[sflag:s13] =	ssyncadd.s32 $0xFFFFC000  }
0x34: {  	[spmem:s9] =	stream.linear.scatter [tilespmem:s12], [sflag:$0x3], $0x4000, $0x38;
	[tilespmem:$0x1D000] =	vst v63  }
0x35: {  	_ =	swait.ge [sflag:s13], $0x4000  }
0x36: {  	[sflag:s13] =	ssyncset.done $0x0  }
0x37: {  	s10 =	rddreg [dreg:$0x16];
	[sflag:s13] =	ssyncadd.s32 $0xFFFFC000  }
0x38: {  	[spmem:s10] =	stream.linear.scatter [tilespmem:s12], [sflag:$0x3], $0x4000, $0x38;
	[tilespmem:$0x1D000] =	vst v63  }
0x39: {  	_ =	swait.ge [sflag:s13], $0x4000  }
0x3a: {  	[sflag:s13] =	ssyncset.done $0x0  }
0x3b: {  	s11 =	rddreg [dreg:$0x17];
	[sflag:s13] =	ssyncadd.s32 $0xFFFFC000  }
0x3c: {  	[spmem:s11] =	stream.linear.scatter [tilespmem:s12], [sflag:$0x3], $0x4000, $0x38;
	[tilespmem:$0x1D000] =	vst v63  }
0x3d: {  	_ =	swait.ge [sflag:s13], $0x4000  }
0x3e: {  	[sflag:s13] =	ssyncset.done $0x0  }
0x3f: {  	s9 =	rddreg [dreg:$0x18];
	[sflag:s13] =	ssyncadd.s32 $0xFFFFC000  }
0x40: {  	[spmem:s9] =	stream.linear.scatter [tilespmem:s12], [sflag:$0x3], $0x4000, $0x38;
	[tilespmem:$0x1D000] =	vst v63  }
0x41: {  	_ =	swait.ge [sflag:s13], $0x4000  }
0x42: {  	[sflag:s13] =	ssyncset.done $0x0  }
0x43: {  	[sflag:s13] =	ssyncadd.s32 $0xFFFFC000  }
0x44: {  	[bflag:$0x0] =	sbarrier.arrive $0xFFFF  }
0x45: {  	s10 =	rddreg [dreg:$0x5]  }
0x46: {  	s5 =	sadd.s32 $0x0, s10  }
0x47: {  	[tilespmem:s4], [sflag:$0x3] =	stream.linear.gather [hbm4b:s5+s4], $0x800, $0x38;
	[tilespmem:$0x1D000] =	vst v63  }
0x48: {  	_ =	swait.ge [sflag:s13], $0x800  }
0x49: {  	s11 =	rddreg [dreg:$0x4];
	[sflag:s13] =	ssyncset.done $0x0  }
0x4a: {  	[sflag:s13] =	ssyncadd.s32 $0xFFFFF800;
	s5 =	sadd.s32 $0x0, s11  }
0x4b: {  	[tilespmem:s14], [sflag:$0x3] =	stream.linear.gather [hbm4b:s5+s4], $0x800, $0x38;
	[tilespmem:$0x1D000] =	vst v63  }
0x4c: {  	_ =	swait.ge [sflag:s13], $0x800  }
0x4d: {  	[sflag:s13] =	ssyncset.done $0x0  }
0x4e: {  	[sflag:s13] =	ssyncadd.s32 $0xFFFFF800  }
0x4f: {  	[tilespmem:s12], [sflag:$0x1] =	stream.indirect.gather [hbm4b:s1+s15], $0x80, s4, s15, $0xb8;
	[tilespmem:$0x1D000] =	vst v63  }
0x50: {  	_ = 	snop  }
0x51: {  	[tilespmem:s16], [sflag:$0x2] =	stream.indirect.gather [hbm4b:s1+s15], $0x80, s15, s15, $0xb8;
	[tilespmem:$0x1D000] =	vst v63  }
0x52: {  	_ =	swait.ge [sflag:s17], $0x4000  }
0x53: {  	[sflag:s17] =	ssyncset.done $0x0  }
0x54: {  	[sflag:s17] =	ssyncadd.s32 $0xFFFFC000  }
0x55: {  	[spmem:s3] =	stream.indirect.scatter.add.f32 [tilespmem:s12], [sflag:$0x3], $0x80, s14, s15, $0xb8;
	[tilespmem:$0x1D000] =	vst v63  }
0x56: {  	_ =	swait.ge [sflag:s13], $0x4000  }
0x57: {  	[sflag:s13] =	ssyncset.done $0x0  }
0x58: {  	s9 =	rddreg [dreg:$0x6];
	[sflag:s13] =	ssyncadd.s32 $0xFFFFC000  }
0x59: {  	[tilespmem:s12], [sflag:$0x1] =	stream.indirect.gather [hbm4b:s1+s15], $0x80, s9, s15, $0xb8;
	[tilespmem:$0x1D000] =	vst v63  }
0x5a: {  	_ =	swait.ge [sflag:s18], $0x4000  }
0x5b: {  	[sflag:s18] =	ssyncset.done $0x0  }
0x5c: {  	s10 =	rddreg [dreg:$0x7];
	[sflag:s18] =	ssyncadd.s32 $0xFFFFC000  }
0x5d: {  	[spmem:s3] =	stream.indirect.scatter.add.f32 [tilespmem:s16], [sflag:$0x3], $0x80, s10, s15, $0xb8;
	[tilespmem:$0x1D000] =	vst v63  }
0x5e: {  	_ =	swait.ge [sflag:s13], $0x4000  }
0x5f: {  	[sflag:s13] =	ssyncset.done $0x0  }
0x60: {  	s11 =	rddreg [dreg:$0x8];
	[sflag:s13] =	ssyncadd.s32 $0xFFFFC000  }
0x61: {  	[tilespmem:s16], [sflag:$0x2] =	stream.indirect.gather [hbm4b:s1+s15], $0x80, s11, s15, $0xb8;
	[tilespmem:$0x1D000] =	vst v63  }
0x62: {  	_ =	swait.ge [sflag:s17], $0x4000  }
0x63: {  	[sflag:s17] =	ssyncset.done $0x0  }
0x64: {  	s9 =	rddreg [dreg:$0x9];
	[sflag:s17] =	ssyncadd.s32 $0xFFFFC000  }
0x65: {  	[spmem:s3] =	stream.indirect.scatter.add.f32 [tilespmem:s12], [sflag:$0x3], $0x80, s9, s15, $0xb8;
	[tilespmem:$0x1D000] =	vst v63  }
0x66: {  	_ =	swait.ge [sflag:s13], $0x4000  }
0x67: {  	[sflag:s13] =	ssyncset.done $0x0  }
0x68: {  	s10 =	rddreg [dreg:$0xa];
	[sflag:s13] =	ssyncadd.s32 $0xFFFFC000  }
0x69: {  	[tilespmem:s12], [sflag:$0x1] =	stream.indirect.gather [hbm4b:s1+s15], $0x80, s10, s15, $0xb8;
	[tilespmem:$0x1D000] =	vst v63  }
0x6a: {  	_ =	swait.ge [sflag:s18], $0x4000  }
0x6b: {  	[sflag:s18] =	ssyncset.done $0x0  }
0x6c: {  	s11 =	rddreg [dreg:$0xb];
	[sflag:s18] =	ssyncadd.s32 $0xFFFFC000  }
0x6d: {  	[spmem:s3] =	stream.indirect.scatter.add.f32 [tilespmem:s16], [sflag:$0x3], $0x80, s11, s15, $0xb8;
	[tilespmem:$0x1D000] =	vst v63  }
0x6e: {  	_ =	swait.ge [sflag:s13], $0x4000  }
0x6f: {  	[sflag:s13] =	ssyncset.done $0x0  }
0x70: {  	s9 =	rddreg [dreg:$0xc];
	[sflag:s13] =	ssyncadd.s32 $0xFFFFC000  }
0x71: {  	[tilespmem:s16], [sflag:$0x2] =	stream.indirect.gather [hbm4b:s1+s15], $0x80, s9, s15, $0xb8;
	[tilespmem:$0x1D000] =	vst v63  }
0x72: {  	_ =	swait.ge [sflag:s17], $0x4000  }
0x73: {  	[sflag:s17] =	ssyncset.done $0x0  }
0x74: {  	s10 =	rddreg [dreg:$0xd];
	[sflag:s17] =	ssyncadd.s32 $0xFFFFC000  }
0x75: {  	[spmem:s3] =	stream.indirect.scatter.add.f32 [tilespmem:s12], [sflag:$0x3], $0x80, s10, s15, $0xb8;
	[tilespmem:$0x1D000] =	vst v63  }
0x76: {  	_ =	swait.ge [sflag:s13], $0x4000  }
0x77: {  	[sflag:s13] =	ssyncset.done $0x0  }
0x78: {  	s11 =	rddreg [dreg:$0xe];
	[sflag:s13] =	ssyncadd.s32 $0xFFFFC000  }
0x79: {  	[tilespmem:s12], [sflag:$0x1] =	stream.indirect.gather [hbm4b:s1+s15], $0x80, s11, s15, $0xb8;
	[tilespmem:$0x1D000] =	vst v63  }
0x7a: {  	_ =	swait.ge [sflag:s18], $0x4000  }
0x7b: {  	[sflag:s18] =	ssyncset.done $0x0  }
0x7c: {  	s9 =	rddreg [dreg:$0xf];
	[sflag:s18] =	ssyncadd.s32 $0xFFFFC000  }
0x7d: {  	[spmem:s3] =	stream.indirect.scatter.add.f32 [tilespmem:s16], [sflag:$0x3], $0x80, s9, s15, $0xb8;
	[tilespmem:$0x1D000] =	vst v63  }
0x7e: {  	_ =	swait.ge [sflag:s13], $0x4000  }
0x7f: {  	[sflag:s13] =	ssyncset.done $0x0  }
0x80: {  	s10 =	rddreg [dreg:$0x10];
	[sflag:s13] =	ssyncadd.s32 $0xFFFFC000  }
0x81: {  	[tilespmem:s16], [sflag:$0x2] =	stream.indirect.gather [hbm4b:s1+s15], $0x80, s10, s15, $0xb8;
	[tilespmem:$0x1D000] =	vst v63  }
0x82: {  	_ =	swait.ge [sflag:s17], $0x4000  }
0x83: {  	[sflag:s17] =	ssyncset.done $0x0  }
0x84: {  	s11 =	rddreg [dreg:$0x11];
	[sflag:s17] =	ssyncadd.s32 $0xFFFFC000  }
0x85: {  	[spmem:s3] =	stream.indirect.scatter.add.f32 [tilespmem:s12], [sflag:$0x3], $0x80, s11, s15, $0xb8;
	[tilespmem:$0x1D000] =	vst v63  }
0x86: {  	_ =	swait.ge [sflag:s13], $0x4000  }
0x87: {  	[sflag:s13] =	ssyncset.done $0x0  }
0x88: {  	[sflag:s13] =	ssyncadd.s32 $0xFFFFC000  }
0x89: {  	[tilespmem:s12], [sflag:$0x1] =	stream.indirect.gather [hbm4b:s1+s15], $0x80, s19, s15, $0xb8;
	[tilespmem:$0x1D000] =	vst v63  }
0x8a: {  	_ =	swait.ge [sflag:s18], $0x4000  }
0x8b: {  	[sflag:s18] =	ssyncset.done $0x0  }
0x8c: {  	[sflag:s18] =	ssyncadd.s32 $0xFFFFC000  }
0x8d: {  	[spmem:s3] =	stream.indirect.scatter.add.f32 [tilespmem:s16], [sflag:$0x3], $0x80, s20, s15, $0xb8;
	[tilespmem:$0x1D000] =	vst v63  }
0x8e: {  	_ =	swait.ge [sflag:s13], $0x4000  }
0x8f: {  	[sflag:s13] =	ssyncset.done $0x0  }
0x90: {  	[sflag:s13] =	ssyncadd.s32 $0xFFFFC000  }
0x91: {  	[tilespmem:s16], [sflag:$0x2] =	stream.indirect.gather [hbm4b:s1+s15], $0x80, s21, s15, $0xb8;
	[tilespmem:$0x1D000] =	vst v63  }
0x92: {  	_ =	swait.ge [sflag:s17], $0x4000  }
0x93: {  	[sflag:s17] =	ssyncset.done $0x0  }
0x94: {  	[sflag:s17] =	ssyncadd.s32 $0xFFFFC000  }
0x95: {  	[spmem:s3] =	stream.indirect.scatter.add.f32 [tilespmem:s12], [sflag:$0x3], $0x80, s22, s15, $0xb8;
	[tilespmem:$0x1D000] =	vst v63  }
0x96: {  	_ =	swait.ge [sflag:s13], $0x4000  }
0x97: {  	[sflag:s13] =	ssyncset.done $0x0  }
0x98: {  	[sflag:s13] =	ssyncadd.s32 $0xFFFFC000  }
0x99: {  	[tilespmem:s12], [sflag:$0x1] =	stream.indirect.gather [hbm4b:s1+s15], $0x80, s23, s15, $0xb8;
	[tilespmem:$0x1D000] =	vst v63  }
0x9a: {  	_ =	swait.ge [sflag:s18], $0x4000  }
0x9b: {  	[sflag:s18] =	ssyncset.done $0x0  }
0x9c: {  	[sflag:s18] =	ssyncadd.s32 $0xFFFFC000  }
0x9d: {  	[spmem:s3] =	stream.indirect.scatter.add.f32 [tilespmem:s16], [sflag:$0x3], $0x80, s24, s15, $0xb8;
	[tilespmem:$0x1D000] =	vst v63  }
0x9e: {  	_ =	swait.ge [sflag:s13], $0x4000  }
0x9f: {  	[sflag:s13] =	ssyncset.done $0x0  }
0xa0: {  	[sflag:s13] =	ssyncadd.s32 $0xFFFFC000  }
0xa1: {  	[tilespmem:s16], [sflag:$0x2] =	stream.indirect.gather [hbm4b:s1+s15], $0x80, s25, s15, $0xb8;
	[tilespmem:$0x1D000] =	vst v63  }
0xa2: {  	_ =	swait.ge [sflag:s17], $0x4000  }
0xa3: {  	[sflag:s17] =	ssyncset.done $0x0  }
0xa4: {  	[sflag:s17] =	ssyncadd.s32 $0xFFFFC000  }
0xa5: {  	[spmem:s3] =	stream.indirect.scatter.add.f32 [tilespmem:s12], [sflag:$0x3], $0x80, s26, s15, $0xb8;
	[tilespmem:$0x1D000] =	vst v63  }
0xa6: {  	_ =	swait.ge [sflag:s13], $0x4000  }
0xa7: {  	[sflag:s13] =	ssyncset.done $0x0  }
0xa8: {  	[sflag:s13] =	ssyncadd.s32 $0xFFFFC000  }
0xa9: {  	[tilespmem:s12], [sflag:$0x1] =	stream.indirect.gather [hbm4b:s1+s15], $0x80, s28, s15, $0xb8;
	[tilespmem:$0x1D000] =	vst v63  }
0xaa: {  	_ =	swait.ge [sflag:s18], $0x4000  }
0xab: {  	[sflag:s18] =	ssyncset.done $0x0  }
0xac: {  	[sflag:s18] =	ssyncadd.s32 $0xFFFFC000  }
0xad: {  	[spmem:s3] =	stream.indirect.scatter.add.f32 [tilespmem:s16], [sflag:$0x3], $0x80, s29, s15, $0xb8;
	[tilespmem:$0x1D000] =	vst v63  }
0xae: {  	_ =	swait.ge [sflag:s13], $0x4000  }
0xaf: {  	[sflag:s13] =	ssyncset.done $0x0  }
0xb0: {  	[sflag:s13] =	ssyncadd.s32 $0xFFFFC000  }
0xb1: {  	[tilespmem:s16], [sflag:$0x2] =	stream.indirect.gather [hbm4b:s1+s15], $0x80, s30, s15, $0xb8;
	[tilespmem:$0x1D000] =	vst v63  }
0xb2: {  	_ =	swait.ge [sflag:s17], $0x4000  }
0xb3: {  	[sflag:s17] =	ssyncset.done $0x0  }
0xb4: {  	[sflag:s17] =	ssyncadd.s32 $0xFFFFC000  }
0xb5: {  	[spmem:s3] =	stream.indirect.scatter.add.f32 [tilespmem:s12], [sflag:$0x3], $0x80, s31, s15, $0xb8;
	[tilespmem:$0x1D000] =	vst v63  }
0xb6: {  	_ =	swait.ge [sflag:s13], $0x4000  }
0xb7: {  	[sflag:s13] =	ssyncset.done $0x0  }
0xb8: {  	[sflag:s13] =	ssyncadd.s32 $0xFFFFC000  }
0xb9: {  	[tilespmem:s12], [sflag:$0x1] =	stream.indirect.gather [hbm4b:s1+s15], $0x80, s2, s15, $0xb8;
	[tilespmem:$0x1D000] =	vst v63  }
0xba: {  	_ =	swait.ge [sflag:s18], $0x4000  }
0xbb: {  	[sflag:s18] =	ssyncset.done $0x0  }
0xbc: {  	[sflag:s18] =	ssyncadd.s32 $0xFFFFC000  }
0xbd: {  	[spmem:s3] =	stream.indirect.scatter.add.f32 [tilespmem:s16], [sflag:$0x3], $0x80, s0, s15, $0xb8;
	[tilespmem:$0x1D000] =	vst v63  }
0xbe: {  	_ =	swait.ge [sflag:s13], $0x4000  }
0xbf: {  	[sflag:s13] =	ssyncset.done $0x0  }
0xc0: {  	[sflag:s13] =	ssyncadd.s32 $0xFFFFC000  }
0xc1: {  	[tilespmem:s16], [sflag:$0x2] =	stream.indirect.gather [hbm4b:s1+s15], $0x80, s6, s15, $0xb8;
	[tilespmem:$0x1D000] =	vst v63  }
0xc2: {  	_ =	swait.ge [sflag:s17], $0x4000  }
0xc3: {  	[sflag:s17] =	ssyncset.done $0x0  }
0xc4: {  	[sflag:s17] =	ssyncadd.s32 $0xFFFFC000  }
0xc5: {  	[spmem:s3] =	stream.indirect.scatter.add.f32 [tilespmem:s12], [sflag:$0x3], $0x80, s7, s15, $0xb8;
	[tilespmem:$0x1D000] =	vst v63  }
0xc6: {  	_ =	swait.ge [sflag:s13], $0x4000  }
0xc7: {  	[sflag:s13] =	ssyncset.done $0x0  }
0xc8: {  	[sflag:s13] =	ssyncadd.s32 $0xFFFFC000  }
0xc9: {  	_ =	swait.ge [sflag:s18], $0x4000  }
0xca: {  	[sflag:s18] =	ssyncset.done $0x0  }
0xcb: {  	[sflag:s18] =	ssyncadd.s32 $0xFFFFC000  }
0xcc: {  	[spmem:s3] =	stream.indirect.scatter.add.f32 [tilespmem:s16], [sflag:$0x3], $0x80, s8, s15, $0xb8;
	[tilespmem:$0x1D000] =	vst v63  }
0xcd: {  	s10 =	simm.s32 $0x100;
	_ =	swait.ge [sflag:s13], $0x4000  }
0xce: {  	s11 =	simm.s32 $0x200;
	s5 =	rddreg [dreg:$0x5];
	[sflag:s13] =	ssyncset.done $0x0  }
.LBB2_4:
0xcf: {  	[sflag:s13] =	ssyncadd.s32 $0xFFFFC000;
	s5 =	sadd.s32 s10, s5  }
0xd0: {  	[tilespmem:s4], [sflag:$0x3] =	stream.linear.gather [hbm4b:s5+s4], $0x800, $0x38;
	[tilespmem:$0x1D000] =	vst v63  }
0xd1: {  	_ =	swait.ge [sflag:s13], $0x800  }
0xd2: {  	s5 =	rddreg [dreg:$0x4];
	[sflag:s13] =	ssyncset.done $0x0  }
0xd3: {  	[sflag:s13] =	ssyncadd.s32 $0xFFFFF800;
	s5 =	sadd.s32 s10, s5  }
0xd4: {  	[tilespmem:s14], [sflag:$0x3] =	stream.linear.gather [hbm4b:s5+s4], $0x800, $0x38;
	[tilespmem:$0x1D000] =	vst v63  }
0xd5: {  	_ =	swait.ge [sflag:s13], $0x800  }
0xd6: {  	[sflag:s13] =	ssyncset.done $0x0  }
0xd7: {  	[sflag:s13] =	ssyncadd.s32 $0xFFFFF800  }
0xd8: {  	[tilespmem:s12], [sflag:$0x1] =	stream.indirect.gather [hbm4b:s1+s15], $0x80, s4, s15, $0xb8;
	[tilespmem:$0x1D000] =	vst v63  }
0xd9: {  	_ = 	snop  }
0xda: {  	[tilespmem:s16], [sflag:$0x2] =	stream.indirect.gather [hbm4b:s1+s15], $0x80, s15, s15, $0xb8;
	[tilespmem:$0x1D000] =	vst v63  }
0xdb: {  	_ =	swait.ge [sflag:s17], $0x4000  }
0xdc: {  	[sflag:s17] =	ssyncset.done $0x0  }
0xdd: {  	[sflag:s17] =	ssyncadd.s32 $0xFFFFC000  }
0xde: {  	[spmem:s3] =	stream.indirect.scatter.add.f32 [tilespmem:s12], [sflag:$0x3], $0x80, s14, s15, $0xb8;
	[tilespmem:$0x1D000] =	vst v63  }
0xdf: {  	_ =	swait.ge [sflag:s13], $0x4000  }
0xe0: {  	s9 =	smov.u32 s11;
	[sflag:s13] =	ssyncset.done $0x0  }
0xe1: {  	s10 =	smov.u32 s9;
	s9 =	rddreg [dreg:$0x6];
	[sflag:s13] =	ssyncadd.s32 $0xFFFFC000  }
0xe2: {  	[tilespmem:s12], [sflag:$0x1] =	stream.indirect.gather [hbm4b:s1+s15], $0x80, s9, s15, $0xb8;
	[tilespmem:$0x1D000] =	vst v63  }
0xe3: {  	_ =	swait.ge [sflag:s18], $0x4000  }
0xe4: {  	[sflag:s18] =	ssyncset.done $0x0  }
0xe5: {  	s9 =	rddreg [dreg:$0x7];
	[sflag:s18] =	ssyncadd.s32 $0xFFFFC000  }
0xe6: {  	[spmem:s3] =	stream.indirect.scatter.add.f32 [tilespmem:s16], [sflag:$0x3], $0x80, s9, s15, $0xb8;
	[tilespmem:$0x1D000] =	vst v63  }
0xe7: {  	_ =	swait.ge [sflag:s13], $0x4000  }
0xe8: {  	[sflag:s13] =	ssyncset.done $0x0  }
0xe9: {  	s9 =	rddreg [dreg:$0x8];
	[sflag:s13] =	ssyncadd.s32 $0xFFFFC000  }
0xea: {  	[tilespmem:s16], [sflag:$0x2] =	stream.indirect.gather [hbm4b:s1+s15], $0x80, s9, s15, $0xb8;
	[tilespmem:$0x1D000] =	vst v63  }
0xeb: {  	_ =	swait.ge [sflag:s17], $0x4000  }
0xec: {  	[sflag:s17] =	ssyncset.done $0x0  }
0xed: {  	s9 =	rddreg [dreg:$0x9];
	[sflag:s17] =	ssyncadd.s32 $0xFFFFC000  }
0xee: {  	[spmem:s3] =	stream.indirect.scatter.add.f32 [tilespmem:s12], [sflag:$0x3], $0x80, s9, s15, $0xb8;
	[tilespmem:$0x1D000] =	vst v63  }
0xef: {  	_ =	swait.ge [sflag:s13], $0x4000  }
0xf0: {  	[sflag:s13] =	ssyncset.done $0x0  }
0xf1: {  	s9 =	rddreg [dreg:$0xa];
	[sflag:s13] =	ssyncadd.s32 $0xFFFFC000  }
0xf2: {  	[tilespmem:s12], [sflag:$0x1] =	stream.indirect.gather [hbm4b:s1+s15], $0x80, s9, s15, $0xb8;
	[tilespmem:$0x1D000] =	vst v63  }
0xf3: {  	_ =	swait.ge [sflag:s18], $0x4000  }
0xf4: {  	[sflag:s18] =	ssyncset.done $0x0  }
0xf5: {  	s9 =	rddreg [dreg:$0xb];
	[sflag:s18] =	ssyncadd.s32 $0xFFFFC000  }
0xf6: {  	[spmem:s3] =	stream.indirect.scatter.add.f32 [tilespmem:s16], [sflag:$0x3], $0x80, s9, s15, $0xb8;
	[tilespmem:$0x1D000] =	vst v63  }
0xf7: {  	_ =	swait.ge [sflag:s13], $0x4000  }
0xf8: {  	[sflag:s13] =	ssyncset.done $0x0  }
0xf9: {  	s9 =	rddreg [dreg:$0xc];
	[sflag:s13] =	ssyncadd.s32 $0xFFFFC000  }
0xfa: {  	[tilespmem:s16], [sflag:$0x2] =	stream.indirect.gather [hbm4b:s1+s15], $0x80, s9, s15, $0xb8;
	[tilespmem:$0x1D000] =	vst v63  }
0xfb: {  	_ =	swait.ge [sflag:s17], $0x4000  }
0xfc: {  	[sflag:s17] =	ssyncset.done $0x0  }
0xfd: {  	s9 =	rddreg [dreg:$0xd];
	[sflag:s17] =	ssyncadd.s32 $0xFFFFC000  }
0xfe: {  	[spmem:s3] =	stream.indirect.scatter.add.f32 [tilespmem:s12], [sflag:$0x3], $0x80, s9, s15, $0xb8;
	[tilespmem:$0x1D000] =	vst v63  }
0xff: {  	_ =	swait.ge [sflag:s13], $0x4000  }
0x100: {  	[sflag:s13] =	ssyncset.done $0x0  }
0x101: {  	s9 =	rddreg [dreg:$0xe];
	[sflag:s13] =	ssyncadd.s32 $0xFFFFC000  }
0x102: {  	[tilespmem:s12], [sflag:$0x1] =	stream.indirect.gather [hbm4b:s1+s15], $0x80, s9, s15, $0xb8;
	[tilespmem:$0x1D000] =	vst v63  }
0x103: {  	_ =	swait.ge [sflag:s18], $0x4000  }
0x104: {  	[sflag:s18] =	ssyncset.done $0x0  }
0x105: {  	s9 =	rddreg [dreg:$0xf];
	[sflag:s18] =	ssyncadd.s32 $0xFFFFC000  }
0x106: {  	[spmem:s3] =	stream.indirect.scatter.add.f32 [tilespmem:s16], [sflag:$0x3], $0x80, s9, s15, $0xb8;
	[tilespmem:$0x1D000] =	vst v63  }
0x107: {  	_ =	swait.ge [sflag:s13], $0x4000  }
0x108: {  	[sflag:s13] =	ssyncset.done $0x0  }
0x109: {  	s9 =	rddreg [dreg:$0x10];
	[sflag:s13] =	ssyncadd.s32 $0xFFFFC000  }
0x10a: {  	[tilespmem:s16], [sflag:$0x2] =	stream.indirect.gather [hbm4b:s1+s15], $0x80, s9, s15, $0xb8;
	[tilespmem:$0x1D000] =	vst v63  }
0x10b: {  	_ =	swait.ge [sflag:s17], $0x4000  }
0x10c: {  	[sflag:s17] =	ssyncset.done $0x0  }
0x10d: {  	s9 =	rddreg [dreg:$0x11];
	[sflag:s17] =	ssyncadd.s32 $0xFFFFC000  }
0x10e: {  	[spmem:s3] =	stream.indirect.scatter.add.f32 [tilespmem:s12], [sflag:$0x3], $0x80, s9, s15, $0xb8;
	[tilespmem:$0x1D000] =	vst v63  }
0x10f: {  	_ =	swait.ge [sflag:s13], $0x4000  }
0x110: {  	[sflag:s13] =	ssyncset.done $0x0  }
0x111: {  	[sflag:s13] =	ssyncadd.s32 $0xFFFFC000  }
0x112: {  	[tilespmem:s12], [sflag:$0x1] =	stream.indirect.gather [hbm4b:s1+s15], $0x80, s19, s15, $0xb8;
	[tilespmem:$0x1D000] =	vst v63  }
0x113: {  	_ =	swait.ge [sflag:s18], $0x4000  }
0x114: {  	[sflag:s18] =	ssyncset.done $0x0  }
0x115: {  	[sflag:s18] =	ssyncadd.s32 $0xFFFFC000  }
0x116: {  	[spmem:s3] =	stream.indirect.scatter.add.f32 [tilespmem:s16], [sflag:$0x3], $0x80, s20, s15, $0xb8;
	[tilespmem:$0x1D000] =	vst v63  }
0x117: {  	_ =	swait.ge [sflag:s13], $0x4000  }
0x118: {  	[sflag:s13] =	ssyncset.done $0x0  }
0x119: {  	[sflag:s13] =	ssyncadd.s32 $0xFFFFC000  }
0x11a: {  	[tilespmem:s16], [sflag:$0x2] =	stream.indirect.gather [hbm4b:s1+s15], $0x80, s21, s15, $0xb8;
	[tilespmem:$0x1D000] =	vst v63  }
0x11b: {  	_ =	swait.ge [sflag:s17], $0x4000  }
0x11c: {  	[sflag:s17] =	ssyncset.done $0x0  }
0x11d: {  	[sflag:s17] =	ssyncadd.s32 $0xFFFFC000  }
0x11e: {  	[spmem:s3] =	stream.indirect.scatter.add.f32 [tilespmem:s12], [sflag:$0x3], $0x80, s22, s15, $0xb8;
	[tilespmem:$0x1D000] =	vst v63  }
0x11f: {  	_ =	swait.ge [sflag:s13], $0x4000  }
0x120: {  	[sflag:s13] =	ssyncset.done $0x0  }
0x121: {  	[sflag:s13] =	ssyncadd.s32 $0xFFFFC000  }
0x122: {  	[tilespmem:s12], [sflag:$0x1] =	stream.indirect.gather [hbm4b:s1+s15], $0x80, s23, s15, $0xb8;
	[tilespmem:$0x1D000] =	vst v63  }
0x123: {  	_ =	swait.ge [sflag:s18], $0x4000  }
0x124: {  	[sflag:s18] =	ssyncset.done $0x0  }
0x125: {  	[sflag:s18] =	ssyncadd.s32 $0xFFFFC000  }
0x126: {  	[spmem:s3] =	stream.indirect.scatter.add.f32 [tilespmem:s16], [sflag:$0x3], $0x80, s24, s15, $0xb8;
	[tilespmem:$0x1D000] =	vst v63  }
0x127: {  	_ =	swait.ge [sflag:s13], $0x4000  }
0x128: {  	[sflag:s13] =	ssyncset.done $0x0  }
0x129: {  	[sflag:s13] =	ssyncadd.s32 $0xFFFFC000  }
0x12a: {  	[tilespmem:s16], [sflag:$0x2] =	stream.indirect.gather [hbm4b:s1+s15], $0x80, s25, s15, $0xb8;
	[tilespmem:$0x1D000] =	vst v63  }
0x12b: {  	_ =	swait.ge [sflag:s17], $0x4000  }
0x12c: {  	[sflag:s17] =	ssyncset.done $0x0  }
0x12d: {  	[sflag:s17] =	ssyncadd.s32 $0xFFFFC000  }
0x12e: {  	[spmem:s3] =	stream.indirect.scatter.add.f32 [tilespmem:s12], [sflag:$0x3], $0x80, s26, s15, $0xb8;
	[tilespmem:$0x1D000] =	vst v63  }
0x12f: {  	_ =	swait.ge [sflag:s13], $0x4000  }
0x130: {  	[sflag:s13] =	ssyncset.done $0x0  }
0x131: {  	[sflag:s13] =	ssyncadd.s32 $0xFFFFC000  }
0x132: {  	[tilespmem:s12], [sflag:$0x1] =	stream.indirect.gather [hbm4b:s1+s15], $0x80, s28, s15, $0xb8;
	[tilespmem:$0x1D000] =	vst v63  }
0x133: {  	_ =	swait.ge [sflag:s18], $0x4000  }
0x134: {  	[sflag:s18] =	ssyncset.done $0x0  }
0x135: {  	[sflag:s18] =	ssyncadd.s32 $0xFFFFC000  }
0x136: {  	[spmem:s3] =	stream.indirect.scatter.add.f32 [tilespmem:s16], [sflag:$0x3], $0x80, s29, s15, $0xb8;
	[tilespmem:$0x1D000] =	vst v63  }
0x137: {  	_ =	swait.ge [sflag:s13], $0x4000  }
0x138: {  	[sflag:s13] =	ssyncset.done $0x0  }
0x139: {  	[sflag:s13] =	ssyncadd.s32 $0xFFFFC000  }
0x13a: {  	[tilespmem:s16], [sflag:$0x2] =	stream.indirect.gather [hbm4b:s1+s15], $0x80, s30, s15, $0xb8;
	[tilespmem:$0x1D000] =	vst v63  }
0x13b: {  	_ =	swait.ge [sflag:s17], $0x4000  }
0x13c: {  	[sflag:s17] =	ssyncset.done $0x0  }
0x13d: {  	[sflag:s17] =	ssyncadd.s32 $0xFFFFC000  }
0x13e: {  	[spmem:s3] =	stream.indirect.scatter.add.f32 [tilespmem:s12], [sflag:$0x3], $0x80, s31, s15, $0xb8;
	[tilespmem:$0x1D000] =	vst v63  }
0x13f: {  	_ =	swait.ge [sflag:s13], $0x4000  }
0x140: {  	[sflag:s13] =	ssyncset.done $0x0  }
0x141: {  	[sflag:s13] =	ssyncadd.s32 $0xFFFFC000  }
0x142: {  	[tilespmem:s12], [sflag:$0x1] =	stream.indirect.gather [hbm4b:s1+s15], $0x80, s2, s15, $0xb8;
	[tilespmem:$0x1D000] =	vst v63  }
0x143: {  	_ =	swait.ge [sflag:s18], $0x4000  }
0x144: {  	[sflag:s18] =	ssyncset.done $0x0  }
0x145: {  	[sflag:s18] =	ssyncadd.s32 $0xFFFFC000  }
0x146: {  	[spmem:s3] =	stream.indirect.scatter.add.f32 [tilespmem:s16], [sflag:$0x3], $0x80, s0, s15, $0xb8;
	[tilespmem:$0x1D000] =	vst v63  }
0x147: {  	_ =	swait.ge [sflag:s13], $0x4000  }
0x148: {  	[sflag:s13] =	ssyncset.done $0x0  }
0x149: {  	[sflag:s13] =	ssyncadd.s32 $0xFFFFC000  }
0x14a: {  	[tilespmem:s16], [sflag:$0x2] =	stream.indirect.gather [hbm4b:s1+s15], $0x80, s6, s15, $0xb8;
	[tilespmem:$0x1D000] =	vst v63  }
0x14b: {  	_ =	swait.ge [sflag:s17], $0x4000  }
0x14c: {  	[sflag:s17] =	ssyncset.done $0x0  }
0x14d: {  	[sflag:s17] =	ssyncadd.s32 $0xFFFFC000  }
0x14e: {  	[spmem:s3] =	stream.indirect.scatter.add.f32 [tilespmem:s12], [sflag:$0x3], $0x80, s7, s15, $0xb8;
	[tilespmem:$0x1D000] =	vst v63  }
0x14f: {  	_ =	swait.ge [sflag:s13], $0x4000  }
0x150: {  	[sflag:s13] =	ssyncset.done $0x0  }
0x151: {  	[sflag:s13] =	ssyncadd.s32 $0xFFFFC000  }
0x152: {  	p0 =	sne.s32 s11, $0x400;
	_ =	swait.ge [sflag:s18], $0x4000  }
.Ltmp1:
0x153: {  	[sflag:s18] =	ssyncset.done $0x0;
	(pc) =	sbr.rel @p0 .LBB2_4-.Ltmp1, $4  }
0x154: {  	[sflag:s18] =	ssyncadd.s32 $0xFFFFC000  }
0x155: {  	[spmem:s3] =	stream.indirect.scatter.add.f32 [tilespmem:s16], [sflag:$0x3], $0x80, s8, s15, $0xb8;
	[tilespmem:$0x1D000] =	vst v63  }
0x156: {  	_ =	swait.ge [sflag:s13], $0x4000  }
0x157: {  	s11 =	sadd.s32 $0x100, s11;
	s5 =	rddreg [dreg:$0x5];
	[sflag:s13] =	ssyncset.done $0x0  }
0x158: {  	[sflag:s13] =	ssyncadd.s32 $0xFFFFC000;
	s5 =	sadd.s32 s10, s5  }
0x159: {  	[tilespmem:s4], [sflag:$0x3] =	stream.linear.gather [hbm4b:s5+s4], $0x800, $0x38;
	[tilespmem:$0x1D000] =	vst v63  }
0x15a: {  	_ =	swait.ge [sflag:s13], $0x800  }
0x15b: {  	s9 =	rddreg [dreg:$0x4];
	[sflag:s13] =	ssyncset.done $0x0  }
0x15c: {  	[sflag:s13] =	ssyncadd.s32 $0xFFFFF800;
	s5 =	sadd.s32 s10, s9  }
0x15d: {  	[tilespmem:s14], [sflag:$0x3] =	stream.linear.gather [hbm4b:s5+s4], $0x800, $0x38;
	[tilespmem:$0x1D000] =	vst v63  }
0x15e: {  	_ =	swait.ge [sflag:s13], $0x800  }
0x15f: {  	[sflag:s13] =	ssyncset.done $0x0  }
0x160: {  	[sflag:s13] =	ssyncadd.s32 $0xFFFFF800  }
0x161: {  	[tilespmem:s12], [sflag:$0x1] =	stream.indirect.gather [hbm4b:s1+s15], $0x80, s4, s15, $0xb8;
	[tilespmem:$0x1D000] =	vst v63  }
0x162: {  	_ = 	snop  }
0x163: {  	[tilespmem:s16], [sflag:$0x2] =	stream.indirect.gather [hbm4b:s1+s15], $0x80, s15, s15, $0xb8;
	[tilespmem:$0x1D000] =	vst v63  }
0x164: {  	_ =	swait.ge [sflag:s17], $0x4000  }
0x165: {  	[sflag:s17] =	ssyncset.done $0x0  }
0x166: {  	[sflag:s17] =	ssyncadd.s32 $0xFFFFC000  }
0x167: {  	[spmem:s3] =	stream.indirect.scatter.add.f32 [tilespmem:s12], [sflag:$0x3], $0x80, s14, s15, $0xb8;
	[tilespmem:$0x1D000] =	vst v63  }
0x168: {  	_ =	swait.ge [sflag:s13], $0x4000  }
0x169: {  	[sflag:s13] =	ssyncset.done $0x0  }
0x16a: {  	s10 =	rddreg [dreg:$0x6];
	[sflag:s13] =	ssyncadd.s32 $0xFFFFC000  }
0x16b: {  	[tilespmem:s12], [sflag:$0x1] =	stream.indirect.gather [hbm4b:s1+s15], $0x80, s10, s15, $0xb8;
	[tilespmem:$0x1D000] =	vst v63  }
0x16c: {  	_ =	swait.ge [sflag:s18], $0x4000  }
0x16d: {  	[sflag:s18] =	ssyncset.done $0x0  }
0x16e: {  	s11 =	rddreg [dreg:$0x7];
	[sflag:s18] =	ssyncadd.s32 $0xFFFFC000  }
0x16f: {  	[spmem:s3] =	stream.indirect.scatter.add.f32 [tilespmem:s16], [sflag:$0x3], $0x80, s11, s15, $0xb8;
	[tilespmem:$0x1D000] =	vst v63  }
0x170: {  	_ =	swait.ge [sflag:s13], $0x4000  }
0x171: {  	[sflag:s13] =	ssyncset.done $0x0  }
0x172: {  	s9 =	rddreg [dreg:$0x8];
	[sflag:s13] =	ssyncadd.s32 $0xFFFFC000  }
0x173: {  	[tilespmem:s16], [sflag:$0x2] =	stream.indirect.gather [hbm4b:s1+s15], $0x80, s9, s15, $0xb8;
	[tilespmem:$0x1D000] =	vst v63  }
0x174: {  	_ =	swait.ge [sflag:s17], $0x4000  }
0x175: {  	[sflag:s17] =	ssyncset.done $0x0  }
0x176: {  	s10 =	rddreg [dreg:$0x9];
	[sflag:s17] =	ssyncadd.s32 $0xFFFFC000  }
0x177: {  	[spmem:s3] =	stream.indirect.scatter.add.f32 [tilespmem:s12], [sflag:$0x3], $0x80, s10, s15, $0xb8;
	[tilespmem:$0x1D000] =	vst v63  }
0x178: {  	_ =	swait.ge [sflag:s13], $0x4000  }
0x179: {  	[sflag:s13] =	ssyncset.done $0x0  }
0x17a: {  	s11 =	rddreg [dreg:$0xa];
	[sflag:s13] =	ssyncadd.s32 $0xFFFFC000  }
0x17b: {  	[tilespmem:s12], [sflag:$0x1] =	stream.indirect.gather [hbm4b:s1+s15], $0x80, s11, s15, $0xb8;
	[tilespmem:$0x1D000] =	vst v63  }
0x17c: {  	_ =	swait.ge [sflag:s18], $0x4000  }
0x17d: {  	[sflag:s18] =	ssyncset.done $0x0  }
0x17e: {  	s9 =	rddreg [dreg:$0xb];
	[sflag:s18] =	ssyncadd.s32 $0xFFFFC000  }
0x17f: {  	[spmem:s3] =	stream.indirect.scatter.add.f32 [tilespmem:s16], [sflag:$0x3], $0x80, s9, s15, $0xb8;
	[tilespmem:$0x1D000] =	vst v63  }
0x180: {  	_ =	swait.ge [sflag:s13], $0x4000  }
0x181: {  	[sflag:s13] =	ssyncset.done $0x0  }
0x182: {  	s10 =	rddreg [dreg:$0xc];
	[sflag:s13] =	ssyncadd.s32 $0xFFFFC000  }
0x183: {  	[tilespmem:s16], [sflag:$0x2] =	stream.indirect.gather [hbm4b:s1+s15], $0x80, s10, s15, $0xb8;
	[tilespmem:$0x1D000] =	vst v63  }
0x184: {  	_ =	swait.ge [sflag:s17], $0x4000  }
0x185: {  	[sflag:s17] =	ssyncset.done $0x0  }
0x186: {  	s11 =	rddreg [dreg:$0xd];
	[sflag:s17] =	ssyncadd.s32 $0xFFFFC000  }
0x187: {  	[spmem:s3] =	stream.indirect.scatter.add.f32 [tilespmem:s12], [sflag:$0x3], $0x80, s11, s15, $0xb8;
	[tilespmem:$0x1D000] =	vst v63  }
0x188: {  	_ =	swait.ge [sflag:s13], $0x4000  }
0x189: {  	[sflag:s13] =	ssyncset.done $0x0  }
0x18a: {  	s9 =	rddreg [dreg:$0xe];
	[sflag:s13] =	ssyncadd.s32 $0xFFFFC000  }
0x18b: {  	[tilespmem:s12], [sflag:$0x1] =	stream.indirect.gather [hbm4b:s1+s15], $0x80, s9, s15, $0xb8;
	[tilespmem:$0x1D000] =	vst v63  }
0x18c: {  	_ =	swait.ge [sflag:s18], $0x4000  }
0x18d: {  	[sflag:s18] =	ssyncset.done $0x0  }
0x18e: {  	s10 =	rddreg [dreg:$0xf];
	[sflag:s18] =	ssyncadd.s32 $0xFFFFC000  }
0x18f: {  	[spmem:s3] =	stream.indirect.scatter.add.f32 [tilespmem:s16], [sflag:$0x3], $0x80, s10, s15, $0xb8;
	[tilespmem:$0x1D000] =	vst v63  }
0x190: {  	_ =	swait.ge [sflag:s13], $0x4000  }
0x191: {  	[sflag:s13] =	ssyncset.done $0x0  }
0x192: {  	s11 =	rddreg [dreg:$0x10];
	[sflag:s13] =	ssyncadd.s32 $0xFFFFC000  }
0x193: {  	[tilespmem:s16], [sflag:$0x2] =	stream.indirect.gather [hbm4b:s1+s15], $0x80, s11, s15, $0xb8;
	[tilespmem:$0x1D000] =	vst v63  }
0x194: {  	_ =	swait.ge [sflag:s17], $0x4000  }
0x195: {  	[sflag:s17] =	ssyncset.done $0x0  }
0x196: {  	s9 =	rddreg [dreg:$0x11];
	[sflag:s17] =	ssyncadd.s32 $0xFFFFC000  }
0x197: {  	[spmem:s3] =	stream.indirect.scatter.add.f32 [tilespmem:s12], [sflag:$0x3], $0x80, s9, s15, $0xb8;
	[tilespmem:$0x1D000] =	vst v63  }
0x198: {  	_ =	swait.ge [sflag:s13], $0x4000  }
0x199: {  	[sflag:s13] =	ssyncset.done $0x0  }
0x19a: {  	[sflag:s13] =	ssyncadd.s32 $0xFFFFC000  }
0x19b: {  	[tilespmem:s12], [sflag:$0x1] =	stream.indirect.gather [hbm4b:s1+s15], $0x80, s19, s15, $0xb8;
	[tilespmem:$0x1D000] =	vst v63  }
0x19c: {  	_ =	swait.ge [sflag:s18], $0x4000  }
0x19d: {  	[sflag:s18] =	ssyncset.done $0x0  }
0x19e: {  	[sflag:s18] =	ssyncadd.s32 $0xFFFFC000  }
0x19f: {  	[spmem:s3] =	stream.indirect.scatter.add.f32 [tilespmem:s16], [sflag:$0x3], $0x80, s20, s15, $0xb8;
	[tilespmem:$0x1D000] =	vst v63  }
0x1a0: {  	_ =	swait.ge [sflag:s13], $0x4000  }
0x1a1: {  	[sflag:s13] =	ssyncset.done $0x0  }
0x1a2: {  	[sflag:s13] =	ssyncadd.s32 $0xFFFFC000  }
0x1a3: {  	[tilespmem:s16], [sflag:$0x2] =	stream.indirect.gather [hbm4b:s1+s15], $0x80, s21, s15, $0xb8;
	[tilespmem:$0x1D000] =	vst v63  }
0x1a4: {  	_ =	swait.ge [sflag:s17], $0x4000  }
0x1a5: {  	[sflag:s17] =	ssyncset.done $0x0  }
0x1a6: {  	[sflag:s17] =	ssyncadd.s32 $0xFFFFC000  }
0x1a7: {  	[spmem:s3] =	stream.indirect.scatter.add.f32 [tilespmem:s12], [sflag:$0x3], $0x80, s22, s15, $0xb8;
	[tilespmem:$0x1D000] =	vst v63  }
0x1a8: {  	_ =	swait.ge [sflag:s13], $0x4000  }
0x1a9: {  	[sflag:s13] =	ssyncset.done $0x0  }
0x1aa: {  	[sflag:s13] =	ssyncadd.s32 $0xFFFFC000  }
0x1ab: {  	[tilespmem:s12], [sflag:$0x1] =	stream.indirect.gather [hbm4b:s1+s15], $0x80, s23, s15, $0xb8;
	[tilespmem:$0x1D000] =	vst v63  }
0x1ac: {  	_ =	swait.ge [sflag:s18], $0x4000  }
0x1ad: {  	[sflag:s18] =	ssyncset.done $0x0  }
0x1ae: {  	[sflag:s18] =	ssyncadd.s32 $0xFFFFC000  }
0x1af: {  	[spmem:s3] =	stream.indirect.scatter.add.f32 [tilespmem:s16], [sflag:$0x3], $0x80, s24, s15, $0xb8;
	[tilespmem:$0x1D000] =	vst v63  }
0x1b0: {  	_ =	swait.ge [sflag:s13], $0x4000  }
0x1b1: {  	[sflag:s13] =	ssyncset.done $0x0  }
0x1b2: {  	[sflag:s13] =	ssyncadd.s32 $0xFFFFC000  }
0x1b3: {  	[tilespmem:s16], [sflag:$0x2] =	stream.indirect.gather [hbm4b:s1+s15], $0x80, s25, s15, $0xb8;
	[tilespmem:$0x1D000] =	vst v63  }
0x1b4: {  	_ =	swait.ge [sflag:s17], $0x4000  }
0x1b5: {  	[sflag:s17] =	ssyncset.done $0x0  }
0x1b6: {  	[sflag:s17] =	ssyncadd.s32 $0xFFFFC000  }
0x1b7: {  	[spmem:s3] =	stream.indirect.scatter.add.f32 [tilespmem:s12], [sflag:$0x3], $0x80, s26, s15, $0xb8;
	[tilespmem:$0x1D000] =	vst v63  }
0x1b8: {  	_ =	swait.ge [sflag:s13], $0x4000  }
0x1b9: {  	[sflag:s13] =	ssyncset.done $0x0  }
0x1ba: {  	[sflag:s13] =	ssyncadd.s32 $0xFFFFC000  }
0x1bb: {  	[tilespmem:s12], [sflag:$0x1] =	stream.indirect.gather [hbm4b:s1+s15], $0x80, s28, s15, $0xb8;
	[tilespmem:$0x1D000] =	vst v63  }
0x1bc: {  	_ =	swait.ge [sflag:s18], $0x4000  }
0x1bd: {  	[sflag:s18] =	ssyncset.done $0x0  }
0x1be: {  	[sflag:s18] =	ssyncadd.s32 $0xFFFFC000  }
0x1bf: {  	[spmem:s3] =	stream.indirect.scatter.add.f32 [tilespmem:s16], [sflag:$0x3], $0x80, s29, s15, $0xb8;
	[tilespmem:$0x1D000] =	vst v63  }
0x1c0: {  	_ =	swait.ge [sflag:s13], $0x4000  }
0x1c1: {  	[sflag:s13] =	ssyncset.done $0x0  }
0x1c2: {  	[sflag:s13] =	ssyncadd.s32 $0xFFFFC000  }
0x1c3: {  	[tilespmem:s16], [sflag:$0x2] =	stream.indirect.gather [hbm4b:s1+s15], $0x80, s30, s15, $0xb8;
	[tilespmem:$0x1D000] =	vst v63  }
0x1c4: {  	_ =	swait.ge [sflag:s17], $0x4000  }
0x1c5: {  	[sflag:s17] =	ssyncset.done $0x0  }
0x1c6: {  	[sflag:s17] =	ssyncadd.s32 $0xFFFFC000  }
0x1c7: {  	[spmem:s3] =	stream.indirect.scatter.add.f32 [tilespmem:s12], [sflag:$0x3], $0x80, s31, s15, $0xb8;
	[tilespmem:$0x1D000] =	vst v63  }
0x1c8: {  	_ =	swait.ge [sflag:s13], $0x4000  }
0x1c9: {  	[sflag:s13] =	ssyncset.done $0x0  }
0x1ca: {  	[sflag:s13] =	ssyncadd.s32 $0xFFFFC000  }
0x1cb: {  	[tilespmem:s12], [sflag:$0x1] =	stream.indirect.gather [hbm4b:s1+s15], $0x80, s2, s15, $0xb8;
	[tilespmem:$0x1D000] =	vst v63  }
0x1cc: {  	_ =	swait.ge [sflag:s18], $0x4000  }
0x1cd: {  	[sflag:s18] =	ssyncset.done $0x0  }
0x1ce: {  	[sflag:s18] =	ssyncadd.s32 $0xFFFFC000  }
0x1cf: {  	[spmem:s3] =	stream.indirect.scatter.add.f32 [tilespmem:s16], [sflag:$0x3], $0x80, s0, s15, $0xb8;
	[tilespmem:$0x1D000] =	vst v63  }
0x1d0: {  	_ =	swait.ge [sflag:s13], $0x4000  }
0x1d1: {  	[sflag:s13] =	ssyncset.done $0x0  }
0x1d2: {  	[sflag:s13] =	ssyncadd.s32 $0xFFFFC000  }
0x1d3: {  	[tilespmem:s16], [sflag:$0x2] =	stream.indirect.gather [hbm4b:s1+s15], $0x80, s6, s15, $0xb8;
	[tilespmem:$0x1D000] =	vst v63  }
0x1d4: {  	_ =	swait.ge [sflag:s17], $0x4000  }
0x1d5: {  	[sflag:s17] =	ssyncset.done $0x0  }
0x1d6: {  	[sflag:s17] =	ssyncadd.s32 $0xFFFFC000  }
0x1d7: {  	[spmem:s3] =	stream.indirect.scatter.add.f32 [tilespmem:s12], [sflag:$0x3], $0x80, s7, s15, $0xb8;
	[tilespmem:$0x1D000] =	vst v63  }
0x1d8: {  	_ =	swait.ge [sflag:s13], $0x4000  }
0x1d9: {  	[sflag:s13] =	ssyncset.done $0x0  }
0x1da: {  	[sflag:s13] =	ssyncadd.s32 $0xFFFFC000  }
0x1db: {  	_ =	swait.ge [sflag:s18], $0x4000  }
0x1dc: {  	[sflag:s18] =	ssyncset.done $0x0  }
0x1dd: {  	[sflag:s18] =	ssyncadd.s32 $0xFFFFC000  }
0x1de: {  	[spmem:s3] =	stream.indirect.scatter.add.f32 [tilespmem:s16], [sflag:$0x3], $0x80, s8, s15, $0xb8;
	[tilespmem:$0x1D000] =	vst v63  }
0x1df: {  	_ =	swait.ge [sflag:s13], $0x4000  }
0x1e0: {  	[sflag:s13] =	ssyncset.done $0x0  }
0x1e1: {  	[sflag:s13] =	ssyncadd.s32 $0xFFFFC000  }
0x1e2: {  	s10 =	stileid.u32;
	[bflag:$0x0] =	sbarrier.arrive $0xFFFF  }
0x1e3: {  	s5 =	sshll.u32 s10, $0x6;
	s9 =	rddreg [dreg:$0x12]  }
0x1e4: {  	s5 =	sor.u32 $0x1C03, s5;
	s11 =	rddreg [dreg:$0x13];
	s9 =	sshrl.u32 s9, $0x3  }
0x1e5: {  	[hbm:s11], [sflag:s5] =	dma.local [spmem:s9], $0x2800  }
0x1e6: {  	_ =	swait.ge [sflag:s13], $0x2800  }
0x1e7: {  	s10 =	rddreg [dreg:$0x19]  }
0x1e8: {  	s11 =	rddreg [dreg:$0x14];
	s9 =	sadd.s32 $0x1, s10  }
0x1e9: {  	p0 =	sne.s32 s9, s11  }
.Ltmp2:
0x1ea: {  	_ = 	snop;
	(pc) =	sbr.rel @p0 .LBB2_1-.Ltmp2, $3  }
0x1eb: {  	_ =	sdelay $0x1  }
0x1ec: {  	[sflag:s13] =	ssyncset.done $0x0  }
0x1ed: {  	[sflag:s13] =	ssyncadd.s32 $0xFFFFD800  }
0x1ee: {  	_ =	sfence.sel $0x180000  }
0x1ef: {  	[bflag:$0x0] =	sbarrier.arrive $0xFFFF  }
0x1f0: {  	_ =	strace $0x9000004A  }
0x1f1: {  	s0 =	stileid.u32;
	[bflag:$0x2] =	sbarrier.arrive $0xFFFF  }
0x1f2: {  	p0 =	sne.s32 s0, $0x0;
	s0 =	rddreg [dreg:$0x3]  }
0x1f3: {  	s0 =	sadd.s32 @!p0 $0x100000, s0  }
0x1f4: {  	[sflag:s0] =	ssyncadd.tile.s32 @!p0 $0x1;
	_ =	shalt  }
.Lfunc_end2:
_tile_overlayer_lowered:
.L_overlay_start_2:
0x1f5: {  	(tag) =	ssettag $0x2  }
0x1f6: {  	s0 =	rddreg [dreg:$0x0];
	s2 =	stileid.u32  }
0x1f7: {  	s1 =	rddreg [dreg:$0x1];
	p0 =	sne.s32 s2, $0x0  }
0x1f8: {  	s3 =	rddreg [dreg:$0x2];
	[bflag:$0x3] =	sbarrier.arrive $0xFFFF;
	s2 =	simm.s32 @!p0 $0x1C03  }
0x1f9: {  	[timem:s3], [sflag:s2] =	dma.local @!p0 [hbm:s0], s1  }
0x1fa: {  	s0 =	simm.s32 @!p0 $0x3  }
0x1fb: {  	_ =	swait.ge @!p0 [sflag:s0], s1  }
0x1fc: {  	s1 =	ssub.s32 @!p0 $0x0, s1;
	[sflag:s0] =	ssyncset.done @!p0 $0x0  }
0x1fd: {  	[sflag:s0] =	ssyncadd.s32 @!p0 s1  }
0x1fe: {  	[bflag:$0x3] =	sbarrier.arrive $0xFFFF  }
0x1ff: {  	_ =	shalt  }

// kernel: kernel.15.cloned.1.call-start
scs
__scs_entry_jumppad:
0x0: {  	(pc) =	sbr.rel $0x88, $3  }
0x1: {  	(tag) =	ssettag $0x0;
	lr =	simm.s32 $0x1  }
0x2: {  	[smem:$0x3F93] =	sst lr;
	_ =	strace $0xD0000000  }
0x3: {  	_ = 	snop  }
0x4: {  	_ = 	snop  }
0x5: {  	_ = 	snop  }
0x6: {  	_ = 	snop  }
0x7: {  	_ = 	snop  }
__scs_overlays_trampoline_lowered:
0x8: {  	[smem:$0x3FA2] =	sst s0  }
0x9: {  	[smem:$0x3FA3] =	sst s1  }
0xa: {  	[smem:$0x3FA4] =	sst s2  }
0xb: {  	[smem:$0x3FA5] =	sst s3  }
0xc: {  	[smem:$0x3FA6] =	sst s4  }
0xd: {  	[smem:$0x3FA7] =	sst s5  }
0xe: {  	[smem:$0x3FA8] =	sst s6  }
0xf: {  	[smem:$0x3FA9] =	sst s7  }
0x10: {  	[smem:$0x3FAA] =	sst s8  }
0x11: {  	[smem:$0x3FAB] =	sst s9;
	s0 =	simm.s32 @!p0 $0x0  }
0x12: {  	s1 =	sld [smem:$0x3F91];
	s0 =	simm.s32 @p0 $0x1  }
0x13: {  	[smem:$0x3FAC] =	sst s0;
	s0 =	simm.s32 @!p1 $0x0  }
0x14: {  	s2 =	sld [smem:$0x3F90];
	s0 =	simm.s32 @p1 $0x1  }
0x15: {  	[smem:$0x3FAD] =	sst s0;
	s0 =	simm.s32 @!p2 $0x0  }
0x16: {  	s3 =	sld [smem:$0x3FDB];
	s0 =	simm.s32 @p2 $0x1  }
0x17: {  	s4 =	simm.s32 $0x1BF5;
	[smem:$0x3FAF] =	sst s0  }
0x18: {  	s0 =	sld [smem:$0x3F92];
	_ =	swait.ge [sflag:s4], $0x0  }
0x19: {  	s7 =	sld [smem:$0x3F93]  }
0x1a: {  	s8 =	sadd.s32 $0xFFFFE003, lr  }
0x1b: {  	s9 =	sadd.s32 $0xFFFFFEF7, lr;
	s5 =	simm.s32 $0xFFFFFFFF;
	p2 =	slt.u32 s8, $0xFFFFF086  }
0x1c: {  	p1 =	slt.u32 s9, $0xF7A;
	s5 =	simm.s32 @!p2 $0x0  }
0x1d: {  	s5 =	simm.s32 @p1 $0x1;
	p0 =	seq.s32 s7, s2  }
0x1e: {  	s7 =	smul.u32 @!p0 $0xF7A, s2;
	p2 =	seq.s32 @!p0 s5, $0x0  }
0x1f: {  	s9 =	smul.u32 $0xF7A, s1;
	s8 =	simm.s32 @!p0 $0x1BF5;
	p2 =	por !p2, p0  }
0x20: {  	[sflag:s8] =	ssyncset.s32 @!p0 $0xFFFFF086;
	s6 =	sadd.s32 @!p0 s3, s7;
	s7 =	simm.s32 @!p0 $0x108  }
0x21: {  	s3 =	sadd.s32 s3, s9;
	s6 =	sadd.s32 @!p0 $0x88, s6;
	s7 =	simm.s32 @p2 $0x1082  }
0x22: {  	[simem:s7], [sflag:s8] =	dma.local @!p0 [hbm:s6], $0xF7A  }
0x23: {  	s9 =	sor.u32 $0xD0000000, s2;
	s6 =	simm.s32 $0x108;
	_ =	swait.ge @!p0 [sflag:s8], $0x0  }
0x24: {  	s3 =	sadd.s32 $0x88, s3;
	s6 =	simm.s32 @!p1 $0x1082;
	[sflag:s4] =	ssyncset.s32 $0xFFFFF086  }
0x25: {  	[simem:s6], [sflag:s4] =	dma.local [hbm:s3], $0xF7A  }
0x26: {  	[smem:$0x3F93] =	sst s1;
	(tag) =	ssettag s2;
	_ =	strace s9  }
0x27: {  	s1 =	sld [smem:$0x3FA3]  }
0x28: {  	s2 =	sld [smem:$0x3FA4]  }
0x29: {  	s4 =	sld [smem:$0x3FA6]  }
0x2a: {  	p0 =	seq.s32 s5, $0x0;
	s5 =	sld [smem:$0x3FA7]  }
0x2b: {  	s6 =	sld [smem:$0x3FA8]  }
0x2c: {  	s7 =	sld [smem:$0x3FA9]  }
0x2d: {  	s3 =	simm.s32 $0x108;
	s8 =	sld [smem:$0x3FAA]  }
0x2e: {  	s3 =	simm.s32 @!p0 $0x1082;
	s9 =	sld [smem:$0x3FAB]  }
0x2f: {  	lr =	sadd.s32 s0, s3;
	s0 =	sld [smem:$0x3FA2]  }
0x30: {  	s3 =	sld [smem:$0x3FA5]  }
0x31: {  	[smem:$0x3FAE] =	sst s10  }
0x32: {  	s10 =	sld [smem:$0x3FAC];
	_ =	sdelay $0x3  }
0x33: {  	p0 =	seq.s32 s10, $0x1;
	s10 =	sld [smem:$0x3FAE];
	_ =	sdelay $0x3  }
0x34: {  	[smem:$0x3FAE] =	sst s10  }
0x35: {  	s10 =	sld [smem:$0x3FAD];
	_ =	sdelay $0x3  }
0x36: {  	p1 =	seq.s32 s10, $0x1;
	s10 =	sld [smem:$0x3FAE];
	_ =	sdelay $0x3  }
0x37: {  	[smem:$0x3FAE] =	sst s10  }
0x38: {  	s10 =	sld [smem:$0x3FAF]  }
0x39: {  	_ = 	snop;
	(pc) =	sbr.ind lr, $3  }
0x3a: {  	_ = 	snop  }
0x3b: {  	_ = 	snop  }
0x3c: {  	p2 =	seq.s32 s10, $0x1;
	s10 =	sld [smem:$0x3FAE]  }
0x3d: {  	_ =	shalt  }
0x3e: {  	_ =	shalt  }
0x3f: {  	_ =	shalt  }
0x40: {  	_ =	shalt  }
0x41: {  	_ =	shalt  }
0x42: {  	_ =	shalt  }
0x43: {  	_ =	shalt  }
0x44: {  	_ =	shalt  }
0x45: {  	_ =	shalt  }
0x46: {  	_ =	shalt  }
0x47: {  	_ =	shalt  }
0x48: {  	_ =	shalt  }
0x49: {  	_ =	shalt  }
0x4a: {  	_ =	shalt  }
0x4b: {  	_ =	shalt  }
0x4c: {  	_ =	shalt  }
0x4d: {  	_ =	shalt  }
0x4e: {  	_ =	shalt  }
0x4f: {  	_ =	shalt  }
0x50: {  	_ =	shalt  }
0x51: {  	_ =	shalt  }
0x52: {  	_ =	shalt  }
0x53: {  	_ =	shalt  }
0x54: {  	_ =	shalt  }
0x55: {  	_ =	shalt  }
0x56: {  	_ =	shalt  }
0x57: {  	_ =	shalt  }
0x58: {  	_ =	shalt  }
0x59: {  	_ =	shalt  }
0x5a: {  	_ =	shalt  }
0x5b: {  	_ =	shalt  }
0x5c: {  	_ =	shalt  }
0x5d: {  	_ =	shalt  }
0x5e: {  	_ =	shalt  }
0x5f: {  	_ =	shalt  }
0x60: {  	_ =	shalt  }
0x61: {  	_ =	shalt  }
0x62: {  	_ =	shalt  }
0x63: {  	_ =	shalt  }
0x64: {  	_ =	shalt  }
0x65: {  	_ =	shalt  }
0x66: {  	_ =	shalt  }
0x67: {  	_ =	shalt  }
0x68: {  	_ =	shalt  }
0x69: {  	_ =	shalt  }
0x6a: {  	_ =	shalt  }
0x6b: {  	_ =	shalt  }
0x6c: {  	_ =	shalt  }
0x6d: {  	_ =	shalt  }
0x6e: {  	_ =	shalt  }
0x6f: {  	_ =	shalt  }
0x70: {  	_ =	shalt  }
0x71: {  	_ =	shalt  }
0x72: {  	_ =	shalt  }
0x73: {  	_ =	shalt  }
0x74: {  	_ =	shalt  }
0x75: {  	_ =	shalt  }
0x76: {  	_ =	shalt  }
0x77: {  	_ =	shalt  }
0x78: {  	_ =	shalt  }
0x79: {  	_ =	shalt  }
0x7a: {  	_ =	shalt  }
0x7b: {  	_ =	shalt  }
0x7c: {  	_ =	shalt  }
0x7d: {  	_ =	shalt  }
0x7e: {  	_ =	shalt  }
0x7f: {  	_ =	shalt  }
0x80: {  	_ =	shalt  }
0x81: {  	_ =	shalt  }
0x82: {  	_ =	shalt  }
0x83: {  	_ =	shalt  }
0x84: {  	_ =	shalt  }
0x85: {  	_ =	shalt  }
0x86: {  	_ =	shalt  }
0x87: {  	_ =	shalt  }
.Lfunc_end0:
.L_simem_size_0:
called_computation.2_lowered:
.L_overlay_start_0:
0x88: {  	s2 =	sld [smem:$0x3FD9]  }
0x89: {  	s3 =	sld [smem:$0x3FFE];
	_ =	sdelay $0x1  }
0x8a: {  	s1 =	srdreg.scid  }
0x8b: {  	s0 =	sand.u32 $0x1, s1  }
0x8c: {  	s17 =	sshll.u32 s0, $0xA;
	s2 =	sadd.s32 s3, s2  }
0x8d: {  	s2 =	sadd.s32 s2, s17  }
0x8e: {  	[smem:$0x3FBA] =	sst s2  }
0x8f: {  	_ = 	snop  }
0x90: {  	s2 =	sld [smem:$0x3FD0];
	(tm) =	ssettm $0x1  }
0x91: {  	s18 =	sld [smem:$0x3FFB];
	_ =	sdelay $0x3  }
0x92: {  	_ =	strace s18  }
0x93: {  	s3 =	sld [smem:$0x3FFC];
	_ =	sdelay $0x3  }
0x94: {  	_ =	strace s3  }
0x95: {  	s3 =	sld [smem:$0x3FFD];
	_ =	sdelay $0x3  }
0x96: {  	_ =	strace s3  }
0x97: {  	_ =	strace $0x8FFFFFFF  }
0x98: {  	s19 =	sld [smem:$0x3FDB];
	_ =	sdelay $0x1  }
0x99: {  	s4 =	simm.s32 $_scs_section_size  }
0x9a: {  	s5 =	simm.s32 $_size__tile_overlayer_lowered;
	s6 =	simm.s32 $_tile_overlayer_lowered  }
0x9b: {  	s22 =	simm.s32 $0x1BFF;
	s21 =	sshll.u32 s6, $0x1;
	s3 =	sadd.s32 s4, s19  }
0x9c: {  	s7 =	simm.s32 $0x0;
	s20 =	sshll.u32 s5, $0x1;
	s5 =	sadd.s32 s21, s3  }
0x9d: {  	[timem:s7], [sflag:s22] =	dma.local [hbm:s5], s20  }
0x9e: {  	_ =	swait.ge [sflag:s22], s20  }
0x9f: {  	s4 =	ssub.s32 $0x0, s20;
	[sflag:s22] =	ssyncset.done $0x0  }
0xa0: {  	[sflag:s22] =	ssyncadd.s32 s4;
	_ =	sdelay $0x1  }
0xa1: {  	s23 =	simm.s32 $0x1B8B  }
0xa2: {  	_ =	swait.ge [sflag:s23], $0x1  }
0xa3: {  	[sflag:s23] =	ssyncset.done $0x0  }
0xa4: {  	s25 =	simm.s32 $0x1B8E;
	s24 =	sld [smem:$0x3FFE];
	[sflag:s23] =	ssyncadd.s32 $0xFFFFFFFF  }
0xa5: {  	s26 =	simm.s32 $execute0_lowered;
	[smem:$0x3FD2] =	sst s25  }
0xa6: {  	s5 =	sshll.u32 s26, $0x1;
	_ =	strace $0x8000004C;
	[dreg:$0x1] =	wrdreg $0xFFFFFFFF  }
0xa7: {  	s28 =	simm.s32 $_size_execute0_lowered;
	s3 =	sadd.s32 s3, s5;
	[dreg:$0x0] =	wrdreg $0x0  }
0xa8: {  	s5 =	sshll.u32 s28, $0x1;
	[dreg:$0x2] =	wrdreg s3  }
0xa9: {  	[dreg:$0x3] =	wrdreg s5  }
0xaa: {  	[dreg:$0x4] =	wrdreg $0xC0  }
0xab: {  	_ =	task [dreg:s7], $0x5FFFF  }
0xac: {  	[dreg:$0x1] =	wrdreg $0xFFFFFFFF  }
0xad: {  	[dreg:$0x0] =	wrdreg $0x60  }
0xae: {  	[dreg:$0x2] =	wrdreg s2  }
0xaf: {  	[dreg:$0x3] =	wrdreg s24  }
0xb0: {  	[dreg:$0x4] =	wrdreg $0x90000  }
0xb1: {  	[dreg:$0x5] =	wrdreg $0x9  }
0xb2: {  	_ =	task.clear_ibuf [dreg:s7], $0x6FFFF;
	_ =	strace $0x9000004C  }
0xb3: {  	s29 =	simm.s32 $0x9;
	_ =	strace $0x8000004E  }
0xb4: {  	_ =	swait.ge [sflag:s29], $0x1  }
0xb5: {  	[sflag:s29] =	ssyncadd.s32 $0xFFFFFFFF  }
0xb6: {  	_ =	strace $0x9000004E  }
0xb7: {  	_ =	sfence  }
0xb8: {  	s30 =	sld [smem:$0x0];
	_ =	sdelay $0x2  }
0xb9: {  	s31 =	sshll.u32 s1, $0xD;
	s1 =	sshrl.u32 s1, $0x2  }
0xba: {  	s3 =	sand.u32 $0x4000, s31;
	s1 =	sadd.s32 s1, s30  }
0xbb: {  	s0 =	sor.u32 s3, s0;
	s1 =	sshll.u32 s1, $0x11  }
0xbc: {  	s0 =	sor.u32 s1, s0  }
0xbd: {  	s0 =	sadd.s32 $0x8F2B, s0  }
0xbe: {  	[sflag:s0] =	ssyncadd.remote.s32 $0x1  }
0xbf: {  	_ =	sfence.sel $0xFFFF  }
0xc0: {  	[dreg:$0x0] =	wrdreg $0xFFFFFFFF;
	(pc) =	sbr.abs _section_cstart, $3  }
0xc1: {  	[dreg:$0x1] =	wrdreg $0xFFFFFFFF  }
0xc2: {  	_ =	task.clear_ibuf [dreg:s7], $0x2FFFF;
	_ =	strace $0x9FFFFFFF  }
0xc3: {  	(tm) =	ssettm $0x7FFFFFFF  }
tec
execute0_lowered:
.L_overlay_start_1:
0x0: {  	(tag) =	ssettag $0x1  }
0x1: {  	s1 =	rddreg [dreg:$0x0]  }
0x2: {  	s0 =	srdreg.scid;
	s2 =	rddreg [dreg:$0x1]  }
0x3: {  	s8 =	stileid.u32;
	s3 =	rddreg [dreg:$0x2];
	s4 =	simm.s32 $0x0  }
0x4: {  	s11 =	simm.s32 $0x100;
	s12 =	simm.s32 $0x880;
	[smem:$0x7FF] =	sst s4  }
0x5: {  	s13 =	simm.s32 $0x180;
	_ =	strace $0x8000004D;
	[dreg:$0x6] =	wrdreg s11  }
0x6: {  	s15 =	simm.s32 $0x900;
	s17 =	simm.s32 $0x200;
	[dreg:$0x7] =	wrdreg s12  }
0x7: {  	s19 =	simm.s32 $0x980;
	s21 =	simm.s32 $0x280;
	[dreg:$0x8] =	wrdreg s13  }
0x8: {  	s22 =	simm.s32 $0xA00;
	s23 =	simm.s32 $0x300;
	[dreg:$0x9] =	wrdreg s15  }
0x9: {  	s24 =	simm.s32 $0xA80;
	s25 =	simm.s32 $0x380;
	[dreg:$0xa] =	wrdreg s17  }
0xa: {  	s26 =	simm.s32 $0xB00;
	s28 =	simm.s32 $0x600;
	[dreg:$0xb] =	wrdreg s19  }
0xb: {  	s29 =	simm.s32 $0xD80;
	s30 =	simm.s32 $0x680;
	[dreg:$0xc] =	wrdreg s21  }
0xc: {  	s31 =	simm.s32 $0xE00;
	s6 =	smul.u32 $0x2800, s8;
	[dreg:$0xd] =	wrdreg s22  }
0xd: {  	s0 =	sand.u32 $0x1, s0;
	s8 =	smul.u32 $0x50000, s8;
	[dreg:$0xe] =	wrdreg s23  }
0xe: {  	s5 =	smul.u32 $0x28000, s0;
	s0 =	ssub.s32 $0x2, s0;
	[dreg:$0xf] =	wrdreg s24  }
0xf: {  	s12 =	simm.s32 $0x1000;
	s13 =	simm.s32 $0x3;
	[dreg:$0x10] =	wrdreg s25  }
0x10: {  	s15 =	simm.s32 $0x80;
	s17 =	simm.s32 $0x1;
	[dreg:$0x11] =	wrdreg s26  }
0x11: {  	s19 =	simm.s32 $0x400;
	s21 =	simm.s32 $0x480;
	s22 =	simm.s32 $0xC00  }
0x12: {  	s23 =	simm.s32 $0x500;
	s7 =	sshrl.u32 s0, $0x1;
	s8 =	sshrl.u32 s8, $0x2  }
0x13: {  	s24 =	simm.s32 $0xC80;
	s0 =	ssub.s32 s0, s7;
	s10 =	sadd.s32 s8, s3  }
0x14: {  	s25 =	simm.s32 $0x580;
	s0 =	smax.u32 s0, $0x1;
	[dreg:$0x12] =	wrdreg s10  }
0x15: {  	s26 =	simm.s32 $0xD00;
	s14 =	sadd.s32 $0x4000, s10;
	[dreg:$0x14] =	wrdreg s0  }
0x16: {  	s5 =	sadd.s32 s6, s5;
	s16 =	sadd.s32 $0x8000, s10;
	[dreg:$0x15] =	wrdreg s14  }
0x17: {  	s8 =	simm.s32 $0xF80;
	s18 =	sadd.s32 $0xC000, s10;
	[dreg:$0x16] =	wrdreg s16  }
0x18: {  	s6 =	sshrl.u32 s5, $0x3;
	s20 =	sadd.s32 $0x10000, s10;
	[dreg:$0x17] =	wrdreg s18  }
0x19: {  	s6 =	sadd.s32 s6, s2;
	s2 =	sadd.s32 s5, s2;
	[dreg:$0x18] =	wrdreg s20  }
0x1a: {  	s14 =	simm.s32 $0x800;
	s16 =	simm.s32 $0x5000;
	s7 =	sadd.s32 $0xCE00, s6  }
0x1b: {  	s18 =	simm.s32 $0x2;
	s9 =	sadd.s32 $0x2E00, s6;
	[dreg:$0x4] =	wrdreg s7  }
0x1c: {  	s20 =	simm.s32 $0xB80;
	s2 =	sadd.s32 $0x16E00, s2;
	[dreg:$0x5] =	wrdreg s9  }
0x1d: {  	s0 =	simm.s32 $0xE80;
	s6 =	simm.s32 $0x780;
	[dreg:$0x13] =	wrdreg s2  }
0x1e: {  	v0 =	vimm.f32 $0.0e+00;
	s2 =	simm.s32 $0x700;
	s7 =	simm.s32 $0xF00;
	s9 =	simm.s32 $0x0  }
.LBB2_1:
0x1f: {  	s10 =	simm.s32 $0x0;
	s11 =	simm.s32 $0x200  }
.LBB2_2:
0x20: {  	p0 =	sne.s32 s11, $0xFE00;
	[tilespmem:s10+$0x1070] =	vst v0  }
0x21: {  	[tilespmem:s10+$0x1000] =	vst v0  }
0x22: {  	[tilespmem:s10+$0x1010] =	vst v0  }
.Ltmp0:
0x23: {  	[tilespmem:s10+$0x1020] =	vst v0;
	(pc) =	sbr.rel @p0 .LBB2_2-.Ltmp0, $4  }
0x24: {  	[tilespmem:s10+$0x1030] =	vst v0  }
0x25: {  	[tilespmem:s10+$0x1040] =	vst v0  }
0x26: {  	[tilespmem:s10+$0x1050] =	vst v0  }
0x27: {  	[tilespmem:s10+$0x1060] =	vst v0;
	s10 =	sshra.s32 s11, $0x2;
	s11 =	sadd.s32 $0x200, s11  }
0x28: {  	[tilespmem:s10+$0x1070] =	vst v0  }
0x29: {  	[tilespmem:s10+$0x1000] =	vst v0  }
0x2a: {  	[tilespmem:s10+$0x1010] =	vst v0  }
0x2b: {  	[tilespmem:s10+$0x1020] =	vst v0  }
0x2c: {  	[tilespmem:s10+$0x1030] =	vst v0  }
0x2d: {  	[tilespmem:s10+$0x1040] =	vst v0  }
0x2e: {  	[dreg:$0x19] =	wrdreg s9;
	[tilespmem:s10+$0x1050] =	vst v0  }
0x2f: {  	[tilespmem:s10+$0x1060] =	vst v0;
	s5 =	rddreg [dreg:$0x12]  }
0x30: {  	[spmem:s5] =	stream.linear.scatter [tilespmem:s12], [sflag:$0x3], $0x4000, $0x38;
	[tilespmem:$0x1D000] =	vst v63  }
0x31: {  	_ =	swait.ge [sflag:s13], $0x4000  }
0x32: {  	[sflag:s13] =	ssyncset.done $0x0  }
0x33: {  	s9 =	rddreg [dreg:$0x15];
	[sflag:s13] =	ssyncadd.s32 $0xFFFFC000  }
0x34: {  	[spmem:s9] =	stream.linear.scatter [tilespmem:s12], [sflag:$0x3], $0x4000, $0x38;
	[tilespmem:$0x1D000] =	vst v63  }
0x35: {  	_ =	swait.ge [sflag:s13], $0x4000  }
0x36: {  	[sflag:s13] =	ssyncset.done $0x0  }
0x37: {  	s10 =	rddreg [dreg:$0x16];
	[sflag:s13] =	ssyncadd.s32 $0xFFFFC000  }
0x38: {  	[spmem:s10] =	stream.linear.scatter [tilespmem:s12], [sflag:$0x3], $0x4000, $0x38;
	[tilespmem:$0x1D000] =	vst v63  }
0x39: {  	_ =	swait.ge [sflag:s13], $0x4000  }
0x3a: {  	[sflag:s13] =	ssyncset.done $0x0  }
0x3b: {  	s11 =	rddreg [dreg:$0x17];
	[sflag:s13] =	ssyncadd.s32 $0xFFFFC000  }
0x3c: {  	[spmem:s11] =	stream.linear.scatter [tilespmem:s12], [sflag:$0x3], $0x4000, $0x38;
	[tilespmem:$0x1D000] =	vst v63  }
0x3d: {  	_ =	swait.ge [sflag:s13], $0x4000  }
0x3e: {  	[sflag:s13] =	ssyncset.done $0x0  }
0x3f: {  	s9 =	rddreg [dreg:$0x18];
	[sflag:s13] =	ssyncadd.s32 $0xFFFFC000  }
0x40: {  	[spmem:s9] =	stream.linear.scatter [tilespmem:s12], [sflag:$0x3], $0x4000, $0x38;
	[tilespmem:$0x1D000] =	vst v63  }
0x41: {  	_ =	swait.ge [sflag:s13], $0x4000  }
0x42: {  	[sflag:s13] =	ssyncset.done $0x0  }
0x43: {  	[sflag:s13] =	ssyncadd.s32 $0xFFFFC000  }
0x44: {  	[bflag:$0x0] =	sbarrier.arrive $0xFFFF  }
0x45: {  	s10 =	rddreg [dreg:$0x5]  }
0x46: {  	s5 =	sadd.s32 $0x0, s10  }
0x47: {  	[tilespmem:s4], [sflag:$0x3] =	stream.linear.gather [hbm4b:s5+s4], $0x800, $0x38;
	[tilespmem:$0x1D000] =	vst v63  }
0x48: {  	_ =	swait.ge [sflag:s13], $0x800  }
0x49: {  	s11 =	rddreg [dreg:$0x4];
	[sflag:s13] =	ssyncset.done $0x0  }
0x4a: {  	[sflag:s13] =	ssyncadd.s32 $0xFFFFF800;
	s5 =	sadd.s32 $0x0, s11  }
0x4b: {  	[tilespmem:s14], [sflag:$0x3] =	stream.linear.gather [hbm4b:s5+s4], $0x800, $0x38;
	[tilespmem:$0x1D000] =	vst v63  }
0x4c: {  	_ =	swait.ge [sflag:s13], $0x800  }
0x4d: {  	[sflag:s13] =	ssyncset.done $0x0  }
0x4e: {  	[sflag:s13] =	ssyncadd.s32 $0xFFFFF800  }
0x4f: {  	[tilespmem:s12], [sflag:$0x1] =	stream.indirect.gather [hbm4b:s1+s15], $0x80, s4, s15, $0xb8;
	[tilespmem:$0x1D000] =	vst v63  }
0x50: {  	_ = 	snop  }
0x51: {  	[tilespmem:s16], [sflag:$0x2] =	stream.indirect.gather [hbm4b:s1+s15], $0x80, s15, s15, $0xb8;
	[tilespmem:$0x1D000] =	vst v63  }
0x52: {  	_ =	swait.ge [sflag:s17], $0x4000  }
0x53: {  	[sflag:s17] =	ssyncset.done $0x0  }
0x54: {  	[sflag:s17] =	ssyncadd.s32 $0xFFFFC000  }
0x55: {  	[spmem:s3] =	stream.indirect.scatter.add.f32 [tilespmem:s12], [sflag:$0x3], $0x80, s14, s15, $0xb8;
	[tilespmem:$0x1D000] =	vst v63  }
0x56: {  	_ =	swait.ge [sflag:s13], $0x4000  }
0x57: {  	[sflag:s13] =	ssyncset.done $0x0  }
0x58: {  	s9 =	rddreg [dreg:$0x6];
	[sflag:s13] =	ssyncadd.s32 $0xFFFFC000  }
0x59: {  	[tilespmem:s12], [sflag:$0x1] =	stream.indirect.gather [hbm4b:s1+s15], $0x80, s9, s15, $0xb8;
	[tilespmem:$0x1D000] =	vst v63  }
0x5a: {  	_ =	swait.ge [sflag:s18], $0x4000  }
0x5b: {  	[sflag:s18] =	ssyncset.done $0x0  }
0x5c: {  	s10 =	rddreg [dreg:$0x7];
	[sflag:s18] =	ssyncadd.s32 $0xFFFFC000  }
0x5d: {  	[spmem:s3] =	stream.indirect.scatter.add.f32 [tilespmem:s16], [sflag:$0x3], $0x80, s10, s15, $0xb8;
	[tilespmem:$0x1D000] =	vst v63  }
0x5e: {  	_ =	swait.ge [sflag:s13], $0x4000  }
0x5f: {  	[sflag:s13] =	ssyncset.done $0x0  }
0x60: {  	s11 =	rddreg [dreg:$0x8];
	[sflag:s13] =	ssyncadd.s32 $0xFFFFC000  }
0x61: {  	[tilespmem:s16], [sflag:$0x2] =	stream.indirect.gather [hbm4b:s1+s15], $0x80, s11, s15, $0xb8;
	[tilespmem:$0x1D000] =	vst v63  }
0x62: {  	_ =	swait.ge [sflag:s17], $0x4000  }
0x63: {  	[sflag:s17] =	ssyncset.done $0x0  }
0x64: {  	s9 =	rddreg [dreg:$0x9];
	[sflag:s17] =	ssyncadd.s32 $0xFFFFC000  }
0x65: {  	[spmem:s3] =	stream.indirect.scatter.add.f32 [tilespmem:s12], [sflag:$0x3], $0x80, s9, s15, $0xb8;
	[tilespmem:$0x1D000] =	vst v63  }
0x66: {  	_ =	swait.ge [sflag:s13], $0x4000  }
0x67: {  	[sflag:s13] =	ssyncset.done $0x0  }
0x68: {  	s10 =	rddreg [dreg:$0xa];
	[sflag:s13] =	ssyncadd.s32 $0xFFFFC000  }
0x69: {  	[tilespmem:s12], [sflag:$0x1] =	stream.indirect.gather [hbm4b:s1+s15], $0x80, s10, s15, $0xb8;
	[tilespmem:$0x1D000] =	vst v63  }
0x6a: {  	_ =	swait.ge [sflag:s18], $0x4000  }
0x6b: {  	[sflag:s18] =	ssyncset.done $0x0  }
0x6c: {  	s11 =	rddreg [dreg:$0xb];
	[sflag:s18] =	ssyncadd.s32 $0xFFFFC000  }
0x6d: {  	[spmem:s3] =	stream.indirect.scatter.add.f32 [tilespmem:s16], [sflag:$0x3], $0x80, s11, s15, $0xb8;
	[tilespmem:$0x1D000] =	vst v63  }
0x6e: {  	_ =	swait.ge [sflag:s13], $0x4000  }
0x6f: {  	[sflag:s13] =	ssyncset.done $0x0  }
0x70: {  	s9 =	rddreg [dreg:$0xc];
	[sflag:s13] =	ssyncadd.s32 $0xFFFFC000  }
0x71: {  	[tilespmem:s16], [sflag:$0x2] =	stream.indirect.gather [hbm4b:s1+s15], $0x80, s9, s15, $0xb8;
	[tilespmem:$0x1D000] =	vst v63  }
0x72: {  	_ =	swait.ge [sflag:s17], $0x4000  }
0x73: {  	[sflag:s17] =	ssyncset.done $0x0  }
0x74: {  	s10 =	rddreg [dreg:$0xd];
	[sflag:s17] =	ssyncadd.s32 $0xFFFFC000  }
0x75: {  	[spmem:s3] =	stream.indirect.scatter.add.f32 [tilespmem:s12], [sflag:$0x3], $0x80, s10, s15, $0xb8;
	[tilespmem:$0x1D000] =	vst v63  }
0x76: {  	_ =	swait.ge [sflag:s13], $0x4000  }
0x77: {  	[sflag:s13] =	ssyncset.done $0x0  }
0x78: {  	s11 =	rddreg [dreg:$0xe];
	[sflag:s13] =	ssyncadd.s32 $0xFFFFC000  }
0x79: {  	[tilespmem:s12], [sflag:$0x1] =	stream.indirect.gather [hbm4b:s1+s15], $0x80, s11, s15, $0xb8;
	[tilespmem:$0x1D000] =	vst v63  }
0x7a: {  	_ =	swait.ge [sflag:s18], $0x4000  }
0x7b: {  	[sflag:s18] =	ssyncset.done $0x0  }
0x7c: {  	s9 =	rddreg [dreg:$0xf];
	[sflag:s18] =	ssyncadd.s32 $0xFFFFC000  }
0x7d: {  	[spmem:s3] =	stream.indirect.scatter.add.f32 [tilespmem:s16], [sflag:$0x3], $0x80, s9, s15, $0xb8;
	[tilespmem:$0x1D000] =	vst v63  }
0x7e: {  	_ =	swait.ge [sflag:s13], $0x4000  }
0x7f: {  	[sflag:s13] =	ssyncset.done $0x0  }
0x80: {  	s10 =	rddreg [dreg:$0x10];
	[sflag:s13] =	ssyncadd.s32 $0xFFFFC000  }
0x81: {  	[tilespmem:s16], [sflag:$0x2] =	stream.indirect.gather [hbm4b:s1+s15], $0x80, s10, s15, $0xb8;
	[tilespmem:$0x1D000] =	vst v63  }
0x82: {  	_ =	swait.ge [sflag:s17], $0x4000  }
0x83: {  	[sflag:s17] =	ssyncset.done $0x0  }
0x84: {  	s11 =	rddreg [dreg:$0x11];
	[sflag:s17] =	ssyncadd.s32 $0xFFFFC000  }
0x85: {  	[spmem:s3] =	stream.indirect.scatter.add.f32 [tilespmem:s12], [sflag:$0x3], $0x80, s11, s15, $0xb8;
	[tilespmem:$0x1D000] =	vst v63  }
0x86: {  	_ =	swait.ge [sflag:s13], $0x4000  }
0x87: {  	[sflag:s13] =	ssyncset.done $0x0  }
0x88: {  	[sflag:s13] =	ssyncadd.s32 $0xFFFFC000  }
0x89: {  	[tilespmem:s12], [sflag:$0x1] =	stream.indirect.gather [hbm4b:s1+s15], $0x80, s19, s15, $0xb8;
	[tilespmem:$0x1D000] =	vst v63  }
0x8a: {  	_ =	swait.ge [sflag:s18], $0x4000  }
0x8b: {  	[sflag:s18] =	ssyncset.done $0x0  }
0x8c: {  	[sflag:s18] =	ssyncadd.s32 $0xFFFFC000  }
0x8d: {  	[spmem:s3] =	stream.indirect.scatter.add.f32 [tilespmem:s16], [sflag:$0x3], $0x80, s20, s15, $0xb8;
	[tilespmem:$0x1D000] =	vst v63  }
0x8e: {  	_ =	swait.ge [sflag:s13], $0x4000  }
0x8f: {  	[sflag:s13] =	ssyncset.done $0x0  }
0x90: {  	[sflag:s13] =	ssyncadd.s32 $0xFFFFC000  }
0x91: {  	[tilespmem:s16], [sflag:$0x2] =	stream.indirect.gather [hbm4b:s1+s15], $0x80, s21, s15, $0xb8;
	[tilespmem:$0x1D000] =	vst v63  }
0x92: {  	_ =	swait.ge [sflag:s17], $0x4000  }
0x93: {  	[sflag:s17] =	ssyncset.done $0x0  }
0x94: {  	[sflag:s17] =	ssyncadd.s32 $0xFFFFC000  }
0x95: {  	[spmem:s3] =	stream.indirect.scatter.add.f32 [tilespmem:s12], [sflag:$0x3], $0x80, s22, s15, $0xb8;
	[tilespmem:$0x1D000] =	vst v63  }
0x96: {  	_ =	swait.ge [sflag:s13], $0x4000  }
0x97: {  	[sflag:s13] =	ssyncset.done $0x0  }
0x98: {  	[sflag:s13] =	ssyncadd.s32 $0xFFFFC000  }
0x99: {  	[tilespmem:s12], [sflag:$0x1] =	stream.indirect.gather [hbm4b:s1+s15], $0x80, s23, s15, $0xb8;
	[tilespmem:$0x1D000] =	vst v63  }
0x9a: {  	_ =	swait.ge [sflag:s18], $0x4000  }
0x9b: {  	[sflag:s18] =	ssyncset.done $0x0  }
0x9c: {  	[sflag:s18] =	ssyncadd.s32 $0xFFFFC000  }
0x9d: {  	[spmem:s3] =	stream.indirect.scatter.add.f32 [tilespmem:s16], [sflag:$0x3], $0x80, s24, s15, $0xb8;
	[tilespmem:$0x1D000] =	vst v63  }
0x9e: {  	_ =	swait.ge [sflag:s13], $0x4000  }
0x9f: {  	[sflag:s13] =	ssyncset.done $0x0  }
0xa0: {  	[sflag:s13] =	ssyncadd.s32 $0xFFFFC000  }
0xa1: {  	[tilespmem:s16], [sflag:$0x2] =	stream.indirect.gather [hbm4b:s1+s15], $0x80, s25, s15, $0xb8;
	[tilespmem:$0x1D000] =	vst v63  }
0xa2: {  	_ =	swait.ge [sflag:s17], $0x4000  }
0xa3: {  	[sflag:s17] =	ssyncset.done $0x0  }
0xa4: {  	[sflag:s17] =	ssyncadd.s32 $0xFFFFC000  }
0xa5: {  	[spmem:s3] =	stream.indirect.scatter.add.f32 [tilespmem:s12], [sflag:$0x3], $0x80, s26, s15, $0xb8;
	[tilespmem:$0x1D000] =	vst v63  }
0xa6: {  	_ =	swait.ge [sflag:s13], $0x4000  }
0xa7: {  	[sflag:s13] =	ssyncset.done $0x0  }
0xa8: {  	[sflag:s13] =	ssyncadd.s32 $0xFFFFC000  }
0xa9: {  	[tilespmem:s12], [sflag:$0x1] =	stream.indirect.gather [hbm4b:s1+s15], $0x80, s28, s15, $0xb8;
	[tilespmem:$0x1D000] =	vst v63  }
0xaa: {  	_ =	swait.ge [sflag:s18], $0x4000  }
0xab: {  	[sflag:s18] =	ssyncset.done $0x0  }
0xac: {  	[sflag:s18] =	ssyncadd.s32 $0xFFFFC000  }
0xad: {  	[spmem:s3] =	stream.indirect.scatter.add.f32 [tilespmem:s16], [sflag:$0x3], $0x80, s29, s15, $0xb8;
	[tilespmem:$0x1D000] =	vst v63  }
0xae: {  	_ =	swait.ge [sflag:s13], $0x4000  }
0xaf: {  	[sflag:s13] =	ssyncset.done $0x0  }
0xb0: {  	[sflag:s13] =	ssyncadd.s32 $0xFFFFC000  }
0xb1: {  	[tilespmem:s16], [sflag:$0x2] =	stream.indirect.gather [hbm4b:s1+s15], $0x80, s30, s15, $0xb8;
	[tilespmem:$0x1D000] =	vst v63  }
0xb2: {  	_ =	swait.ge [sflag:s17], $0x4000  }
0xb3: {  	[sflag:s17] =	ssyncset.done $0x0  }
0xb4: {  	[sflag:s17] =	ssyncadd.s32 $0xFFFFC000  }
0xb5: {  	[spmem:s3] =	stream.indirect.scatter.add.f32 [tilespmem:s12], [sflag:$0x3], $0x80, s31, s15, $0xb8;
	[tilespmem:$0x1D000] =	vst v63  }
0xb6: {  	_ =	swait.ge [sflag:s13], $0x4000  }
0xb7: {  	[sflag:s13] =	ssyncset.done $0x0  }
0xb8: {  	[sflag:s13] =	ssyncadd.s32 $0xFFFFC000  }
0xb9: {  	[tilespmem:s12], [sflag:$0x1] =	stream.indirect.gather [hbm4b:s1+s15], $0x80, s2, s15, $0xb8;
	[tilespmem:$0x1D000] =	vst v63  }
0xba: {  	_ =	swait.ge [sflag:s18], $0x4000  }
0xbb: {  	[sflag:s18] =	ssyncset.done $0x0  }
0xbc: {  	[sflag:s18] =	ssyncadd.s32 $0xFFFFC000  }
0xbd: {  	[spmem:s3] =	stream.indirect.scatter.add.f32 [tilespmem:s16], [sflag:$0x3], $0x80, s0, s15, $0xb8;
	[tilespmem:$0x1D000] =	vst v63  }
0xbe: {  	_ =	swait.ge [sflag:s13], $0x4000  }
0xbf: {  	[sflag:s13] =	ssyncset.done $0x0  }
0xc0: {  	[sflag:s13] =	ssyncadd.s32 $0xFFFFC000  }
0xc1: {  	[tilespmem:s16], [sflag:$0x2] =	stream.indirect.gather [hbm4b:s1+s15], $0x80, s6, s15, $0xb8;
	[tilespmem:$0x1D000] =	vst v63  }
0xc2: {  	_ =	swait.ge [sflag:s17], $0x4000  }
0xc3: {  	[sflag:s17] =	ssyncset.done $0x0  }
0xc4: {  	[sflag:s17] =	ssyncadd.s32 $0xFFFFC000  }
0xc5: {  	[spmem:s3] =	stream.indirect.scatter.add.f32 [tilespmem:s12], [sflag:$0x3], $0x80, s7, s15, $0xb8;
	[tilespmem:$0x1D000] =	vst v63  }
0xc6: {  	_ =	swait.ge [sflag:s13], $0x4000  }
0xc7: {  	[sflag:s13] =	ssyncset.done $0x0  }
0xc8: {  	[sflag:s13] =	ssyncadd.s32 $0xFFFFC000  }
0xc9: {  	_ =	swait.ge [sflag:s18], $0x4000  }
0xca: {  	[sflag:s18] =	ssyncset.done $0x0  }
0xcb: {  	[sflag:s18] =	ssyncadd.s32 $0xFFFFC000  }
0xcc: {  	[spmem:s3] =	stream.indirect.scatter.add.f32 [tilespmem:s16], [sflag:$0x3], $0x80, s8, s15, $0xb8;
	[tilespmem:$0x1D000] =	vst v63  }
0xcd: {  	s10 =	simm.s32 $0x100;
	_ =	swait.ge [sflag:s13], $0x4000  }
0xce: {  	s11 =	simm.s32 $0x200;
	s5 =	rddreg [dreg:$0x5];
	[sflag:s13] =	ssyncset.done $0x0  }
.LBB2_4:
0xcf: {  	[sflag:s13] =	ssyncadd.s32 $0xFFFFC000;
	s5 =	sadd.s32 s10, s5  }
0xd0: {  	[tilespmem:s4], [sflag:$0x3] =	stream.linear.gather [hbm4b:s5+s4], $0x800, $0x38;
	[tilespmem:$0x1D000] =	vst v63  }
0xd1: {  	_ =	swait.ge [sflag:s13], $0x800  }
0xd2: {  	s5 =	rddreg [dreg:$0x4];
	[sflag:s13] =	ssyncset.done $0x0  }
0xd3: {  	[sflag:s13] =	ssyncadd.s32 $0xFFFFF800;
	s5 =	sadd.s32 s10, s5  }
0xd4: {  	[tilespmem:s14], [sflag:$0x3] =	stream.linear.gather [hbm4b:s5+s4], $0x800, $0x38;
	[tilespmem:$0x1D000] =	vst v63  }
0xd5: {  	_ =	swait.ge [sflag:s13], $0x800  }
0xd6: {  	[sflag:s13] =	ssyncset.done $0x0  }
0xd7: {  	[sflag:s13] =	ssyncadd.s32 $0xFFFFF800  }
0xd8: {  	[tilespmem:s12], [sflag:$0x1] =	stream.indirect.gather [hbm4b:s1+s15], $0x80, s4, s15, $0xb8;
	[tilespmem:$0x1D000] =	vst v63  }
0xd9: {  	_ = 	snop  }
0xda: {  	[tilespmem:s16], [sflag:$0x2] =	stream.indirect.gather [hbm4b:s1+s15], $0x80, s15, s15, $0xb8;
	[tilespmem:$0x1D000] =	vst v63  }
0xdb: {  	_ =	swait.ge [sflag:s17], $0x4000  }
0xdc: {  	[sflag:s17] =	ssyncset.done $0x0  }
0xdd: {  	[sflag:s17] =	ssyncadd.s32 $0xFFFFC000  }
0xde: {  	[spmem:s3] =	stream.indirect.scatter.add.f32 [tilespmem:s12], [sflag:$0x3], $0x80, s14, s15, $0xb8;
	[tilespmem:$0x1D000] =	vst v63  }
0xdf: {  	_ =	swait.ge [sflag:s13], $0x4000  }
0xe0: {  	s9 =	smov.u32 s11;
	[sflag:s13] =	ssyncset.done $0x0  }
0xe1: {  	s10 =	smov.u32 s9;
	s9 =	rddreg [dreg:$0x6];
	[sflag:s13] =	ssyncadd.s32 $0xFFFFC000  }
0xe2: {  	[tilespmem:s12], [sflag:$0x1] =	stream.indirect.gather [hbm4b:s1+s15], $0x80, s9, s15, $0xb8;
	[tilespmem:$0x1D000] =	vst v63  }
0xe3: {  	_ =	swait.ge [sflag:s18], $0x4000  }
0xe4: {  	[sflag:s18] =	ssyncset.done $0x0  }
0xe5: {  	s9 =	rddreg [dreg:$0x7];
	[sflag:s18] =	ssyncadd.s32 $0xFFFFC000  }
0xe6: {  	[spmem:s3] =	stream.indirect.scatter.add.f32 [tilespmem:s16], [sflag:$0x3], $0x80, s9, s15, $0xb8;
	[tilespmem:$0x1D000] =	vst v63  }
0xe7: {  	_ =	swait.ge [sflag:s13], $0x4000  }
0xe8: {  	[sflag:s13] =	ssyncset.done $0x0  }
0xe9: {  	s9 =	rddreg [dreg:$0x8];
	[sflag:s13] =	ssyncadd.s32 $0xFFFFC000  }
0xea: {  	[tilespmem:s16], [sflag:$0x2] =	stream.indirect.gather [hbm4b:s1+s15], $0x80, s9, s15, $0xb8;
	[tilespmem:$0x1D000] =	vst v63  }
0xeb: {  	_ =	swait.ge [sflag:s17], $0x4000  }
0xec: {  	[sflag:s17] =	ssyncset.done $0x0  }
0xed: {  	s9 =	rddreg [dreg:$0x9];
	[sflag:s17] =	ssyncadd.s32 $0xFFFFC000  }
0xee: {  	[spmem:s3] =	stream.indirect.scatter.add.f32 [tilespmem:s12], [sflag:$0x3], $0x80, s9, s15, $0xb8;
	[tilespmem:$0x1D000] =	vst v63  }
0xef: {  	_ =	swait.ge [sflag:s13], $0x4000  }
0xf0: {  	[sflag:s13] =	ssyncset.done $0x0  }
0xf1: {  	s9 =	rddreg [dreg:$0xa];
	[sflag:s13] =	ssyncadd.s32 $0xFFFFC000  }
0xf2: {  	[tilespmem:s12], [sflag:$0x1] =	stream.indirect.gather [hbm4b:s1+s15], $0x80, s9, s15, $0xb8;
	[tilespmem:$0x1D000] =	vst v63  }
0xf3: {  	_ =	swait.ge [sflag:s18], $0x4000  }
0xf4: {  	[sflag:s18] =	ssyncset.done $0x0  }
0xf5: {  	s9 =	rddreg [dreg:$0xb];
	[sflag:s18] =	ssyncadd.s32 $0xFFFFC000  }
0xf6: {  	[spmem:s3] =	stream.indirect.scatter.add.f32 [tilespmem:s16], [sflag:$0x3], $0x80, s9, s15, $0xb8;
	[tilespmem:$0x1D000] =	vst v63  }
0xf7: {  	_ =	swait.ge [sflag:s13], $0x4000  }
0xf8: {  	[sflag:s13] =	ssyncset.done $0x0  }
0xf9: {  	s9 =	rddreg [dreg:$0xc];
	[sflag:s13] =	ssyncadd.s32 $0xFFFFC000  }
0xfa: {  	[tilespmem:s16], [sflag:$0x2] =	stream.indirect.gather [hbm4b:s1+s15], $0x80, s9, s15, $0xb8;
	[tilespmem:$0x1D000] =	vst v63  }
0xfb: {  	_ =	swait.ge [sflag:s17], $0x4000  }
0xfc: {  	[sflag:s17] =	ssyncset.done $0x0  }
0xfd: {  	s9 =	rddreg [dreg:$0xd];
	[sflag:s17] =	ssyncadd.s32 $0xFFFFC000  }
0xfe: {  	[spmem:s3] =	stream.indirect.scatter.add.f32 [tilespmem:s12], [sflag:$0x3], $0x80, s9, s15, $0xb8;
	[tilespmem:$0x1D000] =	vst v63  }
0xff: {  	_ =	swait.ge [sflag:s13], $0x4000  }
0x100: {  	[sflag:s13] =	ssyncset.done $0x0  }
0x101: {  	s9 =	rddreg [dreg:$0xe];
	[sflag:s13] =	ssyncadd.s32 $0xFFFFC000  }
0x102: {  	[tilespmem:s12], [sflag:$0x1] =	stream.indirect.gather [hbm4b:s1+s15], $0x80, s9, s15, $0xb8;
	[tilespmem:$0x1D000] =	vst v63  }
0x103: {  	_ =	swait.ge [sflag:s18], $0x4000  }
0x104: {  	[sflag:s18] =	ssyncset.done $0x0  }
0x105: {  	s9 =	rddreg [dreg:$0xf];
	[sflag:s18] =	ssyncadd.s32 $0xFFFFC000  }
0x106: {  	[spmem:s3] =	stream.indirect.scatter.add.f32 [tilespmem:s16], [sflag:$0x3], $0x80, s9, s15, $0xb8;
	[tilespmem:$0x1D000] =	vst v63  }
0x107: {  	_ =	swait.ge [sflag:s13], $0x4000  }
0x108: {  	[sflag:s13] =	ssyncset.done $0x0  }
0x109: {  	s9 =	rddreg [dreg:$0x10];
	[sflag:s13] =	ssyncadd.s32 $0xFFFFC000  }
0x10a: {  	[tilespmem:s16], [sflag:$0x2] =	stream.indirect.gather [hbm4b:s1+s15], $0x80, s9, s15, $0xb8;
	[tilespmem:$0x1D000] =	vst v63  }
0x10b: {  	_ =	swait.ge [sflag:s17], $0x4000  }
0x10c: {  	[sflag:s17] =	ssyncset.done $0x0  }
0x10d: {  	s9 =	rddreg [dreg:$0x11];
	[sflag:s17] =	ssyncadd.s32 $0xFFFFC000  }
0x10e: {  	[spmem:s3] =	stream.indirect.scatter.add.f32 [tilespmem:s12], [sflag:$0x3], $0x80, s9, s15, $0xb8;
	[tilespmem:$0x1D000] =	vst v63  }
0x10f: {  	_ =	swait.ge [sflag:s13], $0x4000  }
0x110: {  	[sflag:s13] =	ssyncset.done $0x0  }
0x111: {  	[sflag:s13] =	ssyncadd.s32 $0xFFFFC000  }
0x112: {  	[tilespmem:s12], [sflag:$0x1] =	stream.indirect.gather [hbm4b:s1+s15], $0x80, s19, s15, $0xb8;
	[tilespmem:$0x1D000] =	vst v63  }
0x113: {  	_ =	swait.ge [sflag:s18], $0x4000  }
0x114: {  	[sflag:s18] =	ssyncset.done $0x0  }
0x115: {  	[sflag:s18] =	ssyncadd.s32 $0xFFFFC000  }
0x116: {  	[spmem:s3] =	stream.indirect.scatter.add.f32 [tilespmem:s16], [sflag:$0x3], $0x80, s20, s15, $0xb8;
	[tilespmem:$0x1D000] =	vst v63  }
0x117: {  	_ =	swait.ge [sflag:s13], $0x4000  }
0x118: {  	[sflag:s13] =	ssyncset.done $0x0  }
0x119: {  	[sflag:s13] =	ssyncadd.s32 $0xFFFFC000  }
0x11a: {  	[tilespmem:s16], [sflag:$0x2] =	stream.indirect.gather [hbm4b:s1+s15], $0x80, s21, s15, $0xb8;
	[tilespmem:$0x1D000] =	vst v63  }
0x11b: {  	_ =	swait.ge [sflag:s17], $0x4000  }
0x11c: {  	[sflag:s17] =	ssyncset.done $0x0  }
0x11d: {  	[sflag:s17] =	ssyncadd.s32 $0xFFFFC000  }
0x11e: {  	[spmem:s3] =	stream.indirect.scatter.add.f32 [tilespmem:s12], [sflag:$0x3], $0x80, s22, s15, $0xb8;
	[tilespmem:$0x1D000] =	vst v63  }
0x11f: {  	_ =	swait.ge [sflag:s13], $0x4000  }
0x120: {  	[sflag:s13] =	ssyncset.done $0x0  }
0x121: {  	[sflag:s13] =	ssyncadd.s32 $0xFFFFC000  }
0x122: {  	[tilespmem:s12], [sflag:$0x1] =	stream.indirect.gather [hbm4b:s1+s15], $0x80, s23, s15, $0xb8;
	[tilespmem:$0x1D000] =	vst v63  }
0x123: {  	_ =	swait.ge [sflag:s18], $0x4000  }
0x124: {  	[sflag:s18] =	ssyncset.done $0x0  }
0x125: {  	[sflag:s18] =	ssyncadd.s32 $0xFFFFC000  }
0x126: {  	[spmem:s3] =	stream.indirect.scatter.add.f32 [tilespmem:s16], [sflag:$0x3], $0x80, s24, s15, $0xb8;
	[tilespmem:$0x1D000] =	vst v63  }
0x127: {  	_ =	swait.ge [sflag:s13], $0x4000  }
0x128: {  	[sflag:s13] =	ssyncset.done $0x0  }
0x129: {  	[sflag:s13] =	ssyncadd.s32 $0xFFFFC000  }
0x12a: {  	[tilespmem:s16], [sflag:$0x2] =	stream.indirect.gather [hbm4b:s1+s15], $0x80, s25, s15, $0xb8;
	[tilespmem:$0x1D000] =	vst v63  }
0x12b: {  	_ =	swait.ge [sflag:s17], $0x4000  }
0x12c: {  	[sflag:s17] =	ssyncset.done $0x0  }
0x12d: {  	[sflag:s17] =	ssyncadd.s32 $0xFFFFC000  }
0x12e: {  	[spmem:s3] =	stream.indirect.scatter.add.f32 [tilespmem:s12], [sflag:$0x3], $0x80, s26, s15, $0xb8;
	[tilespmem:$0x1D000] =	vst v63  }
0x12f: {  	_ =	swait.ge [sflag:s13], $0x4000  }
0x130: {  	[sflag:s13] =	ssyncset.done $0x0  }
0x131: {  	[sflag:s13] =	ssyncadd.s32 $0xFFFFC000  }
0x132: {  	[tilespmem:s12], [sflag:$0x1] =	stream.indirect.gather [hbm4b:s1+s15], $0x80, s28, s15, $0xb8;
	[tilespmem:$0x1D000] =	vst v63  }
0x133: {  	_ =	swait.ge [sflag:s18], $0x4000  }
0x134: {  	[sflag:s18] =	ssyncset.done $0x0  }
0x135: {  	[sflag:s18] =	ssyncadd.s32 $0xFFFFC000  }
0x136: {  	[spmem:s3] =	stream.indirect.scatter.add.f32 [tilespmem:s16], [sflag:$0x3], $0x80, s29, s15, $0xb8;
	[tilespmem:$0x1D000] =	vst v63  }
0x137: {  	_ =	swait.ge [sflag:s13], $0x4000  }
0x138: {  	[sflag:s13] =	ssyncset.done $0x0  }
0x139: {  	[sflag:s13] =	ssyncadd.s32 $0xFFFFC000  }
0x13a: {  	[tilespmem:s16], [sflag:$0x2] =	stream.indirect.gather [hbm4b:s1+s15], $0x80, s30, s15, $0xb8;
	[tilespmem:$0x1D000] =	vst v63  }
0x13b: {  	_ =	swait.ge [sflag:s17], $0x4000  }
0x13c: {  	[sflag:s17] =	ssyncset.done $0x0  }
0x13d: {  	[sflag:s17] =	ssyncadd.s32 $0xFFFFC000  }
0x13e: {  	[spmem:s3] =	stream.indirect.scatter.add.f32 [tilespmem:s12], [sflag:$0x3], $0x80, s31, s15, $0xb8;
	[tilespmem:$0x1D000] =	vst v63  }
0x13f: {  	_ =	swait.ge [sflag:s13], $0x4000  }
0x140: {  	[sflag:s13] =	ssyncset.done $0x0  }
0x141: {  	[sflag:s13] =	ssyncadd.s32 $0xFFFFC000  }
0x142: {  	[tilespmem:s12], [sflag:$0x1] =	stream.indirect.gather [hbm4b:s1+s15], $0x80, s2, s15, $0xb8;
	[tilespmem:$0x1D000] =	vst v63  }
0x143: {  	_ =	swait.ge [sflag:s18], $0x4000  }
0x144: {  	[sflag:s18] =	ssyncset.done $0x0  }
0x145: {  	[sflag:s18] =	ssyncadd.s32 $0xFFFFC000  }
0x146: {  	[spmem:s3] =	stream.indirect.scatter.add.f32 [tilespmem:s16], [sflag:$0x3], $0x80, s0, s15, $0xb8;
	[tilespmem:$0x1D000] =	vst v63  }
0x147: {  	_ =	swait.ge [sflag:s13], $0x4000  }
0x148: {  	[sflag:s13] =	ssyncset.done $0x0  }
0x149: {  	[sflag:s13] =	ssyncadd.s32 $0xFFFFC000  }
0x14a: {  	[tilespmem:s16], [sflag:$0x2] =	stream.indirect.gather [hbm4b:s1+s15], $0x80, s6, s15, $0xb8;
	[tilespmem:$0x1D000] =	vst v63  }
0x14b: {  	_ =	swait.ge [sflag:s17], $0x4000  }
0x14c: {  	[sflag:s17] =	ssyncset.done $0x0  }
0x14d: {  	[sflag:s17] =	ssyncadd.s32 $0xFFFFC000  }
0x14e: {  	[spmem:s3] =	stream.indirect.scatter.add.f32 [tilespmem:s12], [sflag:$0x3], $0x80, s7, s15, $0xb8;
	[tilespmem:$0x1D000] =	vst v63  }
0x14f: {  	_ =	swait.ge [sflag:s13], $0x4000  }
0x150: {  	[sflag:s13] =	ssyncset.done $0x0  }
0x151: {  	[sflag:s13] =	ssyncadd.s32 $0xFFFFC000  }
0x152: {  	p0 =	sne.s32 s11, $0x400;
	_ =	swait.ge [sflag:s18], $0x4000  }
.Ltmp1:
0x153: {  	[sflag:s18] =	ssyncset.done $0x0;
	(pc) =	sbr.rel @p0 .LBB2_4-.Ltmp1, $4  }
0x154: {  	[sflag:s18] =	ssyncadd.s32 $0xFFFFC000  }
0x155: {  	[spmem:s3] =	stream.indirect.scatter.add.f32 [tilespmem:s16], [sflag:$0x3], $0x80, s8, s15, $0xb8;
	[tilespmem:$0x1D000] =	vst v63  }
0x156: {  	_ =	swait.ge [sflag:s13], $0x4000  }
0x157: {  	s11 =	sadd.s32 $0x100, s11;
	s5 =	rddreg [dreg:$0x5];
	[sflag:s13] =	ssyncset.done $0x0  }
0x158: {  	[sflag:s13] =	ssyncadd.s32 $0xFFFFC000;
	s5 =	sadd.s32 s10, s5  }
0x159: {  	[tilespmem:s4], [sflag:$0x3] =	stream.linear.gather [hbm4b:s5+s4], $0x800, $0x38;
	[tilespmem:$0x1D000] =	vst v63  }
0x15a: {  	_ =	swait.ge [sflag:s13], $0x800  }
0x15b: {  	s9 =	rddreg [dreg:$0x4];
	[sflag:s13] =	ssyncset.done $0x0  }
0x15c: {  	[sflag:s13] =	ssyncadd.s32 $0xFFFFF800;
	s5 =	sadd.s32 s10, s9  }
0x15d: {  	[tilespmem:s14], [sflag:$0x3] =	stream.linear.gather [hbm4b:s5+s4], $0x800, $0x38;
	[tilespmem:$0x1D000] =	vst v63  }
0x15e: {  	_ =	swait.ge [sflag:s13], $0x800  }
0x15f: {  	[sflag:s13] =	ssyncset.done $0x0  }
0x160: {  	[sflag:s13] =	ssyncadd.s32 $0xFFFFF800  }
0x161: {  	[tilespmem:s12], [sflag:$0x1] =	stream.indirect.gather [hbm4b:s1+s15], $0x80, s4, s15, $0xb8;
	[tilespmem:$0x1D000] =	vst v63  }
0x162: {  	_ = 	snop  }
0x163: {  	[tilespmem:s16], [sflag:$0x2] =	stream.indirect.gather [hbm4b:s1+s15], $0x80, s15, s15, $0xb8;
	[tilespmem:$0x1D000] =	vst v63  }
0x164: {  	_ =	swait.ge [sflag:s17], $0x4000  }
0x165: {  	[sflag:s17] =	ssyncset.done $0x0  }
0x166: {  	[sflag:s17] =	ssyncadd.s32 $0xFFFFC000  }
0x167: {  	[spmem:s3] =	stream.indirect.scatter.add.f32 [tilespmem:s12], [sflag:$0x3], $0x80, s14, s15, $0xb8;
	[tilespmem:$0x1D000] =	vst v63  }
0x168: {  	_ =	swait.ge [sflag:s13], $0x4000  }
0x169: {  	[sflag:s13] =	ssyncset.done $0x0  }
0x16a: {  	s10 =	rddreg [dreg:$0x6];
	[sflag:s13] =	ssyncadd.s32 $0xFFFFC000  }
0x16b: {  	[tilespmem:s12], [sflag:$0x1] =	stream.indirect.gather [hbm4b:s1+s15], $0x80, s10, s15, $0xb8;
	[tilespmem:$0x1D000] =	vst v63  }
0x16c: {  	_ =	swait.ge [sflag:s18], $0x4000  }
0x16d: {  	[sflag:s18] =	ssyncset.done $0x0  }
0x16e: {  	s11 =	rddreg [dreg:$0x7];
	[sflag:s18] =	ssyncadd.s32 $0xFFFFC000  }
0x16f: {  	[spmem:s3] =	stream.indirect.scatter.add.f32 [tilespmem:s16], [sflag:$0x3], $0x80, s11, s15, $0xb8;
	[tilespmem:$0x1D000] =	vst v63  }
0x170: {  	_ =	swait.ge [sflag:s13], $0x4000  }
0x171: {  	[sflag:s13] =	ssyncset.done $0x0  }
0x172: {  	s9 =	rddreg [dreg:$0x8];
	[sflag:s13] =	ssyncadd.s32 $0xFFFFC000  }
0x173: {  	[tilespmem:s16], [sflag:$0x2] =	stream.indirect.gather [hbm4b:s1+s15], $0x80, s9, s15, $0xb8;
	[tilespmem:$0x1D000] =	vst v63  }
0x174: {  	_ =	swait.ge [sflag:s17], $0x4000  }
0x175: {  	[sflag:s17] =	ssyncset.done $0x0  }
0x176: {  	s10 =	rddreg [dreg:$0x9];
	[sflag:s17] =	ssyncadd.s32 $0xFFFFC000  }
0x177: {  	[spmem:s3] =	stream.indirect.scatter.add.f32 [tilespmem:s12], [sflag:$0x3], $0x80, s10, s15, $0xb8;
	[tilespmem:$0x1D000] =	vst v63  }
0x178: {  	_ =	swait.ge [sflag:s13], $0x4000  }
0x179: {  	[sflag:s13] =	ssyncset.done $0x0  }
0x17a: {  	s11 =	rddreg [dreg:$0xa];
	[sflag:s13] =	ssyncadd.s32 $0xFFFFC000  }
0x17b: {  	[tilespmem:s12], [sflag:$0x1] =	stream.indirect.gather [hbm4b:s1+s15], $0x80, s11, s15, $0xb8;
	[tilespmem:$0x1D000] =	vst v63  }
0x17c: {  	_ =	swait.ge [sflag:s18], $0x4000  }
0x17d: {  	[sflag:s18] =	ssyncset.done $0x0  }
0x17e: {  	s9 =	rddreg [dreg:$0xb];
	[sflag:s18] =	ssyncadd.s32 $0xFFFFC000  }
0x17f: {  	[spmem:s3] =	stream.indirect.scatter.add.f32 [tilespmem:s16], [sflag:$0x3], $0x80, s9, s15, $0xb8;
	[tilespmem:$0x1D000] =	vst v63  }
0x180: {  	_ =	swait.ge [sflag:s13], $0x4000  }
0x181: {  	[sflag:s13] =	ssyncset.done $0x0  }
0x182: {  	s10 =	rddreg [dreg:$0xc];
	[sflag:s13] =	ssyncadd.s32 $0xFFFFC000  }
0x183: {  	[tilespmem:s16], [sflag:$0x2] =	stream.indirect.gather [hbm4b:s1+s15], $0x80, s10, s15, $0xb8;
	[tilespmem:$0x1D000] =	vst v63  }
0x184: {  	_ =	swait.ge [sflag:s17], $0x4000  }
0x185: {  	[sflag:s17] =	ssyncset.done $0x0  }
0x186: {  	s11 =	rddreg [dreg:$0xd];
	[sflag:s17] =	ssyncadd.s32 $0xFFFFC000  }
0x187: {  	[spmem:s3] =	stream.indirect.scatter.add.f32 [tilespmem:s12], [sflag:$0x3], $0x80, s11, s15, $0xb8;
	[tilespmem:$0x1D000] =	vst v63  }
0x188: {  	_ =	swait.ge [sflag:s13], $0x4000  }
0x189: {  	[sflag:s13] =	ssyncset.done $0x0  }
0x18a: {  	s9 =	rddreg [dreg:$0xe];
	[sflag:s13] =	ssyncadd.s32 $0xFFFFC000  }
0x18b: {  	[tilespmem:s12], [sflag:$0x1] =	stream.indirect.gather [hbm4b:s1+s15], $0x80, s9, s15, $0xb8;
	[tilespmem:$0x1D000] =	vst v63  }
0x18c: {  	_ =	swait.ge [sflag:s18], $0x4000  }
0x18d: {  	[sflag:s18] =	ssyncset.done $0x0  }
0x18e: {  	s10 =	rddreg [dreg:$0xf];
	[sflag:s18] =	ssyncadd.s32 $0xFFFFC000  }
0x18f: {  	[spmem:s3] =	stream.indirect.scatter.add.f32 [tilespmem:s16], [sflag:$0x3], $0x80, s10, s15, $0xb8;
	[tilespmem:$0x1D000] =	vst v63  }
0x190: {  	_ =	swait.ge [sflag:s13], $0x4000  }
0x191: {  	[sflag:s13] =	ssyncset.done $0x0  }
0x192: {  	s11 =	rddreg [dreg:$0x10];
	[sflag:s13] =	ssyncadd.s32 $0xFFFFC000  }
0x193: {  	[tilespmem:s16], [sflag:$0x2] =	stream.indirect.gather [hbm4b:s1+s15], $0x80, s11, s15, $0xb8;
	[tilespmem:$0x1D000] =	vst v63  }
0x194: {  	_ =	swait.ge [sflag:s17], $0x4000  }
0x195: {  	[sflag:s17] =	ssyncset.done $0x0  }
0x196: {  	s9 =	rddreg [dreg:$0x11];
	[sflag:s17] =	ssyncadd.s32 $0xFFFFC000  }
0x197: {  	[spmem:s3] =	stream.indirect.scatter.add.f32 [tilespmem:s12], [sflag:$0x3], $0x80, s9, s15, $0xb8;
	[tilespmem:$0x1D000] =	vst v63  }
0x198: {  	_ =	swait.ge [sflag:s13], $0x4000  }
0x199: {  	[sflag:s13] =	ssyncset.done $0x0  }
0x19a: {  	[sflag:s13] =	ssyncadd.s32 $0xFFFFC000  }
0x19b: {  	[tilespmem:s12], [sflag:$0x1] =	stream.indirect.gather [hbm4b:s1+s15], $0x80, s19, s15, $0xb8;
	[tilespmem:$0x1D000] =	vst v63  }
0x19c: {  	_ =	swait.ge [sflag:s18], $0x4000  }
0x19d: {  	[sflag:s18] =	ssyncset.done $0x0  }
0x19e: {  	[sflag:s18] =	ssyncadd.s32 $0xFFFFC000  }
0x19f: {  	[spmem:s3] =	stream.indirect.scatter.add.f32 [tilespmem:s16], [sflag:$0x3], $0x80, s20, s15, $0xb8;
	[tilespmem:$0x1D000] =	vst v63  }
0x1a0: {  	_ =	swait.ge [sflag:s13], $0x4000  }
0x1a1: {  	[sflag:s13] =	ssyncset.done $0x0  }
0x1a2: {  	[sflag:s13] =	ssyncadd.s32 $0xFFFFC000  }
0x1a3: {  	[tilespmem:s16], [sflag:$0x2] =	stream.indirect.gather [hbm4b:s1+s15], $0x80, s21, s15, $0xb8;
	[tilespmem:$0x1D000] =	vst v63  }
0x1a4: {  	_ =	swait.ge [sflag:s17], $0x4000  }
0x1a5: {  	[sflag:s17] =	ssyncset.done $0x0  }
0x1a6: {  	[sflag:s17] =	ssyncadd.s32 $0xFFFFC000  }
0x1a7: {  	[spmem:s3] =	stream.indirect.scatter.add.f32 [tilespmem:s12], [sflag:$0x3], $0x80, s22, s15, $0xb8;
	[tilespmem:$0x1D000] =	vst v63  }
0x1a8: {  	_ =	swait.ge [sflag:s13], $0x4000  }
0x1a9: {  	[sflag:s13] =	ssyncset.done $0x0  }
0x1aa: {  	[sflag:s13] =	ssyncadd.s32 $0xFFFFC000  }
0x1ab: {  	[tilespmem:s12], [sflag:$0x1] =	stream.indirect.gather [hbm4b:s1+s15], $0x80, s23, s15, $0xb8;
	[tilespmem:$0x1D000] =	vst v63  }
0x1ac: {  	_ =	swait.ge [sflag:s18], $0x4000  }
0x1ad: {  	[sflag:s18] =	ssyncset.done $0x0  }
0x1ae: {  	[sflag:s18] =	ssyncadd.s32 $0xFFFFC000  }
0x1af: {  	[spmem:s3] =	stream.indirect.scatter.add.f32 [tilespmem:s16], [sflag:$0x3], $0x80, s24, s15, $0xb8;
	[tilespmem:$0x1D000] =	vst v63  }
0x1b0: {  	_ =	swait.ge [sflag:s13], $0x4000  }
0x1b1: {  	[sflag:s13] =	ssyncset.done $0x0  }
0x1b2: {  	[sflag:s13] =	ssyncadd.s32 $0xFFFFC000  }
0x1b3: {  	[tilespmem:s16], [sflag:$0x2] =	stream.indirect.gather [hbm4b:s1+s15], $0x80, s25, s15, $0xb8;
	[tilespmem:$0x1D000] =	vst v63  }
0x1b4: {  	_ =	swait.ge [sflag:s17], $0x4000  }
0x1b5: {  	[sflag:s17] =	ssyncset.done $0x0  }
0x1b6: {  	[sflag:s17] =	ssyncadd.s32 $0xFFFFC000  }
0x1b7: {  	[spmem:s3] =	stream.indirect.scatter.add.f32 [tilespmem:s12], [sflag:$0x3], $0x80, s26, s15, $0xb8;
	[tilespmem:$0x1D000] =	vst v63  }
0x1b8: {  	_ =	swait.ge [sflag:s13], $0x4000  }
0x1b9: {  	[sflag:s13] =	ssyncset.done $0x0  }
0x1ba: {  	[sflag:s13] =	ssyncadd.s32 $0xFFFFC000  }
0x1bb: {  	[tilespmem:s12], [sflag:$0x1] =	stream.indirect.gather [hbm4b:s1+s15], $0x80, s28, s15, $0xb8;
	[tilespmem:$0x1D000] =	vst v63  }
0x1bc: {  	_ =	swait.ge [sflag:s18], $0x4000  }
0x1bd: {  	[sflag:s18] =	ssyncset.done $0x0  }
0x1be: {  	[sflag:s18] =	ssyncadd.s32 $0xFFFFC000  }
0x1bf: {  	[spmem:s3] =	stream.indirect.scatter.add.f32 [tilespmem:s16], [sflag:$0x3], $0x80, s29, s15, $0xb8;
	[tilespmem:$0x1D000] =	vst v63  }
0x1c0: {  	_ =	swait.ge [sflag:s13], $0x4000  }
0x1c1: {  	[sflag:s13] =	ssyncset.done $0x0  }
0x1c2: {  	[sflag:s13] =	ssyncadd.s32 $0xFFFFC000  }
0x1c3: {  	[tilespmem:s16], [sflag:$0x2] =	stream.indirect.gather [hbm4b:s1+s15], $0x80, s30, s15, $0xb8;
	[tilespmem:$0x1D000] =	vst v63  }
0x1c4: {  	_ =	swait.ge [sflag:s17], $0x4000  }
0x1c5: {  	[sflag:s17] =	ssyncset.done $0x0  }
0x1c6: {  	[sflag:s17] =	ssyncadd.s32 $0xFFFFC000  }
0x1c7: {  	[spmem:s3] =	stream.indirect.scatter.add.f32 [tilespmem:s12], [sflag:$0x3], $0x80, s31, s15, $0xb8;
	[tilespmem:$0x1D000] =	vst v63  }
0x1c8: {  	_ =	swait.ge [sflag:s13], $0x4000  }
0x1c9: {  	[sflag:s13] =	ssyncset.done $0x0  }
0x1ca: {  	[sflag:s13] =	ssyncadd.s32 $0xFFFFC000  }
0x1cb: {  	[tilespmem:s12], [sflag:$0x1] =	stream.indirect.gather [hbm4b:s1+s15], $0x80, s2, s15, $0xb8;
	[tilespmem:$0x1D000] =	vst v63  }
0x1cc: {  	_ =	swait.ge [sflag:s18], $0x4000  }
0x1cd: {  	[sflag:s18] =	ssyncset.done $0x0  }
0x1ce: {  	[sflag:s18] =	ssyncadd.s32 $0xFFFFC000  }
0x1cf: {  	[spmem:s3] =	stream.indirect.scatter.add.f32 [tilespmem:s16], [sflag:$0x3], $0x80, s0, s15, $0xb8;
	[tilespmem:$0x1D000] =	vst v63  }
0x1d0: {  	_ =	swait.ge [sflag:s13], $0x4000  }
0x1d1: {  	[sflag:s13] =	ssyncset.done $0x0  }
0x1d2: {  	[sflag:s13] =	ssyncadd.s32 $0xFFFFC000  }
0x1d3: {  	[tilespmem:s16], [sflag:$0x2] =	stream.indirect.gather [hbm4b:s1+s15], $0x80, s6, s15, $0xb8;
	[tilespmem:$0x1D000] =	vst v63  }
0x1d4: {  	_ =	swait.ge [sflag:s17], $0x4000  }
0x1d5: {  	[sflag:s17] =	ssyncset.done $0x0  }
0x1d6: {  	[sflag:s17] =	ssyncadd.s32 $0xFFFFC000  }
0x1d7: {  	[spmem:s3] =	stream.indirect.scatter.add.f32 [tilespmem:s12], [sflag:$0x3], $0x80, s7, s15, $0xb8;
	[tilespmem:$0x1D000] =	vst v63  }
0x1d8: {  	_ =	swait.ge [sflag:s13], $0x4000  }
0x1d9: {  	[sflag:s13] =	ssyncset.done $0x0  }
0x1da: {  	[sflag:s13] =	ssyncadd.s32 $0xFFFFC000  }
0x1db: {  	_ =	swait.ge [sflag:s18], $0x4000  }
0x1dc: {  	[sflag:s18] =	ssyncset.done $0x0  }
0x1dd: {  	[sflag:s18] =	ssyncadd.s32 $0xFFFFC000  }
0x1de: {  	[spmem:s3] =	stream.indirect.scatter.add.f32 [tilespmem:s16], [sflag:$0x3], $0x80, s8, s15, $0xb8;
	[tilespmem:$0x1D000] =	vst v63  }
0x1df: {  	_ =	swait.ge [sflag:s13], $0x4000  }
0x1e0: {  	[sflag:s13] =	ssyncset.done $0x0  }
0x1e1: {  	[sflag:s13] =	ssyncadd.s32 $0xFFFFC000  }
0x1e2: {  	s10 =	stileid.u32;
	[bflag:$0x0] =	sbarrier.arrive $0xFFFF  }
0x1e3: {  	s5 =	sshll.u32 s10, $0x6;
	s9 =	rddreg [dreg:$0x12]  }
0x1e4: {  	s5 =	sor.u32 $0x1C03, s5;
	s11 =	rddreg [dreg:$0x13];
	s9 =	sshrl.u32 s9, $0x3  }
0x1e5: {  	[hbm:s11], [sflag:s5] =	dma.local [spmem:s9], $0x2800  }
0x1e6: {  	_ =	swait.ge [sflag:s13], $0x2800  }
0x1e7: {  	s10 =	rddreg [dreg:$0x19]  }
0x1e8: {  	s11 =	rddreg [dreg:$0x14];
	s9 =	sadd.s32 $0x1, s10  }
0x1e9: {  	p0 =	sne.s32 s9, s11  }
.Ltmp2:
0x1ea: {  	_ = 	snop;
	(pc) =	sbr.rel @p0 .LBB2_1-.Ltmp2, $3  }
0x1eb: {  	_ =	sdelay $0x1  }
0x1ec: {  	[sflag:s13] =	ssyncset.done $0x0  }
0x1ed: {  	[sflag:s13] =	ssyncadd.s32 $0xFFFFD800  }
0x1ee: {  	_ =	sfence.sel $0x180000  }
0x1ef: {  	[bflag:$0x0] =	sbarrier.arrive $0xFFFF  }
0x1f0: {  	_ =	strace $0x9000004D  }
0x1f1: {  	s0 =	stileid.u32;
	[bflag:$0x2] =	sbarrier.arrive $0xFFFF  }
0x1f2: {  	p0 =	sne.s32 s0, $0x0;
	s0 =	rddreg [dreg:$0x3]  }
0x1f3: {  	s0 =	sadd.s32 @!p0 $0x100000, s0  }
0x1f4: {  	[sflag:s0] =	ssyncadd.tile.s32 @!p0 $0x1;
	_ =	shalt  }
.Lfunc_end2:
_tile_overlayer_lowered:
.L_overlay_start_2:
0x1f5: {  	(tag) =	ssettag $0x2  }
0x1f6: {  	s0 =	rddreg [dreg:$0x0];
	s2 =	stileid.u32  }
0x1f7: {  	s1 =	rddreg [dreg:$0x1];
	p0 =	sne.s32 s2, $0x0  }
0x1f8: {  	s3 =	rddreg [dreg:$0x2];
	[bflag:$0x3] =	sbarrier.arrive $0xFFFF;
	s2 =	simm.s32 @!p0 $0x1C03  }
0x1f9: {  	[timem:s3], [sflag:s2] =	dma.local @!p0 [hbm:s0], s1  }
0x1fa: {  	s0 =	simm.s32 @!p0 $0x3  }
0x1fb: {  	_ =	swait.ge @!p0 [sflag:s0], s1  }
0x1fc: {  	s1 =	ssub.s32 @!p0 $0x0, s1;
	[sflag:s0] =	ssyncset.done @!p0 $0x0  }
0x1fd: {  	[sflag:s0] =	ssyncadd.s32 @!p0 s1  }
0x1fe: {  	[bflag:$0x3] =	sbarrier.arrive $0xFFFF  }
0x1ff: {  	_ =	shalt  }

// kernel: kernel.9.cloned.1.call-start
scs
__scs_entry_jumppad:
0x0: {  	(pc) =	sbr.rel $0x88, $3  }
0x1: {  	(tag) =	ssettag $0x0;
	lr =	simm.s32 $0x1  }
0x2: {  	[smem:$0x3F93] =	sst lr;
	_ =	strace $0xD0000000  }
0x3: {  	_ = 	snop  }
0x4: {  	_ = 	snop  }
0x5: {  	_ = 	snop  }
0x6: {  	_ = 	snop  }
0x7: {  	_ = 	snop  }
__scs_overlays_trampoline_lowered:
0x8: {  	[smem:$0x3FA2] =	sst s0  }
0x9: {  	[smem:$0x3FA3] =	sst s1  }
0xa: {  	[smem:$0x3FA4] =	sst s2  }
0xb: {  	[smem:$0x3FA5] =	sst s3  }
0xc: {  	[smem:$0x3FA6] =	sst s4  }
0xd: {  	[smem:$0x3FA7] =	sst s5  }
0xe: {  	[smem:$0x3FA8] =	sst s6  }
0xf: {  	[smem:$0x3FA9] =	sst s7  }
0x10: {  	[smem:$0x3FAA] =	sst s8  }
0x11: {  	[smem:$0x3FAB] =	sst s9;
	s0 =	simm.s32 @!p0 $0x0  }
0x12: {  	s1 =	sld [smem:$0x3F91];
	s0 =	simm.s32 @p0 $0x1  }
0x13: {  	[smem:$0x3FAC] =	sst s0;
	s0 =	simm.s32 @!p1 $0x0  }
0x14: {  	s2 =	sld [smem:$0x3F90];
	s0 =	simm.s32 @p1 $0x1  }
0x15: {  	[smem:$0x3FAD] =	sst s0;
	s0 =	simm.s32 @!p2 $0x0  }
0x16: {  	s3 =	sld [smem:$0x3FDB];
	s0 =	simm.s32 @p2 $0x1  }
0x17: {  	s4 =	simm.s32 $0x1BF5;
	[smem:$0x3FAF] =	sst s0  }
0x18: {  	s0 =	sld [smem:$0x3F92];
	_ =	swait.ge [sflag:s4], $0x0  }
0x19: {  	s7 =	sld [smem:$0x3F93]  }
0x1a: {  	s8 =	sadd.s32 $0xFFFFE003, lr  }
0x1b: {  	s9 =	sadd.s32 $0xFFFFFEF7, lr;
	s5 =	simm.s32 $0xFFFFFFFF;
	p2 =	slt.u32 s8, $0xFFFFF086  }
0x1c: {  	p1 =	slt.u32 s9, $0xF7A;
	s5 =	simm.s32 @!p2 $0x0  }
0x1d: {  	s5 =	simm.s32 @p1 $0x1;
	p0 =	seq.s32 s7, s2  }
0x1e: {  	s7 =	smul.u32 @!p0 $0xF7A, s2;
	p2 =	seq.s32 @!p0 s5, $0x0  }
0x1f: {  	s9 =	smul.u32 $0xF7A, s1;
	s8 =	simm.s32 @!p0 $0x1BF5;
	p2 =	por !p2, p0  }
0x20: {  	[sflag:s8] =	ssyncset.s32 @!p0 $0xFFFFF086;
	s6 =	sadd.s32 @!p0 s3, s7;
	s7 =	simm.s32 @!p0 $0x108  }
0x21: {  	s3 =	sadd.s32 s3, s9;
	s6 =	sadd.s32 @!p0 $0x88, s6;
	s7 =	simm.s32 @p2 $0x1082  }
0x22: {  	[simem:s7], [sflag:s8] =	dma.local @!p0 [hbm:s6], $0xF7A  }
0x23: {  	s9 =	sor.u32 $0xD0000000, s2;
	s6 =	simm.s32 $0x108;
	_ =	swait.ge @!p0 [sflag:s8], $0x0  }
0x24: {  	s3 =	sadd.s32 $0x88, s3;
	s6 =	simm.s32 @!p1 $0x1082;
	[sflag:s4] =	ssyncset.s32 $0xFFFFF086  }
0x25: {  	[simem:s6], [sflag:s4] =	dma.local [hbm:s3], $0xF7A  }
0x26: {  	[smem:$0x3F93] =	sst s1;
	(tag) =	ssettag s2;
	_ =	strace s9  }
0x27: {  	s1 =	sld [smem:$0x3FA3]  }
0x28: {  	s2 =	sld [smem:$0x3FA4]  }
0x29: {  	s4 =	sld [smem:$0x3FA6]  }
0x2a: {  	p0 =	seq.s32 s5, $0x0;
	s5 =	sld [smem:$0x3FA7]  }
0x2b: {  	s6 =	sld [smem:$0x3FA8]  }
0x2c: {  	s7 =	sld [smem:$0x3FA9]  }
0x2d: {  	s3 =	simm.s32 $0x108;
	s8 =	sld [smem:$0x3FAA]  }
0x2e: {  	s3 =	simm.s32 @!p0 $0x1082;
	s9 =	sld [smem:$0x3FAB]  }
0x2f: {  	lr =	sadd.s32 s0, s3;
	s0 =	sld [smem:$0x3FA2]  }
0x30: {  	s3 =	sld [smem:$0x3FA5]  }
0x31: {  	[smem:$0x3FAE] =	sst s10  }
0x32: {  	s10 =	sld [smem:$0x3FAC];
	_ =	sdelay $0x3  }
0x33: {  	p0 =	seq.s32 s10, $0x1;
	s10 =	sld [smem:$0x3FAE];
	_ =	sdelay $0x3  }
0x34: {  	[smem:$0x3FAE] =	sst s10  }
0x35: {  	s10 =	sld [smem:$0x3FAD];
	_ =	sdelay $0x3  }
0x36: {  	p1 =	seq.s32 s10, $0x1;
	s10 =	sld [smem:$0x3FAE];
	_ =	sdelay $0x3  }
0x37: {  	[smem:$0x3FAE] =	sst s10  }
0x38: {  	s10 =	sld [smem:$0x3FAF]  }
0x39: {  	_ = 	snop;
	(pc) =	sbr.ind lr, $3  }
0x3a: {  	_ = 	snop  }
0x3b: {  	_ = 	snop  }
0x3c: {  	p2 =	seq.s32 s10, $0x1;
	s10 =	sld [smem:$0x3FAE]  }
0x3d: {  	_ =	shalt  }
0x3e: {  	_ =	shalt  }
0x3f: {  	_ =	shalt  }
0x40: {  	_ =	shalt  }
0x41: {  	_ =	shalt  }
0x42: {  	_ =	shalt  }
0x43: {  	_ =	shalt  }
0x44: {  	_ =	shalt  }
0x45: {  	_ =	shalt  }
0x46: {  	_ =	shalt  }
0x47: {  	_ =	shalt  }
0x48: {  	_ =	shalt  }
0x49: {  	_ =	shalt  }
0x4a: {  	_ =	shalt  }
0x4b: {  	_ =	shalt  }
0x4c: {  	_ =	shalt  }
0x4d: {  	_ =	shalt  }
0x4e: {  	_ =	shalt  }
0x4f: {  	_ =	shalt  }
0x50: {  	_ =	shalt  }
0x51: {  	_ =	shalt  }
0x52: {  	_ =	shalt  }
0x53: {  	_ =	shalt  }
0x54: {  	_ =	shalt  }
0x55: {  	_ =	shalt  }
0x56: {  	_ =	shalt  }
0x57: {  	_ =	shalt  }
0x58: {  	_ =	shalt  }
0x59: {  	_ =	shalt  }
0x5a: {  	_ =	shalt  }
0x5b: {  	_ =	shalt  }
0x5c: {  	_ =	shalt  }
0x5d: {  	_ =	shalt  }
0x5e: {  	_ =	shalt  }
0x5f: {  	_ =	shalt  }
0x60: {  	_ =	shalt  }
0x61: {  	_ =	shalt  }
0x62: {  	_ =	shalt  }
0x63: {  	_ =	shalt  }
0x64: {  	_ =	shalt  }
0x65: {  	_ =	shalt  }
0x66: {  	_ =	shalt  }
0x67: {  	_ =	shalt  }
0x68: {  	_ =	shalt  }
0x69: {  	_ =	shalt  }
0x6a: {  	_ =	shalt  }
0x6b: {  	_ =	shalt  }
0x6c: {  	_ =	shalt  }
0x6d: {  	_ =	shalt  }
0x6e: {  	_ =	shalt  }
0x6f: {  	_ =	shalt  }
0x70: {  	_ =	shalt  }
0x71: {  	_ =	shalt  }
0x72: {  	_ =	shalt  }
0x73: {  	_ =	shalt  }
0x74: {  	_ =	shalt  }
0x75: {  	_ =	shalt  }
0x76: {  	_ =	shalt  }
0x77: {  	_ =	shalt  }
0x78: {  	_ =	shalt  }
0x79: {  	_ =	shalt  }
0x7a: {  	_ =	shalt  }
0x7b: {  	_ =	shalt  }
0x7c: {  	_ =	shalt  }
0x7d: {  	_ =	shalt  }
0x7e: {  	_ =	shalt  }
0x7f: {  	_ =	shalt  }
0x80: {  	_ =	shalt  }
0x81: {  	_ =	shalt  }
0x82: {  	_ =	shalt  }
0x83: {  	_ =	shalt  }
0x84: {  	_ =	shalt  }
0x85: {  	_ =	shalt  }
0x86: {  	_ =	shalt  }
0x87: {  	_ =	shalt  }
.Lfunc_end0:
.L_simem_size_0:
called_computation_lowered:
.L_overlay_start_0:
0x88: {  	s2 =	sld [smem:$0x3FD9]  }
0x89: {  	s3 =	sld [smem:$0x3FFE];
	_ =	sdelay $0x1  }
0x8a: {  	s1 =	srdreg.scid  }
0x8b: {  	s0 =	sand.u32 $0x1, s1  }
0x8c: {  	s17 =	sshll.u32 s0, $0xA;
	s2 =	sadd.s32 s3, s2  }
0x8d: {  	s2 =	sadd.s32 s2, s17  }
0x8e: {  	[smem:$0x3FBA] =	sst s2  }
0x8f: {  	_ = 	snop  }
0x90: {  	s2 =	sld [smem:$0x3FD0];
	(tm) =	ssettm $0x1  }
0x91: {  	s18 =	sld [smem:$0x3FFB];
	_ =	sdelay $0x3  }
0x92: {  	_ =	strace s18  }
0x93: {  	s3 =	sld [smem:$0x3FFC];
	_ =	sdelay $0x3  }
0x94: {  	_ =	strace s3  }
0x95: {  	s3 =	sld [smem:$0x3FFD];
	_ =	sdelay $0x3  }
0x96: {  	_ =	strace s3  }
0x97: {  	_ =	strace $0x8FFFFFFF  }
0x98: {  	s19 =	sld [smem:$0x3FDB];
	_ =	sdelay $0x1  }
0x99: {  	s4 =	simm.s32 $_scs_section_size  }
0x9a: {  	s5 =	simm.s32 $_size__tile_overlayer_lowered;
	s6 =	simm.s32 $_tile_overlayer_lowered  }
0x9b: {  	s22 =	simm.s32 $0x1BFF;
	s21 =	sshll.u32 s6, $0x1;
	s3 =	sadd.s32 s4, s19  }
0x9c: {  	s7 =	simm.s32 $0x0;
	s20 =	sshll.u32 s5, $0x1;
	s5 =	sadd.s32 s21, s3  }
0x9d: {  	[timem:s7], [sflag:s22] =	dma.local [hbm:s5], s20  }
0x9e: {  	_ =	swait.ge [sflag:s22], s20  }
0x9f: {  	s4 =	ssub.s32 $0x0, s20;
	[sflag:s22] =	ssyncset.done $0x0  }
0xa0: {  	[sflag:s22] =	ssyncadd.s32 s4;
	_ =	sdelay $0x1  }
0xa1: {  	s23 =	simm.s32 $0x1B8B  }
0xa2: {  	_ =	swait.ge [sflag:s23], $0x1  }
0xa3: {  	[sflag:s23] =	ssyncset.done $0x0  }
0xa4: {  	s25 =	simm.s32 $0x1B8E;
	s24 =	sld [smem:$0x3FFE];
	[sflag:s23] =	ssyncadd.s32 $0xFFFFFFFF  }
0xa5: {  	s26 =	simm.s32 $execute0_lowered;
	[smem:$0x3FD2] =	sst s25  }
0xa6: {  	s5 =	sshll.u32 s26, $0x1;
	_ =	strace $0x80000046;
	[dreg:$0x1] =	wrdreg $0xFFFFFFFF  }
0xa7: {  	s28 =	simm.s32 $_size_execute0_lowered;
	s3 =	sadd.s32 s3, s5;
	[dreg:$0x0] =	wrdreg $0x0  }
0xa8: {  	s5 =	sshll.u32 s28, $0x1;
	[dreg:$0x2] =	wrdreg s3  }
0xa9: {  	[dreg:$0x3] =	wrdreg s5  }
0xaa: {  	[dreg:$0x4] =	wrdreg $0xC0  }
0xab: {  	_ =	task [dreg:s7], $0x5FFFF  }
0xac: {  	[dreg:$0x1] =	wrdreg $0xFFFFFFFF  }
0xad: {  	[dreg:$0x0] =	wrdreg $0x60  }
0xae: {  	[dreg:$0x2] =	wrdreg s24  }
0xaf: {  	[dreg:$0x3] =	wrdreg s2  }
0xb0: {  	[dreg:$0x4] =	wrdreg $0x9  }
0xb1: {  	_ =	task.clear_ibuf [dreg:s7], $0x5FFFF;
	_ =	strace $0x90000046  }
0xb2: {  	s29 =	simm.s32 $0x9;
	_ =	strace $0x80000048  }
0xb3: {  	_ =	swait.ge [sflag:s29], $0x1  }
0xb4: {  	[sflag:s29] =	ssyncadd.s32 $0xFFFFFFFF  }
0xb5: {  	_ =	strace $0x90000048  }
0xb6: {  	_ =	sfence  }
0xb7: {  	s30 =	sld [smem:$0x0];
	_ =	sdelay $0x2  }
0xb8: {  	s31 =	sshll.u32 s1, $0xD;
	s1 =	sshrl.u32 s1, $0x2  }
0xb9: {  	s3 =	sand.u32 $0x4000, s31;
	s1 =	sadd.s32 s1, s30  }
0xba: {  	s0 =	sor.u32 s3, s0;
	s1 =	sshll.u32 s1, $0x11  }
0xbb: {  	s0 =	sor.u32 s1, s0  }
0xbc: {  	s0 =	sadd.s32 $0x8F2B, s0  }
0xbd: {  	[sflag:s0] =	ssyncadd.remote.s32 $0x1  }
0xbe: {  	_ =	sfence.sel $0xFFFF  }
0xbf: {  	[dreg:$0x0] =	wrdreg $0xFFFFFFFF;
	(pc) =	sbr.abs _section_cstart, $3  }
0xc0: {  	[dreg:$0x1] =	wrdreg $0xFFFFFFFF  }
0xc1: {  	_ =	task.clear_ibuf [dreg:s7], $0x2FFFF;
	_ =	strace $0x9FFFFFFF  }
0xc2: {  	(tm) =	ssettm $0x7FFFFFFF  }
0xc3: {  	_ =	shalt  }
tec
execute0_lowered:
.L_overlay_start_1:
0x0: {  	(tag) =	ssettag $0x1  }
0x1: {  	s0 =	srdreg.scid;
	s4 =	rddreg [dreg:$0x0]  }
0x2: {  	s5 =	rddreg [dreg:$0x1];
	s3 =	sand.u32 $0x1, s0  }
0x3: {  	s2 =	simm.s32 $0x0;
	s0 =	stileid.u32;
	s1 =	sshll.u32 s3, $0x4  }
0x4: {  	s10 =	simm.s32 $0x400;
	[smem:$0x7FF] =	sst s2;
	s6 =	sor.u32 s0, s1  }
0x5: {  	s8 =	sshll.u32 s0, $0x7;
	s9 =	ssub.s32 $0x2, s3;
	s7 =	sshrl.u32 s6, $0x3  }
0x6: {  	s3 =	sadd.s32 $0xCE00, s4;
	s1 =	rddreg [dreg:$0x2];
	s7 =	smul.u32 $0x14000, s7  }
0x7: {  	_ =	strace $0x80000047;
	s8 =	sand.u32 $0x380, s8;
	s29 =	sshrl.u32 s9, $0x1  }
0x8: {  	s30 =	ssub.s32 s9, s29;
	s4 =	smul.u32 $0x2800, s6;
	s7 =	sor.u32 s8, s7  }
0x9: {  	s9 =	simm.s32 $0x80;
	s6 =	smax.u32 s30, $0x1;
	s31 =	sshrl.u32 s7, $0x3  }
0xa: {  	v0 =	vimm.f32 $0.0e+00;
	v1 =	vimm.f32 $1.000000000e+00;
	s8 =	simm.s32 $0x800;
	s7 =	simm.s32 $0x1;
	s5 =	sadd.s32 s5, s31  }
.LBB2_1:
0xb: {  	s11 =	simm.s32 $0x40;
	s12 =	simm.s32 $0x0  }
.LBB2_2:
0xc: {  	p0 =	sne.s32 s11, $0x9FC0;
	[tilespmem:s12+$0x800] =	vst v0;
	s12 =	smov.u32 s11;
	s11 =	sadd.s32 $0x40, s11  }
.Ltmp0:
0xd: {  	(pc) =	sbr.rel @p0 .LBB2_2-.Ltmp0, $2  }
0xe: {  	_ =	sdelay $0x2  }
0xf: {  	s12 =	sshra.s32 s12, $0x2  }
0x10: {  	[tilespmem:s12+$0x800] =	vst v0;
	s11 =	simm.s32 $0x0;
	s12 =	simm.s32 $0x0  }
.LBB2_4:
0x11: {  	s13 =	sshll.u32 s12, $0xB  }
0x12: {  	s13 =	sadd.s32 s4, s13  }
0x13: {  	s13 =	sshrl.u32 s13, $0x3  }
0x14: {  	s13 =	sadd.s32 s3, s13  }
0x15: {  	[tilespmem:s11], [sflag:$0x1] =	stream.linear.gather [hbm4b:s13+s11], $0x800, $0x38;
	[tilespmem:$0x3000] =	vst v63  }
0x16: {  	_ =	swait.ge [sflag:s7], $0x800  }
0x17: {  	[sflag:s7] =	ssyncset.done $0x0  }
0x18: {  	s13 =	simm.s32 $0x0;
	[sflag:s7] =	ssyncadd.s32 $0xFFFFF800  }
.LBB2_5:
0x19: {  	s14 =	sshra.s32 s13, $0x2  }
0x1a: {  	v2 =	vld [tilespmem:s14+$0x0];
	_ =	sdelay $0x7  }
0x1b: {  	[tilespmem:v2+s8+$0x0] =	vst.idx.add.f32.msk $0xffff, v1  }
0x1c: {  	v2 =	vld [tilespmem:s14+$0x10];
	_ =	sdelay $0x7  }
0x1d: {  	[tilespmem:v2+s8+$0x0] =	vst.idx.add.f32.msk $0xffff, v1  }
0x1e: {  	v2 =	vld [tilespmem:s14+$0x20];
	_ =	sdelay $0x7  }
0x1f: {  	[tilespmem:v2+s8+$0x0] =	vst.idx.add.f32.msk $0xffff, v1  }
0x20: {  	v2 =	vld [tilespmem:s14+$0x30];
	_ =	sdelay $0x7  }
0x21: {  	[tilespmem:v2+s8+$0x0] =	vst.idx.add.f32.msk $0xffff, v1  }
0x22: {  	v2 =	vld [tilespmem:s14+$0x40];
	_ =	sdelay $0x7  }
0x23: {  	[tilespmem:v2+s8+$0x0] =	vst.idx.add.f32.msk $0xffff, v1  }
0x24: {  	v2 =	vld [tilespmem:s14+$0x50];
	_ =	sdelay $0x7  }
0x25: {  	[tilespmem:v2+s8+$0x0] =	vst.idx.add.f32.msk $0xffff, v1  }
0x26: {  	v2 =	vld [tilespmem:s14+$0x60];
	_ =	sdelay $0x7  }
0x27: {  	[tilespmem:v2+s8+$0x0] =	vst.idx.add.f32.msk $0xffff, v1  }
0x28: {  	v2 =	vld [tilespmem:s14+$0x70];
	_ =	sdelay $0x2  }
0x29: {  	p0 =	sne.s32 s13, $0x1E00  }
.Ltmp1:
0x2a: {  	_ = 	snop;
	(pc) =	sbr.rel @p0 .LBB2_5-.Ltmp1, $2  }
0x2b: {  	_ =	sdelay $0x2  }
0x2c: {  	s13 =	sadd.s32 $0x200, s13;
	[tilespmem:v2+s8+$0x0] =	vst.idx.add.f32.msk $0xffff, v1  }
0x2d: {  	s12 =	sadd.s32 $0x1, s12  }
0x2e: {  	p0 =	sne.s32 s12, $0x5  }
.Ltmp2:
0x2f: {  	_ = 	snop;
	(pc) =	sbr.rel @p0 .LBB2_4-.Ltmp2, $1  }
0x30: {  	_ =	sdelay $0x3  }
0x31: {  	s2 =	sadd.s32 $0x1, s2  }
0x32: {  	p0 =	sne.s32 s2, s6  }
.Ltmp3:
0x33: {  	_ = 	snop;
	(pc) =	sbr.rel @p0 .LBB2_1-.Ltmp3, $4  }
0x34: {  	[hbm4b:s5+s9] =	stream.strided.scatter [tilespmem:s8], [sflag:$0x1], $0x2800, s10, s9, $0x38;
	[tilespmem:$0x3000] =	vst v63  }
0x35: {  	_ =	swait.ge [sflag:s7], $0x2800  }
0x36: {  	[sflag:s7] =	ssyncset.done $0x0  }
0x37: {  	[sflag:s7] =	ssyncadd.s32 $0xFFFFD800  }
0x38: {  	_ =	sfence.sel $0x180000  }
0x39: {  	[bflag:$0x0] =	sbarrier.arrive $0xFFFF  }
0x3a: {  	p0 =	sne.s32 s0, $0x0;
	_ =	strace $0x90000047  }
0x3b: {  	s0 =	sadd.s32 @!p0 $0x100000, s1;
	[bflag:$0x2] =	sbarrier.arrive $0xFFFF  }
0x3c: {  	[sflag:s0] =	ssyncadd.tile.s32 @!p0 $0x1;
	_ =	shalt  }
.Lfunc_end2:
_tile_overlayer_lowered:
.L_overlay_start_2:
0x3d: {  	(tag) =	ssettag $0x2  }
0x3e: {  	s0 =	rddreg [dreg:$0x0];
	s2 =	stileid.u32  }
0x3f: {  	s1 =	rddreg [dreg:$0x1];
	p0 =	sne.s32 s2, $0x0  }
0x40: {  	s3 =	rddreg [dreg:$0x2];
	[bflag:$0x3] =	sbarrier.arrive $0xFFFF;
	s2 =	simm.s32 @!p0 $0x1C01  }
0x41: {  	[timem:s3], [sflag:s2] =	dma.local @!p0 [hbm:s0], s1  }
0x42: {  	s0 =	simm.s32 @!p0 $0x1  }
0x43: {  	_ =	swait.ge @!p0 [sflag:s0], s1  }
0x44: {  	s1 =	ssub.s32 @!p0 $0x0, s1;
	[sflag:s0] =	ssyncset.done @!p0 $0x0  }
0x45: {  	[sflag:s0] =	ssyncadd.s32 @!p0 s1  }
0x46: {  	[bflag:$0x3] =	sbarrier.arrive $0xFFFF  }
0x47: {  	_ =	shalt  }

</sc_bundles>
